<compile_context>
chip_gen: v7x
topology: tpu7x:2x2x1
jax: 0.10.2.dev20260603
libtpu: 0.0.44.dev20260713+nightly
codegen_flags: <defaults>
</compile_context>

<pallas_src>
import functools

import jax
import jax.numpy as jnp
from jax import lax
from jax.experimental import pallas as pl
from jax.experimental.pallas import tpu as pltpu
from jax.experimental.pallas import tpu_sc as plsc

_N = 10000
_E = 160000
_F = 128
_K = 64
_G = 64

_NC = 2
_NS = 16
_NW = _NC * _NS
_CH = 128
_NCH0 = 39
_NCH1 = 41
_EPW = _NCH0 * _CH
_NCHP = 48
_ROWS_PT = 624
_ROWS_TAIL = _N - _NS * _ROWS_PT

_EB = 2000
_NB = 2000

def _sigmoid(x):
    return 1.0 / (1.0 + jnp.exp(-x))


def _elu(x):
    return jnp.where(x > 0, x, jnp.exp(jnp.minimum(x, 0.0)) - 1.0)




@functools.cache
def _sc_gather_kernel():
    return pl.kernel(
        _sc_gather_body,
        out_type=(jax.ShapeDtypeStruct((_E, _F), jnp.float32),
                  jax.ShapeDtypeStruct((_E, _F), jnp.float32)),
        mesh=plsc.VectorSubcoreMesh(core_axis_name="c", subcore_axis_name="s",
                                    num_cores=_NC, num_subcores=_NS),
        scratch_types=[
            pltpu.VMEM((_NCHP, _CH), jnp.int32),
            pltpu.VMEM((_NCHP, _CH), jnp.int32),
            pltpu.VMEM((2, _CH, _F), jnp.float32),
            pltpu.VMEM((2, _CH, _F), jnp.float32),
            pltpu.SemaphoreType.DMA,
            pltpu.SemaphoreType.DMA,
        ],
    )


def _sc_gather(table, src2, dst2):
    return _sc_gather_kernel()(table, src2, dst2)


def _sc_gather_body(table_h, src_h, dst_h, ni_h, nj_h, sidx, didx, sbuf, dbuf,
                    ssem, dsem):
    c = lax.axis_index("c")
    s = lax.axis_index("s")
    wid = s * _NC + c
    nch = jnp.where(wid == _NW - 1, _NCH1, _NCH0)
    pltpu.sync_copy(src_h.at[pl.ds(wid * _NCHP, _NCHP)], sidx)
    pltpu.sync_copy(dst_h.at[pl.ds(wid * _NCHP, _NCHP)], didx)
    pltpu.async_copy(table_h.at[sidx.at[0]], sbuf.at[0], ssem)
    pltpu.async_copy(table_h.at[didx.at[0]], dbuf.at[0], dsem)
    ebase = wid * _EPW

    def body(j, carry):
        slot = lax.rem(j, 2)

        @pl.when(j + 1 < nch)
        def _():
            nxt = lax.rem(j + 1, 2)
            pltpu.async_copy(table_h.at[sidx.at[j + 1]], sbuf.at[nxt], ssem)
            pltpu.async_copy(table_h.at[didx.at[j + 1]], dbuf.at[nxt], dsem)

        pltpu.make_async_copy(table_h.at[sidx.at[j]], sbuf.at[slot], ssem).wait()
        pltpu.sync_copy(sbuf.at[slot], ni_h.at[pl.ds(ebase + j * _CH, _CH)])
        pltpu.make_async_copy(table_h.at[didx.at[j]], dbuf.at[slot], dsem).wait()
        pltpu.sync_copy(dbuf.at[slot], nj_h.at[pl.ds(ebase + j * _CH, _CH)])
        return carry

    lax.fori_loop(0, nch, body, 0)


@functools.cache
def _sc_scatter_kernel():
    return pl.kernel(
        _sc_scatter_body,
        out_type=(jax.ShapeDtypeStruct((_N, _F), jnp.float32),
                  jax.ShapeDtypeStruct((_N, _F), jnp.float32)),
        mesh=plsc.VectorSubcoreMesh(core_axis_name="c", subcore_axis_name="s",
                                    num_cores=_NC, num_subcores=_NS),
        scratch_types=[
            pltpu.VMEM((_NCHP, _CH), jnp.int32),
            pltpu.VMEM((2, _CH, _F), jnp.float32),
            pltpu.VMEM_SHARED((_N, _F), jnp.float32),
            pltpu.SemaphoreType.DMA,
        ],
    )


def _sc_scatter(nf, zeros, src2, z):
    return _sc_scatter_kernel()(nf, zeros, src2, z)


def _sc_scatter_body(nf_h, zeros_h, src_h, z_h, p0_h, p1_h, idxb, zbuf, acc,
                     zsem):
    c = lax.axis_index("c")
    s = lax.axis_index("s")
    wid = s * _NC + c
    rbase = s * _ROWS_PT

    @pl.when(c == 0)
    def _():
        pltpu.sync_copy(nf_h.at[pl.ds(rbase, _ROWS_PT)],
                        acc.at[pl.ds(rbase, _ROWS_PT)])

        @pl.when(s == _NS - 1)
        def _():
            pltpu.sync_copy(nf_h.at[pl.ds(_NS * _ROWS_PT, _ROWS_TAIL)],
                            acc.at[pl.ds(_NS * _ROWS_PT, _ROWS_TAIL)])

    @pl.when(c == 1)
    def _():
        pltpu.sync_copy(zeros_h.at[pl.ds(rbase, _ROWS_PT)],
                        acc.at[pl.ds(rbase, _ROWS_PT)])

        @pl.when(s == _NS - 1)
        def _():
            pltpu.sync_copy(zeros_h.at[pl.ds(_NS * _ROWS_PT, _ROWS_TAIL)],
                            acc.at[pl.ds(_NS * _ROWS_PT, _ROWS_TAIL)])

    pltpu.sync_copy(src_h.at[pl.ds(wid * _NCHP, _NCHP)], idxb)
    nch = jnp.where(wid == _NW - 1, _NCH1, _NCH0)
    ebase = wid * _EPW
    pltpu.async_copy(z_h.at[pl.ds(ebase, _CH)], zbuf.at[0], zsem)
    plsc.subcore_barrier()

    def body(j, carry):
        slot = lax.rem(j, 2)

        @pl.when(j + 1 < nch)
        def _():
            pltpu.async_copy(z_h.at[pl.ds(ebase + (j + 1) * _CH, _CH)],
                             zbuf.at[lax.rem(j + 1, 2)], zsem)

        pltpu.make_async_copy(z_h.at[pl.ds(ebase + j * _CH, _CH)],
                              zbuf.at[slot], zsem).wait()
        pltpu.sync_copy(zbuf.at[slot], acc.at[idxb.at[j]], add=True)
        return carry

    lax.fori_loop(0, nch, body, 0)
    plsc.subcore_barrier()

    @pl.when(c == 0)
    def _():
        pltpu.sync_copy(acc.at[pl.ds(rbase, _ROWS_PT)],
                        p0_h.at[pl.ds(rbase, _ROWS_PT)])

        @pl.when(s == _NS - 1)
        def _():
            pltpu.sync_copy(acc.at[pl.ds(_NS * _ROWS_PT, _ROWS_TAIL)],
                            p0_h.at[pl.ds(_NS * _ROWS_PT, _ROWS_TAIL)])

    @pl.when(c == 1)
    def _():
        pltpu.sync_copy(acc.at[pl.ds(rbase, _ROWS_PT)],
                        p1_h.at[pl.ds(rbase, _ROWS_PT)])

        @pl.when(s == _NS - 1)
        def _():
            pltpu.sync_copy(acc.at[pl.ds(_NS * _ROWS_PT, _ROWS_TAIL)],
                            p1_h.at[pl.ds(_NS * _ROWS_PT, _ROWS_TAIL)])




def _embed_body(x_ref, w_ref, o_ref):
    o_ref[...] = _sigmoid(
        jnp.dot(x_ref[...], w_ref[...], preferred_element_type=jnp.float32))


def _tc_embed(nodes, w_emb):
    return pl.pallas_call(
        _embed_body,
        grid=(_N // _NB,),
        in_specs=[pl.BlockSpec((_NB, _F), lambda i: (i, 0)),
                  pl.BlockSpec((_F, _F), lambda i: (0, 0))],
        out_specs=pl.BlockSpec((_NB, _F), lambda i: (i, 0)),
        out_shape=jax.ShapeDtypeStruct((_N, _F), jnp.float32),
    )(nodes, w_emb)


def _edge_body(ni_ref, nj_ref, r_ref, cs_ref, pw_ref, w1_ref, w2_ref, w3_ref,
               w1v_ref, w2vg_ref, w2v_ref, z_ref):
    ni = ni_ref[...]
    nj = nj_ref[...]
    r = r_ref[...]
    rinv = 1.0 / r
    mask = (r < 8.0).astype(jnp.float32)
    p1 = jnp.dot(ni, w1_ref[...], preferred_element_type=jnp.float32)
    p2 = jnp.dot(nj, w2_ref[...], preferred_element_type=jnp.float32)
    p3 = jnp.dot(ni - nj, w3_ref[...], preferred_element_type=jnp.float32)
    pre = p1 + p2 + rinv * p3
    eg = _sigmoid(pre[:, :_F])
    em = _elu(pre[:, _F:])
    pw = pw_ref[...]
    gate = _sigmoid(jnp.dot(pw, w2vg_ref[...],
                            preferred_element_type=jnp.float32))
    z12 = (jnp.dot(cs_ref[...], w1v_ref[...],
                   preferred_element_type=jnp.float32)
           + jnp.dot(pw * gate, w2v_ref[...],
                     preferred_element_type=jnp.float32))
    z_ref[...] = eg * em * z12 * mask


def _tc_edge(ni, nj, r2, cs, pw, w1, w2, w3, w1v, w2vg, w2v):
    full = lambda shape: pl.BlockSpec(shape, lambda i: (0, 0))
    return pl.pallas_call(
        _edge_body,
        grid=(_E // _EB,),
        in_specs=[
            pl.BlockSpec((_EB, _F), lambda i: (i, 0)),
            pl.BlockSpec((_EB, _F), lambda i: (i, 0)),
            pl.BlockSpec((_EB, 1), lambda i: (i, 0)),
            pl.BlockSpec((_EB, _K), lambda i: (i, 0)),
            pl.BlockSpec((_EB, _K), lambda i: (i, 0)),
            full((_F, 2 * _F)),
            full((_F, 2 * _F)),
            full((_F, 2 * _F)),
            full((_K, _F)),
            full((_K, _K)),
            full((_K, _F)),
        ],
        out_specs=pl.BlockSpec((_EB, _F), lambda i: (i, 0)),
        out_shape=jax.ShapeDtypeStruct((_E, _F), jnp.float32),
        compiler_params=pltpu.CompilerParams(
            dimension_semantics=("parallel",)),
    )(ni, nj, r2, cs, pw, w1, w2, w3, w1v, w2vg, w2v)


def _node_body(p0_ref, p1_ref, gi_ref, wpsi_ref, wp1_ref, wp2_ref,
               nf_ref, gf_ref):
    i = pl.program_id(0)
    nf = _elu(jnp.dot(p0_ref[...] + p1_ref[...], wpsi_ref[...],
                      preferred_element_type=jnp.float32))
    nf_ref[...] = nf
    pz = (_elu(jnp.dot(nf, wp1_ref[...], preferred_element_type=jnp.float32))
          * jnp.dot(nf, wp2_ref[...], preferred_element_type=jnp.float32))
    gids = lax.broadcasted_iota(jnp.int32, (_NB, _G), 1)
    oh = (gi_ref[...] == gids).astype(jnp.float32)
    contrib = lax.dot_general(oh, pz, (((0,), (0,)), ((), ())))

    @pl.when(i == 0)
    def _():
        gf_ref[...] = contrib

    @pl.when(i > 0)
    def _():
        gf_ref[...] = gf_ref[...] + contrib


def _tc_node(p0, p1, gi2, wpsi, wp1, wp2):
    return pl.pallas_call(
        _node_body,
        grid=(_N // _NB,),
        in_specs=[
            pl.BlockSpec((_NB, _F), lambda i: (i, 0)),
            pl.BlockSpec((_NB, _F), lambda i: (i, 0)),
            pl.BlockSpec((_NB, 1), lambda i: (i, 0)),
            pl.BlockSpec((_F, _F), lambda i: (0, 0)),
            pl.BlockSpec((_F, _F), lambda i: (0, 0)),
            pl.BlockSpec((_F, _F), lambda i: (0, 0)),
        ],
        out_specs=(pl.BlockSpec((_NB, _F), lambda i: (i, 0)),
                   pl.BlockSpec((_G, _F), lambda i: (0, 0))),
        out_shape=(jax.ShapeDtypeStruct((_N, _F), jnp.float32),
                   jax.ShapeDtypeStruct((_G, _F), jnp.float32)),
        compiler_params=pltpu.CompilerParams(
            dimension_semantics=("arbitrary",)),
    )(p0, p1, gi2, wpsi, wp1, wp2)


def _head_body(gf_ref, w1_ref, w2_ref, w3_ref, y_ref):
    y = _elu(jnp.dot(gf_ref[...], w1_ref[...],
                     preferred_element_type=jnp.float32))
    y = _elu(jnp.dot(y, w2_ref[...], preferred_element_type=jnp.float32))
    y_ref[...] = jnp.dot(y, w3_ref[...], preferred_element_type=jnp.float32)


def _tc_head(gf, w1, w2, w3):
    return pl.pallas_call(
        _head_body,
        out_shape=jax.ShapeDtypeStruct((_G, 1), jnp.float32),
    )(gf, w1, w2, w3)




def _pad_idx(flat):
    pieces = []
    for w in range(_NW):
        n = _NCH1 if w == _NW - 1 else _NCH0
        blk = flat[w * _EPW: w * _EPW + n * _CH].reshape(n, _CH)
        pieces.append(jnp.pad(blk, ((0, _NCHP - n), (0, 0))))
    return jnp.concatenate(pieces, axis=0)


def kernel(nodes, edge_sources, edge_targets, rij, combine_sets, plane_wave,
           graph_indices, node_counts, params):
    del node_counts
    nf = _tc_embed(nodes, params["W_emb"])
    src2 = _pad_idx(edge_sources)
    dst2 = _pad_idx(edge_targets)
    r2 = rij.reshape(_E, 1)
    gi2 = graph_indices.reshape(_N, 1)
    zeros = jnp.zeros((_N, _F), jnp.float32)
    gf = None
    for blk in params["blocks"]:
        wg, wm = blk["W_gate"], blk["W_mlp"]
        w1 = jnp.concatenate([wg[:_F], wm[:_F]], axis=1)
        w2 = jnp.concatenate([wg[_F:2 * _F], wm[_F:2 * _F]], axis=1)
        w3 = jnp.concatenate([wg[2 * _F:], wm[2 * _F:]], axis=1)
        ni, nj = _sc_gather(nf, src2, dst2)
        z = _tc_edge(ni, nj, r2, combine_sets, plane_wave, w1, w2, w3,
                     blk["W_1v"], blk["W_2vg"], blk["W_2v"])
        p0, p1 = _sc_scatter(nf, zeros, src2, z)
        nf, gfb = _tc_node(p0, p1, gi2, blk["W_psi"], blk["W_p1"], blk["W_p2"])
        gf = gfb if gf is None else gf + gfb
    return _tc_head(gf, params["W_lr1"], params["W_lr2"], params["W_lr3"])

# --- scband reference (transcript-rebuilt; emitter-appended) ---
"""Pipeline reference for scband-geo-cgnn-15272903704942 (READ-ONLY COPY).

The authoritative reference and input builder live on the scoring server;
editing this copy changes nothing except your own understanding.
"""

import jax, jax.numpy as jnp
import numpy as np

N_NODES = 10000
N_EDGES = 160000
N_FEAT = 128
N_HID = 128
N_GCN = 128
N_BLOCK = 3
K1 = 64  # n_Gaussian
K2 = 64  # n_grid_K ** 3
N_GRAPHS = 64
CUTOFF = 8.0


def _lin(key, fan_in, fan_out):
    b = 1.0 / np.sqrt(fan_in)
    return jax.random.uniform(key, (fan_in, fan_out), minval=-b, maxval=b, dtype=jnp.float32)


def _make_params(key):
    ks = iter(jax.random.split(key, 64))
    params = {"W_emb": _lin(next(ks), N_FEAT, N_HID)}
    blocks = []
    for _ in range(N_BLOCK):
        blocks.append({
            "W_gate": _lin(next(ks), 3 * N_HID, N_HID),
            "W_mlp": _lin(next(ks), 3 * N_HID, N_HID),
            "W_1v": _lin(next(ks), K1, N_HID),
            "W_2vg": _lin(next(ks), K2, K2),
            "W_2v": _lin(next(ks), K2, N_HID),
            "W_psi": _lin(next(ks), N_HID, N_HID),
            "W_p1": _lin(next(ks), N_HID, N_GCN),
            "W_p2": _lin(next(ks), N_HID, N_GCN),
        })
    params["blocks"] = blocks
    params["W_lr1"] = _lin(next(ks), N_GCN, N_GCN // 2)
    params["W_lr2"] = _lin(next(ks), N_GCN // 2, N_GCN // 4)
    params["W_lr3"] = _lin(next(ks), N_GCN // 4, 1)
    return params


def setup_inputs(seed: int = 0):
    key = jax.random.key(seed)
    ks = jax.random.split(key, 10)
    nodes = jax.random.normal(ks[0], (N_NODES, N_FEAT), dtype=jnp.float32)
    edge_sources = jax.random.randint(ks[1], (N_EDGES,), 0, N_NODES, dtype=jnp.int32)
    edge_targets = jax.random.randint(ks[2], (N_EDGES,), 0, N_NODES, dtype=jnp.int32)
    # rij is a distance and divides (ni - nj); keep it bounded away from 0
    rij = jax.random.uniform(ks[3], (N_EDGES,), minval=0.05, maxval=1.0, dtype=jnp.float32)
    combine_sets = jax.random.normal(ks[4], (N_EDGES, K1), dtype=jnp.float32)
    plane_wave = jax.random.normal(ks[5], (N_EDGES, K2), dtype=jnp.float32)
    graph_indices = jnp.sort(jax.random.randint(ks[6], (N_NODES,), 0, N_GRAPHS, dtype=jnp.int32))
    node_counts = jnp.ones((N_GRAPHS,), dtype=jnp.float32)
    params = _make_params(ks[7])
    return {"nodes": nodes, "edge_sources": edge_sources, "edge_targets": edge_targets,
            "rij": rij, "combine_sets": combine_sets, "plane_wave": plane_wave,
            "graph_indices": graph_indices, "node_counts": node_counts, "params": params}


def _forward(nodes, rij, combine_sets, plane_wave, params, edge_sources, edge_targets, graph_indices):
    sig = jax.nn.sigmoid
    elu = jax.nn.elu
    # NodeEmbedding (Linear + Sigmoid, no bias)
    node_feat = sig(nodes @ params["W_emb"])
    graph_feat = None
    for blk in params["blocks"]:
        # GatedGraphConvolution
        ni = jnp.take(node_feat, edge_sources, axis=0)
        nj = jnp.take(node_feat, edge_targets, axis=0)
        r = rij[:, None]
        mask = (r < CUTOFF).astype(node_feat.dtype)
        delta = (ni - nj) / r
        fe = jnp.concatenate([ni, nj, delta], axis=1)
        e_gate = sig(fe @ blk["W_gate"])
        e_mlp = elu(fe @ blk["W_mlp"])
        z1 = combine_sets @ blk["W_1v"]
        gate = sig(plane_wave @ blk["W_2vg"])
        z2 = (plane_wave * gate) @ blk["W_2v"]
        z = e_gate * e_mlp * (z1 + z2) * mask
        # output = input.clone(); output.index_add_(0, edge_sources, z)
        node_feat = node_feat.at[edge_sources].add(z)
        # MLP_psi2n (OLP with ELU)
        node_feat = elu(node_feat @ blk["W_psi"])
        # Gated_pooling: faithful to original (division result is discarded -> sum pooling)
        pz = elu(node_feat @ blk["W_p1"]) * (node_feat @ blk["W_p2"])
        gf = jax.ops.segment_sum(pz, graph_indices, num_segments=N_GRAPHS)
        graph_feat = gf if graph_feat is None else graph_feat + gf
    # final linear regression MLP: 128 -> 64 -> 32 -> 1
    y = elu(graph_feat @ params["W_lr1"])
    y = elu(y @ params["W_lr2"])
    y = y @ params["W_lr3"]
    return y


def reference(nodes, edge_sources, edge_targets, rij, combine_sets, plane_wave, graph_indices, node_counts, params):
    # node_counts: kept for signature fidelity; in the original code the mean-division
    # result is discarded, so it does not affect the output.
    return _forward(nodes, rij, combine_sets, plane_wave, params, edge_sources, edge_targets, graph_indices)

if __name__ == "__main__":
    import jax
    _d = setup_inputs()
    print(jax.jit(kernel)(*tuple(_d.values())))

</pallas_src>

<mosaic_0001>
#map = affine_map<(d0, d1) -> (0, 0)>
module attributes {stable_mosaic.version = 14 : i64} {
  func.func @_sc_scatter_body(%arg0: i32, %arg1: i32, %arg2: memref<10000x128xf32, #tpu.memory_space<hbm>>, %arg3: memref<10000x128xf32, #tpu.memory_space<hbm>>, %arg4: memref<1536x128xi32, #tpu.memory_space<hbm>>, %arg5: memref<160000x128xf32, #tpu.memory_space<hbm>>, %arg6: memref<10000x128xf32, #tpu.memory_space<hbm>>, %arg7: memref<10000x128xf32, #tpu.memory_space<hbm>>, %arg8: memref<48x128xi32, #tpu.memory_space<vmem>>, %arg9: memref<2x128x128xf32, #tpu.memory_space<vmem>>, %arg10: memref<10000x128xf32, #tpu.memory_space<vmem_shared>>, %arg11: memref<!tpu.dma_semaphore, #tpu.memory_space<semaphore_mem>>) attributes {dimension_semantics = [#tpu.dimension_semantics<core_parallel>, #tpu.dimension_semantics<subcore_parallel>], iteration_bounds = array<i64: 2, 16>, scalar_prefetch = 0 : i64, scratch_operands = 4 : i64, tpu.core_type = #tpu.core_type<sc_vector_subcore>, window_params = [{transform_indices = #map}, {transform_indices = #map}, {transform_indices = #map}, {transform_indices = #map}, {transform_indices = #map}, {transform_indices = #map}]} {
    %mul3A = arith.constant 2 : i32
    %mul3A_0 = arith.muli %arg1, %mul3A : i32
    %add3A = arith.addi %mul3A_0, %arg0 : i32
    %mul3A_1 = arith.constant 624 : i32
    %mul3A_2 = arith.muli %arg1, %mul3A_1 : i32
    %eq3A = arith.constant 0 : i32
    %eq3A_3 = arith.cmpi eq, %arg0, %eq3A : i32
    %convert_element_type3A = arith.extui %eq3A_3 : i1 to i32
    %cond3A = arith.constant 0 : i32
    %cond3A_4 = arith.cmpi ne, %convert_element_type3A, %cond3A : i32
    scf.if %cond3A_4 {
      "tpu.region"() ({
        %run_scoped3A = tpu.sem_alloc : memref<!tpu.dma_semaphore, #tpu.memory_space<semaphore_mem>>
        %dma_start3A_54 = arith.constant 0 : i32
        %dma_start3A_55 = tpu.memref_slice %arg10[%mul3A_2, %dma_start3A_54] : memref<10000x128xf32, #tpu.memory_space<vmem_shared>> -> memref<624x128xf32, #tpu.memory_space<vmem_shared>>
        %dma_start3A_56 = arith.constant 0 : i32
        %dma_start3A_57 = tpu.memref_slice %arg2[%mul3A_2, %dma_start3A_56] : memref<10000x128xf32, #tpu.memory_space<hbm>> -> memref<624x128xf32, #tpu.memory_space<hbm>>
        tpu.enqueue_dma source(%dma_start3A_57 : memref<624x128xf32, #tpu.memory_space<hbm>>) target(%dma_start3A_55 : memref<624x128xf32, #tpu.memory_space<vmem_shared>>) target_semaphore(%run_scoped3A : memref<!tpu.dma_semaphore, #tpu.memory_space<semaphore_mem>>)
        %dma_wait3A = arith.constant 0 : i32
        %dma_wait3A_58 = tpu.memref_slice %arg10[%mul3A_2, %dma_wait3A] : memref<10000x128xf32, #tpu.memory_space<vmem_shared>> -> memref<624x128xf32, #tpu.memory_space<vmem_shared>>
        %dma_wait3A_59 = arith.constant 0 : i32
        %dma_wait3A_60 = tpu.memref_slice %arg2[%mul3A_2, %dma_wait3A_59] : memref<10000x128xf32, #tpu.memory_space<hbm>> -> memref<624x128xf32, #tpu.memory_space<hbm>>
        tpu.wait_dma2 semaphore(%run_scoped3A : memref<!tpu.dma_semaphore, #tpu.memory_space<semaphore_mem>>) src(%dma_wait3A_60 : memref<624x128xf32, #tpu.memory_space<hbm>>) dst(%dma_wait3A_58 : memref<624x128xf32, #tpu.memory_space<vmem_shared>>)
        tpu.yield
      }) : () -> ()
      %eq3A_49 = arith.constant 15 : i32
      %eq3A_50 = arith.cmpi eq, %arg1, %eq3A_49 : i32
      %convert_element_type3A_51 = arith.extui %eq3A_50 : i1 to i32
      %cond3A_52 = arith.constant 0 : i32
      %cond3A_53 = arith.cmpi ne, %convert_element_type3A_51, %cond3A_52 : i32
      scf.if %cond3A_53 {
        "tpu.region"() ({
          %run_scoped3A = tpu.sem_alloc : memref<!tpu.dma_semaphore, #tpu.memory_space<semaphore_mem>>
          %dma_start3A_54 = arith.constant 9984 : i32
          %dma_start3A_55 = arith.constant 0 : i32
          %dma_start3A_56 = tpu.memref_slice %arg10[%dma_start3A_54, %dma_start3A_55] : memref<10000x128xf32, #tpu.memory_space<vmem_shared>> -> memref<16x128xf32, #tpu.memory_space<vmem_shared>>
          %dma_start3A_57 = arith.constant 9984 : i32
          %dma_start3A_58 = arith.constant 0 : i32
          %dma_start3A_59 = tpu.memref_slice %arg2[%dma_start3A_57, %dma_start3A_58] : memref<10000x128xf32, #tpu.memory_space<hbm>> -> memref<16x128xf32, #tpu.memory_space<hbm>>
          tpu.enqueue_dma source(%dma_start3A_59 : memref<16x128xf32, #tpu.memory_space<hbm>>) target(%dma_start3A_56 : memref<16x128xf32, #tpu.memory_space<vmem_shared>>) target_semaphore(%run_scoped3A : memref<!tpu.dma_semaphore, #tpu.memory_space<semaphore_mem>>)
          %dma_wait3A = arith.constant 9984 : i32
          %dma_wait3A_60 = arith.constant 0 : i32
          %dma_wait3A_61 = tpu.memref_slice %arg10[%dma_wait3A, %dma_wait3A_60] : memref<10000x128xf32, #tpu.memory_space<vmem_shared>> -> memref<16x128xf32, #tpu.memory_space<vmem_shared>>
          %dma_wait3A_62 = arith.constant 9984 : i32
          %dma_wait3A_63 = arith.constant 0 : i32
          %dma_wait3A_64 = tpu.memref_slice %arg2[%dma_wait3A_62, %dma_wait3A_63] : memref<10000x128xf32, #tpu.memory_space<hbm>> -> memref<16x128xf32, #tpu.memory_space<hbm>>
          tpu.wait_dma2 semaphore(%run_scoped3A : memref<!tpu.dma_semaphore, #tpu.memory_space<semaphore_mem>>) src(%dma_wait3A_64 : memref<16x128xf32, #tpu.memory_space<hbm>>) dst(%dma_wait3A_61 : memref<16x128xf32, #tpu.memory_space<vmem_shared>>)
          tpu.yield
        }) : () -> ()
      } else {
      }
    } else {
    }
    %eq3A_5 = arith.constant 1 : i32
    %eq3A_6 = arith.cmpi eq, %arg0, %eq3A_5 : i32
    %convert_element_type3A_7 = arith.extui %eq3A_6 : i1 to i32
    %cond3A_8 = arith.constant 0 : i32
    %cond3A_9 = arith.cmpi ne, %convert_element_type3A_7, %cond3A_8 : i32
    scf.if %cond3A_9 {
      "tpu.region"() ({
        %run_scoped3A = tpu.sem_alloc : memref<!tpu.dma_semaphore, #tpu.memory_space<semaphore_mem>>
        %dma_start3A_54 = arith.constant 0 : i32
        %dma_start3A_55 = tpu.memref_slice %arg10[%mul3A_2, %dma_start3A_54] : memref<10000x128xf32, #tpu.memory_space<vmem_shared>> -> memref<624x128xf32, #tpu.memory_space<vmem_shared>>
        %dma_start3A_56 = arith.constant 0 : i32
        %dma_start3A_57 = tpu.memref_slice %arg3[%mul3A_2, %dma_start3A_56] : memref<10000x128xf32, #tpu.memory_space<hbm>> -> memref<624x128xf32, #tpu.memory_space<hbm>>
        tpu.enqueue_dma source(%dma_start3A_57 : memref<624x128xf32, #tpu.memory_space<hbm>>) target(%dma_start3A_55 : memref<624x128xf32, #tpu.memory_space<vmem_shared>>) target_semaphore(%run_scoped3A : memref<!tpu.dma_semaphore, #tpu.memory_space<semaphore_mem>>)
        %dma_wait3A = arith.constant 0 : i32
        %dma_wait3A_58 = tpu.memref_slice %arg10[%mul3A_2, %dma_wait3A] : memref<10000x128xf32, #tpu.memory_space<vmem_shared>> -> memref<624x128xf32, #tpu.memory_space<vmem_shared>>
        %dma_wait3A_59 = arith.constant 0 : i32
        %dma_wait3A_60 = tpu.memref_slice %arg3[%mul3A_2, %dma_wait3A_59] : memref<10000x128xf32, #tpu.memory_space<hbm>> -> memref<624x128xf32, #tpu.memory_space<hbm>>
        tpu.wait_dma2 semaphore(%run_scoped3A : memref<!tpu.dma_semaphore, #tpu.memory_space<semaphore_mem>>) src(%dma_wait3A_60 : memref<624x128xf32, #tpu.memory_space<hbm>>) dst(%dma_wait3A_58 : memref<624x128xf32, #tpu.memory_space<vmem_shared>>)
        tpu.yield
      }) : () -> ()
      %eq3A_49 = arith.constant 15 : i32
      %eq3A_50 = arith.cmpi eq, %arg1, %eq3A_49 : i32
      %convert_element_type3A_51 = arith.extui %eq3A_50 : i1 to i32
      %cond3A_52 = arith.constant 0 : i32
      %cond3A_53 = arith.cmpi ne, %convert_element_type3A_51, %cond3A_52 : i32
      scf.if %cond3A_53 {
        "tpu.region"() ({
          %run_scoped3A = tpu.sem_alloc : memref<!tpu.dma_semaphore, #tpu.memory_space<semaphore_mem>>
          %dma_start3A_54 = arith.constant 9984 : i32
          %dma_start3A_55 = arith.constant 0 : i32
          %dma_start3A_56 = tpu.memref_slice %arg10[%dma_start3A_54, %dma_start3A_55] : memref<10000x128xf32, #tpu.memory_space<vmem_shared>> -> memref<16x128xf32, #tpu.memory_space<vmem_shared>>
          %dma_start3A_57 = arith.constant 9984 : i32
          %dma_start3A_58 = arith.constant 0 : i32
          %dma_start3A_59 = tpu.memref_slice %arg3[%dma_start3A_57, %dma_start3A_58] : memref<10000x128xf32, #tpu.memory_space<hbm>> -> memref<16x128xf32, #tpu.memory_space<hbm>>
          tpu.enqueue_dma source(%dma_start3A_59 : memref<16x128xf32, #tpu.memory_space<hbm>>) target(%dma_start3A_56 : memref<16x128xf32, #tpu.memory_space<vmem_shared>>) target_semaphore(%run_scoped3A : memref<!tpu.dma_semaphore, #tpu.memory_space<semaphore_mem>>)
          %dma_wait3A = arith.constant 9984 : i32
          %dma_wait3A_60 = arith.constant 0 : i32
          %dma_wait3A_61 = tpu.memref_slice %arg10[%dma_wait3A, %dma_wait3A_60] : memref<10000x128xf32, #tpu.memory_space<vmem_shared>> -> memref<16x128xf32, #tpu.memory_space<vmem_shared>>
          %dma_wait3A_62 = arith.constant 9984 : i32
          %dma_wait3A_63 = arith.constant 0 : i32
          %dma_wait3A_64 = tpu.memref_slice %arg3[%dma_wait3A_62, %dma_wait3A_63] : memref<10000x128xf32, #tpu.memory_space<hbm>> -> memref<16x128xf32, #tpu.memory_space<hbm>>
          tpu.wait_dma2 semaphore(%run_scoped3A : memref<!tpu.dma_semaphore, #tpu.memory_space<semaphore_mem>>) src(%dma_wait3A_64 : memref<16x128xf32, #tpu.memory_space<hbm>>) dst(%dma_wait3A_61 : memref<16x128xf32, #tpu.memory_space<vmem_shared>>)
          tpu.yield
        }) : () -> ()
      } else {
      }
    } else {
    }
    %mul3A_10 = arith.constant 48 : i32
    %mul3A_11 = arith.muli %add3A, %mul3A_10 : i32
    "tpu.region"() ({
      %run_scoped3A = tpu.sem_alloc : memref<!tpu.dma_semaphore, #tpu.memory_space<semaphore_mem>>
      %dma_start3A_49 = arith.constant 0 : i32
      %dma_start3A_50 = tpu.memref_slice %arg4[%mul3A_11, %dma_start3A_49] : memref<1536x128xi32, #tpu.memory_space<hbm>> -> memref<48x128xi32, #tpu.memory_space<hbm>>
      %dma_start3A_51 = arith.constant 0 : i32
      %dma_start3A_52 = tpu.memref_slice %arg4[%mul3A_11, %dma_start3A_51] : memref<1536x128xi32, #tpu.memory_space<hbm>> -> memref<48x128xi32, #tpu.memory_space<hbm>>
      tpu.enqueue_dma source(%dma_start3A_52 : memref<48x128xi32, #tpu.memory_space<hbm>>) target(%arg8 : memref<48x128xi32, #tpu.memory_space<vmem>>) target_semaphore(%run_scoped3A : memref<!tpu.dma_semaphore, #tpu.memory_space<semaphore_mem>>)
      %dma_wait3A = arith.constant 0 : i32
      %dma_wait3A_53 = tpu.memref_slice %arg4[%mul3A_11, %dma_wait3A] : memref<1536x128xi32, #tpu.memory_space<hbm>> -> memref<48x128xi32, #tpu.memory_space<hbm>>
      %dma_wait3A_54 = arith.constant 0 : i32
      %dma_wait3A_55 = tpu.memref_slice %arg4[%mul3A_11, %dma_wait3A_54] : memref<1536x128xi32, #tpu.memory_space<hbm>> -> memref<48x128xi32, #tpu.memory_space<hbm>>
      tpu.wait_dma2 semaphore(%run_scoped3A : memref<!tpu.dma_semaphore, #tpu.memory_space<semaphore_mem>>) src(%dma_wait3A_55 : memref<48x128xi32, #tpu.memory_space<hbm>>) dst(%arg8 : memref<48x128xi32, #tpu.memory_space<vmem>>)
      tpu.yield
    }) : () -> ()
    %eq3A_12 = arith.constant 31 : i32
    %eq3A_13 = arith.cmpi eq, %add3A, %eq3A_12 : i32
    %jit3A = arith.constant 41 : i32
    %jit3A_14 = arith.constant 39 : i32
    %select_n3A = arith.select %eq3A_13, %jit3A, %jit3A_14 : i32
    %mul3A_15 = arith.constant 4992 : i32
    %mul3A_16 = arith.muli %add3A, %mul3A_15 : i32
    %dma_start3A = arith.constant 0 : i32
    %dma_start3A_17 = arith.constant 0 : i32
    %dma_start3A_18 = arith.constant 0 : i32
    %dma_start3A_19 = tpu.memref_slice %arg9[%dma_start3A, %dma_start3A_17, %dma_start3A_18] : memref<2x128x128xf32, #tpu.memory_space<vmem>> -> memref<1x128x128xf32, #tpu.memory_space<vmem>>
    %dma_start3A_20 = tpu.memref_squeeze %dma_start3A_19 : memref<1x128x128xf32, #tpu.memory_space<vmem>> -> memref<128x128xf32, #tpu.memory_space<vmem>>
    %dma_start3A_21 = arith.constant 0 : i32
    %dma_start3A_22 = tpu.memref_slice %arg5[%mul3A_16, %dma_start3A_21] : memref<160000x128xf32, #tpu.memory_space<hbm>> -> memref<128x128xf32, #tpu.memory_space<hbm>>
    %dma_start3A_23 = arith.constant 0 : i32
    %dma_start3A_24 = arith.constant 0 : i32
    %dma_start3A_25 = tpu.memref_slice %arg9[%dma_start3A, %dma_start3A_23, %dma_start3A_24] : memref<2x128x128xf32, #tpu.memory_space<vmem>> -> memref<1x128x128xf32, #tpu.memory_space<vmem>>
    %dma_start3A_26 = tpu.memref_squeeze %dma_start3A_25 : memref<1x128x128xf32, #tpu.memory_space<vmem>> -> memref<128x128xf32, #tpu.memory_space<vmem>>
    %dma_start3A_27 = arith.constant 0 : i32
    %dma_start3A_28 = tpu.memref_slice %arg5[%mul3A_16, %dma_start3A_27] : memref<160000x128xf32, #tpu.memory_space<hbm>> -> memref<128x128xf32, #tpu.memory_space<hbm>>
    tpu.enqueue_dma source(%dma_start3A_28 : memref<128x128xf32, #tpu.memory_space<hbm>>) target(%dma_start3A_26 : memref<128x128xf32, #tpu.memory_space<vmem>>) target_semaphore(%arg11 : memref<!tpu.dma_semaphore, #tpu.memory_space<semaphore_mem>>)
    %barrier3A = arith.constant 0 : index
    tpu.barrier barrier_id(%barrier3A)
    %while3A = arith.constant 0 : i32
    %while3A_29 = arith.constant 0 : i32
    %while3A_30 = arith.subi %select_n3A, %while3A_29 : i32
    %while3A_31 = arith.addi %while3A_29, %while3A_30 : i32
    %while3A_32 = arith.constant 1 : i32
    %while3A_33 = arith.divsi %while3A_30, %while3A_32 : i32
    %while3A_34 = arith.muli %while3A_33, %while3A_32 : i32
    %while3A_35 = arith.addi %while3A_29, %while3A_34 : i32
    %while3A_36 = arith.constant 1 : i32
    scf.for %while3A_49 = %while3A_29 to %while3A_35 step %while3A_36  : i32 {
      %rem3A = arith.constant 2 : i32
      %rem3A_50 = arith.remsi %while3A_49, %rem3A : i32
      %add3A_51 = arith.constant 1 : i32
      %add3A_52 = arith.addi %while3A_49, %add3A_51 : i32
      %lt3A = arith.cmpi slt, %add3A_52, %select_n3A : i32
      %convert_element_type3A_53 = arith.extui %lt3A : i1 to i32
      %cond3A_54 = arith.constant 0 : i32
      %cond3A_55 = arith.cmpi ne, %convert_element_type3A_53, %cond3A_54 : i32
      scf.if %cond3A_55 {
        %add3A_70 = arith.constant 1 : i32
        %add3A_71 = arith.addi %while3A_49, %add3A_70 : i32
        %mul3A_72 = arith.constant 128 : i32
        %mul3A_73 = arith.muli %add3A_71, %mul3A_72 : i32
        %add3A_74 = arith.addi %mul3A_16, %mul3A_73 : i32
        %add3A_75 = arith.constant 1 : i32
        %add3A_76 = arith.addi %while3A_49, %add3A_75 : i32
        %rem3A_77 = arith.constant 2 : i32
        %rem3A_78 = arith.remsi %add3A_76, %rem3A_77 : i32
        %dma_start3A_79 = arith.constant 0 : i32
        %dma_start3A_80 = arith.constant 0 : i32
        %dma_start3A_81 = tpu.memref_slice %arg9[%rem3A_78, %dma_start3A_79, %dma_start3A_80] : memref<2x128x128xf32, #tpu.memory_space<vmem>> -> memref<1x128x128xf32, #tpu.memory_space<vmem>>
        %dma_start3A_82 = tpu.memref_squeeze %dma_start3A_81 : memref<1x128x128xf32, #tpu.memory_space<vmem>> -> memref<128x128xf32, #tpu.memory_space<vmem>>
        %dma_start3A_83 = arith.constant 0 : i32
        %dma_start3A_84 = tpu.memref_slice %arg5[%add3A_74, %dma_start3A_83] : memref<160000x128xf32, #tpu.memory_space<hbm>> -> memref<128x128xf32, #tpu.memory_space<hbm>>
        %dma_start3A_85 = arith.constant 0 : i32
        %dma_start3A_86 = arith.constant 0 : i32
        %dma_start3A_87 = tpu.memref_slice %arg9[%rem3A_78, %dma_start3A_85, %dma_start3A_86] : memref<2x128x128xf32, #tpu.memory_space<vmem>> -> memref<1x128x128xf32, #tpu.memory_space<vmem>>
        %dma_start3A_88 = tpu.memref_squeeze %dma_start3A_87 : memref<1x128x128xf32, #tpu.memory_space<vmem>> -> memref<128x128xf32, #tpu.memory_space<vmem>>
        %dma_start3A_89 = arith.constant 0 : i32
        %dma_start3A_90 = tpu.memref_slice %arg5[%add3A_74, %dma_start3A_89] : memref<160000x128xf32, #tpu.memory_space<hbm>> -> memref<128x128xf32, #tpu.memory_space<hbm>>
        tpu.enqueue_dma source(%dma_start3A_90 : memref<128x128xf32, #tpu.memory_space<hbm>>) target(%dma_start3A_88 : memref<128x128xf32, #tpu.memory_space<vmem>>) target_semaphore(%arg11 : memref<!tpu.dma_semaphore, #tpu.memory_space<semaphore_mem>>)
      } else {
      }
      %mul3A_56 = arith.constant 128 : i32
      %mul3A_57 = arith.muli %while3A_49, %mul3A_56 : i32
      %add3A_58 = arith.addi %mul3A_16, %mul3A_57 : i32
      %dma_wait3A = arith.constant 0 : i32
      %dma_wait3A_59 = arith.constant 0 : i32
      %dma_wait3A_60 = tpu.memref_slice %arg9[%rem3A_50, %dma_wait3A, %dma_wait3A_59] : memref<2x128x128xf32, #tpu.memory_space<vmem>> -> memref<1x128x128xf32, #tpu.memory_space<vmem>>
      %dma_wait3A_61 = tpu.memref_squeeze %dma_wait3A_60 : memref<1x128x128xf32, #tpu.memory_space<vmem>> -> memref<128x128xf32, #tpu.memory_space<vmem>>
      %dma_wait3A_62 = arith.constant 0 : i32
      %dma_wait3A_63 = tpu.memref_slice %arg5[%add3A_58, %dma_wait3A_62] : memref<160000x128xf32, #tpu.memory_space<hbm>> -> memref<128x128xf32, #tpu.memory_space<hbm>>
      %dma_wait3A_64 = arith.constant 0 : i32
      %dma_wait3A_65 = arith.constant 0 : i32
      %dma_wait3A_66 = tpu.memref_slice %arg9[%rem3A_50, %dma_wait3A_64, %dma_wait3A_65] : memref<2x128x128xf32, #tpu.memory_space<vmem>> -> memref<1x128x128xf32, #tpu.memory_space<vmem>>
      %dma_wait3A_67 = tpu.memref_squeeze %dma_wait3A_66 : memref<1x128x128xf32, #tpu.memory_space<vmem>> -> memref<128x128xf32, #tpu.memory_space<vmem>>
      %dma_wait3A_68 = arith.constant 0 : i32
      %dma_wait3A_69 = tpu.memref_slice %arg5[%add3A_58, %dma_wait3A_68] : memref<160000x128xf32, #tpu.memory_space<hbm>> -> memref<128x128xf32, #tpu.memory_space<hbm>>
      tpu.wait_dma2 semaphore(%arg11 : memref<!tpu.dma_semaphore, #tpu.memory_space<semaphore_mem>>) src(%dma_wait3A_69 : memref<128x128xf32, #tpu.memory_space<hbm>>) dst(%dma_wait3A_67 : memref<128x128xf32, #tpu.memory_space<vmem>>)
      "tpu.region"() ({
        %run_scoped3A = tpu.sem_alloc : memref<!tpu.dma_semaphore, #tpu.memory_space<semaphore_mem>>
        %dma_start3A_70 = arith.constant 0 : i32
        %dma_start3A_71 = arith.constant 0 : i32
        %dma_start3A_72 = tpu.memref_slice %arg9[%rem3A_50, %dma_start3A_70, %dma_start3A_71] : memref<2x128x128xf32, #tpu.memory_space<vmem>> -> memref<1x128x128xf32, #tpu.memory_space<vmem>>
        %dma_start3A_73 = tpu.memref_squeeze %dma_start3A_72 : memref<1x128x128xf32, #tpu.memory_space<vmem>> -> memref<128x128xf32, #tpu.memory_space<vmem>>
        %dma_start3A_74 = arith.constant 0 : i32
        %dma_start3A_75 = tpu.memref_slice %arg8[%while3A_49, %dma_start3A_74] : memref<48x128xi32, #tpu.memory_space<vmem>> -> memref<1x128xi32, #tpu.memory_space<vmem>>
        %dma_start3A_76 = tpu.memref_squeeze %dma_start3A_75 : memref<1x128xi32, #tpu.memory_space<vmem>> -> memref<128xi32, #tpu.memory_space<vmem>>
        %dma_start3A_77 = arith.constant 0 : i32
        %dma_start3A_78 = arith.constant 0 : i32
        %dma_start3A_79 = tpu.memref_slice %arg10[%dma_start3A_77, %dma_start3A_78] : memref<10000x128xf32, #tpu.memory_space<vmem_shared>> -> memref<10000x128xf32, #tpu.memory_space<vmem_shared>>
        tpu.enqueue_indirect_dma source(%dma_start3A_73 : memref<128x128xf32, #tpu.memory_space<vmem>>) target(%dma_start3A_79 : memref<10000x128xf32, #tpu.memory_space<vmem_shared>>) offsets(%dma_start3A_76 : memref<128xi32, #tpu.memory_space<vmem>>) semaphore(%run_scoped3A : memref<!tpu.dma_semaphore, #tpu.memory_space<semaphore_mem>>) {add = true}
        %dma_wait3A_80 = arith.constant 0 : i32
        %dma_wait3A_81 = arith.constant 0 : i32
        %dma_wait3A_82 = tpu.memref_slice %arg9[%rem3A_50, %dma_wait3A_80, %dma_wait3A_81] : memref<2x128x128xf32, #tpu.memory_space<vmem>> -> memref<1x128x128xf32, #tpu.memory_space<vmem>>
        %dma_wait3A_83 = tpu.memref_squeeze %dma_wait3A_82 : memref<1x128x128xf32, #tpu.memory_space<vmem>> -> memref<128x128xf32, #tpu.memory_space<vmem>>
        %dma_wait3A_84 = arith.constant 0 : i32
        %dma_wait3A_85 = tpu.memref_slice %arg8[%while3A_49, %dma_wait3A_84] : memref<48x128xi32, #tpu.memory_space<vmem>> -> memref<1x128xi32, #tpu.memory_space<vmem>>
        %dma_wait3A_86 = tpu.memref_squeeze %dma_wait3A_85 : memref<1x128xi32, #tpu.memory_space<vmem>> -> memref<128xi32, #tpu.memory_space<vmem>>
        %dma_wait3A_87 = arith.constant 0 : i32
        %dma_wait3A_88 = arith.constant 0 : i32
        %dma_wait3A_89 = tpu.memref_slice %arg10[%dma_wait3A_87, %dma_wait3A_88] : memref<10000x128xf32, #tpu.memory_space<vmem_shared>> -> memref<10000x128xf32, #tpu.memory_space<vmem_shared>>
        tpu.wait_indirect_dma semaphore(%run_scoped3A : memref<!tpu.dma_semaphore, #tpu.memory_space<semaphore_mem>>) src(%dma_wait3A_83 : memref<128x128xf32, #tpu.memory_space<vmem>>) dst(%dma_wait3A_89 : memref<10000x128xf32, #tpu.memory_space<vmem_shared>>)
        tpu.yield
      }) : () -> ()
    }
    %while3A_37 = arith.constant 1 : i32
    scf.for %while3A_49 = %while3A_35 to %while3A_31 step %while3A_37  : i32 {
      %rem3A = arith.constant 2 : i32
      %rem3A_50 = arith.remsi %while3A_49, %rem3A : i32
      %add3A_51 = arith.constant 1 : i32
      %add3A_52 = arith.addi %while3A_49, %add3A_51 : i32
      %lt3A = arith.cmpi slt, %add3A_52, %select_n3A : i32
      %convert_element_type3A_53 = arith.extui %lt3A : i1 to i32
      %cond3A_54 = arith.constant 0 : i32
      %cond3A_55 = arith.cmpi ne, %convert_element_type3A_53, %cond3A_54 : i32
      scf.if %cond3A_55 {
        %add3A_70 = arith.constant 1 : i32
        %add3A_71 = arith.addi %while3A_49, %add3A_70 : i32
        %mul3A_72 = arith.constant 128 : i32
        %mul3A_73 = arith.muli %add3A_71, %mul3A_72 : i32
        %add3A_74 = arith.addi %mul3A_16, %mul3A_73 : i32
        %add3A_75 = arith.constant 1 : i32
        %add3A_76 = arith.addi %while3A_49, %add3A_75 : i32
        %rem3A_77 = arith.constant 2 : i32
        %rem3A_78 = arith.remsi %add3A_76, %rem3A_77 : i32
        %dma_start3A_79 = arith.constant 0 : i32
        %dma_start3A_80 = arith.constant 0 : i32
        %dma_start3A_81 = tpu.memref_slice %arg9[%rem3A_78, %dma_start3A_79, %dma_start3A_80] : memref<2x128x128xf32, #tpu.memory_space<vmem>> -> memref<1x128x128xf32, #tpu.memory_space<vmem>>
        %dma_start3A_82 = tpu.memref_squeeze %dma_start3A_81 : memref<1x128x128xf32, #tpu.memory_space<vmem>> -> memref<128x128xf32, #tpu.memory_space<vmem>>
        %dma_start3A_83 = arith.constant 0 : i32
        %dma_start3A_84 = tpu.memref_slice %arg5[%add3A_74, %dma_start3A_83] : memref<160000x128xf32, #tpu.memory_space<hbm>> -> memref<128x128xf32, #tpu.memory_space<hbm>>
        %dma_start3A_85 = arith.constant 0 : i32
        %dma_start3A_86 = arith.constant 0 : i32
        %dma_start3A_87 = tpu.memref_slice %arg9[%rem3A_78, %dma_start3A_85, %dma_start3A_86] : memref<2x128x128xf32, #tpu.memory_space<vmem>> -> memref<1x128x128xf32, #tpu.memory_space<vmem>>
        %dma_start3A_88 = tpu.memref_squeeze %dma_start3A_87 : memref<1x128x128xf32, #tpu.memory_space<vmem>> -> memref<128x128xf32, #tpu.memory_space<vmem>>
        %dma_start3A_89 = arith.constant 0 : i32
        %dma_start3A_90 = tpu.memref_slice %arg5[%add3A_74, %dma_start3A_89] : memref<160000x128xf32, #tpu.memory_space<hbm>> -> memref<128x128xf32, #tpu.memory_space<hbm>>
        tpu.enqueue_dma source(%dma_start3A_90 : memref<128x128xf32, #tpu.memory_space<hbm>>) target(%dma_start3A_88 : memref<128x128xf32, #tpu.memory_space<vmem>>) target_semaphore(%arg11 : memref<!tpu.dma_semaphore, #tpu.memory_space<semaphore_mem>>)
      } else {
      }
      %mul3A_56 = arith.constant 128 : i32
      %mul3A_57 = arith.muli %while3A_49, %mul3A_56 : i32
      %add3A_58 = arith.addi %mul3A_16, %mul3A_57 : i32
      %dma_wait3A = arith.constant 0 : i32
      %dma_wait3A_59 = arith.constant 0 : i32
      %dma_wait3A_60 = tpu.memref_slice %arg9[%rem3A_50, %dma_wait3A, %dma_wait3A_59] : memref<2x128x128xf32, #tpu.memory_space<vmem>> -> memref<1x128x128xf32, #tpu.memory_space<vmem>>
      %dma_wait3A_61 = tpu.memref_squeeze %dma_wait3A_60 : memref<1x128x128xf32, #tpu.memory_space<vmem>> -> memref<128x128xf32, #tpu.memory_space<vmem>>
      %dma_wait3A_62 = arith.constant 0 : i32
      %dma_wait3A_63 = tpu.memref_slice %arg5[%add3A_58, %dma_wait3A_62] : memref<160000x128xf32, #tpu.memory_space<hbm>> -> memref<128x128xf32, #tpu.memory_space<hbm>>
      %dma_wait3A_64 = arith.constant 0 : i32
      %dma_wait3A_65 = arith.constant 0 : i32
      %dma_wait3A_66 = tpu.memref_slice %arg9[%rem3A_50, %dma_wait3A_64, %dma_wait3A_65] : memref<2x128x128xf32, #tpu.memory_space<vmem>> -> memref<1x128x128xf32, #tpu.memory_space<vmem>>
      %dma_wait3A_67 = tpu.memref_squeeze %dma_wait3A_66 : memref<1x128x128xf32, #tpu.memory_space<vmem>> -> memref<128x128xf32, #tpu.memory_space<vmem>>
      %dma_wait3A_68 = arith.constant 0 : i32
      %dma_wait3A_69 = tpu.memref_slice %arg5[%add3A_58, %dma_wait3A_68] : memref<160000x128xf32, #tpu.memory_space<hbm>> -> memref<128x128xf32, #tpu.memory_space<hbm>>
      tpu.wait_dma2 semaphore(%arg11 : memref<!tpu.dma_semaphore, #tpu.memory_space<semaphore_mem>>) src(%dma_wait3A_69 : memref<128x128xf32, #tpu.memory_space<hbm>>) dst(%dma_wait3A_67 : memref<128x128xf32, #tpu.memory_space<vmem>>)
      "tpu.region"() ({
        %run_scoped3A = tpu.sem_alloc : memref<!tpu.dma_semaphore, #tpu.memory_space<semaphore_mem>>
        %dma_start3A_70 = arith.constant 0 : i32
        %dma_start3A_71 = arith.constant 0 : i32
        %dma_start3A_72 = tpu.memref_slice %arg9[%rem3A_50, %dma_start3A_70, %dma_start3A_71] : memref<2x128x128xf32, #tpu.memory_space<vmem>> -> memref<1x128x128xf32, #tpu.memory_space<vmem>>
        %dma_start3A_73 = tpu.memref_squeeze %dma_start3A_72 : memref<1x128x128xf32, #tpu.memory_space<vmem>> -> memref<128x128xf32, #tpu.memory_space<vmem>>
        %dma_start3A_74 = arith.constant 0 : i32
        %dma_start3A_75 = tpu.memref_slice %arg8[%while3A_49, %dma_start3A_74] : memref<48x128xi32, #tpu.memory_space<vmem>> -> memref<1x128xi32, #tpu.memory_space<vmem>>
        %dma_start3A_76 = tpu.memref_squeeze %dma_start3A_75 : memref<1x128xi32, #tpu.memory_space<vmem>> -> memref<128xi32, #tpu.memory_space<vmem>>
        %dma_start3A_77 = arith.constant 0 : i32
        %dma_start3A_78 = arith.constant 0 : i32
        %dma_start3A_79 = tpu.memref_slice %arg10[%dma_start3A_77, %dma_start3A_78] : memref<10000x128xf32, #tpu.memory_space<vmem_shared>> -> memref<10000x128xf32, #tpu.memory_space<vmem_shared>>
        tpu.enqueue_indirect_dma source(%dma_start3A_73 : memref<128x128xf32, #tpu.memory_space<vmem>>) target(%dma_start3A_79 : memref<10000x128xf32, #tpu.memory_space<vmem_shared>>) offsets(%dma_start3A_76 : memref<128xi32, #tpu.memory_space<vmem>>) semaphore(%run_scoped3A : memref<!tpu.dma_semaphore, #tpu.memory_space<semaphore_mem>>) {add = true}
        %dma_wait3A_80 = arith.constant 0 : i32
        %dma_wait3A_81 = arith.constant 0 : i32
        %dma_wait3A_82 = tpu.memref_slice %arg9[%rem3A_50, %dma_wait3A_80, %dma_wait3A_81] : memref<2x128x128xf32, #tpu.memory_space<vmem>> -> memref<1x128x128xf32, #tpu.memory_space<vmem>>
        %dma_wait3A_83 = tpu.memref_squeeze %dma_wait3A_82 : memref<1x128x128xf32, #tpu.memory_space<vmem>> -> memref<128x128xf32, #tpu.memory_space<vmem>>
        %dma_wait3A_84 = arith.constant 0 : i32
        %dma_wait3A_85 = tpu.memref_slice %arg8[%while3A_49, %dma_wait3A_84] : memref<48x128xi32, #tpu.memory_space<vmem>> -> memref<1x128xi32, #tpu.memory_space<vmem>>
        %dma_wait3A_86 = tpu.memref_squeeze %dma_wait3A_85 : memref<1x128xi32, #tpu.memory_space<vmem>> -> memref<128xi32, #tpu.memory_space<vmem>>
        %dma_wait3A_87 = arith.constant 0 : i32
        %dma_wait3A_88 = arith.constant 0 : i32
        %dma_wait3A_89 = tpu.memref_slice %arg10[%dma_wait3A_87, %dma_wait3A_88] : memref<10000x128xf32, #tpu.memory_space<vmem_shared>> -> memref<10000x128xf32, #tpu.memory_space<vmem_shared>>
        tpu.wait_indirect_dma semaphore(%run_scoped3A : memref<!tpu.dma_semaphore, #tpu.memory_space<semaphore_mem>>) src(%dma_wait3A_83 : memref<128x128xf32, #tpu.memory_space<vmem>>) dst(%dma_wait3A_89 : memref<10000x128xf32, #tpu.memory_space<vmem_shared>>)
        tpu.yield
      }) : () -> ()
    }
    %barrier3A_38 = arith.constant 0 : index
    tpu.barrier barrier_id(%barrier3A_38)
    %eq3A_39 = arith.constant 0 : i32
    %eq3A_40 = arith.cmpi eq, %arg0, %eq3A_39 : i32
    %convert_element_type3A_41 = arith.extui %eq3A_40 : i1 to i32
    %cond3A_42 = arith.constant 0 : i32
    %cond3A_43 = arith.cmpi ne, %convert_element_type3A_41, %cond3A_42 : i32
    scf.if %cond3A_43 {
      "tpu.region"() ({
        %run_scoped3A = tpu.sem_alloc : memref<!tpu.dma_semaphore, #tpu.memory_space<semaphore_mem>>
        %dma_start3A_54 = arith.constant 0 : i32
        %dma_start3A_55 = tpu.memref_slice %arg6[%mul3A_2, %dma_start3A_54] : memref<10000x128xf32, #tpu.memory_space<hbm>> -> memref<624x128xf32, #tpu.memory_space<hbm>>
        %dma_start3A_56 = arith.constant 0 : i32
        %dma_start3A_57 = tpu.memref_slice %arg10[%mul3A_2, %dma_start3A_56] : memref<10000x128xf32, #tpu.memory_space<vmem_shared>> -> memref<624x128xf32, #tpu.memory_space<vmem_shared>>
        tpu.enqueue_dma source(%dma_start3A_57 : memref<624x128xf32, #tpu.memory_space<vmem_shared>>) target(%dma_start3A_55 : memref<624x128xf32, #tpu.memory_space<hbm>>) target_semaphore(%run_scoped3A : memref<!tpu.dma_semaphore, #tpu.memory_space<semaphore_mem>>)
        %dma_wait3A = arith.constant 0 : i32
        %dma_wait3A_58 = tpu.memref_slice %arg6[%mul3A_2, %dma_wait3A] : memref<10000x128xf32, #tpu.memory_space<hbm>> -> memref<624x128xf32, #tpu.memory_space<hbm>>
        %dma_wait3A_59 = arith.constant 0 : i32
        %dma_wait3A_60 = tpu.memref_slice %arg10[%mul3A_2, %dma_wait3A_59] : memref<10000x128xf32, #tpu.memory_space<vmem_shared>> -> memref<624x128xf32, #tpu.memory_space<vmem_shared>>
        tpu.wait_dma2 semaphore(%run_scoped3A : memref<!tpu.dma_semaphore, #tpu.memory_space<semaphore_mem>>) src(%dma_wait3A_60 : memref<624x128xf32, #tpu.memory_space<vmem_shared>>) dst(%dma_wait3A_58 : memref<624x128xf32, #tpu.memory_space<hbm>>)
        tpu.yield
      }) : () -> ()
      %eq3A_49 = arith.constant 15 : i32
      %eq3A_50 = arith.cmpi eq, %arg1, %eq3A_49 : i32
      %convert_element_type3A_51 = arith.extui %eq3A_50 : i1 to i32
      %cond3A_52 = arith.constant 0 : i32
      %cond3A_53 = arith.cmpi ne, %convert_element_type3A_51, %cond3A_52 : i32
      scf.if %cond3A_53 {
        "tpu.region"() ({
          %run_scoped3A = tpu.sem_alloc : memref<!tpu.dma_semaphore, #tpu.memory_space<semaphore_mem>>
          %dma_start3A_54 = arith.constant 9984 : i32
          %dma_start3A_55 = arith.constant 0 : i32
          %dma_start3A_56 = tpu.memref_slice %arg6[%dma_start3A_54, %dma_start3A_55] : memref<10000x128xf32, #tpu.memory_space<hbm>> -> memref<16x128xf32, #tpu.memory_space<hbm>>
          %dma_start3A_57 = arith.constant 9984 : i32
          %dma_start3A_58 = arith.constant 0 : i32
          %dma_start3A_59 = tpu.memref_slice %arg10[%dma_start3A_57, %dma_start3A_58] : memref<10000x128xf32, #tpu.memory_space<vmem_shared>> -> memref<16x128xf32, #tpu.memory_space<vmem_shared>>
          tpu.enqueue_dma source(%dma_start3A_59 : memref<16x128xf32, #tpu.memory_space<vmem_shared>>) target(%dma_start3A_56 : memref<16x128xf32, #tpu.memory_space<hbm>>) target_semaphore(%run_scoped3A : memref<!tpu.dma_semaphore, #tpu.memory_space<semaphore_mem>>)
          %dma_wait3A = arith.constant 9984 : i32
          %dma_wait3A_60 = arith.constant 0 : i32
          %dma_wait3A_61 = tpu.memref_slice %arg6[%dma_wait3A, %dma_wait3A_60] : memref<10000x128xf32, #tpu.memory_space<hbm>> -> memref<16x128xf32, #tpu.memory_space<hbm>>
          %dma_wait3A_62 = arith.constant 9984 : i32
          %dma_wait3A_63 = arith.constant 0 : i32
          %dma_wait3A_64 = tpu.memref_slice %arg10[%dma_wait3A_62, %dma_wait3A_63] : memref<10000x128xf32, #tpu.memory_space<vmem_shared>> -> memref<16x128xf32, #tpu.memory_space<vmem_shared>>
          tpu.wait_dma2 semaphore(%run_scoped3A : memref<!tpu.dma_semaphore, #tpu.memory_space<semaphore_mem>>) src(%dma_wait3A_64 : memref<16x128xf32, #tpu.memory_space<vmem_shared>>) dst(%dma_wait3A_61 : memref<16x128xf32, #tpu.memory_space<hbm>>)
          tpu.yield
        }) : () -> ()
      } else {
      }
    } else {
    }
    %eq3A_44 = arith.constant 1 : i32
    %eq3A_45 = arith.cmpi eq, %arg0, %eq3A_44 : i32
    %convert_element_type3A_46 = arith.extui %eq3A_45 : i1 to i32
    %cond3A_47 = arith.constant 0 : i32
    %cond3A_48 = arith.cmpi ne, %convert_element_type3A_46, %cond3A_47 : i32
    scf.if %cond3A_48 {
      "tpu.region"() ({
        %run_scoped3A = tpu.sem_alloc : memref<!tpu.dma_semaphore, #tpu.memory_space<semaphore_mem>>
        %dma_start3A_54 = arith.constant 0 : i32
        %dma_start3A_55 = tpu.memref_slice %arg7[%mul3A_2, %dma_start3A_54] : memref<10000x128xf32, #tpu.memory_space<hbm>> -> memref<624x128xf32, #tpu.memory_space<hbm>>
        %dma_start3A_56 = arith.constant 0 : i32
        %dma_start3A_57 = tpu.memref_slice %arg10[%mul3A_2, %dma_start3A_56] : memref<10000x128xf32, #tpu.memory_space<vmem_shared>> -> memref<624x128xf32, #tpu.memory_space<vmem_shared>>
        tpu.enqueue_dma source(%dma_start3A_57 : memref<624x128xf32, #tpu.memory_space<vmem_shared>>) target(%dma_start3A_55 : memref<624x128xf32, #tpu.memory_space<hbm>>) target_semaphore(%run_scoped3A : memref<!tpu.dma_semaphore, #tpu.memory_space<semaphore_mem>>)
        %dma_wait3A = arith.constant 0 : i32
        %dma_wait3A_58 = tpu.memref_slice %arg7[%mul3A_2, %dma_wait3A] : memref<10000x128xf32, #tpu.memory_space<hbm>> -> memref<624x128xf32, #tpu.memory_space<hbm>>
        %dma_wait3A_59 = arith.constant 0 : i32
        %dma_wait3A_60 = tpu.memref_slice %arg10[%mul3A_2, %dma_wait3A_59] : memref<10000x128xf32, #tpu.memory_space<vmem_shared>> -> memref<624x128xf32, #tpu.memory_space<vmem_shared>>
        tpu.wait_dma2 semaphore(%run_scoped3A : memref<!tpu.dma_semaphore, #tpu.memory_space<semaphore_mem>>) src(%dma_wait3A_60 : memref<624x128xf32, #tpu.memory_space<vmem_shared>>) dst(%dma_wait3A_58 : memref<624x128xf32, #tpu.memory_space<hbm>>)
        tpu.yield
      }) : () -> ()
      %eq3A_49 = arith.constant 15 : i32
      %eq3A_50 = arith.cmpi eq, %arg1, %eq3A_49 : i32
      %convert_element_type3A_51 = arith.extui %eq3A_50 : i1 to i32
      %cond3A_52 = arith.constant 0 : i32
      %cond3A_53 = arith.cmpi ne, %convert_element_type3A_51, %cond3A_52 : i32
      scf.if %cond3A_53 {
        "tpu.region"() ({
          %run_scoped3A = tpu.sem_alloc : memref<!tpu.dma_semaphore, #tpu.memory_space<semaphore_mem>>
          %dma_start3A_54 = arith.constant 9984 : i32
          %dma_start3A_55 = arith.constant 0 : i32
          %dma_start3A_56 = tpu.memref_slice %arg7[%dma_start3A_54, %dma_start3A_55] : memref<10000x128xf32, #tpu.memory_space<hbm>> -> memref<16x128xf32, #tpu.memory_space<hbm>>
          %dma_start3A_57 = arith.constant 9984 : i32
          %dma_start3A_58 = arith.constant 0 : i32
          %dma_start3A_59 = tpu.memref_slice %arg10[%dma_start3A_57, %dma_start3A_58] : memref<10000x128xf32, #tpu.memory_space<vmem_shared>> -> memref<16x128xf32, #tpu.memory_space<vmem_shared>>
          tpu.enqueue_dma source(%dma_start3A_59 : memref<16x128xf32, #tpu.memory_space<vmem_shared>>) target(%dma_start3A_56 : memref<16x128xf32, #tpu.memory_space<hbm>>) target_semaphore(%run_scoped3A : memref<!tpu.dma_semaphore, #tpu.memory_space<semaphore_mem>>)
          %dma_wait3A = arith.constant 9984 : i32
          %dma_wait3A_60 = arith.constant 0 : i32
          %dma_wait3A_61 = tpu.memref_slice %arg7[%dma_wait3A, %dma_wait3A_60] : memref<10000x128xf32, #tpu.memory_space<hbm>> -> memref<16x128xf32, #tpu.memory_space<hbm>>
          %dma_wait3A_62 = arith.constant 9984 : i32
          %dma_wait3A_63 = arith.constant 0 : i32
          %dma_wait3A_64 = tpu.memref_slice %arg10[%dma_wait3A_62, %dma_wait3A_63] : memref<10000x128xf32, #tpu.memory_space<vmem_shared>> -> memref<16x128xf32, #tpu.memory_space<vmem_shared>>
          tpu.wait_dma2 semaphore(%run_scoped3A : memref<!tpu.dma_semaphore, #tpu.memory_space<semaphore_mem>>) src(%dma_wait3A_64 : memref<16x128xf32, #tpu.memory_space<vmem_shared>>) dst(%dma_wait3A_61 : memref<16x128xf32, #tpu.memory_space<hbm>>)
          tpu.yield
        }) : () -> ()
      } else {
      }
    } else {
    }
    return
  }
}

#map = affine_map<(d0, d1) -> (0, 0)>
module attributes {stable_mosaic.version = 14 : i64} {
  func.func @_sc_scatter_body(%arg0: i32, %arg1: i32, %arg2: memref<10000x128xf32, #tpu.memory_space<hbm>>, %arg3: memref<10000x128xf32, #tpu.memory_space<hbm>>, %arg4: memref<1536x128xi32, #tpu.memory_space<hbm>>, %arg5: memref<160000x128xf32, #tpu.memory_space<hbm>>, %arg6: memref<10000x128xf32, #tpu.memory_space<hbm>>, %arg7: memref<10000x128xf32, #tpu.memory_space<hbm>>, %arg8: memref<48x128xi32, #tpu.memory_space<vmem>>, %arg9: memref<2x128x128xf32, #tpu.memory_space<vmem>>, %arg10: memref<10000x128xf32, #tpu.memory_space<vmem_shared>>, %arg11: memref<!tpu.dma_semaphore, #tpu.memory_space<semaphore_mem>>) attributes {dimension_semantics = [#tpu.dimension_semantics<core_parallel>, #tpu.dimension_semantics<subcore_parallel>], iteration_bounds = array<i64: 2, 16>, scalar_prefetch = 0 : i64, scratch_operands = 4 : i64, tpu.core_type = #tpu.core_type<sc_vector_subcore>, window_params = [{transform_indices = #map}, {transform_indices = #map}, {transform_indices = #map}, {transform_indices = #map}, {transform_indices = #map}, {transform_indices = #map}]} {
    %mul3A = arith.constant 2 : i32
    %mul3A_0 = arith.muli %arg1, %mul3A : i32
    %add3A = arith.addi %mul3A_0, %arg0 : i32
    %mul3A_1 = arith.constant 624 : i32
    %mul3A_2 = arith.muli %arg1, %mul3A_1 : i32
    %eq3A = arith.constant 0 : i32
    %eq3A_3 = arith.cmpi eq, %arg0, %eq3A : i32
    %convert_element_type3A = arith.extui %eq3A_3 : i1 to i32
    %cond3A = arith.constant 0 : i32
    %cond3A_4 = arith.cmpi ne, %convert_element_type3A, %cond3A : i32
    scf.if %cond3A_4 {
      "tpu.region"() ({
        %run_scoped3A = tpu.sem_alloc : memref<!tpu.dma_semaphore, #tpu.memory_space<semaphore_mem>>
        %dma_start3A_54 = arith.constant 0 : i32
        %dma_start3A_55 = tpu.memref_slice %arg10[%mul3A_2, %dma_start3A_54] : memref<10000x128xf32, #tpu.memory_space<vmem_shared>> -> memref<624x128xf32, #tpu.memory_space<vmem_shared>>
        %dma_start3A_56 = arith.constant 0 : i32
        %dma_start3A_57 = tpu.memref_slice %arg2[%mul3A_2, %dma_start3A_56] : memref<10000x128xf32, #tpu.memory_space<hbm>> -> memref<624x128xf32, #tpu.memory_space<hbm>>
        tpu.enqueue_dma source(%dma_start3A_57 : memref<624x128xf32, #tpu.memory_space<hbm>>) target(%dma_start3A_55 : memref<624x128xf32, #tpu.memory_space<vmem_shared>>) target_semaphore(%run_scoped3A : memref<!tpu.dma_semaphore, #tpu.memory_space<semaphore_mem>>)
        %dma_wait3A = arith.constant 0 : i32
        %dma_wait3A_58 = tpu.memref_slice %arg10[%mul3A_2, %dma_wait3A] : memref<10000x128xf32, #tpu.memory_space<vmem_shared>> -> memref<624x128xf32, #tpu.memory_space<vmem_shared>>
        %dma_wait3A_59 = arith.constant 0 : i32
        %dma_wait3A_60 = tpu.memref_slice %arg2[%mul3A_2, %dma_wait3A_59] : memref<10000x128xf32, #tpu.memory_space<hbm>> -> memref<624x128xf32, #tpu.memory_space<hbm>>
        tpu.wait_dma2 semaphore(%run_scoped3A : memref<!tpu.dma_semaphore, #tpu.memory_space<semaphore_mem>>) src(%dma_wait3A_60 : memref<624x128xf32, #tpu.memory_space<hbm>>) dst(%dma_wait3A_58 : memref<624x128xf32, #tpu.memory_space<vmem_shared>>)
        tpu.yield
      }) : () -> ()
      %eq3A_49 = arith.constant 15 : i32
      %eq3A_50 = arith.cmpi eq, %arg1, %eq3A_49 : i32
      %convert_element_type3A_51 = arith.extui %eq3A_50 : i1 to i32
      %cond3A_52 = arith.constant 0 : i32
      %cond3A_53 = arith.cmpi ne, %convert_element_type3A_51, %cond3A_52 : i32
      scf.if %cond3A_53 {
        "tpu.region"() ({
          %run_scoped3A = tpu.sem_alloc : memref<!tpu.dma_semaphore, #tpu.memory_space<semaphore_mem>>
          %dma_start3A_54 = arith.constant 9984 : i32
          %dma_start3A_55 = arith.constant 0 : i32
          %dma_start3A_56 = tpu.memref_slice %arg10[%dma_start3A_54, %dma_start3A_55] : memref<10000x128xf32, #tpu.memory_space<vmem_shared>> -> memref<16x128xf32, #tpu.memory_space<vmem_shared>>
          %dma_start3A_57 = arith.constant 9984 : i32
          %dma_start3A_58 = arith.constant 0 : i32
          %dma_start3A_59 = tpu.memref_slice %arg2[%dma_start3A_57, %dma_start3A_58] : memref<10000x128xf32, #tpu.memory_space<hbm>> -> memref<16x128xf32, #tpu.memory_space<hbm>>
          tpu.enqueue_dma source(%dma_start3A_59 : memref<16x128xf32, #tpu.memory_space<hbm>>) target(%dma_start3A_56 : memref<16x128xf32, #tpu.memory_space<vmem_shared>>) target_semaphore(%run_scoped3A : memref<!tpu.dma_semaphore, #tpu.memory_space<semaphore_mem>>)
          %dma_wait3A = arith.constant 9984 : i32
          %dma_wait3A_60 = arith.constant 0 : i32
          %dma_wait3A_61 = tpu.memref_slice %arg10[%dma_wait3A, %dma_wait3A_60] : memref<10000x128xf32, #tpu.memory_space<vmem_shared>> -> memref<16x128xf32, #tpu.memory_space<vmem_shared>>
          %dma_wait3A_62 = arith.constant 9984 : i32
          %dma_wait3A_63 = arith.constant 0 : i32
          %dma_wait3A_64 = tpu.memref_slice %arg2[%dma_wait3A_62, %dma_wait3A_63] : memref<10000x128xf32, #tpu.memory_space<hbm>> -> memref<16x128xf32, #tpu.memory_space<hbm>>
          tpu.wait_dma2 semaphore(%run_scoped3A : memref<!tpu.dma_semaphore, #tpu.memory_space<semaphore_mem>>) src(%dma_wait3A_64 : memref<16x128xf32, #tpu.memory_space<hbm>>) dst(%dma_wait3A_61 : memref<16x128xf32, #tpu.memory_space<vmem_shared>>)
          tpu.yield
        }) : () -> ()
      } else {
      }
    } else {
    }
    %eq3A_5 = arith.constant 1 : i32
    %eq3A_6 = arith.cmpi eq, %arg0, %eq3A_5 : i32
    %convert_element_type3A_7 = arith.extui %eq3A_6 : i1 to i32
    %cond3A_8 = arith.constant 0 : i32
    %cond3A_9 = arith.cmpi ne, %convert_element_type3A_7, %cond3A_8 : i32
    scf.if %cond3A_9 {
      "tpu.region"() ({
        %run_scoped3A = tpu.sem_alloc : memref<!tpu.dma_semaphore, #tpu.memory_space<semaphore_mem>>
        %dma_start3A_54 = arith.constant 0 : i32
        %dma_start3A_55 = tpu.memref_slice %arg10[%mul3A_2, %dma_start3A_54] : memref<10000x128xf32, #tpu.memory_space<vmem_shared>> -> memref<624x128xf32, #tpu.memory_space<vmem_shared>>
        %dma_start3A_56 = arith.constant 0 : i32
        %dma_start3A_57 = tpu.memref_slice %arg3[%mul3A_2, %dma_start3A_56] : memref<10000x128xf32, #tpu.memory_space<hbm>> -> memref<624x128xf32, #tpu.memory_space<hbm>>
        tpu.enqueue_dma source(%dma_start3A_57 : memref<624x128xf32, #tpu.memory_space<hbm>>) target(%dma_start3A_55 : memref<624x128xf32, #tpu.memory_space<vmem_shared>>) target_semaphore(%run_scoped3A : memref<!tpu.dma_semaphore, #tpu.memory_space<semaphore_mem>>)
        %dma_wait3A = arith.constant 0 : i32
        %dma_wait3A_58 = tpu.memref_slice %arg10[%mul3A_2, %dma_wait3A] : memref<10000x128xf32, #tpu.memory_space<vmem_shared>> -> memref<624x128xf32, #tpu.memory_space<vmem_shared>>
        %dma_wait3A_59 = arith.constant 0 : i32
        %dma_wait3A_60 = tpu.memref_slice %arg3[%mul3A_2, %dma_wait3A_59] : memref<10000x128xf32, #tpu.memory_space<hbm>> -> memref<624x128xf32, #tpu.memory_space<hbm>>
        tpu.wait_dma2 semaphore(%run_scoped3A : memref<!tpu.dma_semaphore, #tpu.memory_space<semaphore_mem>>) src(%dma_wait3A_60 : memref<624x128xf32, #tpu.memory_space<hbm>>) dst(%dma_wait3A_58 : memref<624x128xf32, #tpu.memory_space<vmem_shared>>)
        tpu.yield
      }) : () -> ()
      %eq3A_49 = arith.constant 15 : i32
      %eq3A_50 = arith.cmpi eq, %arg1, %eq3A_49 : i32
      %convert_element_type3A_51 = arith.extui %eq3A_50 : i1 to i32
      %cond3A_52 = arith.constant 0 : i32
      %cond3A_53 = arith.cmpi ne, %convert_element_type3A_51, %cond3A_52 : i32
      scf.if %cond3A_53 {
        "tpu.region"() ({
          %run_scoped3A = tpu.sem_alloc : memref<!tpu.dma_semaphore, #tpu.memory_space<semaphore_mem>>
          %dma_start3A_54 = arith.constant 9984 : i32
          %dma_start3A_55 = arith.constant 0 : i32
          %dma_start3A_56 = tpu.memref_slice %arg10[%dma_start3A_54, %dma_start3A_55] : memref<10000x128xf32, #tpu.memory_space<vmem_shared>> -> memref<16x128xf32, #tpu.memory_space<vmem_shared>>
          %dma_start3A_57 = arith.constant 9984 : i32
          %dma_start3A_58 = arith.constant 0 : i32
          %dma_start3A_59 = tpu.memref_slice %arg3[%dma_start3A_57, %dma_start3A_58] : memref<10000x128xf32, #tpu.memory_space<hbm>> -> memref<16x128xf32, #tpu.memory_space<hbm>>
          tpu.enqueue_dma source(%dma_start3A_59 : memref<16x128xf32, #tpu.memory_space<hbm>>) target(%dma_start3A_56 : memref<16x128xf32, #tpu.memory_space<vmem_shared>>) target_semaphore(%run_scoped3A : memref<!tpu.dma_semaphore, #tpu.memory_space<semaphore_mem>>)
          %dma_wait3A = arith.constant 9984 : i32
          %dma_wait3A_60 = arith.constant 0 : i32
          %dma_wait3A_61 = tpu.memref_slice %arg10[%dma_wait3A, %dma_wait3A_60] : memref<10000x128xf32, #tpu.memory_space<vmem_shared>> -> memref<16x128xf32, #tpu.memory_space<vmem_shared>>
          %dma_wait3A_62 = arith.constant 9984 : i32
          %dma_wait3A_63 = arith.constant 0 : i32
          %dma_wait3A_64 = tpu.memref_slice %arg3[%dma_wait3A_62, %dma_wait3A_63] : memref<10000x128xf32, #tpu.memory_space<hbm>> -> memref<16x128xf32, #tpu.memory_space<hbm>>
          tpu.wait_dma2 semaphore(%run_scoped3A : memref<!tpu.dma_semaphore, #tpu.memory_space<semaphore_mem>>) src(%dma_wait3A_64 : memref<16x128xf32, #tpu.memory_space<hbm>>) dst(%dma_wait3A_61 : memref<16x128xf32, #tpu.memory_space<vmem_shared>>)
          tpu.yield
        }) : () -> ()
      } else {
      }
    } else {
    }
    %mul3A_10 = arith.constant 48 : i32
    %mul3A_11 = arith.muli %add3A, %mul3A_10 : i32
    "tpu.region"() ({
      %run_scoped3A = tpu.sem_alloc : memref<!tpu.dma_semaphore, #tpu.memory_space<semaphore_mem>>
      %dma_start3A_49 = arith.constant 0 : i32
      %dma_start3A_50 = tpu.memref_slice %arg4[%mul3A_11, %dma_start3A_49] : memref<1536x128xi32, #tpu.memory_space<hbm>> -> memref<48x128xi32, #tpu.memory_space<hbm>>
      %dma_start3A_51 = arith.constant 0 : i32
      %dma_start3A_52 = tpu.memref_slice %arg4[%mul3A_11, %dma_start3A_51] : memref<1536x128xi32, #tpu.memory_space<hbm>> -> memref<48x128xi32, #tpu.memory_space<hbm>>
      tpu.enqueue_dma source(%dma_start3A_52 : memref<48x128xi32, #tpu.memory_space<hbm>>) target(%arg8 : memref<48x128xi32, #tpu.memory_space<vmem>>) target_semaphore(%run_scoped3A : memref<!tpu.dma_semaphore, #tpu.memory_space<semaphore_mem>>)
      %dma_wait3A = arith.constant 0 : i32
      %dma_wait3A_53 = tpu.memref_slice %arg4[%mul3A_11, %dma_wait3A] : memref<1536x128xi32, #tpu.memory_space<hbm>> -> memref<48x128xi32, #tpu.memory_space<hbm>>
      %dma_wait3A_54 = arith.constant 0 : i32
      %dma_wait3A_55 = tpu.memref_slice %arg4[%mul3A_11, %dma_wait3A_54] : memref<1536x128xi32, #tpu.memory_space<hbm>> -> memref<48x128xi32, #tpu.memory_space<hbm>>
      tpu.wait_dma2 semaphore(%run_scoped3A : memref<!tpu.dma_semaphore, #tpu.memory_space<semaphore_mem>>) src(%dma_wait3A_55 : memref<48x128xi32, #tpu.memory_space<hbm>>) dst(%arg8 : memref<48x128xi32, #tpu.memory_space<vmem>>)
      tpu.yield
    }) : () -> ()
    %eq3A_12 = arith.constant 31 : i32
    %eq3A_13 = arith.cmpi eq, %add3A, %eq3A_12 : i32
    %jit3A = arith.constant 41 : i32
    %jit3A_14 = arith.constant 39 : i32
    %select_n3A = arith.select %eq3A_13, %jit3A, %jit3A_14 : i32
    %mul3A_15 = arith.constant 4992 : i32
    %mul3A_16 = arith.muli %add3A, %mul3A_15 : i32
    %dma_start3A = arith.constant 0 : i32
    %dma_start3A_17 = arith.constant 0 : i32
    %dma_start3A_18 = arith.constant 0 : i32
    %dma_start3A_19 = tpu.memref_slice %arg9[%dma_start3A, %dma_start3A_17, %dma_start3A_18] : memref<2x128x128xf32, #tpu.memory_space<vmem>> -> memref<1x128x128xf32, #tpu.memory_space<vmem>>
    %dma_start3A_20 = tpu.memref_squeeze %dma_start3A_19 : memref<1x128x128xf32, #tpu.memory_space<vmem>> -> memref<128x128xf32, #tpu.memory_space<vmem>>
    %dma_start3A_21 = arith.constant 0 : i32
    %dma_start3A_22 = tpu.memref_slice %arg5[%mul3A_16, %dma_start3A_21] : memref<160000x128xf32, #tpu.memory_space<hbm>> -> memref<128x128xf32, #tpu.memory_space<hbm>>
    %dma_start3A_23 = arith.constant 0 : i32
    %dma_start3A_24 = arith.constant 0 : i32
    %dma_start3A_25 = tpu.memref_slice %arg9[%dma_start3A, %dma_start3A_23, %dma_start3A_24] : memref<2x128x128xf32, #tpu.memory_space<vmem>> -> memref<1x128x128xf32, #tpu.memory_space<vmem>>
    %dma_start3A_26 = tpu.memref_squeeze %dma_start3A_25 : memref<1x128x128xf32, #tpu.memory_space<vmem>> -> memref<128x128xf32, #tpu.memory_space<vmem>>
    %dma_start3A_27 = arith.constant 0 : i32
    %dma_start3A_28 = tpu.memref_slice %arg5[%mul3A_16, %dma_start3A_27] : memref<160000x128xf32, #tpu.memory_space<hbm>> -> memref<128x128xf32, #tpu.memory_space<hbm>>
    tpu.enqueue_dma source(%dma_start3A_28 : memref<128x128xf32, #tpu.memory_space<hbm>>) target(%dma_start3A_26 : memref<128x128xf32, #tpu.memory_space<vmem>>) target_semaphore(%arg11 : memref<!tpu.dma_semaphore, #tpu.memory_space<semaphore_mem>>)
    %barrier3A = arith.constant 0 : index
    tpu.barrier barrier_id(%barrier3A)
    %while3A = arith.constant 0 : i32
    %while3A_29 = arith.constant 0 : i32
    %while3A_30 = arith.subi %select_n3A, %while3A_29 : i32
    %while3A_31 = arith.addi %while3A_29, %while3A_30 : i32
    %while3A_32 = arith.constant 1 : i32
    %while3A_33 = arith.divsi %while3A_30, %while3A_32 : i32
    %while3A_34 = arith.muli %while3A_33, %while3A_32 : i32
    %while3A_35 = arith.addi %while3A_29, %while3A_34 : i32
    %while3A_36 = arith.constant 1 : i32
    scf.for %while3A_49 = %while3A_29 to %while3A_35 step %while3A_36  : i32 {
      %rem3A = arith.constant 2 : i32
      %rem3A_50 = arith.remsi %while3A_49, %rem3A : i32
      %add3A_51 = arith.constant 1 : i32
      %add3A_52 = arith.addi %while3A_49, %add3A_51 : i32
      %lt3A = arith.cmpi slt, %add3A_52, %select_n3A : i32
      %convert_element_type3A_53 = arith.extui %lt3A : i1 to i32
      %cond3A_54 = arith.constant 0 : i32
      %cond3A_55 = arith.cmpi ne, %convert_element_type3A_53, %cond3A_54 : i32
      scf.if %cond3A_55 {
        %add3A_70 = arith.constant 1 : i32
        %add3A_71 = arith.addi %while3A_49, %add3A_70 : i32
        %mul3A_72 = arith.constant 128 : i32
        %mul3A_73 = arith.muli %add3A_71, %mul3A_72 : i32
        %add3A_74 = arith.addi %mul3A_16, %mul3A_73 : i32
        %add3A_75 = arith.constant 1 : i32
        %add3A_76 = arith.addi %while3A_49, %add3A_75 : i32
        %rem3A_77 = arith.constant 2 : i32
        %rem3A_78 = arith.remsi %add3A_76, %rem3A_77 : i32
        %dma_start3A_79 = arith.constant 0 : i32
        %dma_start3A_80 = arith.constant 0 : i32
        %dma_start3A_81 = tpu.memref_slice %arg9[%rem3A_78, %dma_start3A_79, %dma_start3A_80] : memref<2x128x128xf32, #tpu.memory_space<vmem>> -> memref<1x128x128xf32, #tpu.memory_space<vmem>>
        %dma_start3A_82 = tpu.memref_squeeze %dma_start3A_81 : memref<1x128x128xf32, #tpu.memory_space<vmem>> -> memref<128x128xf32, #tpu.memory_space<vmem>>
        %dma_start3A_83 = arith.constant 0 : i32
        %dma_start3A_84 = tpu.memref_slice %arg5[%add3A_74, %dma_start3A_83] : memref<160000x128xf32, #tpu.memory_space<hbm>> -> memref<128x128xf32, #tpu.memory_space<hbm>>
        %dma_start3A_85 = arith.constant 0 : i32
        %dma_start3A_86 = arith.constant 0 : i32
        %dma_start3A_87 = tpu.memref_slice %arg9[%rem3A_78, %dma_start3A_85, %dma_start3A_86] : memref<2x128x128xf32, #tpu.memory_space<vmem>> -> memref<1x128x128xf32, #tpu.memory_space<vmem>>
        %dma_start3A_88 = tpu.memref_squeeze %dma_start3A_87 : memref<1x128x128xf32, #tpu.memory_space<vmem>> -> memref<128x128xf32, #tpu.memory_space<vmem>>
        %dma_start3A_89 = arith.constant 0 : i32
        %dma_start3A_90 = tpu.memref_slice %arg5[%add3A_74, %dma_start3A_89] : memref<160000x128xf32, #tpu.memory_space<hbm>> -> memref<128x128xf32, #tpu.memory_space<hbm>>
        tpu.enqueue_dma source(%dma_start3A_90 : memref<128x128xf32, #tpu.memory_space<hbm>>) target(%dma_start3A_88 : memref<128x128xf32, #tpu.memory_space<vmem>>) target_semaphore(%arg11 : memref<!tpu.dma_semaphore, #tpu.memory_space<semaphore_mem>>)
      } else {
      }
      %mul3A_56 = arith.constant 128 : i32
      %mul3A_57 = arith.muli %while3A_49, %mul3A_56 : i32
      %add3A_58 = arith.addi %mul3A_16, %mul3A_57 : i32
      %dma_wait3A = arith.constant 0 : i32
      %dma_wait3A_59 = arith.constant 0 : i32
      %dma_wait3A_60 = tpu.memref_slice %arg9[%rem3A_50, %dma_wait3A, %dma_wait3A_59] : memref<2x128x128xf32, #tpu.memory_space<vmem>> -> memref<1x128x128xf32, #tpu.memory_space<vmem>>
      %dma_wait3A_61 = tpu.memref_squeeze %dma_wait3A_60 : memref<1x128x128xf32, #tpu.memory_space<vmem>> -> memref<128x128xf32, #tpu.memory_space<vmem>>
      %dma_wait3A_62 = arith.constant 0 : i32
      %dma_wait3A_63 = tpu.memref_slice %arg5[%add3A_58, %dma_wait3A_62] : memref<160000x128xf32, #tpu.memory_space<hbm>> -> memref<128x128xf32, #tpu.memory_space<hbm>>
      %dma_wait3A_64 = arith.constant 0 : i32
      %dma_wait3A_65 = arith.constant 0 : i32
      %dma_wait3A_66 = tpu.memref_slice %arg9[%rem3A_50, %dma_wait3A_64, %dma_wait3A_65] : memref<2x128x128xf32, #tpu.memory_space<vmem>> -> memref<1x128x128xf32, #tpu.memory_space<vmem>>
      %dma_wait3A_67 = tpu.memref_squeeze %dma_wait3A_66 : memref<1x128x128xf32, #tpu.memory_space<vmem>> -> memref<128x128xf32, #tpu.memory_space<vmem>>
      %dma_wait3A_68 = arith.constant 0 : i32
      %dma_wait3A_69 = tpu.memref_slice %arg5[%add3A_58, %dma_wait3A_68] : memref<160000x128xf32, #tpu.memory_space<hbm>> -> memref<128x128xf32, #tpu.memory_space<hbm>>
      tpu.wait_dma2 semaphore(%arg11 : memref<!tpu.dma_semaphore, #tpu.memory_space<semaphore_mem>>) src(%dma_wait3A_69 : memref<128x128xf32, #tpu.memory_space<hbm>>) dst(%dma_wait3A_67 : memref<128x128xf32, #tpu.memory_space<vmem>>)
      "tpu.region"() ({
        %run_scoped3A = tpu.sem_alloc : memref<!tpu.dma_semaphore, #tpu.memory_space<semaphore_mem>>
        %dma_start3A_70 = arith.constant 0 : i32
        %dma_start3A_71 = arith.constant 0 : i32
        %dma_start3A_72 = tpu.memref_slice %arg9[%rem3A_50, %dma_start3A_70, %dma_start3A_71] : memref<2x128x128xf32, #tpu.memory_space<vmem>> -> memref<1x128x128xf32, #tpu.memory_space<vmem>>
        %dma_start3A_73 = tpu.memref_squeeze %dma_start3A_72 : memref<1x128x128xf32, #tpu.memory_space<vmem>> -> memref<128x128xf32, #tpu.memory_space<vmem>>
        %dma_start3A_74 = arith.constant 0 : i32
        %dma_start3A_75 = tpu.memref_slice %arg8[%while3A_49, %dma_start3A_74] : memref<48x128xi32, #tpu.memory_space<vmem>> -> memref<1x128xi32, #tpu.memory_space<vmem>>
        %dma_start3A_76 = tpu.memref_squeeze %dma_start3A_75 : memref<1x128xi32, #tpu.memory_space<vmem>> -> memref<128xi32, #tpu.memory_space<vmem>>
        %dma_start3A_77 = arith.constant 0 : i32
        %dma_start3A_78 = arith.constant 0 : i32
        %dma_start3A_79 = tpu.memref_slice %arg10[%dma_start3A_77, %dma_start3A_78] : memref<10000x128xf32, #tpu.memory_space<vmem_shared>> -> memref<10000x128xf32, #tpu.memory_space<vmem_shared>>
        tpu.enqueue_indirect_dma source(%dma_start3A_73 : memref<128x128xf32, #tpu.memory_space<vmem>>) target(%dma_start3A_79 : memref<10000x128xf32, #tpu.memory_space<vmem_shared>>) offsets(%dma_start3A_76 : memref<128xi32, #tpu.memory_space<vmem>>) semaphore(%run_scoped3A : memref<!tpu.dma_semaphore, #tpu.memory_space<semaphore_mem>>) {add = true}
        %dma_wait3A_80 = arith.constant 0 : i32
        %dma_wait3A_81 = arith.constant 0 : i32
        %dma_wait3A_82 = tpu.memref_slice %arg9[%rem3A_50, %dma_wait3A_80, %dma_wait3A_81] : memref<2x128x128xf32, #tpu.memory_space<vmem>> -> memref<1x128x128xf32, #tpu.memory_space<vmem>>
        %dma_wait3A_83 = tpu.memref_squeeze %dma_wait3A_82 : memref<1x128x128xf32, #tpu.memory_space<vmem>> -> memref<128x128xf32, #tpu.memory_space<vmem>>
        %dma_wait3A_84 = arith.constant 0 : i32
        %dma_wait3A_85 = tpu.memref_slice %arg8[%while3A_49, %dma_wait3A_84] : memref<48x128xi32, #tpu.memory_space<vmem>> -> memref<1x128xi32, #tpu.memory_space<vmem>>
        %dma_wait3A_86 = tpu.memref_squeeze %dma_wait3A_85 : memref<1x128xi32, #tpu.memory_space<vmem>> -> memref<128xi32, #tpu.memory_space<vmem>>
        %dma_wait3A_87 = arith.constant 0 : i32
        %dma_wait3A_88 = arith.constant 0 : i32
        %dma_wait3A_89 = tpu.memref_slice %arg10[%dma_wait3A_87, %dma_wait3A_88] : memref<10000x128xf32, #tpu.memory_space<vmem_shared>> -> memref<10000x128xf32, #tpu.memory_space<vmem_shared>>
        tpu.wait_indirect_dma semaphore(%run_scoped3A : memref<!tpu.dma_semaphore, #tpu.memory_space<semaphore_mem>>) src(%dma_wait3A_83 : memref<128x128xf32, #tpu.memory_space<vmem>>) dst(%dma_wait3A_89 : memref<10000x128xf32, #tpu.memory_space<vmem_shared>>)
        tpu.yield
      }) : () -> ()
    }
    %while3A_37 = arith.constant 1 : i32
    scf.for %while3A_49 = %while3A_35 to %while3A_31 step %while3A_37  : i32 {
      %rem3A = arith.constant 2 : i32
      %rem3A_50 = arith.remsi %while3A_49, %rem3A : i32
      %add3A_51 = arith.constant 1 : i32
      %add3A_52 = arith.addi %while3A_49, %add3A_51 : i32
      %lt3A = arith.cmpi slt, %add3A_52, %select_n3A : i32
      %convert_element_type3A_53 = arith.extui %lt3A : i1 to i32
      %cond3A_54 = arith.constant 0 : i32
      %cond3A_55 = arith.cmpi ne, %convert_element_type3A_53, %cond3A_54 : i32
      scf.if %cond3A_55 {
        %add3A_70 = arith.constant 1 : i32
        %add3A_71 = arith.addi %while3A_49, %add3A_70 : i32
        %mul3A_72 = arith.constant 128 : i32
        %mul3A_73 = arith.muli %add3A_71, %mul3A_72 : i32
        %add3A_74 = arith.addi %mul3A_16, %mul3A_73 : i32
        %add3A_75 = arith.constant 1 : i32
        %add3A_76 = arith.addi %while3A_49, %add3A_75 : i32
        %rem3A_77 = arith.constant 2 : i32
        %rem3A_78 = arith.remsi %add3A_76, %rem3A_77 : i32
        %dma_start3A_79 = arith.constant 0 : i32
        %dma_start3A_80 = arith.constant 0 : i32
        %dma_start3A_81 = tpu.memref_slice %arg9[%rem3A_78, %dma_start3A_79, %dma_start3A_80] : memref<2x128x128xf32, #tpu.memory_space<vmem>> -> memref<1x128x128xf32, #tpu.memory_space<vmem>>
        %dma_start3A_82 = tpu.memref_squeeze %dma_start3A_81 : memref<1x128x128xf32, #tpu.memory_space<vmem>> -> memref<128x128xf32, #tpu.memory_space<vmem>>
        %dma_start3A_83 = arith.constant 0 : i32
        %dma_start3A_84 = tpu.memref_slice %arg5[%add3A_74, %dma_start3A_83] : memref<160000x128xf32, #tpu.memory_space<hbm>> -> memref<128x128xf32, #tpu.memory_space<hbm>>
        %dma_start3A_85 = arith.constant 0 : i32
        %dma_start3A_86 = arith.constant 0 : i32
        %dma_start3A_87 = tpu.memref_slice %arg9[%rem3A_78, %dma_start3A_85, %dma_start3A_86] : memref<2x128x128xf32, #tpu.memory_space<vmem>> -> memref<1x128x128xf32, #tpu.memory_space<vmem>>
        %dma_start3A_88 = tpu.memref_squeeze %dma_start3A_87 : memref<1x128x128xf32, #tpu.memory_space<vmem>> -> memref<128x128xf32, #tpu.memory_space<vmem>>
        %dma_start3A_89 = arith.constant 0 : i32
        %dma_start3A_90 = tpu.memref_slice %arg5[%add3A_74, %dma_start3A_89] : memref<160000x128xf32, #tpu.memory_space<hbm>> -> memref<128x128xf32, #tpu.memory_space<hbm>>
        tpu.enqueue_dma source(%dma_start3A_90 : memref<128x128xf32, #tpu.memory_space<hbm>>) target(%dma_start3A_88 : memref<128x128xf32, #tpu.memory_space<vmem>>) target_semaphore(%arg11 : memref<!tpu.dma_semaphore, #tpu.memory_space<semaphore_mem>>)
      } else {
      }
      %mul3A_56 = arith.constant 128 : i32
      %mul3A_57 = arith.muli %while3A_49, %mul3A_56 : i32
      %add3A_58 = arith.addi %mul3A_16, %mul3A_57 : i32
      %dma_wait3A = arith.constant 0 : i32
      %dma_wait3A_59 = arith.constant 0 : i32
      %dma_wait3A_60 = tpu.memref_slice %arg9[%rem3A_50, %dma_wait3A, %dma_wait3A_59] : memref<2x128x128xf32, #tpu.memory_space<vmem>> -> memref<1x128x128xf32, #tpu.memory_space<vmem>>
      %dma_wait3A_61 = tpu.memref_squeeze %dma_wait3A_60 : memref<1x128x128xf32, #tpu.memory_space<vmem>> -> memref<128x128xf32, #tpu.memory_space<vmem>>
      %dma_wait3A_62 = arith.constant 0 : i32
      %dma_wait3A_63 = tpu.memref_slice %arg5[%add3A_58, %dma_wait3A_62] : memref<160000x128xf32, #tpu.memory_space<hbm>> -> memref<128x128xf32, #tpu.memory_space<hbm>>
      %dma_wait3A_64 = arith.constant 0 : i32
      %dma_wait3A_65 = arith.constant 0 : i32
      %dma_wait3A_66 = tpu.memref_slice %arg9[%rem3A_50, %dma_wait3A_64, %dma_wait3A_65] : memref<2x128x128xf32, #tpu.memory_space<vmem>> -> memref<1x128x128xf32, #tpu.memory_space<vmem>>
      %dma_wait3A_67 = tpu.memref_squeeze %dma_wait3A_66 : memref<1x128x128xf32, #tpu.memory_space<vmem>> -> memref<128x128xf32, #tpu.memory_space<vmem>>
      %dma_wait3A_68 = arith.constant 0 : i32
      %dma_wait3A_69 = tpu.memref_slice %arg5[%add3A_58, %dma_wait3A_68] : memref<160000x128xf32, #tpu.memory_space<hbm>> -> memref<128x128xf32, #tpu.memory_space<hbm>>
      tpu.wait_dma2 semaphore(%arg11 : memref<!tpu.dma_semaphore, #tpu.memory_space<semaphore_mem>>) src(%dma_wait3A_69 : memref<128x128xf32, #tpu.memory_space<hbm>>) dst(%dma_wait3A_67 : memref<128x128xf32, #tpu.memory_space<vmem>>)
      "tpu.region"() ({
        %run_scoped3A = tpu.sem_alloc : memref<!tpu.dma_semaphore, #tpu.memory_space<semaphore_mem>>
        %dma_start3A_70 = arith.constant 0 : i32
        %dma_start3A_71 = arith.constant 0 : i32
        %dma_start3A_72 = tpu.memref_slice %arg9[%rem3A_50, %dma_start3A_70, %dma_start3A_71] : memref<2x128x128xf32, #tpu.memory_space<vmem>> -> memref<1x128x128xf32, #tpu.memory_space<vmem>>
        %dma_start3A_73 = tpu.memref_squeeze %dma_start3A_72 : memref<1x128x128xf32, #tpu.memory_space<vmem>> -> memref<128x128xf32, #tpu.memory_space<vmem>>
        %dma_start3A_74 = arith.constant 0 : i32
        %dma_start3A_75 = tpu.memref_slice %arg8[%while3A_49, %dma_start3A_74] : memref<48x128xi32, #tpu.memory_space<vmem>> -> memref<1x128xi32, #tpu.memory_space<vmem>>
        %dma_start3A_76 = tpu.memref_squeeze %dma_start3A_75 : memref<1x128xi32, #tpu.memory_space<vmem>> -> memref<128xi32, #tpu.memory_space<vmem>>
        %dma_start3A_77 = arith.constant 0 : i32
        %dma_start3A_78 = arith.constant 0 : i32
        %dma_start3A_79 = tpu.memref_slice %arg10[%dma_start3A_77, %dma_start3A_78] : memref<10000x128xf32, #tpu.memory_space<vmem_shared>> -> memref<10000x128xf32, #tpu.memory_space<vmem_shared>>
        tpu.enqueue_indirect_dma source(%dma_start3A_73 : memref<128x128xf32, #tpu.memory_space<vmem>>) target(%dma_start3A_79 : memref<10000x128xf32, #tpu.memory_space<vmem_shared>>) offsets(%dma_start3A_76 : memref<128xi32, #tpu.memory_space<vmem>>) semaphore(%run_scoped3A : memref<!tpu.dma_semaphore, #tpu.memory_space<semaphore_mem>>) {add = true}
        %dma_wait3A_80 = arith.constant 0 : i32
        %dma_wait3A_81 = arith.constant 0 : i32
        %dma_wait3A_82 = tpu.memref_slice %arg9[%rem3A_50, %dma_wait3A_80, %dma_wait3A_81] : memref<2x128x128xf32, #tpu.memory_space<vmem>> -> memref<1x128x128xf32, #tpu.memory_space<vmem>>
        %dma_wait3A_83 = tpu.memref_squeeze %dma_wait3A_82 : memref<1x128x128xf32, #tpu.memory_space<vmem>> -> memref<128x128xf32, #tpu.memory_space<vmem>>
        %dma_wait3A_84 = arith.constant 0 : i32
        %dma_wait3A_85 = tpu.memref_slice %arg8[%while3A_49, %dma_wait3A_84] : memref<48x128xi32, #tpu.memory_space<vmem>> -> memref<1x128xi32, #tpu.memory_space<vmem>>
        %dma_wait3A_86 = tpu.memref_squeeze %dma_wait3A_85 : memref<1x128xi32, #tpu.memory_space<vmem>> -> memref<128xi32, #tpu.memory_space<vmem>>
        %dma_wait3A_87 = arith.constant 0 : i32
        %dma_wait3A_88 = arith.constant 0 : i32
        %dma_wait3A_89 = tpu.memref_slice %arg10[%dma_wait3A_87, %dma_wait3A_88] : memref<10000x128xf32, #tpu.memory_space<vmem_shared>> -> memref<10000x128xf32, #tpu.memory_space<vmem_shared>>
        tpu.wait_indirect_dma semaphore(%run_scoped3A : memref<!tpu.dma_semaphore, #tpu.memory_space<semaphore_mem>>) src(%dma_wait3A_83 : memref<128x128xf32, #tpu.memory_space<vmem>>) dst(%dma_wait3A_89 : memref<10000x128xf32, #tpu.memory_space<vmem_shared>>)
        tpu.yield
      }) : () -> ()
    }
    %barrier3A_38 = arith.constant 0 : index
    tpu.barrier barrier_id(%barrier3A_38)
    %eq3A_39 = arith.constant 0 : i32
    %eq3A_40 = arith.cmpi eq, %arg0, %eq3A_39 : i32
    %convert_element_type3A_41 = arith.extui %eq3A_40 : i1 to i32
    %cond3A_42 = arith.constant 0 : i32
    %cond3A_43 = arith.cmpi ne, %convert_element_type3A_41, %cond3A_42 : i32
    scf.if %cond3A_43 {
      "tpu.region"() ({
        %run_scoped3A = tpu.sem_alloc : memref<!tpu.dma_semaphore, #tpu.memory_space<semaphore_mem>>
        %dma_start3A_54 = arith.constant 0 : i32
        %dma_start3A_55 = tpu.memref_slice %arg6[%mul3A_2, %dma_start3A_54] : memref<10000x128xf32, #tpu.memory_space<hbm>> -> memref<624x128xf32, #tpu.memory_space<hbm>>
        %dma_start3A_56 = arith.constant 0 : i32
        %dma_start3A_57 = tpu.memref_slice %arg10[%mul3A_2, %dma_start3A_56] : memref<10000x128xf32, #tpu.memory_space<vmem_shared>> -> memref<624x128xf32, #tpu.memory_space<vmem_shared>>
        tpu.enqueue_dma source(%dma_start3A_57 : memref<624x128xf32, #tpu.memory_space<vmem_shared>>) target(%dma_start3A_55 : memref<624x128xf32, #tpu.memory_space<hbm>>) target_semaphore(%run_scoped3A : memref<!tpu.dma_semaphore, #tpu.memory_space<semaphore_mem>>)
        %dma_wait3A = arith.constant 0 : i32
        %dma_wait3A_58 = tpu.memref_slice %arg6[%mul3A_2, %dma_wait3A] : memref<10000x128xf32, #tpu.memory_space<hbm>> -> memref<624x128xf32, #tpu.memory_space<hbm>>
        %dma_wait3A_59 = arith.constant 0 : i32
        %dma_wait3A_60 = tpu.memref_slice %arg10[%mul3A_2, %dma_wait3A_59] : memref<10000x128xf32, #tpu.memory_space<vmem_shared>> -> memref<624x128xf32, #tpu.memory_space<vmem_shared>>
        tpu.wait_dma2 semaphore(%run_scoped3A : memref<!tpu.dma_semaphore, #tpu.memory_space<semaphore_mem>>) src(%dma_wait3A_60 : memref<624x128xf32, #tpu.memory_space<vmem_shared>>) dst(%dma_wait3A_58 : memref<624x128xf32, #tpu.memory_space<hbm>>)
        tpu.yield
      }) : () -> ()
      %eq3A_49 = arith.constant 15 : i32
      %eq3A_50 = arith.cmpi eq, %arg1, %eq3A_49 : i32
      %convert_element_type3A_51 = arith.extui %eq3A_50 : i1 to i32
      %cond3A_52 = arith.constant 0 : i32
      %cond3A_53 = arith.cmpi ne, %convert_element_type3A_51, %cond3A_52 : i32
      scf.if %cond3A_53 {
        "tpu.region"() ({
          %run_scoped3A = tpu.sem_alloc : memref<!tpu.dma_semaphore, #tpu.memory_space<semaphore_mem>>
          %dma_start3A_54 = arith.constant 9984 : i32
          %dma_start3A_55 = arith.constant 0 : i32
          %dma_start3A_56 = tpu.memref_slice %arg6[%dma_start3A_54, %dma_start3A_55] : memref<10000x128xf32, #tpu.memory_space<hbm>> -> memref<16x128xf32, #tpu.memory_space<hbm>>
          %dma_start3A_57 = arith.constant 9984 : i32
          %dma_start3A_58 = arith.constant 0 : i32
          %dma_start3A_59 = tpu.memref_slice %arg10[%dma_start3A_57, %dma_start3A_58] : memref<10000x128xf32, #tpu.memory_space<vmem_shared>> -> memref<16x128xf32, #tpu.memory_space<vmem_shared>>
          tpu.enqueue_dma source(%dma_start3A_59 : memref<16x128xf32, #tpu.memory_space<vmem_shared>>) target(%dma_start3A_56 : memref<16x128xf32, #tpu.memory_space<hbm>>) target_semaphore(%run_scoped3A : memref<!tpu.dma_semaphore, #tpu.memory_space<semaphore_mem>>)
          %dma_wait3A = arith.constant 9984 : i32
          %dma_wait3A_60 = arith.constant 0 : i32
          %dma_wait3A_61 = tpu.memref_slice %arg6[%dma_wait3A, %dma_wait3A_60] : memref<10000x128xf32, #tpu.memory_space<hbm>> -> memref<16x128xf32, #tpu.memory_space<hbm>>
          %dma_wait3A_62 = arith.constant 9984 : i32
          %dma_wait3A_63 = arith.constant 0 : i32
          %dma_wait3A_64 = tpu.memref_slice %arg10[%dma_wait3A_62, %dma_wait3A_63] : memref<10000x128xf32, #tpu.memory_space<vmem_shared>> -> memref<16x128xf32, #tpu.memory_space<vmem_shared>>
          tpu.wait_dma2 semaphore(%run_scoped3A : memref<!tpu.dma_semaphore, #tpu.memory_space<semaphore_mem>>) src(%dma_wait3A_64 : memref<16x128xf32, #tpu.memory_space<vmem_shared>>) dst(%dma_wait3A_61 : memref<16x128xf32, #tpu.memory_space<hbm>>)
          tpu.yield
        }) : () -> ()
      } else {
      }
    } else {
    }
    %eq3A_44 = arith.constant 1 : i32
    %eq3A_45 = arith.cmpi eq, %arg0, %eq3A_44 : i32
    %convert_element_type3A_46 = arith.extui %eq3A_45 : i1 to i32
    %cond3A_47 = arith.constant 0 : i32
    %cond3A_48 = arith.cmpi ne, %convert_element_type3A_46, %cond3A_47 : i32
    scf.if %cond3A_48 {
      "tpu.region"() ({
        %run_scoped3A = tpu.sem_alloc : memref<!tpu.dma_semaphore, #tpu.memory_space<semaphore_mem>>
        %dma_start3A_54 = arith.constant 0 : i32
        %dma_start3A_55 = tpu.memref_slice %arg7[%mul3A_2, %dma_start3A_54] : memref<10000x128xf32, #tpu.memory_space<hbm>> -> memref<624x128xf32, #tpu.memory_space<hbm>>
        %dma_start3A_56 = arith.constant 0 : i32
        %dma_start3A_57 = tpu.memref_slice %arg10[%mul3A_2, %dma_start3A_56] : memref<10000x128xf32, #tpu.memory_space<vmem_shared>> -> memref<624x128xf32, #tpu.memory_space<vmem_shared>>
        tpu.enqueue_dma source(%dma_start3A_57 : memref<624x128xf32, #tpu.memory_space<vmem_shared>>) target(%dma_start3A_55 : memref<624x128xf32, #tpu.memory_space<hbm>>) target_semaphore(%run_scoped3A : memref<!tpu.dma_semaphore, #tpu.memory_space<semaphore_mem>>)
        %dma_wait3A = arith.constant 0 : i32
        %dma_wait3A_58 = tpu.memref_slice %arg7[%mul3A_2, %dma_wait3A] : memref<10000x128xf32, #tpu.memory_space<hbm>> -> memref<624x128xf32, #tpu.memory_space<hbm>>
        %dma_wait3A_59 = arith.constant 0 : i32
        %dma_wait3A_60 = tpu.memref_slice %arg10[%mul3A_2, %dma_wait3A_59] : memref<10000x128xf32, #tpu.memory_space<vmem_shared>> -> memref<624x128xf32, #tpu.memory_space<vmem_shared>>
        tpu.wait_dma2 semaphore(%run_scoped3A : memref<!tpu.dma_semaphore, #tpu.memory_space<semaphore_mem>>) src(%dma_wait3A_60 : memref<624x128xf32, #tpu.memory_space<vmem_shared>>) dst(%dma_wait3A_58 : memref<624x128xf32, #tpu.memory_space<hbm>>)
        tpu.yield
      }) : () -> ()
      %eq3A_49 = arith.constant 15 : i32
      %eq3A_50 = arith.cmpi eq, %arg1, %eq3A_49 : i32
      %convert_element_type3A_51 = arith.extui %eq3A_50 : i1 to i32
      %cond3A_52 = arith.constant 0 : i32
      %cond3A_53 = arith.cmpi ne, %convert_element_type3A_51, %cond3A_52 : i32
      scf.if %cond3A_53 {
        "tpu.region"() ({
          %run_scoped3A = tpu.sem_alloc : memref<!tpu.dma_semaphore, #tpu.memory_space<semaphore_mem>>
          %dma_start3A_54 = arith.constant 9984 : i32
          %dma_start3A_55 = arith.constant 0 : i32
          %dma_start3A_56 = tpu.memref_slice %arg7[%dma_start3A_54, %dma_start3A_55] : memref<10000x128xf32, #tpu.memory_space<hbm>> -> memref<16x128xf32, #tpu.memory_space<hbm>>
          %dma_start3A_57 = arith.constant 9984 : i32
          %dma_start3A_58 = arith.constant 0 : i32
          %dma_start3A_59 = tpu.memref_slice %arg10[%dma_start3A_57, %dma_start3A_58] : memref<10000x128xf32, #tpu.memory_space<vmem_shared>> -> memref<16x128xf32, #tpu.memory_space<vmem_shared>>
          tpu.enqueue_dma source(%dma_start3A_59 : memref<16x128xf32, #tpu.memory_space<vmem_shared>>) target(%dma_start3A_56 : memref<16x128xf32, #tpu.memory_space<hbm>>) target_semaphore(%run_scoped3A : memref<!tpu.dma_semaphore, #tpu.memory_space<semaphore_mem>>)
          %dma_wait3A = arith.constant 9984 : i32
          %dma_wait3A_60 = arith.constant 0 : i32
          %dma_wait3A_61 = tpu.memref_slice %arg7[%dma_wait3A, %dma_wait3A_60] : memref<10000x128xf32, #tpu.memory_space<hbm>> -> memref<16x128xf32, #tpu.memory_space<hbm>>
          %dma_wait3A_62 = arith.constant 9984 : i32
          %dma_wait3A_63 = arith.constant 0 : i32
          %dma_wait3A_64 = tpu.memref_slice %arg10[%dma_wait3A_62, %dma_wait3A_63] : memref<10000x128xf32, #tpu.memory_space<vmem_shared>> -> memref<16x128xf32, #tpu.memory_space<vmem_shared>>
          tpu.wait_dma2 semaphore(%run_scoped3A : memref<!tpu.dma_semaphore, #tpu.memory_space<semaphore_mem>>) src(%dma_wait3A_64 : memref<16x128xf32, #tpu.memory_space<vmem_shared>>) dst(%dma_wait3A_61 : memref<16x128xf32, #tpu.memory_space<hbm>>)
          tpu.yield
        }) : () -> ()
      } else {
      }
    } else {
    }
    return
  }
}

#map = affine_map<(d0, d1) -> (0, 0)>
module attributes {stable_mosaic.version = 14 : i64} {
  func.func @_sc_gather_body(%arg0: i32, %arg1: i32, %arg2: memref<10000x128xf32, #tpu.memory_space<hbm>>, %arg3: memref<1536x128xi32, #tpu.memory_space<hbm>>, %arg4: memref<1536x128xi32, #tpu.memory_space<hbm>>, %arg5: memref<160000x128xf32, #tpu.memory_space<hbm>>, %arg6: memref<160000x128xf32, #tpu.memory_space<hbm>>, %arg7: memref<48x128xi32, #tpu.memory_space<vmem>>, %arg8: memref<48x128xi32, #tpu.memory_space<vmem>>, %arg9: memref<2x128x128xf32, #tpu.memory_space<vmem>>, %arg10: memref<2x128x128xf32, #tpu.memory_space<vmem>>, %arg11: memref<!tpu.dma_semaphore, #tpu.memory_space<semaphore_mem>>, %arg12: memref<!tpu.dma_semaphore, #tpu.memory_space<semaphore_mem>>) attributes {dimension_semantics = [#tpu.dimension_semantics<core_parallel>, #tpu.dimension_semantics<subcore_parallel>], iteration_bounds = array<i64: 2, 16>, scalar_prefetch = 0 : i64, scratch_operands = 6 : i64, tpu.core_type = #tpu.core_type<sc_vector_subcore>, window_params = [{transform_indices = #map}, {transform_indices = #map}, {transform_indices = #map}, {transform_indices = #map}, {transform_indices = #map}]} {
    %mul3A = arith.constant 2 : i32
    %mul3A_0 = arith.muli %arg1, %mul3A : i32
    %add3A = arith.addi %mul3A_0, %arg0 : i32
    %eq3A = arith.constant 31 : i32
    %eq3A_1 = arith.cmpi eq, %add3A, %eq3A : i32
    %jit3A = arith.constant 41 : i32
    %jit3A_2 = arith.constant 39 : i32
    %select_n3A = arith.select %eq3A_1, %jit3A, %jit3A_2 : i32
    %mul3A_3 = arith.constant 48 : i32
    %mul3A_4 = arith.muli %add3A, %mul3A_3 : i32
    "tpu.region"() ({
      %run_scoped3A = tpu.sem_alloc : memref<!tpu.dma_semaphore, #tpu.memory_space<semaphore_mem>>
      %dma_start3A_41 = arith.constant 0 : i32
      %dma_start3A_42 = tpu.memref_slice %arg3[%mul3A_4, %dma_start3A_41] : memref<1536x128xi32, #tpu.memory_space<hbm>> -> memref<48x128xi32, #tpu.memory_space<hbm>>
      %dma_start3A_43 = arith.constant 0 : i32
      %dma_start3A_44 = tpu.memref_slice %arg3[%mul3A_4, %dma_start3A_43] : memref<1536x128xi32, #tpu.memory_space<hbm>> -> memref<48x128xi32, #tpu.memory_space<hbm>>
      tpu.enqueue_dma source(%dma_start3A_44 : memref<48x128xi32, #tpu.memory_space<hbm>>) target(%arg7 : memref<48x128xi32, #tpu.memory_space<vmem>>) target_semaphore(%run_scoped3A : memref<!tpu.dma_semaphore, #tpu.memory_space<semaphore_mem>>)
      %dma_wait3A = arith.constant 0 : i32
      %dma_wait3A_45 = tpu.memref_slice %arg3[%mul3A_4, %dma_wait3A] : memref<1536x128xi32, #tpu.memory_space<hbm>> -> memref<48x128xi32, #tpu.memory_space<hbm>>
      %dma_wait3A_46 = arith.constant 0 : i32
      %dma_wait3A_47 = tpu.memref_slice %arg3[%mul3A_4, %dma_wait3A_46] : memref<1536x128xi32, #tpu.memory_space<hbm>> -> memref<48x128xi32, #tpu.memory_space<hbm>>
      tpu.wait_dma2 semaphore(%run_scoped3A : memref<!tpu.dma_semaphore, #tpu.memory_space<semaphore_mem>>) src(%dma_wait3A_47 : memref<48x128xi32, #tpu.memory_space<hbm>>) dst(%arg7 : memref<48x128xi32, #tpu.memory_space<vmem>>)
      tpu.yield
    }) : () -> ()
    %mul3A_5 = arith.constant 48 : i32
    %mul3A_6 = arith.muli %add3A, %mul3A_5 : i32
    "tpu.region"() ({
      %run_scoped3A = tpu.sem_alloc : memref<!tpu.dma_semaphore, #tpu.memory_space<semaphore_mem>>
      %dma_start3A_41 = arith.constant 0 : i32
      %dma_start3A_42 = tpu.memref_slice %arg4[%mul3A_6, %dma_start3A_41] : memref<1536x128xi32, #tpu.memory_space<hbm>> -> memref<48x128xi32, #tpu.memory_space<hbm>>
      %dma_start3A_43 = arith.constant 0 : i32
      %dma_start3A_44 = tpu.memref_slice %arg4[%mul3A_6, %dma_start3A_43] : memref<1536x128xi32, #tpu.memory_space<hbm>> -> memref<48x128xi32, #tpu.memory_space<hbm>>
      tpu.enqueue_dma source(%dma_start3A_44 : memref<48x128xi32, #tpu.memory_space<hbm>>) target(%arg8 : memref<48x128xi32, #tpu.memory_space<vmem>>) target_semaphore(%run_scoped3A : memref<!tpu.dma_semaphore, #tpu.memory_space<semaphore_mem>>)
      %dma_wait3A = arith.constant 0 : i32
      %dma_wait3A_45 = tpu.memref_slice %arg4[%mul3A_6, %dma_wait3A] : memref<1536x128xi32, #tpu.memory_space<hbm>> -> memref<48x128xi32, #tpu.memory_space<hbm>>
      %dma_wait3A_46 = arith.constant 0 : i32
      %dma_wait3A_47 = tpu.memref_slice %arg4[%mul3A_6, %dma_wait3A_46] : memref<1536x128xi32, #tpu.memory_space<hbm>> -> memref<48x128xi32, #tpu.memory_space<hbm>>
      tpu.wait_dma2 semaphore(%run_scoped3A : memref<!tpu.dma_semaphore, #tpu.memory_space<semaphore_mem>>) src(%dma_wait3A_47 : memref<48x128xi32, #tpu.memory_space<hbm>>) dst(%arg8 : memref<48x128xi32, #tpu.memory_space<vmem>>)
      tpu.yield
    }) : () -> ()
    %dma_start3A = arith.constant 0 : i32
    %dma_start3A_7 = arith.constant 0 : i32
    %dma_start3A_8 = arith.constant 0 : i32
    %dma_start3A_9 = arith.constant 0 : i32
    %dma_start3A_10 = tpu.memref_slice %arg9[%dma_start3A_7, %dma_start3A_8, %dma_start3A_9] : memref<2x128x128xf32, #tpu.memory_space<vmem>> -> memref<1x128x128xf32, #tpu.memory_space<vmem>>
    %dma_start3A_11 = tpu.memref_squeeze %dma_start3A_10 : memref<1x128x128xf32, #tpu.memory_space<vmem>> -> memref<128x128xf32, #tpu.memory_space<vmem>>
    %dma_start3A_12 = arith.constant 0 : i32
    %dma_start3A_13 = tpu.memref_slice %arg7[%dma_start3A, %dma_start3A_12] : memref<48x128xi32, #tpu.memory_space<vmem>> -> memref<1x128xi32, #tpu.memory_space<vmem>>
    %dma_start3A_14 = tpu.memref_squeeze %dma_start3A_13 : memref<1x128xi32, #tpu.memory_space<vmem>> -> memref<128xi32, #tpu.memory_space<vmem>>
    %dma_start3A_15 = arith.constant 0 : i32
    %dma_start3A_16 = arith.constant 0 : i32
    %dma_start3A_17 = tpu.memref_slice %arg2[%dma_start3A_15, %dma_start3A_16] : memref<10000x128xf32, #tpu.memory_space<hbm>> -> memref<10000x128xf32, #tpu.memory_space<hbm>>
    tpu.enqueue_indirect_dma source(%dma_start3A_17 : memref<10000x128xf32, #tpu.memory_space<hbm>>) target(%dma_start3A_11 : memref<128x128xf32, #tpu.memory_space<vmem>>) offsets(%dma_start3A_14 : memref<128xi32, #tpu.memory_space<vmem>>) semaphore(%arg11 : memref<!tpu.dma_semaphore, #tpu.memory_space<semaphore_mem>>)
    %dma_start3A_18 = arith.constant 0 : i32
    %dma_start3A_19 = arith.constant 0 : i32
    %dma_start3A_20 = arith.constant 0 : i32
    %dma_start3A_21 = arith.constant 0 : i32
    %dma_start3A_22 = tpu.memref_slice %arg10[%dma_start3A_19, %dma_start3A_20, %dma_start3A_21] : memref<2x128x128xf32, #tpu.memory_space<vmem>> -> memref<1x128x128xf32, #tpu.memory_space<vmem>>
    %dma_start3A_23 = tpu.memref_squeeze %dma_start3A_22 : memref<1x128x128xf32, #tpu.memory_space<vmem>> -> memref<128x128xf32, #tpu.memory_space<vmem>>
    %dma_start3A_24 = arith.constant 0 : i32
    %dma_start3A_25 = tpu.memref_slice %arg8[%dma_start3A_18, %dma_start3A_24] : memref<48x128xi32, #tpu.memory_space<vmem>> -> memref<1x128xi32, #tpu.memory_space<vmem>>
    %dma_start3A_26 = tpu.memref_squeeze %dma_start3A_25 : memref<1x128xi32, #tpu.memory_space<vmem>> -> memref<128xi32, #tpu.memory_space<vmem>>
    %dma_start3A_27 = arith.constant 0 : i32
    %dma_start3A_28 = arith.constant 0 : i32
    %dma_start3A_29 = tpu.memref_slice %arg2[%dma_start3A_27, %dma_start3A_28] : memref<10000x128xf32, #tpu.memory_space<hbm>> -> memref<10000x128xf32, #tpu.memory_space<hbm>>
    tpu.enqueue_indirect_dma source(%dma_start3A_29 : memref<10000x128xf32, #tpu.memory_space<hbm>>) target(%dma_start3A_23 : memref<128x128xf32, #tpu.memory_space<vmem>>) offsets(%dma_start3A_26 : memref<128xi32, #tpu.memory_space<vmem>>) semaphore(%arg12 : memref<!tpu.dma_semaphore, #tpu.memory_space<semaphore_mem>>)
    %mul3A_30 = arith.constant 4992 : i32
    %mul3A_31 = arith.muli %add3A, %mul3A_30 : i32
    %while3A = arith.constant 0 : i32
    %while3A_32 = arith.constant 0 : i32
    %while3A_33 = arith.subi %select_n3A, %while3A_32 : i32
    %while3A_34 = arith.addi %while3A_32, %while3A_33 : i32
    %while3A_35 = arith.constant 1 : i32
    %while3A_36 = arith.divsi %while3A_33, %while3A_35 : i32
    %while3A_37 = arith.muli %while3A_36, %while3A_35 : i32
    %while3A_38 = arith.addi %while3A_32, %while3A_37 : i32
    %while3A_39 = arith.constant 1 : i32
    scf.for %while3A_41 = %while3A_32 to %while3A_38 step %while3A_39  : i32 {
      %rem3A = arith.constant 2 : i32
      %rem3A_42 = arith.remsi %while3A_41, %rem3A : i32
      %add3A_43 = arith.constant 1 : i32
      %add3A_44 = arith.addi %while3A_41, %add3A_43 : i32
      %lt3A = arith.cmpi slt, %add3A_44, %select_n3A : i32
      %convert_element_type3A = arith.extui %lt3A : i1 to i32
      %cond3A = arith.constant 0 : i32
      %cond3A_45 = arith.cmpi ne, %convert_element_type3A, %cond3A : i32
      scf.if %cond3A_45 {
        %add3A_71 = arith.constant 1 : i32
        %add3A_72 = arith.addi %while3A_41, %add3A_71 : i32
        %rem3A_73 = arith.constant 2 : i32
        %rem3A_74 = arith.remsi %add3A_72, %rem3A_73 : i32
        %add3A_75 = arith.constant 1 : i32
        %add3A_76 = arith.addi %while3A_41, %add3A_75 : i32
        %dma_start3A_77 = arith.constant 0 : i32
        %dma_start3A_78 = arith.constant 0 : i32
        %dma_start3A_79 = tpu.memref_slice %arg9[%rem3A_74, %dma_start3A_77, %dma_start3A_78] : memref<2x128x128xf32, #tpu.memory_space<vmem>> -> memref<1x128x128xf32, #tpu.memory_space<vmem>>
        %dma_start3A_80 = tpu.memref_squeeze %dma_start3A_79 : memref<1x128x128xf32, #tpu.memory_space<vmem>> -> memref<128x128xf32, #tpu.memory_space<vmem>>
        %dma_start3A_81 = arith.constant 0 : i32
        %dma_start3A_82 = tpu.memref_slice %arg7[%add3A_76, %dma_start3A_81] : memref<48x128xi32, #tpu.memory_space<vmem>> -> memref<1x128xi32, #tpu.memory_space<vmem>>
        %dma_start3A_83 = tpu.memref_squeeze %dma_start3A_82 : memref<1x128xi32, #tpu.memory_space<vmem>> -> memref<128xi32, #tpu.memory_space<vmem>>
        %dma_start3A_84 = arith.constant 0 : i32
        %dma_start3A_85 = arith.constant 0 : i32
        %dma_start3A_86 = tpu.memref_slice %arg2[%dma_start3A_84, %dma_start3A_85] : memref<10000x128xf32, #tpu.memory_space<hbm>> -> memref<10000x128xf32, #tpu.memory_space<hbm>>
        tpu.enqueue_indirect_dma source(%dma_start3A_86 : memref<10000x128xf32, #tpu.memory_space<hbm>>) target(%dma_start3A_80 : memref<128x128xf32, #tpu.memory_space<vmem>>) offsets(%dma_start3A_83 : memref<128xi32, #tpu.memory_space<vmem>>) semaphore(%arg11 : memref<!tpu.dma_semaphore, #tpu.memory_space<semaphore_mem>>)
        %add3A_87 = arith.constant 1 : i32
        %add3A_88 = arith.addi %while3A_41, %add3A_87 : i32
        %dma_start3A_89 = arith.constant 0 : i32
        %dma_start3A_90 = arith.constant 0 : i32
        %dma_start3A_91 = tpu.memref_slice %arg10[%rem3A_74, %dma_start3A_89, %dma_start3A_90] : memref<2x128x128xf32, #tpu.memory_space<vmem>> -> memref<1x128x128xf32, #tpu.memory_space<vmem>>
        %dma_start3A_92 = tpu.memref_squeeze %dma_start3A_91 : memref<1x128x128xf32, #tpu.memory_space<vmem>> -> memref<128x128xf32, #tpu.memory_space<vmem>>
        %dma_start3A_93 = arith.constant 0 : i32
        %dma_start3A_94 = tpu.memref_slice %arg8[%add3A_88, %dma_start3A_93] : memref<48x128xi32, #tpu.memory_space<vmem>> -> memref<1x128xi32, #tpu.memory_space<vmem>>
        %dma_start3A_95 = tpu.memref_squeeze %dma_start3A_94 : memref<1x128xi32, #tpu.memory_space<vmem>> -> memref<128xi32, #tpu.memory_space<vmem>>
        %dma_start3A_96 = arith.constant 0 : i32
        %dma_start3A_97 = arith.constant 0 : i32
        %dma_start3A_98 = tpu.memref_slice %arg2[%dma_start3A_96, %dma_start3A_97] : memref<10000x128xf32, #tpu.memory_space<hbm>> -> memref<10000x128xf32, #tpu.memory_space<hbm>>
        tpu.enqueue_indirect_dma source(%dma_start3A_98 : memref<10000x128xf32, #tpu.memory_space<hbm>>) target(%dma_start3A_92 : memref<128x128xf32, #tpu.memory_space<vmem>>) offsets(%dma_start3A_95 : memref<128xi32, #tpu.memory_space<vmem>>) semaphore(%arg12 : memref<!tpu.dma_semaphore, #tpu.memory_space<semaphore_mem>>)
      } else {
      }
      %dma_wait3A = arith.constant 0 : i32
      %dma_wait3A_46 = arith.constant 0 : i32
      %dma_wait3A_47 = tpu.memref_slice %arg9[%rem3A_42, %dma_wait3A, %dma_wait3A_46] : memref<2x128x128xf32, #tpu.memory_space<vmem>> -> memref<1x128x128xf32, #tpu.memory_space<vmem>>
      %dma_wait3A_48 = tpu.memref_squeeze %dma_wait3A_47 : memref<1x128x128xf32, #tpu.memory_space<vmem>> -> memref<128x128xf32, #tpu.memory_space<vmem>>
      %dma_wait3A_49 = arith.constant 0 : i32
      %dma_wait3A_50 = tpu.memref_slice %arg7[%while3A_41, %dma_wait3A_49] : memref<48x128xi32, #tpu.memory_space<vmem>> -> memref<1x128xi32, #tpu.memory_space<vmem>>
      %dma_wait3A_51 = tpu.memref_squeeze %dma_wait3A_50 : memref<1x128xi32, #tpu.memory_space<vmem>> -> memref<128xi32, #tpu.memory_space<vmem>>
      %dma_wait3A_52 = arith.constant 0 : i32
      %dma_wait3A_53 = arith.constant 0 : i32
      %dma_wait3A_54 = tpu.memref_slice %arg2[%dma_wait3A_52, %dma_wait3A_53] : memref<10000x128xf32, #tpu.memory_space<hbm>> -> memref<10000x128xf32, #tpu.memory_space<hbm>>
      tpu.wait_indirect_dma semaphore(%arg11 : memref<!tpu.dma_semaphore, #tpu.memory_space<semaphore_mem>>) src(%dma_wait3A_54 : memref<10000x128xf32, #tpu.memory_space<hbm>>) dst(%dma_wait3A_48 : memref<128x128xf32, #tpu.memory_space<vmem>>)
      %mul3A_55 = arith.constant 128 : i32
      %mul3A_56 = arith.muli %while3A_41, %mul3A_55 : i32
      %add3A_57 = arith.addi %mul3A_31, %mul3A_56 : i32
      "tpu.region"() ({
        %run_scoped3A = tpu.sem_alloc : memref<!tpu.dma_semaphore, #tpu.memory_space<semaphore_mem>>
        %dma_start3A_71 = arith.constant 0 : i32
        %dma_start3A_72 = arith.constant 0 : i32
        %dma_start3A_73 = tpu.memref_slice %arg9[%rem3A_42, %dma_start3A_71, %dma_start3A_72] : memref<2x128x128xf32, #tpu.memory_space<vmem>> -> memref<1x128x128xf32, #tpu.memory_space<vmem>>
        %dma_start3A_74 = tpu.memref_squeeze %dma_start3A_73 : memref<1x128x128xf32, #tpu.memory_space<vmem>> -> memref<128x128xf32, #tpu.memory_space<vmem>>
        %dma_start3A_75 = arith.constant 0 : i32
        %dma_start3A_76 = tpu.memref_slice %arg5[%add3A_57, %dma_start3A_75] : memref<160000x128xf32, #tpu.memory_space<hbm>> -> memref<128x128xf32, #tpu.memory_space<hbm>>
        %dma_start3A_77 = arith.constant 0 : i32
        %dma_start3A_78 = tpu.memref_slice %arg5[%add3A_57, %dma_start3A_77] : memref<160000x128xf32, #tpu.memory_space<hbm>> -> memref<128x128xf32, #tpu.memory_space<hbm>>
        %dma_start3A_79 = arith.constant 0 : i32
        %dma_start3A_80 = arith.constant 0 : i32
        %dma_start3A_81 = tpu.memref_slice %arg9[%rem3A_42, %dma_start3A_79, %dma_start3A_80] : memref<2x128x128xf32, #tpu.memory_space<vmem>> -> memref<1x128x128xf32, #tpu.memory_space<vmem>>
        %dma_start3A_82 = tpu.memref_squeeze %dma_start3A_81 : memref<1x128x128xf32, #tpu.memory_space<vmem>> -> memref<128x128xf32, #tpu.memory_space<vmem>>
        tpu.enqueue_dma source(%dma_start3A_82 : memref<128x128xf32, #tpu.memory_space<vmem>>) target(%dma_start3A_78 : memref<128x128xf32, #tpu.memory_space<hbm>>) target_semaphore(%run_scoped3A : memref<!tpu.dma_semaphore, #tpu.memory_space<semaphore_mem>>)
        %dma_wait3A_83 = arith.constant 0 : i32
        %dma_wait3A_84 = arith.constant 0 : i32
        %dma_wait3A_85 = tpu.memref_slice %arg9[%rem3A_42, %dma_wait3A_83, %dma_wait3A_84] : memref<2x128x128xf32, #tpu.memory_space<vmem>> -> memref<1x128x128xf32, #tpu.memory_space<vmem>>
        %dma_wait3A_86 = tpu.memref_squeeze %dma_wait3A_85 : memref<1x128x128xf32, #tpu.memory_space<vmem>> -> memref<128x128xf32, #tpu.memory_space<vmem>>
        %dma_wait3A_87 = arith.constant 0 : i32
        %dma_wait3A_88 = tpu.memref_slice %arg5[%add3A_57, %dma_wait3A_87] : memref<160000x128xf32, #tpu.memory_space<hbm>> -> memref<128x128xf32, #tpu.memory_space<hbm>>
        %dma_wait3A_89 = arith.constant 0 : i32
        %dma_wait3A_90 = tpu.memref_slice %arg5[%add3A_57, %dma_wait3A_89] : memref<160000x128xf32, #tpu.memory_space<hbm>> -> memref<128x128xf32, #tpu.memory_space<hbm>>
        %dma_wait3A_91 = arith.constant 0 : i32
        %dma_wait3A_92 = arith.constant 0 : i32
        %dma_wait3A_93 = tpu.memref_slice %arg9[%rem3A_42, %dma_wait3A_91, %dma_wait3A_92] : memref<2x128x128xf32, #tpu.memory_space<vmem>> -> memref<1x128x128xf32, #tpu.memory_space<vmem>>
        %dma_wait3A_94 = tpu.memref_squeeze %dma_wait3A_93 : memref<1x128x128xf32, #tpu.memory_space<vmem>> -> memref<128x128xf32, #tpu.memory_space<vmem>>
        tpu.wait_dma2 semaphore(%run_scoped3A : memref<!tpu.dma_semaphore, #tpu.memory_space<semaphore_mem>>) src(%dma_wait3A_94 : memref<128x128xf32, #tpu.memory_space<vmem>>) dst(%dma_wait3A_90 : memref<128x128xf32, #tpu.memory_space<hbm>>)
        tpu.yield
      }) : () -> ()
      %dma_wait3A_58 = arith.constant 0 : i32
      %dma_wait3A_59 = arith.constant 0 : i32
      %dma_wait3A_60 = tpu.memref_slice %arg10[%rem3A_42, %dma_wait3A_58, %dma_wait3A_59] : memref<2x128x128xf32, #tpu.memory_space<vmem>> -> memref<1x128x128xf32, #tpu.memory_space<vmem>>
      %dma_wait3A_61 = tpu.memref_squeeze %dma_wait3A_60 : memref<1x128x128xf32, #tpu.memory_space<vmem>> -> memref<128x128xf32, #tpu.memory_space<vmem>>
      %dma_wait3A_62 = arith.constant 0 : i32
      %dma_wait3A_63 = tpu.memref_slice %arg8[%while3A_41, %dma_wait3A_62] : memref<48x128xi32, #tpu.memory_space<vmem>> -> memref<1x128xi32, #tpu.memory_space<vmem>>
      %dma_wait3A_64 = tpu.memref_squeeze %dma_wait3A_63 : memref<1x128xi32, #tpu.memory_space<vmem>> -> memref<128xi32, #tpu.memory_space<vmem>>
      %dma_wait3A_65 = arith.constant 0 : i32
      %dma_wait3A_66 = arith.constant 0 : i32
      %dma_wait3A_67 = tpu.memref_slice %arg2[%dma_wait3A_65, %dma_wait3A_66] : memref<10000x128xf32, #tpu.memory_space<hbm>> -> memref<10000x128xf32, #tpu.memory_space<hbm>>
      tpu.wait_indirect_dma semaphore(%arg12 : memref<!tpu.dma_semaphore, #tpu.memory_space<semaphore_mem>>) src(%dma_wait3A_67 : memref<10000x128xf32, #tpu.memory_space<hbm>>) dst(%dma_wait3A_61 : memref<128x128xf32, #tpu.memory_space<vmem>>)
      %mul3A_68 = arith.constant 128 : i32
      %mul3A_69 = arith.muli %while3A_41, %mul3A_68 : i32
      %add3A_70 = arith.addi %mul3A_31, %mul3A_69 : i32
      "tpu.region"() ({
        %run_scoped3A = tpu.sem_alloc : memref<!tpu.dma_semaphore, #tpu.memory_space<semaphore_mem>>
        %dma_start3A_71 = arith.constant 0 : i32
        %dma_start3A_72 = arith.constant 0 : i32
        %dma_start3A_73 = tpu.memref_slice %arg10[%rem3A_42, %dma_start3A_71, %dma_start3A_72] : memref<2x128x128xf32, #tpu.memory_space<vmem>> -> memref<1x128x128xf32, #tpu.memory_space<vmem>>
        %dma_start3A_74 = tpu.memref_squeeze %dma_start3A_73 : memref<1x128x128xf32, #tpu.memory_space<vmem>> -> memref<128x128xf32, #tpu.memory_space<vmem>>
        %dma_start3A_75 = arith.constant 0 : i32
        %dma_start3A_76 = tpu.memref_slice %arg6[%add3A_70, %dma_start3A_75] : memref<160000x128xf32, #tpu.memory_space<hbm>> -> memref<128x128xf32, #tpu.memory_space<hbm>>
        %dma_start3A_77 = arith.constant 0 : i32
        %dma_start3A_78 = tpu.memref_slice %arg6[%add3A_70, %dma_start3A_77] : memref<160000x128xf32, #tpu.memory_space<hbm>> -> memref<128x128xf32, #tpu.memory_space<hbm>>
        %dma_start3A_79 = arith.constant 0 : i32
        %dma_start3A_80 = arith.constant 0 : i32
        %dma_start3A_81 = tpu.memref_slice %arg10[%rem3A_42, %dma_start3A_79, %dma_start3A_80] : memref<2x128x128xf32, #tpu.memory_space<vmem>> -> memref<1x128x128xf32, #tpu.memory_space<vmem>>
        %dma_start3A_82 = tpu.memref_squeeze %dma_start3A_81 : memref<1x128x128xf32, #tpu.memory_space<vmem>> -> memref<128x128xf32, #tpu.memory_space<vmem>>
        tpu.enqueue_dma source(%dma_start3A_82 : memref<128x128xf32, #tpu.memory_space<vmem>>) target(%dma_start3A_78 : memref<128x128xf32, #tpu.memory_space<hbm>>) target_semaphore(%run_scoped3A : memref<!tpu.dma_semaphore, #tpu.memory_space<semaphore_mem>>)
        %dma_wait3A_83 = arith.constant 0 : i32
        %dma_wait3A_84 = arith.constant 0 : i32
        %dma_wait3A_85 = tpu.memref_slice %arg10[%rem3A_42, %dma_wait3A_83, %dma_wait3A_84] : memref<2x128x128xf32, #tpu.memory_space<vmem>> -> memref<1x128x128xf32, #tpu.memory_space<vmem>>
        %dma_wait3A_86 = tpu.memref_squeeze %dma_wait3A_85 : memref<1x128x128xf32, #tpu.memory_space<vmem>> -> memref<128x128xf32, #tpu.memory_space<vmem>>
        %dma_wait3A_87 = arith.constant 0 : i32
        %dma_wait3A_88 = tpu.memref_slice %arg6[%add3A_70, %dma_wait3A_87] : memref<160000x128xf32, #tpu.memory_space<hbm>> -> memref<128x128xf32, #tpu.memory_space<hbm>>
        %dma_wait3A_89 = arith.constant 0 : i32
        %dma_wait3A_90 = tpu.memref_slice %arg6[%add3A_70, %dma_wait3A_89] : memref<160000x128xf32, #tpu.memory_space<hbm>> -> memref<128x128xf32, #tpu.memory_space<hbm>>
        %dma_wait3A_91 = arith.constant 0 : i32
        %dma_wait3A_92 = arith.constant 0 : i32
        %dma_wait3A_93 = tpu.memref_slice %arg10[%rem3A_42, %dma_wait3A_91, %dma_wait3A_92] : memref<2x128x128xf32, #tpu.memory_space<vmem>> -> memref<1x128x128xf32, #tpu.memory_space<vmem>>
        %dma_wait3A_94 = tpu.memref_squeeze %dma_wait3A_93 : memref<1x128x128xf32, #tpu.memory_space<vmem>> -> memref<128x128xf32, #tpu.memory_space<vmem>>
        tpu.wait_dma2 semaphore(%run_scoped3A : memref<!tpu.dma_semaphore, #tpu.memory_space<semaphore_mem>>) src(%dma_wait3A_94 : memref<128x128xf32, #tpu.memory_space<vmem>>) dst(%dma_wait3A_90 : memref<128x128xf32, #tpu.memory_space<hbm>>)
        tpu.yield
      }) : () -> ()
    }
    %while3A_40 = arith.constant 1 : i32
    scf.for %while3A_41 = %while3A_38 to %while3A_34 step %while3A_40  : i32 {
      %rem3A = arith.constant 2 : i32
      %rem3A_42 = arith.remsi %while3A_41, %rem3A : i32
      %add3A_43 = arith.constant 1 : i32
      %add3A_44 = arith.addi %while3A_41, %add3A_43 : i32
      %lt3A = arith.cmpi slt, %add3A_44, %select_n3A : i32
      %convert_element_type3A = arith.extui %lt3A : i1 to i32
      %cond3A = arith.constant 0 : i32
      %cond3A_45 = arith.cmpi ne, %convert_element_type3A, %cond3A : i32
      scf.if %cond3A_45 {
        %add3A_71 = arith.constant 1 : i32
        %add3A_72 = arith.addi %while3A_41, %add3A_71 : i32
        %rem3A_73 = arith.constant 2 : i32
        %rem3A_74 = arith.remsi %add3A_72, %rem3A_73 : i32
        %add3A_75 = arith.constant 1 : i32
        %add3A_76 = arith.addi %while3A_41, %add3A_75 : i32
        %dma_start3A_77 = arith.constant 0 : i32
        %dma_start3A_78 = arith.constant 0 : i32
        %dma_start3A_79 = tpu.memref_slice %arg9[%rem3A_74, %dma_start3A_77, %dma_start3A_78] : memref<2x128x128xf32, #tpu.memory_space<vmem>> -> memref<1x128x128xf32, #tpu.memory_space<vmem>>
        %dma_start3A_80 = tpu.memref_squeeze %dma_start3A_79 : memref<1x128x128xf32, #tpu.memory_space<vmem>> -> memref<128x128xf32, #tpu.memory_space<vmem>>
        %dma_start3A_81 = arith.constant 0 : i32
        %dma_start3A_82 = tpu.memref_slice %arg7[%add3A_76, %dma_start3A_81] : memref<48x128xi32, #tpu.memory_space<vmem>> -> memref<1x128xi32, #tpu.memory_space<vmem>>
        %dma_start3A_83 = tpu.memref_squeeze %dma_start3A_82 : memref<1x128xi32, #tpu.memory_space<vmem>> -> memref<128xi32, #tpu.memory_space<vmem>>
        %dma_start3A_84 = arith.constant 0 : i32
        %dma_start3A_85 = arith.constant 0 : i32
        %dma_start3A_86 = tpu.memref_slice %arg2[%dma_start3A_84, %dma_start3A_85] : memref<10000x128xf32, #tpu.memory_space<hbm>> -> memref<10000x128xf32, #tpu.memory_space<hbm>>
        tpu.enqueue_indirect_dma source(%dma_start3A_86 : memref<10000x128xf32, #tpu.memory_space<hbm>>) target(%dma_start3A_80 : memref<128x128xf32, #tpu.memory_space<vmem>>) offsets(%dma_start3A_83 : memref<128xi32, #tpu.memory_space<vmem>>) semaphore(%arg11 : memref<!tpu.dma_semaphore, #tpu.memory_space<semaphore_mem>>)
        %add3A_87 = arith.constant 1 : i32
        %add3A_88 = arith.addi %while3A_41, %add3A_87 : i32
        %dma_start3A_89 = arith.constant 0 : i32
        %dma_start3A_90 = arith.constant 0 : i32
        %dma_start3A_91 = tpu.memref_slice %arg10[%rem3A_74, %dma_start3A_89, %dma_start3A_90] : memref<2x128x128xf32, #tpu.memory_space<vmem>> -> memref<1x128x128xf32, #tpu.memory_space<vmem>>
        %dma_start3A_92 = tpu.memref_squeeze %dma_start3A_91 : memref<1x128x128xf32, #tpu.memory_space<vmem>> -> memref<128x128xf32, #tpu.memory_space<vmem>>
        %dma_start3A_93 = arith.constant 0 : i32
        %dma_start3A_94 = tpu.memref_slice %arg8[%add3A_88, %dma_start3A_93] : memref<48x128xi32, #tpu.memory_space<vmem>> -> memref<1x128xi32, #tpu.memory_space<vmem>>
        %dma_start3A_95 = tpu.memref_squeeze %dma_start3A_94 : memref<1x128xi32, #tpu.memory_space<vmem>> -> memref<128xi32, #tpu.memory_space<vmem>>
        %dma_start3A_96 = arith.constant 0 : i32
        %dma_start3A_97 = arith.constant 0 : i32
        %dma_start3A_98 = tpu.memref_slice %arg2[%dma_start3A_96, %dma_start3A_97] : memref<10000x128xf32, #tpu.memory_space<hbm>> -> memref<10000x128xf32, #tpu.memory_space<hbm>>
        tpu.enqueue_indirect_dma source(%dma_start3A_98 : memref<10000x128xf32, #tpu.memory_space<hbm>>) target(%dma_start3A_92 : memref<128x128xf32, #tpu.memory_space<vmem>>) offsets(%dma_start3A_95 : memref<128xi32, #tpu.memory_space<vmem>>) semaphore(%arg12 : memref<!tpu.dma_semaphore, #tpu.memory_space<semaphore_mem>>)
      } else {
      }
      %dma_wait3A = arith.constant 0 : i32
      %dma_wait3A_46 = arith.constant 0 : i32
      %dma_wait3A_47 = tpu.memref_slice %arg9[%rem3A_42, %dma_wait3A, %dma_wait3A_46] : memref<2x128x128xf32, #tpu.memory_space<vmem>> -> memref<1x128x128xf32, #tpu.memory_space<vmem>>
      %dma_wait3A_48 = tpu.memref_squeeze %dma_wait3A_47 : memref<1x128x128xf32, #tpu.memory_space<vmem>> -> memref<128x128xf32, #tpu.memory_space<vmem>>
      %dma_wait3A_49 = arith.constant 0 : i32
      %dma_wait3A_50 = tpu.memref_slice %arg7[%while3A_41, %dma_wait3A_49] : memref<48x128xi32, #tpu.memory_space<vmem>> -> memref<1x128xi32, #tpu.memory_space<vmem>>
      %dma_wait3A_51 = tpu.memref_squeeze %dma_wait3A_50 : memref<1x128xi32, #tpu.memory_space<vmem>> -> memref<128xi32, #tpu.memory_space<vmem>>
      %dma_wait3A_52 = arith.constant 0 : i32
      %dma_wait3A_53 = arith.constant 0 : i32
      %dma_wait3A_54 = tpu.memref_slice %arg2[%dma_wait3A_52, %dma_wait3A_53] : memref<10000x128xf32, #tpu.memory_space<hbm>> -> memref<10000x128xf32, #tpu.memory_space<hbm>>
      tpu.wait_indirect_dma semaphore(%arg11 : memref<!tpu.dma_semaphore, #tpu.memory_space<semaphore_mem>>) src(%dma_wait3A_54 : memref<10000x128xf32, #tpu.memory_space<hbm>>) dst(%dma_wait3A_48 : memref<128x128xf32, #tpu.memory_space<vmem>>)
      %mul3A_55 = arith.constant 128 : i32
      %mul3A_56 = arith.muli %while3A_41, %mul3A_55 : i32
      %add3A_57 = arith.addi %mul3A_31, %mul3A_56 : i32
      "tpu.region"() ({
        %run_scoped3A = tpu.sem_alloc : memref<!tpu.dma_semaphore, #tpu.memory_space<semaphore_mem>>
        %dma_start3A_71 = arith.constant 0 : i32
        %dma_start3A_72 = arith.constant 0 : i32
        %dma_start3A_73 = tpu.memref_slice %arg9[%rem3A_42, %dma_start3A_71, %dma_start3A_72] : memref<2x128x128xf32, #tpu.memory_space<vmem>> -> memref<1x128x128xf32, #tpu.memory_space<vmem>>
        %dma_start3A_74 = tpu.memref_squeeze %dma_start3A_73 : memref<1x128x128xf32, #tpu.memory_space<vmem>> -> memref<128x128xf32, #tpu.memory_space<vmem>>
        %dma_start3A_75 = arith.constant 0 : i32
        %dma_start3A_76 = tpu.memref_slice %arg5[%add3A_57, %dma_start3A_75] : memref<160000x128xf32, #tpu.memory_space<hbm>> -> memref<128x128xf32, #tpu.memory_space<hbm>>
        %dma_start3A_77 = arith.constant 0 : i32
        %dma_start3A_78 = tpu.memref_slice %arg5[%add3A_57, %dma_start3A_77] : memref<160000x128xf32, #tpu.memory_space<hbm>> -> memref<128x128xf32, #tpu.memory_space<hbm>>
        %dma_start3A_79 = arith.constant 0 : i32
        %dma_start3A_80 = arith.constant 0 : i32
        %dma_start3A_81 = tpu.memref_slice %arg9[%rem3A_42, %dma_start3A_79, %dma_start3A_80] : memref<2x128x128xf32, #tpu.memory_space<vmem>> -> memref<1x128x128xf32, #tpu.memory_space<vmem>>
        %dma_start3A_82 = tpu.memref_squeeze %dma_start3A_81 : memref<1x128x128xf32, #tpu.memory_space<vmem>> -> memref<128x128xf32, #tpu.memory_space<vmem>>
        tpu.enqueue_dma source(%dma_start3A_82 : memref<128x128xf32, #tpu.memory_space<vmem>>) target(%dma_start3A_78 : memref<128x128xf32, #tpu.memory_space<hbm>>) target_semaphore(%run_scoped3A : memref<!tpu.dma_semaphore, #tpu.memory_space<semaphore_mem>>)
        %dma_wait3A_83 = arith.constant 0 : i32
        %dma_wait3A_84 = arith.constant 0 : i32
        %dma_wait3A_85 = tpu.memref_slice %arg9[%rem3A_42, %dma_wait3A_83, %dma_wait3A_84] : memref<2x128x128xf32, #tpu.memory_space<vmem>> -> memref<1x128x128xf32, #tpu.memory_space<vmem>>
        %dma_wait3A_86 = tpu.memref_squeeze %dma_wait3A_85 : memref<1x128x128xf32, #tpu.memory_space<vmem>> -> memref<128x128xf32, #tpu.memory_space<vmem>>
        %dma_wait3A_87 = arith.constant 0 : i32
        %dma_wait3A_88 = tpu.memref_slice %arg5[%add3A_57, %dma_wait3A_87] : memref<160000x128xf32, #tpu.memory_space<hbm>> -> memref<128x128xf32, #tpu.memory_space<hbm>>
        %dma_wait3A_89 = arith.constant 0 : i32
        %dma_wait3A_90 = tpu.memref_slice %arg5[%add3A_57, %dma_wait3A_89] : memref<160000x128xf32, #tpu.memory_space<hbm>> -> memref<128x128xf32, #tpu.memory_space<hbm>>
        %dma_wait3A_91 = arith.constant 0 : i32
        %dma_wait3A_92 = arith.constant 0 : i32
        %dma_wait3A_93 = tpu.memref_slice %arg9[%rem3A_42, %dma_wait3A_91, %dma_wait3A_92] : memref<2x128x128xf32, #tpu.memory_space<vmem>> -> memref<1x128x128xf32, #tpu.memory_space<vmem>>
        %dma_wait3A_94 = tpu.memref_squeeze %dma_wait3A_93 : memref<1x128x128xf32, #tpu.memory_space<vmem>> -> memref<128x128xf32, #tpu.memory_space<vmem>>
        tpu.wait_dma2 semaphore(%run_scoped3A : memref<!tpu.dma_semaphore, #tpu.memory_space<semaphore_mem>>) src(%dma_wait3A_94 : memref<128x128xf32, #tpu.memory_space<vmem>>) dst(%dma_wait3A_90 : memref<128x128xf32, #tpu.memory_space<hbm>>)
        tpu.yield
      }) : () -> ()
      %dma_wait3A_58 = arith.constant 0 : i32
      %dma_wait3A_59 = arith.constant 0 : i32
      %dma_wait3A_60 = tpu.memref_slice %arg10[%rem3A_42, %dma_wait3A_58, %dma_wait3A_59] : memref<2x128x128xf32, #tpu.memory_space<vmem>> -> memref<1x128x128xf32, #tpu.memory_space<vmem>>
      %dma_wait3A_61 = tpu.memref_squeeze %dma_wait3A_60 : memref<1x128x128xf32, #tpu.memory_space<vmem>> -> memref<128x128xf32, #tpu.memory_space<vmem>>
      %dma_wait3A_62 = arith.constant 0 : i32
      %dma_wait3A_63 = tpu.memref_slice %arg8[%while3A_41, %dma_wait3A_62] : memref<48x128xi32, #tpu.memory_space<vmem>> -> memref<1x128xi32, #tpu.memory_space<vmem>>
      %dma_wait3A_64 = tpu.memref_squeeze %dma_wait3A_63 : memref<1x128xi32, #tpu.memory_space<vmem>> -> memref<128xi32, #tpu.memory_space<vmem>>
      %dma_wait3A_65 = arith.constant 0 : i32
      %dma_wait3A_66 = arith.constant 0 : i32
      %dma_wait3A_67 = tpu.memref_slice %arg2[%dma_wait3A_65, %dma_wait3A_66] : memref<10000x128xf32, #tpu.memory_space<hbm>> -> memref<10000x128xf32, #tpu.memory_space<hbm>>
      tpu.wait_indirect_dma semaphore(%arg12 : memref<!tpu.dma_semaphore, #tpu.memory_space<semaphore_mem>>) src(%dma_wait3A_67 : memref<10000x128xf32, #tpu.memory_space<hbm>>) dst(%dma_wait3A_61 : memref<128x128xf32, #tpu.memory_space<vmem>>)
      %mul3A_68 = arith.constant 128 : i32
      %mul3A_69 = arith.muli %while3A_41, %mul3A_68 : i32
      %add3A_70 = arith.addi %mul3A_31, %mul3A_69 : i32
      "tpu.region"() ({
        %run_scoped3A = tpu.sem_alloc : memref<!tpu.dma_semaphore, #tpu.memory_space<semaphore_mem>>
        %dma_start3A_71 = arith.constant 0 : i32
        %dma_start3A_72 = arith.constant 0 : i32
        %dma_start3A_73 = tpu.memref_slice %arg10[%rem3A_42, %dma_start3A_71, %dma_start3A_72] : memref<2x128x128xf32, #tpu.memory_space<vmem>> -> memref<1x128x128xf32, #tpu.memory_space<vmem>>
        %dma_start3A_74 = tpu.memref_squeeze %dma_start3A_73 : memref<1x128x128xf32, #tpu.memory_space<vmem>> -> memref<128x128xf32, #tpu.memory_space<vmem>>
        %dma_start3A_75 = arith.constant 0 : i32
        %dma_start3A_76 = tpu.memref_slice %arg6[%add3A_70, %dma_start3A_75] : memref<160000x128xf32, #tpu.memory_space<hbm>> -> memref<128x128xf32, #tpu.memory_space<hbm>>
        %dma_start3A_77 = arith.constant 0 : i32
        %dma_start3A_78 = tpu.memref_slice %arg6[%add3A_70, %dma_start3A_77] : memref<160000x128xf32, #tpu.memory_space<hbm>> -> memref<128x128xf32, #tpu.memory_space<hbm>>
        %dma_start3A_79 = arith.constant 0 : i32
        %dma_start3A_80 = arith.constant 0 : i32
        %dma_start3A_81 = tpu.memref_slice %arg10[%rem3A_42, %dma_start3A_79, %dma_start3A_80] : memref<2x128x128xf32, #tpu.memory_space<vmem>> -> memref<1x128x128xf32, #tpu.memory_space<vmem>>
        %dma_start3A_82 = tpu.memref_squeeze %dma_start3A_81 : memref<1x128x128xf32, #tpu.memory_space<vmem>> -> memref<128x128xf32, #tpu.memory_space<vmem>>
        tpu.enqueue_dma source(%dma_start3A_82 : memref<128x128xf32, #tpu.memory_space<vmem>>) target(%dma_start3A_78 : memref<128x128xf32, #tpu.memory_space<hbm>>) target_semaphore(%run_scoped3A : memref<!tpu.dma_semaphore, #tpu.memory_space<semaphore_mem>>)
        %dma_wait3A_83 = arith.constant 0 : i32
        %dma_wait3A_84 = arith.constant 0 : i32
        %dma_wait3A_85 = tpu.memref_slice %arg10[%rem3A_42, %dma_wait3A_83, %dma_wait3A_84] : memref<2x128x128xf32, #tpu.memory_space<vmem>> -> memref<1x128x128xf32, #tpu.memory_space<vmem>>
        %dma_wait3A_86 = tpu.memref_squeeze %dma_wait3A_85 : memref<1x128x128xf32, #tpu.memory_space<vmem>> -> memref<128x128xf32, #tpu.memory_space<vmem>>
        %dma_wait3A_87 = arith.constant 0 : i32
        %dma_wait3A_88 = tpu.memref_slice %arg6[%add3A_70, %dma_wait3A_87] : memref<160000x128xf32, #tpu.memory_space<hbm>> -> memref<128x128xf32, #tpu.memory_space<hbm>>
        %dma_wait3A_89 = arith.constant 0 : i32
        %dma_wait3A_90 = tpu.memref_slice %arg6[%add3A_70, %dma_wait3A_89] : memref<160000x128xf32, #tpu.memory_space<hbm>> -> memref<128x128xf32, #tpu.memory_space<hbm>>
        %dma_wait3A_91 = arith.constant 0 : i32
        %dma_wait3A_92 = arith.constant 0 : i32
        %dma_wait3A_93 = tpu.memref_slice %arg10[%rem3A_42, %dma_wait3A_91, %dma_wait3A_92] : memref<2x128x128xf32, #tpu.memory_space<vmem>> -> memref<1x128x128xf32, #tpu.memory_space<vmem>>
        %dma_wait3A_94 = tpu.memref_squeeze %dma_wait3A_93 : memref<1x128x128xf32, #tpu.memory_space<vmem>> -> memref<128x128xf32, #tpu.memory_space<vmem>>
        tpu.wait_dma2 semaphore(%run_scoped3A : memref<!tpu.dma_semaphore, #tpu.memory_space<semaphore_mem>>) src(%dma_wait3A_94 : memref<128x128xf32, #tpu.memory_space<vmem>>) dst(%dma_wait3A_90 : memref<128x128xf32, #tpu.memory_space<hbm>>)
        tpu.yield
      }) : () -> ()
    }
    return
  }
}

#map = affine_map<(d0, d1) -> (0, 0)>
module attributes {stable_mosaic.version = 14 : i64} {
  func.func @_sc_gather_body(%arg0: i32, %arg1: i32, %arg2: memref<10000x128xf32, #tpu.memory_space<hbm>>, %arg3: memref<1536x128xi32, #tpu.memory_space<hbm>>, %arg4: memref<1536x128xi32, #tpu.memory_space<hbm>>, %arg5: memref<160000x128xf32, #tpu.memory_space<hbm>>, %arg6: memref<160000x128xf32, #tpu.memory_space<hbm>>, %arg7: memref<48x128xi32, #tpu.memory_space<vmem>>, %arg8: memref<48x128xi32, #tpu.memory_space<vmem>>, %arg9: memref<2x128x128xf32, #tpu.memory_space<vmem>>, %arg10: memref<2x128x128xf32, #tpu.memory_space<vmem>>, %arg11: memref<!tpu.dma_semaphore, #tpu.memory_space<semaphore_mem>>, %arg12: memref<!tpu.dma_semaphore, #tpu.memory_space<semaphore_mem>>) attributes {dimension_semantics = [#tpu.dimension_semantics<core_parallel>, #tpu.dimension_semantics<subcore_parallel>], iteration_bounds = array<i64: 2, 16>, scalar_prefetch = 0 : i64, scratch_operands = 6 : i64, tpu.core_type = #tpu.core_type<sc_vector_subcore>, window_params = [{transform_indices = #map}, {transform_indices = #map}, {transform_indices = #map}, {transform_indices = #map}, {transform_indices = #map}]} {
    %mul3A = arith.constant 2 : i32
    %mul3A_0 = arith.muli %arg1, %mul3A : i32
    %add3A = arith.addi %mul3A_0, %arg0 : i32
    %eq3A = arith.constant 31 : i32
    %eq3A_1 = arith.cmpi eq, %add3A, %eq3A : i32
    %jit3A = arith.constant 41 : i32
    %jit3A_2 = arith.constant 39 : i32
    %select_n3A = arith.select %eq3A_1, %jit3A, %jit3A_2 : i32
    %mul3A_3 = arith.constant 48 : i32
    %mul3A_4 = arith.muli %add3A, %mul3A_3 : i32
    "tpu.region"() ({
      %run_scoped3A = tpu.sem_alloc : memref<!tpu.dma_semaphore, #tpu.memory_space<semaphore_mem>>
      %dma_start3A_41 = arith.constant 0 : i32
      %dma_start3A_42 = tpu.memref_slice %arg3[%mul3A_4, %dma_start3A_41] : memref<1536x128xi32, #tpu.memory_space<hbm>> -> memref<48x128xi32, #tpu.memory_space<hbm>>
      %dma_start3A_43 = arith.constant 0 : i32
      %dma_start3A_44 = tpu.memref_slice %arg3[%mul3A_4, %dma_start3A_43] : memref<1536x128xi32, #tpu.memory_space<hbm>> -> memref<48x128xi32, #tpu.memory_space<hbm>>
      tpu.enqueue_dma source(%dma_start3A_44 : memref<48x128xi32, #tpu.memory_space<hbm>>) target(%arg7 : memref<48x128xi32, #tpu.memory_space<vmem>>) target_semaphore(%run_scoped3A : memref<!tpu.dma_semaphore, #tpu.memory_space<semaphore_mem>>)
      %dma_wait3A = arith.constant 0 : i32
      %dma_wait3A_45 = tpu.memref_slice %arg3[%mul3A_4, %dma_wait3A] : memref<1536x128xi32, #tpu.memory_space<hbm>> -> memref<48x128xi32, #tpu.memory_space<hbm>>
      %dma_wait3A_46 = arith.constant 0 : i32
      %dma_wait3A_47 = tpu.memref_slice %arg3[%mul3A_4, %dma_wait3A_46] : memref<1536x128xi32, #tpu.memory_space<hbm>> -> memref<48x128xi32, #tpu.memory_space<hbm>>
      tpu.wait_dma2 semaphore(%run_scoped3A : memref<!tpu.dma_semaphore, #tpu.memory_space<semaphore_mem>>) src(%dma_wait3A_47 : memref<48x128xi32, #tpu.memory_space<hbm>>) dst(%arg7 : memref<48x128xi32, #tpu.memory_space<vmem>>)
      tpu.yield
    }) : () -> ()
    %mul3A_5 = arith.constant 48 : i32
    %mul3A_6 = arith.muli %add3A, %mul3A_5 : i32
    "tpu.region"() ({
      %run_scoped3A = tpu.sem_alloc : memref<!tpu.dma_semaphore, #tpu.memory_space<semaphore_mem>>
      %dma_start3A_41 = arith.constant 0 : i32
      %dma_start3A_42 = tpu.memref_slice %arg4[%mul3A_6, %dma_start3A_41] : memref<1536x128xi32, #tpu.memory_space<hbm>> -> memref<48x128xi32, #tpu.memory_space<hbm>>
      %dma_start3A_43 = arith.constant 0 : i32
      %dma_start3A_44 = tpu.memref_slice %arg4[%mul3A_6, %dma_start3A_43] : memref<1536x128xi32, #tpu.memory_space<hbm>> -> memref<48x128xi32, #tpu.memory_space<hbm>>
      tpu.enqueue_dma source(%dma_start3A_44 : memref<48x128xi32, #tpu.memory_space<hbm>>) target(%arg8 : memref<48x128xi32, #tpu.memory_space<vmem>>) target_semaphore(%run_scoped3A : memref<!tpu.dma_semaphore, #tpu.memory_space<semaphore_mem>>)
      %dma_wait3A = arith.constant 0 : i32
      %dma_wait3A_45 = tpu.memref_slice %arg4[%mul3A_6, %dma_wait3A] : memref<1536x128xi32, #tpu.memory_space<hbm>> -> memref<48x128xi32, #tpu.memory_space<hbm>>
      %dma_wait3A_46 = arith.constant 0 : i32
      %dma_wait3A_47 = tpu.memref_slice %arg4[%mul3A_6, %dma_wait3A_46] : memref<1536x128xi32, #tpu.memory_space<hbm>> -> memref<48x128xi32, #tpu.memory_space<hbm>>
      tpu.wait_dma2 semaphore(%run_scoped3A : memref<!tpu.dma_semaphore, #tpu.memory_space<semaphore_mem>>) src(%dma_wait3A_47 : memref<48x128xi32, #tpu.memory_space<hbm>>) dst(%arg8 : memref<48x128xi32, #tpu.memory_space<vmem>>)
      tpu.yield
    }) : () -> ()
    %dma_start3A = arith.constant 0 : i32
    %dma_start3A_7 = arith.constant 0 : i32
    %dma_start3A_8 = arith.constant 0 : i32
    %dma_start3A_9 = arith.constant 0 : i32
    %dma_start3A_10 = tpu.memref_slice %arg9[%dma_start3A_7, %dma_start3A_8, %dma_start3A_9] : memref<2x128x128xf32, #tpu.memory_space<vmem>> -> memref<1x128x128xf32, #tpu.memory_space<vmem>>
    %dma_start3A_11 = tpu.memref_squeeze %dma_start3A_10 : memref<1x128x128xf32, #tpu.memory_space<vmem>> -> memref<128x128xf32, #tpu.memory_space<vmem>>
    %dma_start3A_12 = arith.constant 0 : i32
    %dma_start3A_13 = tpu.memref_slice %arg7[%dma_start3A, %dma_start3A_12] : memref<48x128xi32, #tpu.memory_space<vmem>> -> memref<1x128xi32, #tpu.memory_space<vmem>>
    %dma_start3A_14 = tpu.memref_squeeze %dma_start3A_13 : memref<1x128xi32, #tpu.memory_space<vmem>> -> memref<128xi32, #tpu.memory_space<vmem>>
    %dma_start3A_15 = arith.constant 0 : i32
    %dma_start3A_16 = arith.constant 0 : i32
    %dma_start3A_17 = tpu.memref_slice %arg2[%dma_start3A_15, %dma_start3A_16] : memref<10000x128xf32, #tpu.memory_space<hbm>> -> memref<10000x128xf32, #tpu.memory_space<hbm>>
    tpu.enqueue_indirect_dma source(%dma_start3A_17 : memref<10000x128xf32, #tpu.memory_space<hbm>>) target(%dma_start3A_11 : memref<128x128xf32, #tpu.memory_space<vmem>>) offsets(%dma_start3A_14 : memref<128xi32, #tpu.memory_space<vmem>>) semaphore(%arg11 : memref<!tpu.dma_semaphore, #tpu.memory_space<semaphore_mem>>)
    %dma_start3A_18 = arith.constant 0 : i32
    %dma_start3A_19 = arith.constant 0 : i32
    %dma_start3A_20 = arith.constant 0 : i32
    %dma_start3A_21 = arith.constant 0 : i32
    %dma_start3A_22 = tpu.memref_slice %arg10[%dma_start3A_19, %dma_start3A_20, %dma_start3A_21] : memref<2x128x128xf32, #tpu.memory_space<vmem>> -> memref<1x128x128xf32, #tpu.memory_space<vmem>>
    %dma_start3A_23 = tpu.memref_squeeze %dma_start3A_22 : memref<1x128x128xf32, #tpu.memory_space<vmem>> -> memref<128x128xf32, #tpu.memory_space<vmem>>
    %dma_start3A_24 = arith.constant 0 : i32
    %dma_start3A_25 = tpu.memref_slice %arg8[%dma_start3A_18, %dma_start3A_24] : memref<48x128xi32, #tpu.memory_space<vmem>> -> memref<1x128xi32, #tpu.memory_space<vmem>>
    %dma_start3A_26 = tpu.memref_squeeze %dma_start3A_25 : memref<1x128xi32, #tpu.memory_space<vmem>> -> memref<128xi32, #tpu.memory_space<vmem>>
    %dma_start3A_27 = arith.constant 0 : i32
    %dma_start3A_28 = arith.constant 0 : i32
    %dma_start3A_29 = tpu.memref_slice %arg2[%dma_start3A_27, %dma_start3A_28] : memref<10000x128xf32, #tpu.memory_space<hbm>> -> memref<10000x128xf32, #tpu.memory_space<hbm>>
    tpu.enqueue_indirect_dma source(%dma_start3A_29 : memref<10000x128xf32, #tpu.memory_space<hbm>>) target(%dma_start3A_23 : memref<128x128xf32, #tpu.memory_space<vmem>>) offsets(%dma_start3A_26 : memref<128xi32, #tpu.memory_space<vmem>>) semaphore(%arg12 : memref<!tpu.dma_semaphore, #tpu.memory_space<semaphore_mem>>)
    %mul3A_30 = arith.constant 4992 : i32
    %mul3A_31 = arith.muli %add3A, %mul3A_30 : i32
    %while3A = arith.constant 0 : i32
    %while3A_32 = arith.constant 0 : i32
    %while3A_33 = arith.subi %select_n3A, %while3A_32 : i32
    %while3A_34 = arith.addi %while3A_32, %while3A_33 : i32
    %while3A_35 = arith.constant 1 : i32
    %while3A_36 = arith.divsi %while3A_33, %while3A_35 : i32
    %while3A_37 = arith.muli %while3A_36, %while3A_35 : i32
    %while3A_38 = arith.addi %while3A_32, %while3A_37 : i32
    %while3A_39 = arith.constant 1 : i32
    scf.for %while3A_41 = %while3A_32 to %while3A_38 step %while3A_39  : i32 {
      %rem3A = arith.constant 2 : i32
      %rem3A_42 = arith.remsi %while3A_41, %rem3A : i32
      %add3A_43 = arith.constant 1 : i32
      %add3A_44 = arith.addi %while3A_41, %add3A_43 : i32
      %lt3A = arith.cmpi slt, %add3A_44, %select_n3A : i32
      %convert_element_type3A = arith.extui %lt3A : i1 to i32
      %cond3A = arith.constant 0 : i32
      %cond3A_45 = arith.cmpi ne, %convert_element_type3A, %cond3A : i32
      scf.if %cond3A_45 {
        %add3A_71 = arith.constant 1 : i32
        %add3A_72 = arith.addi %while3A_41, %add3A_71 : i32
        %rem3A_73 = arith.constant 2 : i32
        %rem3A_74 = arith.remsi %add3A_72, %rem3A_73 : i32
        %add3A_75 = arith.constant 1 : i32
        %add3A_76 = arith.addi %while3A_41, %add3A_75 : i32
        %dma_start3A_77 = arith.constant 0 : i32
        %dma_start3A_78 = arith.constant 0 : i32
        %dma_start3A_79 = tpu.memref_slice %arg9[%rem3A_74, %dma_start3A_77, %dma_start3A_78] : memref<2x128x128xf32, #tpu.memory_space<vmem>> -> memref<1x128x128xf32, #tpu.memory_space<vmem>>
        %dma_start3A_80 = tpu.memref_squeeze %dma_start3A_79 : memref<1x128x128xf32, #tpu.memory_space<vmem>> -> memref<128x128xf32, #tpu.memory_space<vmem>>
        %dma_start3A_81 = arith.constant 0 : i32
        %dma_start3A_82 = tpu.memref_slice %arg7[%add3A_76, %dma_start3A_81] : memref<48x128xi32, #tpu.memory_space<vmem>> -> memref<1x128xi32, #tpu.memory_space<vmem>>
        %dma_start3A_83 = tpu.memref_squeeze %dma_start3A_82 : memref<1x128xi32, #tpu.memory_space<vmem>> -> memref<128xi32, #tpu.memory_space<vmem>>
        %dma_start3A_84 = arith.constant 0 : i32
        %dma_start3A_85 = arith.constant 0 : i32
        %dma_start3A_86 = tpu.memref_slice %arg2[%dma_start3A_84, %dma_start3A_85] : memref<10000x128xf32, #tpu.memory_space<hbm>> -> memref<10000x128xf32, #tpu.memory_space<hbm>>
        tpu.enqueue_indirect_dma source(%dma_start3A_86 : memref<10000x128xf32, #tpu.memory_space<hbm>>) target(%dma_start3A_80 : memref<128x128xf32, #tpu.memory_space<vmem>>) offsets(%dma_start3A_83 : memref<128xi32, #tpu.memory_space<vmem>>) semaphore(%arg11 : memref<!tpu.dma_semaphore, #tpu.memory_space<semaphore_mem>>)
        %add3A_87 = arith.constant 1 : i32
        %add3A_88 = arith.addi %while3A_41, %add3A_87 : i32
        %dma_start3A_89 = arith.constant 0 : i32
        %dma_start3A_90 = arith.constant 0 : i32
        %dma_start3A_91 = tpu.memref_slice %arg10[%rem3A_74, %dma_start3A_89, %dma_start3A_90] : memref<2x128x128xf32, #tpu.memory_space<vmem>> -> memref<1x128x128xf32, #tpu.memory_space<vmem>>
        %dma_start3A_92 = tpu.memref_squeeze %dma_start3A_91 : memref<1x128x128xf32, #tpu.memory_space<vmem>> -> memref<128x128xf32, #tpu.memory_space<vmem>>
        %dma_start3A_93 = arith.constant 0 : i32
        %dma_start3A_94 = tpu.memref_slice %arg8[%add3A_88, %dma_start3A_93] : memref<48x128xi32, #tpu.memory_space<vmem>> -> memref<1x128xi32, #tpu.memory_space<vmem>>
        %dma_start3A_95 = tpu.memref_squeeze %dma_start3A_94 : memref<1x128xi32, #tpu.memory_space<vmem>> -> memref<128xi32, #tpu.memory_space<vmem>>
        %dma_start3A_96 = arith.constant 0 : i32
        %dma_start3A_97 = arith.constant 0 : i32
        %dma_start3A_98 = tpu.memref_slice %arg2[%dma_start3A_96, %dma_start3A_97] : memref<10000x128xf32, #tpu.memory_space<hbm>> -> memref<10000x128xf32, #tpu.memory_space<hbm>>
        tpu.enqueue_indirect_dma source(%dma_start3A_98 : memref<10000x128xf32, #tpu.memory_space<hbm>>) target(%dma_start3A_92 : memref<128x128xf32, #tpu.memory_space<vmem>>) offsets(%dma_start3A_95 : memref<128xi32, #tpu.memory_space<vmem>>) semaphore(%arg12 : memref<!tpu.dma_semaphore, #tpu.memory_space<semaphore_mem>>)
      } else {
      }
      %dma_wait3A = arith.constant 0 : i32
      %dma_wait3A_46 = arith.constant 0 : i32
      %dma_wait3A_47 = tpu.memref_slice %arg9[%rem3A_42, %dma_wait3A, %dma_wait3A_46] : memref<2x128x128xf32, #tpu.memory_space<vmem>> -> memref<1x128x128xf32, #tpu.memory_space<vmem>>
      %dma_wait3A_48 = tpu.memref_squeeze %dma_wait3A_47 : memref<1x128x128xf32, #tpu.memory_space<vmem>> -> memref<128x128xf32, #tpu.memory_space<vmem>>
      %dma_wait3A_49 = arith.constant 0 : i32
      %dma_wait3A_50 = tpu.memref_slice %arg7[%while3A_41, %dma_wait3A_49] : memref<48x128xi32, #tpu.memory_space<vmem>> -> memref<1x128xi32, #tpu.memory_space<vmem>>
      %dma_wait3A_51 = tpu.memref_squeeze %dma_wait3A_50 : memref<1x128xi32, #tpu.memory_space<vmem>> -> memref<128xi32, #tpu.memory_space<vmem>>
      %dma_wait3A_52 = arith.constant 0 : i32
      %dma_wait3A_53 = arith.constant 0 : i32
      %dma_wait3A_54 = tpu.memref_slice %arg2[%dma_wait3A_52, %dma_wait3A_53] : memref<10000x128xf32, #tpu.memory_space<hbm>> -> memref<10000x128xf32, #tpu.memory_space<hbm>>
      tpu.wait_indirect_dma semaphore(%arg11 : memref<!tpu.dma_semaphore, #tpu.memory_space<semaphore_mem>>) src(%dma_wait3A_54 : memref<10000x128xf32, #tpu.memory_space<hbm>>) dst(%dma_wait3A_48 : memref<128x128xf32, #tpu.memory_space<vmem>>)
      %mul3A_55 = arith.constant 128 : i32
      %mul3A_56 = arith.muli %while3A_41, %mul3A_55 : i32
      %add3A_57 = arith.addi %mul3A_31, %mul3A_56 : i32
      "tpu.region"() ({
        %run_scoped3A = tpu.sem_alloc : memref<!tpu.dma_semaphore, #tpu.memory_space<semaphore_mem>>
        %dma_start3A_71 = arith.constant 0 : i32
        %dma_start3A_72 = arith.constant 0 : i32
        %dma_start3A_73 = tpu.memref_slice %arg9[%rem3A_42, %dma_start3A_71, %dma_start3A_72] : memref<2x128x128xf32, #tpu.memory_space<vmem>> -> memref<1x128x128xf32, #tpu.memory_space<vmem>>
        %dma_start3A_74 = tpu.memref_squeeze %dma_start3A_73 : memref<1x128x128xf32, #tpu.memory_space<vmem>> -> memref<128x128xf32, #tpu.memory_space<vmem>>
        %dma_start3A_75 = arith.constant 0 : i32
        %dma_start3A_76 = tpu.memref_slice %arg5[%add3A_57, %dma_start3A_75] : memref<160000x128xf32, #tpu.memory_space<hbm>> -> memref<128x128xf32, #tpu.memory_space<hbm>>
        %dma_start3A_77 = arith.constant 0 : i32
        %dma_start3A_78 = tpu.memref_slice %arg5[%add3A_57, %dma_start3A_77] : memref<160000x128xf32, #tpu.memory_space<hbm>> -> memref<128x128xf32, #tpu.memory_space<hbm>>
        %dma_start3A_79 = arith.constant 0 : i32
        %dma_start3A_80 = arith.constant 0 : i32
        %dma_start3A_81 = tpu.memref_slice %arg9[%rem3A_42, %dma_start3A_79, %dma_start3A_80] : memref<2x128x128xf32, #tpu.memory_space<vmem>> -> memref<1x128x128xf32, #tpu.memory_space<vmem>>
        %dma_start3A_82 = tpu.memref_squeeze %dma_start3A_81 : memref<1x128x128xf32, #tpu.memory_space<vmem>> -> memref<128x128xf32, #tpu.memory_space<vmem>>
        tpu.enqueue_dma source(%dma_start3A_82 : memref<128x128xf32, #tpu.memory_space<vmem>>) target(%dma_start3A_78 : memref<128x128xf32, #tpu.memory_space<hbm>>) target_semaphore(%run_scoped3A : memref<!tpu.dma_semaphore, #tpu.memory_space<semaphore_mem>>)
        %dma_wait3A_83 = arith.constant 0 : i32
        %dma_wait3A_84 = arith.constant 0 : i32
        %dma_wait3A_85 = tpu.memref_slice %arg9[%rem3A_42, %dma_wait3A_83, %dma_wait3A_84] : memref<2x128x128xf32, #tpu.memory_space<vmem>> -> memref<1x128x128xf32, #tpu.memory_space<vmem>>
        %dma_wait3A_86 = tpu.memref_squeeze %dma_wait3A_85 : memref<1x128x128xf32, #tpu.memory_space<vmem>> -> memref<128x128xf32, #tpu.memory_space<vmem>>
        %dma_wait3A_87 = arith.constant 0 : i32
        %dma_wait3A_88 = tpu.memref_slice %arg5[%add3A_57, %dma_wait3A_87] : memref<160000x128xf32, #tpu.memory_space<hbm>> -> memref<128x128xf32, #tpu.memory_space<hbm>>
        %dma_wait3A_89 = arith.constant 0 : i32
        %dma_wait3A_90 = tpu.memref_slice %arg5[%add3A_57, %dma_wait3A_89] : memref<160000x128xf32, #tpu.memory_space<hbm>> -> memref<128x128xf32, #tpu.memory_space<hbm>>
        %dma_wait3A_91 = arith.constant 0 : i32
        %dma_wait3A_92 = arith.constant 0 : i32
        %dma_wait3A_93 = tpu.memref_slice %arg9[%rem3A_42, %dma_wait3A_91, %dma_wait3A_92] : memref<2x128x128xf32, #tpu.memory_space<vmem>> -> memref<1x128x128xf32, #tpu.memory_space<vmem>>
        %dma_wait3A_94 = tpu.memref_squeeze %dma_wait3A_93 : memref<1x128x128xf32, #tpu.memory_space<vmem>> -> memref<128x128xf32, #tpu.memory_space<vmem>>
        tpu.wait_dma2 semaphore(%run_scoped3A : memref<!tpu.dma_semaphore, #tpu.memory_space<semaphore_mem>>) src(%dma_wait3A_94 : memref<128x128xf32, #tpu.memory_space<vmem>>) dst(%dma_wait3A_90 : memref<128x128xf32, #tpu.memory_space<hbm>>)
        tpu.yield
      }) : () -> ()
      %dma_wait3A_58 = arith.constant 0 : i32
      %dma_wait3A_59 = arith.constant 0 : i32
      %dma_wait3A_60 = tpu.memref_slice %arg10[%rem3A_42, %dma_wait3A_58, %dma_wait3A_59] : memref<2x128x128xf32, #tpu.memory_space<vmem>> -> memref<1x128x128xf32, #tpu.memory_space<vmem>>
      %dma_wait3A_61 = tpu.memref_squeeze %dma_wait3A_60 : memref<1x128x128xf32, #tpu.memory_space<vmem>> -> memref<128x128xf32, #tpu.memory_space<vmem>>
      %dma_wait3A_62 = arith.constant 0 : i32
      %dma_wait3A_63 = tpu.memref_slice %arg8[%while3A_41, %dma_wait3A_62] : memref<48x128xi32, #tpu.memory_space<vmem>> -> memref<1x128xi32, #tpu.memory_space<vmem>>
      %dma_wait3A_64 = tpu.memref_squeeze %dma_wait3A_63 : memref<1x128xi32, #tpu.memory_space<vmem>> -> memref<128xi32, #tpu.memory_space<vmem>>
      %dma_wait3A_65 = arith.constant 0 : i32
      %dma_wait3A_66 = arith.constant 0 : i32
      %dma_wait3A_67 = tpu.memref_slice %arg2[%dma_wait3A_65, %dma_wait3A_66] : memref<10000x128xf32, #tpu.memory_space<hbm>> -> memref<10000x128xf32, #tpu.memory_space<hbm>>
      tpu.wait_indirect_dma semaphore(%arg12 : memref<!tpu.dma_semaphore, #tpu.memory_space<semaphore_mem>>) src(%dma_wait3A_67 : memref<10000x128xf32, #tpu.memory_space<hbm>>) dst(%dma_wait3A_61 : memref<128x128xf32, #tpu.memory_space<vmem>>)
      %mul3A_68 = arith.constant 128 : i32
      %mul3A_69 = arith.muli %while3A_41, %mul3A_68 : i32
      %add3A_70 = arith.addi %mul3A_31, %mul3A_69 : i32
      "tpu.region"() ({
        %run_scoped3A = tpu.sem_alloc : memref<!tpu.dma_semaphore, #tpu.memory_space<semaphore_mem>>
        %dma_start3A_71 = arith.constant 0 : i32
        %dma_start3A_72 = arith.constant 0 : i32
        %dma_start3A_73 = tpu.memref_slice %arg10[%rem3A_42, %dma_start3A_71, %dma_start3A_72] : memref<2x128x128xf32, #tpu.memory_space<vmem>> -> memref<1x128x128xf32, #tpu.memory_space<vmem>>
        %dma_start3A_74 = tpu.memref_squeeze %dma_start3A_73 : memref<1x128x128xf32, #tpu.memory_space<vmem>> -> memref<128x128xf32, #tpu.memory_space<vmem>>
        %dma_start3A_75 = arith.constant 0 : i32
        %dma_start3A_76 = tpu.memref_slice %arg6[%add3A_70, %dma_start3A_75] : memref<160000x128xf32, #tpu.memory_space<hbm>> -> memref<128x128xf32, #tpu.memory_space<hbm>>
        %dma_start3A_77 = arith.constant 0 : i32
        %dma_start3A_78 = tpu.memref_slice %arg6[%add3A_70, %dma_start3A_77] : memref<160000x128xf32, #tpu.memory_space<hbm>> -> memref<128x128xf32, #tpu.memory_space<hbm>>
        %dma_start3A_79 = arith.constant 0 : i32
        %dma_start3A_80 = arith.constant 0 : i32
        %dma_start3A_81 = tpu.memref_slice %arg10[%rem3A_42, %dma_start3A_79, %dma_start3A_80] : memref<2x128x128xf32, #tpu.memory_space<vmem>> -> memref<1x128x128xf32, #tpu.memory_space<vmem>>
        %dma_start3A_82 = tpu.memref_squeeze %dma_start3A_81 : memref<1x128x128xf32, #tpu.memory_space<vmem>> -> memref<128x128xf32, #tpu.memory_space<vmem>>
        tpu.enqueue_dma source(%dma_start3A_82 : memref<128x128xf32, #tpu.memory_space<vmem>>) target(%dma_start3A_78 : memref<128x128xf32, #tpu.memory_space<hbm>>) target_semaphore(%run_scoped3A : memref<!tpu.dma_semaphore, #tpu.memory_space<semaphore_mem>>)
        %dma_wait3A_83 = arith.constant 0 : i32
        %dma_wait3A_84 = arith.constant 0 : i32
        %dma_wait3A_85 = tpu.memref_slice %arg10[%rem3A_42, %dma_wait3A_83, %dma_wait3A_84] : memref<2x128x128xf32, #tpu.memory_space<vmem>> -> memref<1x128x128xf32, #tpu.memory_space<vmem>>
        %dma_wait3A_86 = tpu.memref_squeeze %dma_wait3A_85 : memref<1x128x128xf32, #tpu.memory_space<vmem>> -> memref<128x128xf32, #tpu.memory_space<vmem>>
        %dma_wait3A_87 = arith.constant 0 : i32
        %dma_wait3A_88 = tpu.memref_slice %arg6[%add3A_70, %dma_wait3A_87] : memref<160000x128xf32, #tpu.memory_space<hbm>> -> memref<128x128xf32, #tpu.memory_space<hbm>>
        %dma_wait3A_89 = arith.constant 0 : i32
        %dma_wait3A_90 = tpu.memref_slice %arg6[%add3A_70, %dma_wait3A_89] : memref<160000x128xf32, #tpu.memory_space<hbm>> -> memref<128x128xf32, #tpu.memory_space<hbm>>
        %dma_wait3A_91 = arith.constant 0 : i32
        %dma_wait3A_92 = arith.constant 0 : i32
        %dma_wait3A_93 = tpu.memref_slice %arg10[%rem3A_42, %dma_wait3A_91, %dma_wait3A_92] : memref<2x128x128xf32, #tpu.memory_space<vmem>> -> memref<1x128x128xf32, #tpu.memory_space<vmem>>
        %dma_wait3A_94 = tpu.memref_squeeze %dma_wait3A_93 : memref<1x128x128xf32, #tpu.memory_space<vmem>> -> memref<128x128xf32, #tpu.memory_space<vmem>>
        tpu.wait_dma2 semaphore(%run_scoped3A : memref<!tpu.dma_semaphore, #tpu.memory_space<semaphore_mem>>) src(%dma_wait3A_94 : memref<128x128xf32, #tpu.memory_space<vmem>>) dst(%dma_wait3A_90 : memref<128x128xf32, #tpu.memory_space<hbm>>)
        tpu.yield
      }) : () -> ()
    }
    %while3A_40 = arith.constant 1 : i32
    scf.for %while3A_41 = %while3A_38 to %while3A_34 step %while3A_40  : i32 {
      %rem3A = arith.constant 2 : i32
      %rem3A_42 = arith.remsi %while3A_41, %rem3A : i32
      %add3A_43 = arith.constant 1 : i32
      %add3A_44 = arith.addi %while3A_41, %add3A_43 : i32
      %lt3A = arith.cmpi slt, %add3A_44, %select_n3A : i32
      %convert_element_type3A = arith.extui %lt3A : i1 to i32
      %cond3A = arith.constant 0 : i32
      %cond3A_45 = arith.cmpi ne, %convert_element_type3A, %cond3A : i32
      scf.if %cond3A_45 {
        %add3A_71 = arith.constant 1 : i32
        %add3A_72 = arith.addi %while3A_41, %add3A_71 : i32
        %rem3A_73 = arith.constant 2 : i32
        %rem3A_74 = arith.remsi %add3A_72, %rem3A_73 : i32
        %add3A_75 = arith.constant 1 : i32
        %add3A_76 = arith.addi %while3A_41, %add3A_75 : i32
        %dma_start3A_77 = arith.constant 0 : i32
        %dma_start3A_78 = arith.constant 0 : i32
        %dma_start3A_79 = tpu.memref_slice %arg9[%rem3A_74, %dma_start3A_77, %dma_start3A_78] : memref<2x128x128xf32, #tpu.memory_space<vmem>> -> memref<1x128x128xf32, #tpu.memory_space<vmem>>
        %dma_start3A_80 = tpu.memref_squeeze %dma_start3A_79 : memref<1x128x128xf32, #tpu.memory_space<vmem>> -> memref<128x128xf32, #tpu.memory_space<vmem>>
        %dma_start3A_81 = arith.constant 0 : i32
        %dma_start3A_82 = tpu.memref_slice %arg7[%add3A_76, %dma_start3A_81] : memref<48x128xi32, #tpu.memory_space<vmem>> -> memref<1x128xi32, #tpu.memory_space<vmem>>
        %dma_start3A_83 = tpu.memref_squeeze %dma_start3A_82 : memref<1x128xi32, #tpu.memory_space<vmem>> -> memref<128xi32, #tpu.memory_space<vmem>>
        %dma_start3A_84 = arith.constant 0 : i32
        %dma_start3A_85 = arith.constant 0 : i32
        %dma_start3A_86 = tpu.memref_slice %arg2[%dma_start3A_84, %dma_start3A_85] : memref<10000x128xf32, #tpu.memory_space<hbm>> -> memref<10000x128xf32, #tpu.memory_space<hbm>>
        tpu.enqueue_indirect_dma source(%dma_start3A_86 : memref<10000x128xf32, #tpu.memory_space<hbm>>) target(%dma_start3A_80 : memref<128x128xf32, #tpu.memory_space<vmem>>) offsets(%dma_start3A_83 : memref<128xi32, #tpu.memory_space<vmem>>) semaphore(%arg11 : memref<!tpu.dma_semaphore, #tpu.memory_space<semaphore_mem>>)
        %add3A_87 = arith.constant 1 : i32
        %add3A_88 = arith.addi %while3A_41, %add3A_87 : i32
        %dma_start3A_89 = arith.constant 0 : i32
        %dma_start3A_90 = arith.constant 0 : i32
        %dma_start3A_91 = tpu.memref_slice %arg10[%rem3A_74, %dma_start3A_89, %dma_start3A_90] : memref<2x128x128xf32, #tpu.memory_space<vmem>> -> memref<1x128x128xf32, #tpu.memory_space<vmem>>
        %dma_start3A_92 = tpu.memref_squeeze %dma_start3A_91 : memref<1x128x128xf32, #tpu.memory_space<vmem>> -> memref<128x128xf32, #tpu.memory_space<vmem>>
        %dma_start3A_93 = arith.constant 0 : i32
        %dma_start3A_94 = tpu.memref_slice %arg8[%add3A_88, %dma_start3A_93] : memref<48x128xi32, #tpu.memory_space<vmem>> -> memref<1x128xi32, #tpu.memory_space<vmem>>
        %dma_start3A_95 = tpu.memref_squeeze %dma_start3A_94 : memref<1x128xi32, #tpu.memory_space<vmem>> -> memref<128xi32, #tpu.memory_space<vmem>>
        %dma_start3A_96 = arith.constant 0 : i32
        %dma_start3A_97 = arith.constant 0 : i32
        %dma_start3A_98 = tpu.memref_slice %arg2[%dma_start3A_96, %dma_start3A_97] : memref<10000x128xf32, #tpu.memory_space<hbm>> -> memref<10000x128xf32, #tpu.memory_space<hbm>>
        tpu.enqueue_indirect_dma source(%dma_start3A_98 : memref<10000x128xf32, #tpu.memory_space<hbm>>) target(%dma_start3A_92 : memref<128x128xf32, #tpu.memory_space<vmem>>) offsets(%dma_start3A_95 : memref<128xi32, #tpu.memory_space<vmem>>) semaphore(%arg12 : memref<!tpu.dma_semaphore, #tpu.memory_space<semaphore_mem>>)
      } else {
      }
      %dma_wait3A = arith.constant 0 : i32
      %dma_wait3A_46 = arith.constant 0 : i32
      %dma_wait3A_47 = tpu.memref_slice %arg9[%rem3A_42, %dma_wait3A, %dma_wait3A_46] : memref<2x128x128xf32, #tpu.memory_space<vmem>> -> memref<1x128x128xf32, #tpu.memory_space<vmem>>
      %dma_wait3A_48 = tpu.memref_squeeze %dma_wait3A_47 : memref<1x128x128xf32, #tpu.memory_space<vmem>> -> memref<128x128xf32, #tpu.memory_space<vmem>>
      %dma_wait3A_49 = arith.constant 0 : i32
      %dma_wait3A_50 = tpu.memref_slice %arg7[%while3A_41, %dma_wait3A_49] : memref<48x128xi32, #tpu.memory_space<vmem>> -> memref<1x128xi32, #tpu.memory_space<vmem>>
      %dma_wait3A_51 = tpu.memref_squeeze %dma_wait3A_50 : memref<1x128xi32, #tpu.memory_space<vmem>> -> memref<128xi32, #tpu.memory_space<vmem>>
      %dma_wait3A_52 = arith.constant 0 : i32
      %dma_wait3A_53 = arith.constant 0 : i32
      %dma_wait3A_54 = tpu.memref_slice %arg2[%dma_wait3A_52, %dma_wait3A_53] : memref<10000x128xf32, #tpu.memory_space<hbm>> -> memref<10000x128xf32, #tpu.memory_space<hbm>>
      tpu.wait_indirect_dma semaphore(%arg11 : memref<!tpu.dma_semaphore, #tpu.memory_space<semaphore_mem>>) src(%dma_wait3A_54 : memref<10000x128xf32, #tpu.memory_space<hbm>>) dst(%dma_wait3A_48 : memref<128x128xf32, #tpu.memory_space<vmem>>)
      %mul3A_55 = arith.constant 128 : i32
      %mul3A_56 = arith.muli %while3A_41, %mul3A_55 : i32
      %add3A_57 = arith.addi %mul3A_31, %mul3A_56 : i32
      "tpu.region"() ({
        %run_scoped3A = tpu.sem_alloc : memref<!tpu.dma_semaphore, #tpu.memory_space<semaphore_mem>>
        %dma_start3A_71 = arith.constant 0 : i32
        %dma_start3A_72 = arith.constant 0 : i32
        %dma_start3A_73 = tpu.memref_slice %arg9[%rem3A_42, %dma_start3A_71, %dma_start3A_72] : memref<2x128x128xf32, #tpu.memory_space<vmem>> -> memref<1x128x128xf32, #tpu.memory_space<vmem>>
        %dma_start3A_74 = tpu.memref_squeeze %dma_start3A_73 : memref<1x128x128xf32, #tpu.memory_space<vmem>> -> memref<128x128xf32, #tpu.memory_space<vmem>>
        %dma_start3A_75 = arith.constant 0 : i32
        %dma_start3A_76 = tpu.memref_slice %arg5[%add3A_57, %dma_start3A_75] : memref<160000x128xf32, #tpu.memory_space<hbm>> -> memref<128x128xf32, #tpu.memory_space<hbm>>
        %dma_start3A_77 = arith.constant 0 : i32
        %dma_start3A_78 = tpu.memref_slice %arg5[%add3A_57, %dma_start3A_77] : memref<160000x128xf32, #tpu.memory_space<hbm>> -> memref<128x128xf32, #tpu.memory_space<hbm>>
        %dma_start3A_79 = arith.constant 0 : i32
        %dma_start3A_80 = arith.constant 0 : i32
        %dma_start3A_81 = tpu.memref_slice %arg9[%rem3A_42, %dma_start3A_79, %dma_start3A_80] : memref<2x128x128xf32, #tpu.memory_space<vmem>> -> memref<1x128x128xf32, #tpu.memory_space<vmem>>
        %dma_start3A_82 = tpu.memref_squeeze %dma_start3A_81 : memref<1x128x128xf32, #tpu.memory_space<vmem>> -> memref<128x128xf32, #tpu.memory_space<vmem>>
        tpu.enqueue_dma source(%dma_start3A_82 : memref<128x128xf32, #tpu.memory_space<vmem>>) target(%dma_start3A_78 : memref<128x128xf32, #tpu.memory_space<hbm>>) target_semaphore(%run_scoped3A : memref<!tpu.dma_semaphore, #tpu.memory_space<semaphore_mem>>)
        %dma_wait3A_83 = arith.constant 0 : i32
        %dma_wait3A_84 = arith.constant 0 : i32
        %dma_wait3A_85 = tpu.memref_slice %arg9[%rem3A_42, %dma_wait3A_83, %dma_wait3A_84] : memref<2x128x128xf32, #tpu.memory_space<vmem>> -> memref<1x128x128xf32, #tpu.memory_space<vmem>>
        %dma_wait3A_86 = tpu.memref_squeeze %dma_wait3A_85 : memref<1x128x128xf32, #tpu.memory_space<vmem>> -> memref<128x128xf32, #tpu.memory_space<vmem>>
        %dma_wait3A_87 = arith.constant 0 : i32
        %dma_wait3A_88 = tpu.memref_slice %arg5[%add3A_57, %dma_wait3A_87] : memref<160000x128xf32, #tpu.memory_space<hbm>> -> memref<128x128xf32, #tpu.memory_space<hbm>>
        %dma_wait3A_89 = arith.constant 0 : i32
        %dma_wait3A_90 = tpu.memref_slice %arg5[%add3A_57, %dma_wait3A_89] : memref<160000x128xf32, #tpu.memory_space<hbm>> -> memref<128x128xf32, #tpu.memory_space<hbm>>
        %dma_wait3A_91 = arith.constant 0 : i32
        %dma_wait3A_92 = arith.constant 0 : i32
        %dma_wait3A_93 = tpu.memref_slice %arg9[%rem3A_42, %dma_wait3A_91, %dma_wait3A_92] : memref<2x128x128xf32, #tpu.memory_space<vmem>> -> memref<1x128x128xf32, #tpu.memory_space<vmem>>
        %dma_wait3A_94 = tpu.memref_squeeze %dma_wait3A_93 : memref<1x128x128xf32, #tpu.memory_space<vmem>> -> memref<128x128xf32, #tpu.memory_space<vmem>>
        tpu.wait_dma2 semaphore(%run_scoped3A : memref<!tpu.dma_semaphore, #tpu.memory_space<semaphore_mem>>) src(%dma_wait3A_94 : memref<128x128xf32, #tpu.memory_space<vmem>>) dst(%dma_wait3A_90 : memref<128x128xf32, #tpu.memory_space<hbm>>)
        tpu.yield
      }) : () -> ()
      %dma_wait3A_58 = arith.constant 0 : i32
      %dma_wait3A_59 = arith.constant 0 : i32
      %dma_wait3A_60 = tpu.memref_slice %arg10[%rem3A_42, %dma_wait3A_58, %dma_wait3A_59] : memref<2x128x128xf32, #tpu.memory_space<vmem>> -> memref<1x128x128xf32, #tpu.memory_space<vmem>>
      %dma_wait3A_61 = tpu.memref_squeeze %dma_wait3A_60 : memref<1x128x128xf32, #tpu.memory_space<vmem>> -> memref<128x128xf32, #tpu.memory_space<vmem>>
      %dma_wait3A_62 = arith.constant 0 : i32
      %dma_wait3A_63 = tpu.memref_slice %arg8[%while3A_41, %dma_wait3A_62] : memref<48x128xi32, #tpu.memory_space<vmem>> -> memref<1x128xi32, #tpu.memory_space<vmem>>
      %dma_wait3A_64 = tpu.memref_squeeze %dma_wait3A_63 : memref<1x128xi32, #tpu.memory_space<vmem>> -> memref<128xi32, #tpu.memory_space<vmem>>
      %dma_wait3A_65 = arith.constant 0 : i32
      %dma_wait3A_66 = arith.constant 0 : i32
      %dma_wait3A_67 = tpu.memref_slice %arg2[%dma_wait3A_65, %dma_wait3A_66] : memref<10000x128xf32, #tpu.memory_space<hbm>> -> memref<10000x128xf32, #tpu.memory_space<hbm>>
      tpu.wait_indirect_dma semaphore(%arg12 : memref<!tpu.dma_semaphore, #tpu.memory_space<semaphore_mem>>) src(%dma_wait3A_67 : memref<10000x128xf32, #tpu.memory_space<hbm>>) dst(%dma_wait3A_61 : memref<128x128xf32, #tpu.memory_space<vmem>>)
      %mul3A_68 = arith.constant 128 : i32
      %mul3A_69 = arith.muli %while3A_41, %mul3A_68 : i32
      %add3A_70 = arith.addi %mul3A_31, %mul3A_69 : i32
      "tpu.region"() ({
        %run_scoped3A = tpu.sem_alloc : memref<!tpu.dma_semaphore, #tpu.memory_space<semaphore_mem>>
        %dma_start3A_71 = arith.constant 0 : i32
        %dma_start3A_72 = arith.constant 0 : i32
        %dma_start3A_73 = tpu.memref_slice %arg10[%rem3A_42, %dma_start3A_71, %dma_start3A_72] : memref<2x128x128xf32, #tpu.memory_space<vmem>> -> memref<1x128x128xf32, #tpu.memory_space<vmem>>
        %dma_start3A_74 = tpu.memref_squeeze %dma_start3A_73 : memref<1x128x128xf32, #tpu.memory_space<vmem>> -> memref<128x128xf32, #tpu.memory_space<vmem>>
        %dma_start3A_75 = arith.constant 0 : i32
        %dma_start3A_76 = tpu.memref_slice %arg6[%add3A_70, %dma_start3A_75] : memref<160000x128xf32, #tpu.memory_space<hbm>> -> memref<128x128xf32, #tpu.memory_space<hbm>>
        %dma_start3A_77 = arith.constant 0 : i32
        %dma_start3A_78 = tpu.memref_slice %arg6[%add3A_70, %dma_start3A_77] : memref<160000x128xf32, #tpu.memory_space<hbm>> -> memref<128x128xf32, #tpu.memory_space<hbm>>
        %dma_start3A_79 = arith.constant 0 : i32
        %dma_start3A_80 = arith.constant 0 : i32
        %dma_start3A_81 = tpu.memref_slice %arg10[%rem3A_42, %dma_start3A_79, %dma_start3A_80] : memref<2x128x128xf32, #tpu.memory_space<vmem>> -> memref<1x128x128xf32, #tpu.memory_space<vmem>>
        %dma_start3A_82 = tpu.memref_squeeze %dma_start3A_81 : memref<1x128x128xf32, #tpu.memory_space<vmem>> -> memref<128x128xf32, #tpu.memory_space<vmem>>
        tpu.enqueue_dma source(%dma_start3A_82 : memref<128x128xf32, #tpu.memory_space<vmem>>) target(%dma_start3A_78 : memref<128x128xf32, #tpu.memory_space<hbm>>) target_semaphore(%run_scoped3A : memref<!tpu.dma_semaphore, #tpu.memory_space<semaphore_mem>>)
        %dma_wait3A_83 = arith.constant 0 : i32
        %dma_wait3A_84 = arith.constant 0 : i32
        %dma_wait3A_85 = tpu.memref_slice %arg10[%rem3A_42, %dma_wait3A_83, %dma_wait3A_84] : memref<2x128x128xf32, #tpu.memory_space<vmem>> -> memref<1x128x128xf32, #tpu.memory_space<vmem>>
        %dma_wait3A_86 = tpu.memref_squeeze %dma_wait3A_85 : memref<1x128x128xf32, #tpu.memory_space<vmem>> -> memref<128x128xf32, #tpu.memory_space<vmem>>
        %dma_wait3A_87 = arith.constant 0 : i32
        %dma_wait3A_88 = tpu.memref_slice %arg6[%add3A_70, %dma_wait3A_87] : memref<160000x128xf32, #tpu.memory_space<hbm>> -> memref<128x128xf32, #tpu.memory_space<hbm>>
        %dma_wait3A_89 = arith.constant 0 : i32
        %dma_wait3A_90 = tpu.memref_slice %arg6[%add3A_70, %dma_wait3A_89] : memref<160000x128xf32, #tpu.memory_space<hbm>> -> memref<128x128xf32, #tpu.memory_space<hbm>>
        %dma_wait3A_91 = arith.constant 0 : i32
        %dma_wait3A_92 = arith.constant 0 : i32
        %dma_wait3A_93 = tpu.memref_slice %arg10[%rem3A_42, %dma_wait3A_91, %dma_wait3A_92] : memref<2x128x128xf32, #tpu.memory_space<vmem>> -> memref<1x128x128xf32, #tpu.memory_space<vmem>>
        %dma_wait3A_94 = tpu.memref_squeeze %dma_wait3A_93 : memref<1x128x128xf32, #tpu.memory_space<vmem>> -> memref<128x128xf32, #tpu.memory_space<vmem>>
        tpu.wait_dma2 semaphore(%run_scoped3A : memref<!tpu.dma_semaphore, #tpu.memory_space<semaphore_mem>>) src(%dma_wait3A_94 : memref<128x128xf32, #tpu.memory_space<vmem>>) dst(%dma_wait3A_90 : memref<128x128xf32, #tpu.memory_space<hbm>>)
        tpu.yield
      }) : () -> ()
    }
    return
  }
}

#map = affine_map<(d0, d1) -> (0, 0)>
module attributes {stable_mosaic.version = 14 : i64} {
  func.func @_sc_gather_body(%arg0: i32, %arg1: i32, %arg2: memref<10000x128xf32, #tpu.memory_space<hbm>>, %arg3: memref<1536x128xi32, #tpu.memory_space<hbm>>, %arg4: memref<1536x128xi32, #tpu.memory_space<hbm>>, %arg5: memref<160000x128xf32, #tpu.memory_space<hbm>>, %arg6: memref<160000x128xf32, #tpu.memory_space<hbm>>, %arg7: memref<48x128xi32, #tpu.memory_space<vmem>>, %arg8: memref<48x128xi32, #tpu.memory_space<vmem>>, %arg9: memref<2x128x128xf32, #tpu.memory_space<vmem>>, %arg10: memref<2x128x128xf32, #tpu.memory_space<vmem>>, %arg11: memref<!tpu.dma_semaphore, #tpu.memory_space<semaphore_mem>>, %arg12: memref<!tpu.dma_semaphore, #tpu.memory_space<semaphore_mem>>) attributes {dimension_semantics = [#tpu.dimension_semantics<core_parallel>, #tpu.dimension_semantics<subcore_parallel>], iteration_bounds = array<i64: 2, 16>, scalar_prefetch = 0 : i64, scratch_operands = 6 : i64, tpu.core_type = #tpu.core_type<sc_vector_subcore>, window_params = [{transform_indices = #map}, {transform_indices = #map}, {transform_indices = #map}, {transform_indices = #map}, {transform_indices = #map}]} {
    %mul3A = arith.constant 2 : i32
    %mul3A_0 = arith.muli %arg1, %mul3A : i32
    %add3A = arith.addi %mul3A_0, %arg0 : i32
    %eq3A = arith.constant 31 : i32
    %eq3A_1 = arith.cmpi eq, %add3A, %eq3A : i32
    %jit3A = arith.constant 41 : i32
    %jit3A_2 = arith.constant 39 : i32
    %select_n3A = arith.select %eq3A_1, %jit3A, %jit3A_2 : i32
    %mul3A_3 = arith.constant 48 : i32
    %mul3A_4 = arith.muli %add3A, %mul3A_3 : i32
    "tpu.region"() ({
      %run_scoped3A = tpu.sem_alloc : memref<!tpu.dma_semaphore, #tpu.memory_space<semaphore_mem>>
      %dma_start3A_41 = arith.constant 0 : i32
      %dma_start3A_42 = tpu.memref_slice %arg3[%mul3A_4, %dma_start3A_41] : memref<1536x128xi32, #tpu.memory_space<hbm>> -> memref<48x128xi32, #tpu.memory_space<hbm>>
      %dma_start3A_43 = arith.constant 0 : i32
      %dma_start3A_44 = tpu.memref_slice %arg3[%mul3A_4, %dma_start3A_43] : memref<1536x128xi32, #tpu.memory_space<hbm>> -> memref<48x128xi32, #tpu.memory_space<hbm>>
      tpu.enqueue_dma source(%dma_start3A_44 : memref<48x128xi32, #tpu.memory_space<hbm>>) target(%arg7 : memref<48x128xi32, #tpu.memory_space<vmem>>) target_semaphore(%run_scoped3A : memref<!tpu.dma_semaphore, #tpu.memory_space<semaphore_mem>>)
      %dma_wait3A = arith.constant 0 : i32
      %dma_wait3A_45 = tpu.memref_slice %arg3[%mul3A_4, %dma_wait3A] : memref<1536x128xi32, #tpu.memory_space<hbm>> -> memref<48x128xi32, #tpu.memory_space<hbm>>
      %dma_wait3A_46 = arith.constant 0 : i32
      %dma_wait3A_47 = tpu.memref_slice %arg3[%mul3A_4, %dma_wait3A_46] : memref<1536x128xi32, #tpu.memory_space<hbm>> -> memref<48x128xi32, #tpu.memory_space<hbm>>
      tpu.wait_dma2 semaphore(%run_scoped3A : memref<!tpu.dma_semaphore, #tpu.memory_space<semaphore_mem>>) src(%dma_wait3A_47 : memref<48x128xi32, #tpu.memory_space<hbm>>) dst(%arg7 : memref<48x128xi32, #tpu.memory_space<vmem>>)
      tpu.yield
    }) : () -> ()
    %mul3A_5 = arith.constant 48 : i32
    %mul3A_6 = arith.muli %add3A, %mul3A_5 : i32
    "tpu.region"() ({
      %run_scoped3A = tpu.sem_alloc : memref<!tpu.dma_semaphore, #tpu.memory_space<semaphore_mem>>
      %dma_start3A_41 = arith.constant 0 : i32
      %dma_start3A_42 = tpu.memref_slice %arg4[%mul3A_6, %dma_start3A_41] : memref<1536x128xi32, #tpu.memory_space<hbm>> -> memref<48x128xi32, #tpu.memory_space<hbm>>
      %dma_start3A_43 = arith.constant 0 : i32
      %dma_start3A_44 = tpu.memref_slice %arg4[%mul3A_6, %dma_start3A_43] : memref<1536x128xi32, #tpu.memory_space<hbm>> -> memref<48x128xi32, #tpu.memory_space<hbm>>
      tpu.enqueue_dma source(%dma_start3A_44 : memref<48x128xi32, #tpu.memory_space<hbm>>) target(%arg8 : memref<48x128xi32, #tpu.memory_space<vmem>>) target_semaphore(%run_scoped3A : memref<!tpu.dma_semaphore, #tpu.memory_space<semaphore_mem>>)
      %dma_wait3A = arith.constant 0 : i32
      %dma_wait3A_45 = tpu.memref_slice %arg4[%mul3A_6, %dma_wait3A] : memref<1536x128xi32, #tpu.memory_space<hbm>> -> memref<48x128xi32, #tpu.memory_space<hbm>>
      %dma_wait3A_46 = arith.constant 0 : i32
      %dma_wait3A_47 = tpu.memref_slice %arg4[%mul3A_6, %dma_wait3A_46] : memref<1536x128xi32, #tpu.memory_space<hbm>> -> memref<48x128xi32, #tpu.memory_space<hbm>>
      tpu.wait_dma2 semaphore(%run_scoped3A : memref<!tpu.dma_semaphore, #tpu.memory_space<semaphore_mem>>) src(%dma_wait3A_47 : memref<48x128xi32, #tpu.memory_space<hbm>>) dst(%arg8 : memref<48x128xi32, #tpu.memory_space<vmem>>)
      tpu.yield
    }) : () -> ()
    %dma_start3A = arith.constant 0 : i32
    %dma_start3A_7 = arith.constant 0 : i32
    %dma_start3A_8 = arith.constant 0 : i32
    %dma_start3A_9 = arith.constant 0 : i32
    %dma_start3A_10 = tpu.memref_slice %arg9[%dma_start3A_7, %dma_start3A_8, %dma_start3A_9] : memref<2x128x128xf32, #tpu.memory_space<vmem>> -> memref<1x128x128xf32, #tpu.memory_space<vmem>>
    %dma_start3A_11 = tpu.memref_squeeze %dma_start3A_10 : memref<1x128x128xf32, #tpu.memory_space<vmem>> -> memref<128x128xf32, #tpu.memory_space<vmem>>
    %dma_start3A_12 = arith.constant 0 : i32
    %dma_start3A_13 = tpu.memref_slice %arg7[%dma_start3A, %dma_start3A_12] : memref<48x128xi32, #tpu.memory_space<vmem>> -> memref<1x128xi32, #tpu.memory_space<vmem>>
    %dma_start3A_14 = tpu.memref_squeeze %dma_start3A_13 : memref<1x128xi32, #tpu.memory_space<vmem>> -> memref<128xi32, #tpu.memory_space<vmem>>
    %dma_start3A_15 = arith.constant 0 : i32
    %dma_start3A_16 = arith.constant 0 : i32
    %dma_start3A_17 = tpu.memref_slice %arg2[%dma_start3A_15, %dma_start3A_16] : memref<10000x128xf32, #tpu.memory_space<hbm>> -> memref<10000x128xf32, #tpu.memory_space<hbm>>
    tpu.enqueue_indirect_dma source(%dma_start3A_17 : memref<10000x128xf32, #tpu.memory_space<hbm>>) target(%dma_start3A_11 : memref<128x128xf32, #tpu.memory_space<vmem>>) offsets(%dma_start3A_14 : memref<128xi32, #tpu.memory_space<vmem>>) semaphore(%arg11 : memref<!tpu.dma_semaphore, #tpu.memory_space<semaphore_mem>>)
    %dma_start3A_18 = arith.constant 0 : i32
    %dma_start3A_19 = arith.constant 0 : i32
    %dma_start3A_20 = arith.constant 0 : i32
    %dma_start3A_21 = arith.constant 0 : i32
    %dma_start3A_22 = tpu.memref_slice %arg10[%dma_start3A_19, %dma_start3A_20, %dma_start3A_21] : memref<2x128x128xf32, #tpu.memory_space<vmem>> -> memref<1x128x128xf32, #tpu.memory_space<vmem>>
    %dma_start3A_23 = tpu.memref_squeeze %dma_start3A_22 : memref<1x128x128xf32, #tpu.memory_space<vmem>> -> memref<128x128xf32, #tpu.memory_space<vmem>>
    %dma_start3A_24 = arith.constant 0 : i32
    %dma_start3A_25 = tpu.memref_slice %arg8[%dma_start3A_18, %dma_start3A_24] : memref<48x128xi32, #tpu.memory_space<vmem>> -> memref<1x128xi32, #tpu.memory_space<vmem>>
    %dma_start3A_26 = tpu.memref_squeeze %dma_start3A_25 : memref<1x128xi32, #tpu.memory_space<vmem>> -> memref<128xi32, #tpu.memory_space<vmem>>
    %dma_start3A_27 = arith.constant 0 : i32
    %dma_start3A_28 = arith.constant 0 : i32
    %dma_start3A_29 = tpu.memref_slice %arg2[%dma_start3A_27, %dma_start3A_28] : memref<10000x128xf32, #tpu.memory_space<hbm>> -> memref<10000x128xf32, #tpu.memory_space<hbm>>
    tpu.enqueue_indirect_dma source(%dma_start3A_29 : memref<10000x128xf32, #tpu.memory_space<hbm>>) target(%dma_start3A_23 : memref<128x128xf32, #tpu.memory_space<vmem>>) offsets(%dma_start3A_26 : memref<128xi32, #tpu.memory_space<vmem>>) semaphore(%arg12 : memref<!tpu.dma_semaphore, #tpu.memory_space<semaphore_mem>>)
    %mul3A_30 = arith.constant 4992 : i32
    %mul3A_31 = arith.muli %add3A, %mul3A_30 : i32
    %while3A = arith.constant 0 : i32
    %while3A_32 = arith.constant 0 : i32
    %while3A_33 = arith.subi %select_n3A, %while3A_32 : i32
    %while3A_34 = arith.addi %while3A_32, %while3A_33 : i32
    %while3A_35 = arith.constant 1 : i32
    %while3A_36 = arith.divsi %while3A_33, %while3A_35 : i32
    %while3A_37 = arith.muli %while3A_36, %while3A_35 : i32
    %while3A_38 = arith.addi %while3A_32, %while3A_37 : i32
    %while3A_39 = arith.constant 1 : i32
    scf.for %while3A_41 = %while3A_32 to %while3A_38 step %while3A_39  : i32 {
      %rem3A = arith.constant 2 : i32
      %rem3A_42 = arith.remsi %while3A_41, %rem3A : i32
      %add3A_43 = arith.constant 1 : i32
      %add3A_44 = arith.addi %while3A_41, %add3A_43 : i32
      %lt3A = arith.cmpi slt, %add3A_44, %select_n3A : i32
      %convert_element_type3A = arith.extui %lt3A : i1 to i32
      %cond3A = arith.constant 0 : i32
      %cond3A_45 = arith.cmpi ne, %convert_element_type3A, %cond3A : i32
      scf.if %cond3A_45 {
        %add3A_71 = arith.constant 1 : i32
        %add3A_72 = arith.addi %while3A_41, %add3A_71 : i32
        %rem3A_73 = arith.constant 2 : i32
        %rem3A_74 = arith.remsi %add3A_72, %rem3A_73 : i32
        %add3A_75 = arith.constant 1 : i32
        %add3A_76 = arith.addi %while3A_41, %add3A_75 : i32
        %dma_start3A_77 = arith.constant 0 : i32
        %dma_start3A_78 = arith.constant 0 : i32
        %dma_start3A_79 = tpu.memref_slice %arg9[%rem3A_74, %dma_start3A_77, %dma_start3A_78] : memref<2x128x128xf32, #tpu.memory_space<vmem>> -> memref<1x128x128xf32, #tpu.memory_space<vmem>>
        %dma_start3A_80 = tpu.memref_squeeze %dma_start3A_79 : memref<1x128x128xf32, #tpu.memory_space<vmem>> -> memref<128x128xf32, #tpu.memory_space<vmem>>
        %dma_start3A_81 = arith.constant 0 : i32
        %dma_start3A_82 = tpu.memref_slice %arg7[%add3A_76, %dma_start3A_81] : memref<48x128xi32, #tpu.memory_space<vmem>> -> memref<1x128xi32, #tpu.memory_space<vmem>>
        %dma_start3A_83 = tpu.memref_squeeze %dma_start3A_82 : memref<1x128xi32, #tpu.memory_space<vmem>> -> memref<128xi32, #tpu.memory_space<vmem>>
        %dma_start3A_84 = arith.constant 0 : i32
        %dma_start3A_85 = arith.constant 0 : i32
        %dma_start3A_86 = tpu.memref_slice %arg2[%dma_start3A_84, %dma_start3A_85] : memref<10000x128xf32, #tpu.memory_space<hbm>> -> memref<10000x128xf32, #tpu.memory_space<hbm>>
        tpu.enqueue_indirect_dma source(%dma_start3A_86 : memref<10000x128xf32, #tpu.memory_space<hbm>>) target(%dma_start3A_80 : memref<128x128xf32, #tpu.memory_space<vmem>>) offsets(%dma_start3A_83 : memref<128xi32, #tpu.memory_space<vmem>>) semaphore(%arg11 : memref<!tpu.dma_semaphore, #tpu.memory_space<semaphore_mem>>)
        %add3A_87 = arith.constant 1 : i32
        %add3A_88 = arith.addi %while3A_41, %add3A_87 : i32
        %dma_start3A_89 = arith.constant 0 : i32
        %dma_start3A_90 = arith.constant 0 : i32
        %dma_start3A_91 = tpu.memref_slice %arg10[%rem3A_74, %dma_start3A_89, %dma_start3A_90] : memref<2x128x128xf32, #tpu.memory_space<vmem>> -> memref<1x128x128xf32, #tpu.memory_space<vmem>>
        %dma_start3A_92 = tpu.memref_squeeze %dma_start3A_91 : memref<1x128x128xf32, #tpu.memory_space<vmem>> -> memref<128x128xf32, #tpu.memory_space<vmem>>
        %dma_start3A_93 = arith.constant 0 : i32
        %dma_start3A_94 = tpu.memref_slice %arg8[%add3A_88, %dma_start3A_93] : memref<48x128xi32, #tpu.memory_space<vmem>> -> memref<1x128xi32, #tpu.memory_space<vmem>>
        %dma_start3A_95 = tpu.memref_squeeze %dma_start3A_94 : memref<1x128xi32, #tpu.memory_space<vmem>> -> memref<128xi32, #tpu.memory_space<vmem>>
        %dma_start3A_96 = arith.constant 0 : i32
        %dma_start3A_97 = arith.constant 0 : i32
        %dma_start3A_98 = tpu.memref_slice %arg2[%dma_start3A_96, %dma_start3A_97] : memref<10000x128xf32, #tpu.memory_space<hbm>> -> memref<10000x128xf32, #tpu.memory_space<hbm>>
        tpu.enqueue_indirect_dma source(%dma_start3A_98 : memref<10000x128xf32, #tpu.memory_space<hbm>>) target(%dma_start3A_92 : memref<128x128xf32, #tpu.memory_space<vmem>>) offsets(%dma_start3A_95 : memref<128xi32, #tpu.memory_space<vmem>>) semaphore(%arg12 : memref<!tpu.dma_semaphore, #tpu.memory_space<semaphore_mem>>)
      } else {
      }
      %dma_wait3A = arith.constant 0 : i32
      %dma_wait3A_46 = arith.constant 0 : i32
      %dma_wait3A_47 = tpu.memref_slice %arg9[%rem3A_42, %dma_wait3A, %dma_wait3A_46] : memref<2x128x128xf32, #tpu.memory_space<vmem>> -> memref<1x128x128xf32, #tpu.memory_space<vmem>>
      %dma_wait3A_48 = tpu.memref_squeeze %dma_wait3A_47 : memref<1x128x128xf32, #tpu.memory_space<vmem>> -> memref<128x128xf32, #tpu.memory_space<vmem>>
      %dma_wait3A_49 = arith.constant 0 : i32
      %dma_wait3A_50 = tpu.memref_slice %arg7[%while3A_41, %dma_wait3A_49] : memref<48x128xi32, #tpu.memory_space<vmem>> -> memref<1x128xi32, #tpu.memory_space<vmem>>
      %dma_wait3A_51 = tpu.memref_squeeze %dma_wait3A_50 : memref<1x128xi32, #tpu.memory_space<vmem>> -> memref<128xi32, #tpu.memory_space<vmem>>
      %dma_wait3A_52 = arith.constant 0 : i32
      %dma_wait3A_53 = arith.constant 0 : i32
      %dma_wait3A_54 = tpu.memref_slice %arg2[%dma_wait3A_52, %dma_wait3A_53] : memref<10000x128xf32, #tpu.memory_space<hbm>> -> memref<10000x128xf32, #tpu.memory_space<hbm>>
      tpu.wait_indirect_dma semaphore(%arg11 : memref<!tpu.dma_semaphore, #tpu.memory_space<semaphore_mem>>) src(%dma_wait3A_54 : memref<10000x128xf32, #tpu.memory_space<hbm>>) dst(%dma_wait3A_48 : memref<128x128xf32, #tpu.memory_space<vmem>>)
      %mul3A_55 = arith.constant 128 : i32
      %mul3A_56 = arith.muli %while3A_41, %mul3A_55 : i32
      %add3A_57 = arith.addi %mul3A_31, %mul3A_56 : i32
      "tpu.region"() ({
        %run_scoped3A = tpu.sem_alloc : memref<!tpu.dma_semaphore, #tpu.memory_space<semaphore_mem>>
        %dma_start3A_71 = arith.constant 0 : i32
        %dma_start3A_72 = arith.constant 0 : i32
        %dma_start3A_73 = tpu.memref_slice %arg9[%rem3A_42, %dma_start3A_71, %dma_start3A_72] : memref<2x128x128xf32, #tpu.memory_space<vmem>> -> memref<1x128x128xf32, #tpu.memory_space<vmem>>
        %dma_start3A_74 = tpu.memref_squeeze %dma_start3A_73 : memref<1x128x128xf32, #tpu.memory_space<vmem>> -> memref<128x128xf32, #tpu.memory_space<vmem>>
        %dma_start3A_75 = arith.constant 0 : i32
        %dma_start3A_76 = tpu.memref_slice %arg5[%add3A_57, %dma_start3A_75] : memref<160000x128xf32, #tpu.memory_space<hbm>> -> memref<128x128xf32, #tpu.memory_space<hbm>>
        %dma_start3A_77 = arith.constant 0 : i32
        %dma_start3A_78 = tpu.memref_slice %arg5[%add3A_57, %dma_start3A_77] : memref<160000x128xf32, #tpu.memory_space<hbm>> -> memref<128x128xf32, #tpu.memory_space<hbm>>
        %dma_start3A_79 = arith.constant 0 : i32
        %dma_start3A_80 = arith.constant 0 : i32
        %dma_start3A_81 = tpu.memref_slice %arg9[%rem3A_42, %dma_start3A_79, %dma_start3A_80] : memref<2x128x128xf32, #tpu.memory_space<vmem>> -> memref<1x128x128xf32, #tpu.memory_space<vmem>>
        %dma_start3A_82 = tpu.memref_squeeze %dma_start3A_81 : memref<1x128x128xf32, #tpu.memory_space<vmem>> -> memref<128x128xf32, #tpu.memory_space<vmem>>
        tpu.enqueue_dma source(%dma_start3A_82 : memref<128x128xf32, #tpu.memory_space<vmem>>) target(%dma_start3A_78 : memref<128x128xf32, #tpu.memory_space<hbm>>) target_semaphore(%run_scoped3A : memref<!tpu.dma_semaphore, #tpu.memory_space<semaphore_mem>>)
        %dma_wait3A_83 = arith.constant 0 : i32
        %dma_wait3A_84 = arith.constant 0 : i32
        %dma_wait3A_85 = tpu.memref_slice %arg9[%rem3A_42, %dma_wait3A_83, %dma_wait3A_84] : memref<2x128x128xf32, #tpu.memory_space<vmem>> -> memref<1x128x128xf32, #tpu.memory_space<vmem>>
        %dma_wait3A_86 = tpu.memref_squeeze %dma_wait3A_85 : memref<1x128x128xf32, #tpu.memory_space<vmem>> -> memref<128x128xf32, #tpu.memory_space<vmem>>
        %dma_wait3A_87 = arith.constant 0 : i32
        %dma_wait3A_88 = tpu.memref_slice %arg5[%add3A_57, %dma_wait3A_87] : memref<160000x128xf32, #tpu.memory_space<hbm>> -> memref<128x128xf32, #tpu.memory_space<hbm>>
        %dma_wait3A_89 = arith.constant 0 : i32
        %dma_wait3A_90 = tpu.memref_slice %arg5[%add3A_57, %dma_wait3A_89] : memref<160000x128xf32, #tpu.memory_space<hbm>> -> memref<128x128xf32, #tpu.memory_space<hbm>>
        %dma_wait3A_91 = arith.constant 0 : i32
        %dma_wait3A_92 = arith.constant 0 : i32
        %dma_wait3A_93 = tpu.memref_slice %arg9[%rem3A_42, %dma_wait3A_91, %dma_wait3A_92] : memref<2x128x128xf32, #tpu.memory_space<vmem>> -> memref<1x128x128xf32, #tpu.memory_space<vmem>>
        %dma_wait3A_94 = tpu.memref_squeeze %dma_wait3A_93 : memref<1x128x128xf32, #tpu.memory_space<vmem>> -> memref<128x128xf32, #tpu.memory_space<vmem>>
        tpu.wait_dma2 semaphore(%run_scoped3A : memref<!tpu.dma_semaphore, #tpu.memory_space<semaphore_mem>>) src(%dma_wait3A_94 : memref<128x128xf32, #tpu.memory_space<vmem>>) dst(%dma_wait3A_90 : memref<128x128xf32, #tpu.memory_space<hbm>>)
        tpu.yield
      }) : () -> ()
      %dma_wait3A_58 = arith.constant 0 : i32
      %dma_wait3A_59 = arith.constant 0 : i32
      %dma_wait3A_60 = tpu.memref_slice %arg10[%rem3A_42, %dma_wait3A_58, %dma_wait3A_59] : memref<2x128x128xf32, #tpu.memory_space<vmem>> -> memref<1x128x128xf32, #tpu.memory_space<vmem>>
      %dma_wait3A_61 = tpu.memref_squeeze %dma_wait3A_60 : memref<1x128x128xf32, #tpu.memory_space<vmem>> -> memref<128x128xf32, #tpu.memory_space<vmem>>
      %dma_wait3A_62 = arith.constant 0 : i32
      %dma_wait3A_63 = tpu.memref_slice %arg8[%while3A_41, %dma_wait3A_62] : memref<48x128xi32, #tpu.memory_space<vmem>> -> memref<1x128xi32, #tpu.memory_space<vmem>>
      %dma_wait3A_64 = tpu.memref_squeeze %dma_wait3A_63 : memref<1x128xi32, #tpu.memory_space<vmem>> -> memref<128xi32, #tpu.memory_space<vmem>>
      %dma_wait3A_65 = arith.constant 0 : i32
      %dma_wait3A_66 = arith.constant 0 : i32
      %dma_wait3A_67 = tpu.memref_slice %arg2[%dma_wait3A_65, %dma_wait3A_66] : memref<10000x128xf32, #tpu.memory_space<hbm>> -> memref<10000x128xf32, #tpu.memory_space<hbm>>
      tpu.wait_indirect_dma semaphore(%arg12 : memref<!tpu.dma_semaphore, #tpu.memory_space<semaphore_mem>>) src(%dma_wait3A_67 : memref<10000x128xf32, #tpu.memory_space<hbm>>) dst(%dma_wait3A_61 : memref<128x128xf32, #tpu.memory_space<vmem>>)
      %mul3A_68 = arith.constant 128 : i32
      %mul3A_69 = arith.muli %while3A_41, %mul3A_68 : i32
      %add3A_70 = arith.addi %mul3A_31, %mul3A_69 : i32
      "tpu.region"() ({
        %run_scoped3A = tpu.sem_alloc : memref<!tpu.dma_semaphore, #tpu.memory_space<semaphore_mem>>
        %dma_start3A_71 = arith.constant 0 : i32
        %dma_start3A_72 = arith.constant 0 : i32
        %dma_start3A_73 = tpu.memref_slice %arg10[%rem3A_42, %dma_start3A_71, %dma_start3A_72] : memref<2x128x128xf32, #tpu.memory_space<vmem>> -> memref<1x128x128xf32, #tpu.memory_space<vmem>>
        %dma_start3A_74 = tpu.memref_squeeze %dma_start3A_73 : memref<1x128x128xf32, #tpu.memory_space<vmem>> -> memref<128x128xf32, #tpu.memory_space<vmem>>
        %dma_start3A_75 = arith.constant 0 : i32
        %dma_start3A_76 = tpu.memref_slice %arg6[%add3A_70, %dma_start3A_75] : memref<160000x128xf32, #tpu.memory_space<hbm>> -> memref<128x128xf32, #tpu.memory_space<hbm>>
        %dma_start3A_77 = arith.constant 0 : i32
        %dma_start3A_78 = tpu.memref_slice %arg6[%add3A_70, %dma_start3A_77] : memref<160000x128xf32, #tpu.memory_space<hbm>> -> memref<128x128xf32, #tpu.memory_space<hbm>>
        %dma_start3A_79 = arith.constant 0 : i32
        %dma_start3A_80 = arith.constant 0 : i32
        %dma_start3A_81 = tpu.memref_slice %arg10[%rem3A_42, %dma_start3A_79, %dma_start3A_80] : memref<2x128x128xf32, #tpu.memory_space<vmem>> -> memref<1x128x128xf32, #tpu.memory_space<vmem>>
        %dma_start3A_82 = tpu.memref_squeeze %dma_start3A_81 : memref<1x128x128xf32, #tpu.memory_space<vmem>> -> memref<128x128xf32, #tpu.memory_space<vmem>>
        tpu.enqueue_dma source(%dma_start3A_82 : memref<128x128xf32, #tpu.memory_space<vmem>>) target(%dma_start3A_78 : memref<128x128xf32, #tpu.memory_space<hbm>>) target_semaphore(%run_scoped3A : memref<!tpu.dma_semaphore, #tpu.memory_space<semaphore_mem>>)
        %dma_wait3A_83 = arith.constant 0 : i32
        %dma_wait3A_84 = arith.constant 0 : i32
        %dma_wait3A_85 = tpu.memref_slice %arg10[%rem3A_42, %dma_wait3A_83, %dma_wait3A_84] : memref<2x128x128xf32, #tpu.memory_space<vmem>> -> memref<1x128x128xf32, #tpu.memory_space<vmem>>
        %dma_wait3A_86 = tpu.memref_squeeze %dma_wait3A_85 : memref<1x128x128xf32, #tpu.memory_space<vmem>> -> memref<128x128xf32, #tpu.memory_space<vmem>>
        %dma_wait3A_87 = arith.constant 0 : i32
        %dma_wait3A_88 = tpu.memref_slice %arg6[%add3A_70, %dma_wait3A_87] : memref<160000x128xf32, #tpu.memory_space<hbm>> -> memref<128x128xf32, #tpu.memory_space<hbm>>
        %dma_wait3A_89 = arith.constant 0 : i32
        %dma_wait3A_90 = tpu.memref_slice %arg6[%add3A_70, %dma_wait3A_89] : memref<160000x128xf32, #tpu.memory_space<hbm>> -> memref<128x128xf32, #tpu.memory_space<hbm>>
        %dma_wait3A_91 = arith.constant 0 : i32
        %dma_wait3A_92 = arith.constant 0 : i32
        %dma_wait3A_93 = tpu.memref_slice %arg10[%rem3A_42, %dma_wait3A_91, %dma_wait3A_92] : memref<2x128x128xf32, #tpu.memory_space<vmem>> -> memref<1x128x128xf32, #tpu.memory_space<vmem>>
        %dma_wait3A_94 = tpu.memref_squeeze %dma_wait3A_93 : memref<1x128x128xf32, #tpu.memory_space<vmem>> -> memref<128x128xf32, #tpu.memory_space<vmem>>
        tpu.wait_dma2 semaphore(%run_scoped3A : memref<!tpu.dma_semaphore, #tpu.memory_space<semaphore_mem>>) src(%dma_wait3A_94 : memref<128x128xf32, #tpu.memory_space<vmem>>) dst(%dma_wait3A_90 : memref<128x128xf32, #tpu.memory_space<hbm>>)
        tpu.yield
      }) : () -> ()
    }
    %while3A_40 = arith.constant 1 : i32
    scf.for %while3A_41 = %while3A_38 to %while3A_34 step %while3A_40  : i32 {
      %rem3A = arith.constant 2 : i32
      %rem3A_42 = arith.remsi %while3A_41, %rem3A : i32
      %add3A_43 = arith.constant 1 : i32
      %add3A_44 = arith.addi %while3A_41, %add3A_43 : i32
      %lt3A = arith.cmpi slt, %add3A_44, %select_n3A : i32
      %convert_element_type3A = arith.extui %lt3A : i1 to i32
      %cond3A = arith.constant 0 : i32
      %cond3A_45 = arith.cmpi ne, %convert_element_type3A, %cond3A : i32
      scf.if %cond3A_45 {
        %add3A_71 = arith.constant 1 : i32
        %add3A_72 = arith.addi %while3A_41, %add3A_71 : i32
        %rem3A_73 = arith.constant 2 : i32
        %rem3A_74 = arith.remsi %add3A_72, %rem3A_73 : i32
        %add3A_75 = arith.constant 1 : i32
        %add3A_76 = arith.addi %while3A_41, %add3A_75 : i32
        %dma_start3A_77 = arith.constant 0 : i32
        %dma_start3A_78 = arith.constant 0 : i32
        %dma_start3A_79 = tpu.memref_slice %arg9[%rem3A_74, %dma_start3A_77, %dma_start3A_78] : memref<2x128x128xf32, #tpu.memory_space<vmem>> -> memref<1x128x128xf32, #tpu.memory_space<vmem>>
        %dma_start3A_80 = tpu.memref_squeeze %dma_start3A_79 : memref<1x128x128xf32, #tpu.memory_space<vmem>> -> memref<128x128xf32, #tpu.memory_space<vmem>>
        %dma_start3A_81 = arith.constant 0 : i32
        %dma_start3A_82 = tpu.memref_slice %arg7[%add3A_76, %dma_start3A_81] : memref<48x128xi32, #tpu.memory_space<vmem>> -> memref<1x128xi32, #tpu.memory_space<vmem>>
        %dma_start3A_83 = tpu.memref_squeeze %dma_start3A_82 : memref<1x128xi32, #tpu.memory_space<vmem>> -> memref<128xi32, #tpu.memory_space<vmem>>
        %dma_start3A_84 = arith.constant 0 : i32
        %dma_start3A_85 = arith.constant 0 : i32
        %dma_start3A_86 = tpu.memref_slice %arg2[%dma_start3A_84, %dma_start3A_85] : memref<10000x128xf32, #tpu.memory_space<hbm>> -> memref<10000x128xf32, #tpu.memory_space<hbm>>
        tpu.enqueue_indirect_dma source(%dma_start3A_86 : memref<10000x128xf32, #tpu.memory_space<hbm>>) target(%dma_start3A_80 : memref<128x128xf32, #tpu.memory_space<vmem>>) offsets(%dma_start3A_83 : memref<128xi32, #tpu.memory_space<vmem>>) semaphore(%arg11 : memref<!tpu.dma_semaphore, #tpu.memory_space<semaphore_mem>>)
        %add3A_87 = arith.constant 1 : i32
        %add3A_88 = arith.addi %while3A_41, %add3A_87 : i32
        %dma_start3A_89 = arith.constant 0 : i32
        %dma_start3A_90 = arith.constant 0 : i32
        %dma_start3A_91 = tpu.memref_slice %arg10[%rem3A_74, %dma_start3A_89, %dma_start3A_90] : memref<2x128x128xf32, #tpu.memory_space<vmem>> -> memref<1x128x128xf32, #tpu.memory_space<vmem>>
        %dma_start3A_92 = tpu.memref_squeeze %dma_start3A_91 : memref<1x128x128xf32, #tpu.memory_space<vmem>> -> memref<128x128xf32, #tpu.memory_space<vmem>>
        %dma_start3A_93 = arith.constant 0 : i32
        %dma_start3A_94 = tpu.memref_slice %arg8[%add3A_88, %dma_start3A_93] : memref<48x128xi32, #tpu.memory_space<vmem>> -> memref<1x128xi32, #tpu.memory_space<vmem>>
        %dma_start3A_95 = tpu.memref_squeeze %dma_start3A_94 : memref<1x128xi32, #tpu.memory_space<vmem>> -> memref<128xi32, #tpu.memory_space<vmem>>
        %dma_start3A_96 = arith.constant 0 : i32
        %dma_start3A_97 = arith.constant 0 : i32
        %dma_start3A_98 = tpu.memref_slice %arg2[%dma_start3A_96, %dma_start3A_97] : memref<10000x128xf32, #tpu.memory_space<hbm>> -> memref<10000x128xf32, #tpu.memory_space<hbm>>
        tpu.enqueue_indirect_dma source(%dma_start3A_98 : memref<10000x128xf32, #tpu.memory_space<hbm>>) target(%dma_start3A_92 : memref<128x128xf32, #tpu.memory_space<vmem>>) offsets(%dma_start3A_95 : memref<128xi32, #tpu.memory_space<vmem>>) semaphore(%arg12 : memref<!tpu.dma_semaphore, #tpu.memory_space<semaphore_mem>>)
      } else {
      }
      %dma_wait3A = arith.constant 0 : i32
      %dma_wait3A_46 = arith.constant 0 : i32
      %dma_wait3A_47 = tpu.memref_slice %arg9[%rem3A_42, %dma_wait3A, %dma_wait3A_46] : memref<2x128x128xf32, #tpu.memory_space<vmem>> -> memref<1x128x128xf32, #tpu.memory_space<vmem>>
      %dma_wait3A_48 = tpu.memref_squeeze %dma_wait3A_47 : memref<1x128x128xf32, #tpu.memory_space<vmem>> -> memref<128x128xf32, #tpu.memory_space<vmem>>
      %dma_wait3A_49 = arith.constant 0 : i32
      %dma_wait3A_50 = tpu.memref_slice %arg7[%while3A_41, %dma_wait3A_49] : memref<48x128xi32, #tpu.memory_space<vmem>> -> memref<1x128xi32, #tpu.memory_space<vmem>>
      %dma_wait3A_51 = tpu.memref_squeeze %dma_wait3A_50 : memref<1x128xi32, #tpu.memory_space<vmem>> -> memref<128xi32, #tpu.memory_space<vmem>>
      %dma_wait3A_52 = arith.constant 0 : i32
      %dma_wait3A_53 = arith.constant 0 : i32
      %dma_wait3A_54 = tpu.memref_slice %arg2[%dma_wait3A_52, %dma_wait3A_53] : memref<10000x128xf32, #tpu.memory_space<hbm>> -> memref<10000x128xf32, #tpu.memory_space<hbm>>
      tpu.wait_indirect_dma semaphore(%arg11 : memref<!tpu.dma_semaphore, #tpu.memory_space<semaphore_mem>>) src(%dma_wait3A_54 : memref<10000x128xf32, #tpu.memory_space<hbm>>) dst(%dma_wait3A_48 : memref<128x128xf32, #tpu.memory_space<vmem>>)
      %mul3A_55 = arith.constant 128 : i32
      %mul3A_56 = arith.muli %while3A_41, %mul3A_55 : i32
      %add3A_57 = arith.addi %mul3A_31, %mul3A_56 : i32
      "tpu.region"() ({
        %run_scoped3A = tpu.sem_alloc : memref<!tpu.dma_semaphore, #tpu.memory_space<semaphore_mem>>
        %dma_start3A_71 = arith.constant 0 : i32
        %dma_start3A_72 = arith.constant 0 : i32
        %dma_start3A_73 = tpu.memref_slice %arg9[%rem3A_42, %dma_start3A_71, %dma_start3A_72] : memref<2x128x128xf32, #tpu.memory_space<vmem>> -> memref<1x128x128xf32, #tpu.memory_space<vmem>>
        %dma_start3A_74 = tpu.memref_squeeze %dma_start3A_73 : memref<1x128x128xf32, #tpu.memory_space<vmem>> -> memref<128x128xf32, #tpu.memory_space<vmem>>
        %dma_start3A_75 = arith.constant 0 : i32
        %dma_start3A_76 = tpu.memref_slice %arg5[%add3A_57, %dma_start3A_75] : memref<160000x128xf32, #tpu.memory_space<hbm>> -> memref<128x128xf32, #tpu.memory_space<hbm>>
        %dma_start3A_77 = arith.constant 0 : i32
        %dma_start3A_78 = tpu.memref_slice %arg5[%add3A_57, %dma_start3A_77] : memref<160000x128xf32, #tpu.memory_space<hbm>> -> memref<128x128xf32, #tpu.memory_space<hbm>>
        %dma_start3A_79 = arith.constant 0 : i32
        %dma_start3A_80 = arith.constant 0 : i32
        %dma_start3A_81 = tpu.memref_slice %arg9[%rem3A_42, %dma_start3A_79, %dma_start3A_80] : memref<2x128x128xf32, #tpu.memory_space<vmem>> -> memref<1x128x128xf32, #tpu.memory_space<vmem>>
        %dma_start3A_82 = tpu.memref_squeeze %dma_start3A_81 : memref<1x128x128xf32, #tpu.memory_space<vmem>> -> memref<128x128xf32, #tpu.memory_space<vmem>>
        tpu.enqueue_dma source(%dma_start3A_82 : memref<128x128xf32, #tpu.memory_space<vmem>>) target(%dma_start3A_78 : memref<128x128xf32, #tpu.memory_space<hbm>>) target_semaphore(%run_scoped3A : memref<!tpu.dma_semaphore, #tpu.memory_space<semaphore_mem>>)
        %dma_wait3A_83 = arith.constant 0 : i32
        %dma_wait3A_84 = arith.constant 0 : i32
        %dma_wait3A_85 = tpu.memref_slice %arg9[%rem3A_42, %dma_wait3A_83, %dma_wait3A_84] : memref<2x128x128xf32, #tpu.memory_space<vmem>> -> memref<1x128x128xf32, #tpu.memory_space<vmem>>
        %dma_wait3A_86 = tpu.memref_squeeze %dma_wait3A_85 : memref<1x128x128xf32, #tpu.memory_space<vmem>> -> memref<128x128xf32, #tpu.memory_space<vmem>>
        %dma_wait3A_87 = arith.constant 0 : i32
        %dma_wait3A_88 = tpu.memref_slice %arg5[%add3A_57, %dma_wait3A_87] : memref<160000x128xf32, #tpu.memory_space<hbm>> -> memref<128x128xf32, #tpu.memory_space<hbm>>
        %dma_wait3A_89 = arith.constant 0 : i32
        %dma_wait3A_90 = tpu.memref_slice %arg5[%add3A_57, %dma_wait3A_89] : memref<160000x128xf32, #tpu.memory_space<hbm>> -> memref<128x128xf32, #tpu.memory_space<hbm>>
        %dma_wait3A_91 = arith.constant 0 : i32
        %dma_wait3A_92 = arith.constant 0 : i32
        %dma_wait3A_93 = tpu.memref_slice %arg9[%rem3A_42, %dma_wait3A_91, %dma_wait3A_92] : memref<2x128x128xf32, #tpu.memory_space<vmem>> -> memref<1x128x128xf32, #tpu.memory_space<vmem>>
        %dma_wait3A_94 = tpu.memref_squeeze %dma_wait3A_93 : memref<1x128x128xf32, #tpu.memory_space<vmem>> -> memref<128x128xf32, #tpu.memory_space<vmem>>
        tpu.wait_dma2 semaphore(%run_scoped3A : memref<!tpu.dma_semaphore, #tpu.memory_space<semaphore_mem>>) src(%dma_wait3A_94 : memref<128x128xf32, #tpu.memory_space<vmem>>) dst(%dma_wait3A_90 : memref<128x128xf32, #tpu.memory_space<hbm>>)
        tpu.yield
      }) : () -> ()
      %dma_wait3A_58 = arith.constant 0 : i32
      %dma_wait3A_59 = arith.constant 0 : i32
      %dma_wait3A_60 = tpu.memref_slice %arg10[%rem3A_42, %dma_wait3A_58, %dma_wait3A_59] : memref<2x128x128xf32, #tpu.memory_space<vmem>> -> memref<1x128x128xf32, #tpu.memory_space<vmem>>
      %dma_wait3A_61 = tpu.memref_squeeze %dma_wait3A_60 : memref<1x128x128xf32, #tpu.memory_space<vmem>> -> memref<128x128xf32, #tpu.memory_space<vmem>>
      %dma_wait3A_62 = arith.constant 0 : i32
      %dma_wait3A_63 = tpu.memref_slice %arg8[%while3A_41, %dma_wait3A_62] : memref<48x128xi32, #tpu.memory_space<vmem>> -> memref<1x128xi32, #tpu.memory_space<vmem>>
      %dma_wait3A_64 = tpu.memref_squeeze %dma_wait3A_63 : memref<1x128xi32, #tpu.memory_space<vmem>> -> memref<128xi32, #tpu.memory_space<vmem>>
      %dma_wait3A_65 = arith.constant 0 : i32
      %dma_wait3A_66 = arith.constant 0 : i32
      %dma_wait3A_67 = tpu.memref_slice %arg2[%dma_wait3A_65, %dma_wait3A_66] : memref<10000x128xf32, #tpu.memory_space<hbm>> -> memref<10000x128xf32, #tpu.memory_space<hbm>>
      tpu.wait_indirect_dma semaphore(%arg12 : memref<!tpu.dma_semaphore, #tpu.memory_space<semaphore_mem>>) src(%dma_wait3A_67 : memref<10000x128xf32, #tpu.memory_space<hbm>>) dst(%dma_wait3A_61 : memref<128x128xf32, #tpu.memory_space<vmem>>)
      %mul3A_68 = arith.constant 128 : i32
      %mul3A_69 = arith.muli %while3A_41, %mul3A_68 : i32
      %add3A_70 = arith.addi %mul3A_31, %mul3A_69 : i32
      "tpu.region"() ({
        %run_scoped3A = tpu.sem_alloc : memref<!tpu.dma_semaphore, #tpu.memory_space<semaphore_mem>>
        %dma_start3A_71 = arith.constant 0 : i32
        %dma_start3A_72 = arith.constant 0 : i32
        %dma_start3A_73 = tpu.memref_slice %arg10[%rem3A_42, %dma_start3A_71, %dma_start3A_72] : memref<2x128x128xf32, #tpu.memory_space<vmem>> -> memref<1x128x128xf32, #tpu.memory_space<vmem>>
        %dma_start3A_74 = tpu.memref_squeeze %dma_start3A_73 : memref<1x128x128xf32, #tpu.memory_space<vmem>> -> memref<128x128xf32, #tpu.memory_space<vmem>>
        %dma_start3A_75 = arith.constant 0 : i32
        %dma_start3A_76 = tpu.memref_slice %arg6[%add3A_70, %dma_start3A_75] : memref<160000x128xf32, #tpu.memory_space<hbm>> -> memref<128x128xf32, #tpu.memory_space<hbm>>
        %dma_start3A_77 = arith.constant 0 : i32
        %dma_start3A_78 = tpu.memref_slice %arg6[%add3A_70, %dma_start3A_77] : memref<160000x128xf32, #tpu.memory_space<hbm>> -> memref<128x128xf32, #tpu.memory_space<hbm>>
        %dma_start3A_79 = arith.constant 0 : i32
        %dma_start3A_80 = arith.constant 0 : i32
        %dma_start3A_81 = tpu.memref_slice %arg10[%rem3A_42, %dma_start3A_79, %dma_start3A_80] : memref<2x128x128xf32, #tpu.memory_space<vmem>> -> memref<1x128x128xf32, #tpu.memory_space<vmem>>
        %dma_start3A_82 = tpu.memref_squeeze %dma_start3A_81 : memref<1x128x128xf32, #tpu.memory_space<vmem>> -> memref<128x128xf32, #tpu.memory_space<vmem>>
        tpu.enqueue_dma source(%dma_start3A_82 : memref<128x128xf32, #tpu.memory_space<vmem>>) target(%dma_start3A_78 : memref<128x128xf32, #tpu.memory_space<hbm>>) target_semaphore(%run_scoped3A : memref<!tpu.dma_semaphore, #tpu.memory_space<semaphore_mem>>)
        %dma_wait3A_83 = arith.constant 0 : i32
        %dma_wait3A_84 = arith.constant 0 : i32
        %dma_wait3A_85 = tpu.memref_slice %arg10[%rem3A_42, %dma_wait3A_83, %dma_wait3A_84] : memref<2x128x128xf32, #tpu.memory_space<vmem>> -> memref<1x128x128xf32, #tpu.memory_space<vmem>>
        %dma_wait3A_86 = tpu.memref_squeeze %dma_wait3A_85 : memref<1x128x128xf32, #tpu.memory_space<vmem>> -> memref<128x128xf32, #tpu.memory_space<vmem>>
        %dma_wait3A_87 = arith.constant 0 : i32
        %dma_wait3A_88 = tpu.memref_slice %arg6[%add3A_70, %dma_wait3A_87] : memref<160000x128xf32, #tpu.memory_space<hbm>> -> memref<128x128xf32, #tpu.memory_space<hbm>>
        %dma_wait3A_89 = arith.constant 0 : i32
        %dma_wait3A_90 = tpu.memref_slice %arg6[%add3A_70, %dma_wait3A_89] : memref<160000x128xf32, #tpu.memory_space<hbm>> -> memref<128x128xf32, #tpu.memory_space<hbm>>
        %dma_wait3A_91 = arith.constant 0 : i32
        %dma_wait3A_92 = arith.constant 0 : i32
        %dma_wait3A_93 = tpu.memref_slice %arg10[%rem3A_42, %dma_wait3A_91, %dma_wait3A_92] : memref<2x128x128xf32, #tpu.memory_space<vmem>> -> memref<1x128x128xf32, #tpu.memory_space<vmem>>
        %dma_wait3A_94 = tpu.memref_squeeze %dma_wait3A_93 : memref<1x128x128xf32, #tpu.memory_space<vmem>> -> memref<128x128xf32, #tpu.memory_space<vmem>>
        tpu.wait_dma2 semaphore(%run_scoped3A : memref<!tpu.dma_semaphore, #tpu.memory_space<semaphore_mem>>) src(%dma_wait3A_94 : memref<128x128xf32, #tpu.memory_space<vmem>>) dst(%dma_wait3A_90 : memref<128x128xf32, #tpu.memory_space<hbm>>)
        tpu.yield
      }) : () -> ()
    }
    return
  }
}

#map = affine_map<(d0, d1) -> (0, 0)>
module attributes {stable_mosaic.version = 14 : i64} {
  func.func @_sc_scatter_body(%arg0: i32, %arg1: i32, %arg2: memref<10000x128xf32, #tpu.memory_space<hbm>>, %arg3: memref<10000x128xf32, #tpu.memory_space<hbm>>, %arg4: memref<1536x128xi32, #tpu.memory_space<hbm>>, %arg5: memref<160000x128xf32, #tpu.memory_space<hbm>>, %arg6: memref<10000x128xf32, #tpu.memory_space<hbm>>, %arg7: memref<10000x128xf32, #tpu.memory_space<hbm>>, %arg8: memref<48x128xi32, #tpu.memory_space<vmem>>, %arg9: memref<2x128x128xf32, #tpu.memory_space<vmem>>, %arg10: memref<10000x128xf32, #tpu.memory_space<vmem_shared>>, %arg11: memref<!tpu.dma_semaphore, #tpu.memory_space<semaphore_mem>>) attributes {dimension_semantics = [#tpu.dimension_semantics<core_parallel>, #tpu.dimension_semantics<subcore_parallel>], iteration_bounds = array<i64: 2, 16>, scalar_prefetch = 0 : i64, scratch_operands = 4 : i64, tpu.core_type = #tpu.core_type<sc_vector_subcore>, window_params = [{transform_indices = #map}, {transform_indices = #map}, {transform_indices = #map}, {transform_indices = #map}, {transform_indices = #map}, {transform_indices = #map}]} {
    %mul3A = arith.constant 2 : i32
    %mul3A_0 = arith.muli %arg1, %mul3A : i32
    %add3A = arith.addi %mul3A_0, %arg0 : i32
    %mul3A_1 = arith.constant 624 : i32
    %mul3A_2 = arith.muli %arg1, %mul3A_1 : i32
    %eq3A = arith.constant 0 : i32
    %eq3A_3 = arith.cmpi eq, %arg0, %eq3A : i32
    %convert_element_type3A = arith.extui %eq3A_3 : i1 to i32
    %cond3A = arith.constant 0 : i32
    %cond3A_4 = arith.cmpi ne, %convert_element_type3A, %cond3A : i32
    scf.if %cond3A_4 {
      "tpu.region"() ({
        %run_scoped3A = tpu.sem_alloc : memref<!tpu.dma_semaphore, #tpu.memory_space<semaphore_mem>>
        %dma_start3A_54 = arith.constant 0 : i32
        %dma_start3A_55 = tpu.memref_slice %arg10[%mul3A_2, %dma_start3A_54] : memref<10000x128xf32, #tpu.memory_space<vmem_shared>> -> memref<624x128xf32, #tpu.memory_space<vmem_shared>>
        %dma_start3A_56 = arith.constant 0 : i32
        %dma_start3A_57 = tpu.memref_slice %arg2[%mul3A_2, %dma_start3A_56] : memref<10000x128xf32, #tpu.memory_space<hbm>> -> memref<624x128xf32, #tpu.memory_space<hbm>>
        tpu.enqueue_dma source(%dma_start3A_57 : memref<624x128xf32, #tpu.memory_space<hbm>>) target(%dma_start3A_55 : memref<624x128xf32, #tpu.memory_space<vmem_shared>>) target_semaphore(%run_scoped3A : memref<!tpu.dma_semaphore, #tpu.memory_space<semaphore_mem>>)
        %dma_wait3A = arith.constant 0 : i32
        %dma_wait3A_58 = tpu.memref_slice %arg10[%mul3A_2, %dma_wait3A] : memref<10000x128xf32, #tpu.memory_space<vmem_shared>> -> memref<624x128xf32, #tpu.memory_space<vmem_shared>>
        %dma_wait3A_59 = arith.constant 0 : i32
        %dma_wait3A_60 = tpu.memref_slice %arg2[%mul3A_2, %dma_wait3A_59] : memref<10000x128xf32, #tpu.memory_space<hbm>> -> memref<624x128xf32, #tpu.memory_space<hbm>>
        tpu.wait_dma2 semaphore(%run_scoped3A : memref<!tpu.dma_semaphore, #tpu.memory_space<semaphore_mem>>) src(%dma_wait3A_60 : memref<624x128xf32, #tpu.memory_space<hbm>>) dst(%dma_wait3A_58 : memref<624x128xf32, #tpu.memory_space<vmem_shared>>)
        tpu.yield
      }) : () -> ()
      %eq3A_49 = arith.constant 15 : i32
      %eq3A_50 = arith.cmpi eq, %arg1, %eq3A_49 : i32
      %convert_element_type3A_51 = arith.extui %eq3A_50 : i1 to i32
      %cond3A_52 = arith.constant 0 : i32
      %cond3A_53 = arith.cmpi ne, %convert_element_type3A_51, %cond3A_52 : i32
      scf.if %cond3A_53 {
        "tpu.region"() ({
          %run_scoped3A = tpu.sem_alloc : memref<!tpu.dma_semaphore, #tpu.memory_space<semaphore_mem>>
          %dma_start3A_54 = arith.constant 9984 : i32
          %dma_start3A_55 = arith.constant 0 : i32
          %dma_start3A_56 = tpu.memref_slice %arg10[%dma_start3A_54, %dma_start3A_55] : memref<10000x128xf32, #tpu.memory_space<vmem_shared>> -> memref<16x128xf32, #tpu.memory_space<vmem_shared>>
          %dma_start3A_57 = arith.constant 9984 : i32
          %dma_start3A_58 = arith.constant 0 : i32
          %dma_start3A_59 = tpu.memref_slice %arg2[%dma_start3A_57, %dma_start3A_58] : memref<10000x128xf32, #tpu.memory_space<hbm>> -> memref<16x128xf32, #tpu.memory_space<hbm>>
          tpu.enqueue_dma source(%dma_start3A_59 : memref<16x128xf32, #tpu.memory_space<hbm>>) target(%dma_start3A_56 : memref<16x128xf32, #tpu.memory_space<vmem_shared>>) target_semaphore(%run_scoped3A : memref<!tpu.dma_semaphore, #tpu.memory_space<semaphore_mem>>)
          %dma_wait3A = arith.constant 9984 : i32
          %dma_wait3A_60 = arith.constant 0 : i32
          %dma_wait3A_61 = tpu.memref_slice %arg10[%dma_wait3A, %dma_wait3A_60] : memref<10000x128xf32, #tpu.memory_space<vmem_shared>> -> memref<16x128xf32, #tpu.memory_space<vmem_shared>>
          %dma_wait3A_62 = arith.constant 9984 : i32
          %dma_wait3A_63 = arith.constant 0 : i32
          %dma_wait3A_64 = tpu.memref_slice %arg2[%dma_wait3A_62, %dma_wait3A_63] : memref<10000x128xf32, #tpu.memory_space<hbm>> -> memref<16x128xf32, #tpu.memory_space<hbm>>
          tpu.wait_dma2 semaphore(%run_scoped3A : memref<!tpu.dma_semaphore, #tpu.memory_space<semaphore_mem>>) src(%dma_wait3A_64 : memref<16x128xf32, #tpu.memory_space<hbm>>) dst(%dma_wait3A_61 : memref<16x128xf32, #tpu.memory_space<vmem_shared>>)
          tpu.yield
        }) : () -> ()
      } else {
      }
    } else {
    }
    %eq3A_5 = arith.constant 1 : i32
    %eq3A_6 = arith.cmpi eq, %arg0, %eq3A_5 : i32
    %convert_element_type3A_7 = arith.extui %eq3A_6 : i1 to i32
    %cond3A_8 = arith.constant 0 : i32
    %cond3A_9 = arith.cmpi ne, %convert_element_type3A_7, %cond3A_8 : i32
    scf.if %cond3A_9 {
      "tpu.region"() ({
        %run_scoped3A = tpu.sem_alloc : memref<!tpu.dma_semaphore, #tpu.memory_space<semaphore_mem>>
        %dma_start3A_54 = arith.constant 0 : i32
        %dma_start3A_55 = tpu.memref_slice %arg10[%mul3A_2, %dma_start3A_54] : memref<10000x128xf32, #tpu.memory_space<vmem_shared>> -> memref<624x128xf32, #tpu.memory_space<vmem_shared>>
        %dma_start3A_56 = arith.constant 0 : i32
        %dma_start3A_57 = tpu.memref_slice %arg3[%mul3A_2, %dma_start3A_56] : memref<10000x128xf32, #tpu.memory_space<hbm>> -> memref<624x128xf32, #tpu.memory_space<hbm>>
        tpu.enqueue_dma source(%dma_start3A_57 : memref<624x128xf32, #tpu.memory_space<hbm>>) target(%dma_start3A_55 : memref<624x128xf32, #tpu.memory_space<vmem_shared>>) target_semaphore(%run_scoped3A : memref<!tpu.dma_semaphore, #tpu.memory_space<semaphore_mem>>)
        %dma_wait3A = arith.constant 0 : i32
        %dma_wait3A_58 = tpu.memref_slice %arg10[%mul3A_2, %dma_wait3A] : memref<10000x128xf32, #tpu.memory_space<vmem_shared>> -> memref<624x128xf32, #tpu.memory_space<vmem_shared>>
        %dma_wait3A_59 = arith.constant 0 : i32
        %dma_wait3A_60 = tpu.memref_slice %arg3[%mul3A_2, %dma_wait3A_59] : memref<10000x128xf32, #tpu.memory_space<hbm>> -> memref<624x128xf32, #tpu.memory_space<hbm>>
        tpu.wait_dma2 semaphore(%run_scoped3A : memref<!tpu.dma_semaphore, #tpu.memory_space<semaphore_mem>>) src(%dma_wait3A_60 : memref<624x128xf32, #tpu.memory_space<hbm>>) dst(%dma_wait3A_58 : memref<624x128xf32, #tpu.memory_space<vmem_shared>>)
        tpu.yield
      }) : () -> ()
      %eq3A_49 = arith.constant 15 : i32
      %eq3A_50 = arith.cmpi eq, %arg1, %eq3A_49 : i32
      %convert_element_type3A_51 = arith.extui %eq3A_50 : i1 to i32
      %cond3A_52 = arith.constant 0 : i32
      %cond3A_53 = arith.cmpi ne, %convert_element_type3A_51, %cond3A_52 : i32
      scf.if %cond3A_53 {
        "tpu.region"() ({
          %run_scoped3A = tpu.sem_alloc : memref<!tpu.dma_semaphore, #tpu.memory_space<semaphore_mem>>
          %dma_start3A_54 = arith.constant 9984 : i32
          %dma_start3A_55 = arith.constant 0 : i32
          %dma_start3A_56 = tpu.memref_slice %arg10[%dma_start3A_54, %dma_start3A_55] : memref<10000x128xf32, #tpu.memory_space<vmem_shared>> -> memref<16x128xf32, #tpu.memory_space<vmem_shared>>
          %dma_start3A_57 = arith.constant 9984 : i32
          %dma_start3A_58 = arith.constant 0 : i32
          %dma_start3A_59 = tpu.memref_slice %arg3[%dma_start3A_57, %dma_start3A_58] : memref<10000x128xf32, #tpu.memory_space<hbm>> -> memref<16x128xf32, #tpu.memory_space<hbm>>
          tpu.enqueue_dma source(%dma_start3A_59 : memref<16x128xf32, #tpu.memory_space<hbm>>) target(%dma_start3A_56 : memref<16x128xf32, #tpu.memory_space<vmem_shared>>) target_semaphore(%run_scoped3A : memref<!tpu.dma_semaphore, #tpu.memory_space<semaphore_mem>>)
          %dma_wait3A = arith.constant 9984 : i32
          %dma_wait3A_60 = arith.constant 0 : i32
          %dma_wait3A_61 = tpu.memref_slice %arg10[%dma_wait3A, %dma_wait3A_60] : memref<10000x128xf32, #tpu.memory_space<vmem_shared>> -> memref<16x128xf32, #tpu.memory_space<vmem_shared>>
          %dma_wait3A_62 = arith.constant 9984 : i32
          %dma_wait3A_63 = arith.constant 0 : i32
          %dma_wait3A_64 = tpu.memref_slice %arg3[%dma_wait3A_62, %dma_wait3A_63] : memref<10000x128xf32, #tpu.memory_space<hbm>> -> memref<16x128xf32, #tpu.memory_space<hbm>>
          tpu.wait_dma2 semaphore(%run_scoped3A : memref<!tpu.dma_semaphore, #tpu.memory_space<semaphore_mem>>) src(%dma_wait3A_64 : memref<16x128xf32, #tpu.memory_space<hbm>>) dst(%dma_wait3A_61 : memref<16x128xf32, #tpu.memory_space<vmem_shared>>)
          tpu.yield
        }) : () -> ()
      } else {
      }
    } else {
    }
    %mul3A_10 = arith.constant 48 : i32
    %mul3A_11 = arith.muli %add3A, %mul3A_10 : i32
    "tpu.region"() ({
      %run_scoped3A = tpu.sem_alloc : memref<!tpu.dma_semaphore, #tpu.memory_space<semaphore_mem>>
      %dma_start3A_49 = arith.constant 0 : i32
      %dma_start3A_50 = tpu.memref_slice %arg4[%mul3A_11, %dma_start3A_49] : memref<1536x128xi32, #tpu.memory_space<hbm>> -> memref<48x128xi32, #tpu.memory_space<hbm>>
      %dma_start3A_51 = arith.constant 0 : i32
      %dma_start3A_52 = tpu.memref_slice %arg4[%mul3A_11, %dma_start3A_51] : memref<1536x128xi32, #tpu.memory_space<hbm>> -> memref<48x128xi32, #tpu.memory_space<hbm>>
      tpu.enqueue_dma source(%dma_start3A_52 : memref<48x128xi32, #tpu.memory_space<hbm>>) target(%arg8 : memref<48x128xi32, #tpu.memory_space<vmem>>) target_semaphore(%run_scoped3A : memref<!tpu.dma_semaphore, #tpu.memory_space<semaphore_mem>>)
      %dma_wait3A = arith.constant 0 : i32
      %dma_wait3A_53 = tpu.memref_slice %arg4[%mul3A_11, %dma_wait3A] : memref<1536x128xi32, #tpu.memory_space<hbm>> -> memref<48x128xi32, #tpu.memory_space<hbm>>
      %dma_wait3A_54 = arith.constant 0 : i32
      %dma_wait3A_55 = tpu.memref_slice %arg4[%mul3A_11, %dma_wait3A_54] : memref<1536x128xi32, #tpu.memory_space<hbm>> -> memref<48x128xi32, #tpu.memory_space<hbm>>
      tpu.wait_dma2 semaphore(%run_scoped3A : memref<!tpu.dma_semaphore, #tpu.memory_space<semaphore_mem>>) src(%dma_wait3A_55 : memref<48x128xi32, #tpu.memory_space<hbm>>) dst(%arg8 : memref<48x128xi32, #tpu.memory_space<vmem>>)
      tpu.yield
    }) : () -> ()
    %eq3A_12 = arith.constant 31 : i32
    %eq3A_13 = arith.cmpi eq, %add3A, %eq3A_12 : i32
    %jit3A = arith.constant 41 : i32
    %jit3A_14 = arith.constant 39 : i32
    %select_n3A = arith.select %eq3A_13, %jit3A, %jit3A_14 : i32
    %mul3A_15 = arith.constant 4992 : i32
    %mul3A_16 = arith.muli %add3A, %mul3A_15 : i32
    %dma_start3A = arith.constant 0 : i32
    %dma_start3A_17 = arith.constant 0 : i32
    %dma_start3A_18 = arith.constant 0 : i32
    %dma_start3A_19 = tpu.memref_slice %arg9[%dma_start3A, %dma_start3A_17, %dma_start3A_18] : memref<2x128x128xf32, #tpu.memory_space<vmem>> -> memref<1x128x128xf32, #tpu.memory_space<vmem>>
    %dma_start3A_20 = tpu.memref_squeeze %dma_start3A_19 : memref<1x128x128xf32, #tpu.memory_space<vmem>> -> memref<128x128xf32, #tpu.memory_space<vmem>>
    %dma_start3A_21 = arith.constant 0 : i32
    %dma_start3A_22 = tpu.memref_slice %arg5[%mul3A_16, %dma_start3A_21] : memref<160000x128xf32, #tpu.memory_space<hbm>> -> memref<128x128xf32, #tpu.memory_space<hbm>>
    %dma_start3A_23 = arith.constant 0 : i32
    %dma_start3A_24 = arith.constant 0 : i32
    %dma_start3A_25 = tpu.memref_slice %arg9[%dma_start3A, %dma_start3A_23, %dma_start3A_24] : memref<2x128x128xf32, #tpu.memory_space<vmem>> -> memref<1x128x128xf32, #tpu.memory_space<vmem>>
    %dma_start3A_26 = tpu.memref_squeeze %dma_start3A_25 : memref<1x128x128xf32, #tpu.memory_space<vmem>> -> memref<128x128xf32, #tpu.memory_space<vmem>>
    %dma_start3A_27 = arith.constant 0 : i32
    %dma_start3A_28 = tpu.memref_slice %arg5[%mul3A_16, %dma_start3A_27] : memref<160000x128xf32, #tpu.memory_space<hbm>> -> memref<128x128xf32, #tpu.memory_space<hbm>>
    tpu.enqueue_dma source(%dma_start3A_28 : memref<128x128xf32, #tpu.memory_space<hbm>>) target(%dma_start3A_26 : memref<128x128xf32, #tpu.memory_space<vmem>>) target_semaphore(%arg11 : memref<!tpu.dma_semaphore, #tpu.memory_space<semaphore_mem>>)
    %barrier3A = arith.constant 0 : index
    tpu.barrier barrier_id(%barrier3A)
    %while3A = arith.constant 0 : i32
    %while3A_29 = arith.constant 0 : i32
    %while3A_30 = arith.subi %select_n3A, %while3A_29 : i32
    %while3A_31 = arith.addi %while3A_29, %while3A_30 : i32
    %while3A_32 = arith.constant 1 : i32
    %while3A_33 = arith.divsi %while3A_30, %while3A_32 : i32
    %while3A_34 = arith.muli %while3A_33, %while3A_32 : i32
    %while3A_35 = arith.addi %while3A_29, %while3A_34 : i32
    %while3A_36 = arith.constant 1 : i32
    scf.for %while3A_49 = %while3A_29 to %while3A_35 step %while3A_36  : i32 {
      %rem3A = arith.constant 2 : i32
      %rem3A_50 = arith.remsi %while3A_49, %rem3A : i32
      %add3A_51 = arith.constant 1 : i32
      %add3A_52 = arith.addi %while3A_49, %add3A_51 : i32
      %lt3A = arith.cmpi slt, %add3A_52, %select_n3A : i32
      %convert_element_type3A_53 = arith.extui %lt3A : i1 to i32
      %cond3A_54 = arith.constant 0 : i32
      %cond3A_55 = arith.cmpi ne, %convert_element_type3A_53, %cond3A_54 : i32
      scf.if %cond3A_55 {
        %add3A_70 = arith.constant 1 : i32
        %add3A_71 = arith.addi %while3A_49, %add3A_70 : i32
        %mul3A_72 = arith.constant 128 : i32
        %mul3A_73 = arith.muli %add3A_71, %mul3A_72 : i32
        %add3A_74 = arith.addi %mul3A_16, %mul3A_73 : i32
        %add3A_75 = arith.constant 1 : i32
        %add3A_76 = arith.addi %while3A_49, %add3A_75 : i32
        %rem3A_77 = arith.constant 2 : i32
        %rem3A_78 = arith.remsi %add3A_76, %rem3A_77 : i32
        %dma_start3A_79 = arith.constant 0 : i32
        %dma_start3A_80 = arith.constant 0 : i32
        %dma_start3A_81 = tpu.memref_slice %arg9[%rem3A_78, %dma_start3A_79, %dma_start3A_80] : memref<2x128x128xf32, #tpu.memory_space<vmem>> -> memref<1x128x128xf32, #tpu.memory_space<vmem>>
        %dma_start3A_82 = tpu.memref_squeeze %dma_start3A_81 : memref<1x128x128xf32, #tpu.memory_space<vmem>> -> memref<128x128xf32, #tpu.memory_space<vmem>>
        %dma_start3A_83 = arith.constant 0 : i32
        %dma_start3A_84 = tpu.memref_slice %arg5[%add3A_74, %dma_start3A_83] : memref<160000x128xf32, #tpu.memory_space<hbm>> -> memref<128x128xf32, #tpu.memory_space<hbm>>
        %dma_start3A_85 = arith.constant 0 : i32
        %dma_start3A_86 = arith.constant 0 : i32
        %dma_start3A_87 = tpu.memref_slice %arg9[%rem3A_78, %dma_start3A_85, %dma_start3A_86] : memref<2x128x128xf32, #tpu.memory_space<vmem>> -> memref<1x128x128xf32, #tpu.memory_space<vmem>>
        %dma_start3A_88 = tpu.memref_squeeze %dma_start3A_87 : memref<1x128x128xf32, #tpu.memory_space<vmem>> -> memref<128x128xf32, #tpu.memory_space<vmem>>
        %dma_start3A_89 = arith.constant 0 : i32
        %dma_start3A_90 = tpu.memref_slice %arg5[%add3A_74, %dma_start3A_89] : memref<160000x128xf32, #tpu.memory_space<hbm>> -> memref<128x128xf32, #tpu.memory_space<hbm>>
        tpu.enqueue_dma source(%dma_start3A_90 : memref<128x128xf32, #tpu.memory_space<hbm>>) target(%dma_start3A_88 : memref<128x128xf32, #tpu.memory_space<vmem>>) target_semaphore(%arg11 : memref<!tpu.dma_semaphore, #tpu.memory_space<semaphore_mem>>)
      } else {
      }
      %mul3A_56 = arith.constant 128 : i32
      %mul3A_57 = arith.muli %while3A_49, %mul3A_56 : i32
      %add3A_58 = arith.addi %mul3A_16, %mul3A_57 : i32
      %dma_wait3A = arith.constant 0 : i32
      %dma_wait3A_59 = arith.constant 0 : i32
      %dma_wait3A_60 = tpu.memref_slice %arg9[%rem3A_50, %dma_wait3A, %dma_wait3A_59] : memref<2x128x128xf32, #tpu.memory_space<vmem>> -> memref<1x128x128xf32, #tpu.memory_space<vmem>>
      %dma_wait3A_61 = tpu.memref_squeeze %dma_wait3A_60 : memref<1x128x128xf32, #tpu.memory_space<vmem>> -> memref<128x128xf32, #tpu.memory_space<vmem>>
      %dma_wait3A_62 = arith.constant 0 : i32
      %dma_wait3A_63 = tpu.memref_slice %arg5[%add3A_58, %dma_wait3A_62] : memref<160000x128xf32, #tpu.memory_space<hbm>> -> memref<128x128xf32, #tpu.memory_space<hbm>>
      %dma_wait3A_64 = arith.constant 0 : i32
      %dma_wait3A_65 = arith.constant 0 : i32
      %dma_wait3A_66 = tpu.memref_slice %arg9[%rem3A_50, %dma_wait3A_64, %dma_wait3A_65] : memref<2x128x128xf32, #tpu.memory_space<vmem>> -> memref<1x128x128xf32, #tpu.memory_space<vmem>>
      %dma_wait3A_67 = tpu.memref_squeeze %dma_wait3A_66 : memref<1x128x128xf32, #tpu.memory_space<vmem>> -> memref<128x128xf32, #tpu.memory_space<vmem>>
      %dma_wait3A_68 = arith.constant 0 : i32
      %dma_wait3A_69 = tpu.memref_slice %arg5[%add3A_58, %dma_wait3A_68] : memref<160000x128xf32, #tpu.memory_space<hbm>> -> memref<128x128xf32, #tpu.memory_space<hbm>>
      tpu.wait_dma2 semaphore(%arg11 : memref<!tpu.dma_semaphore, #tpu.memory_space<semaphore_mem>>) src(%dma_wait3A_69 : memref<128x128xf32, #tpu.memory_space<hbm>>) dst(%dma_wait3A_67 : memref<128x128xf32, #tpu.memory_space<vmem>>)
      "tpu.region"() ({
        %run_scoped3A = tpu.sem_alloc : memref<!tpu.dma_semaphore, #tpu.memory_space<semaphore_mem>>
        %dma_start3A_70 = arith.constant 0 : i32
        %dma_start3A_71 = arith.constant 0 : i32
        %dma_start3A_72 = tpu.memref_slice %arg9[%rem3A_50, %dma_start3A_70, %dma_start3A_71] : memref<2x128x128xf32, #tpu.memory_space<vmem>> -> memref<1x128x128xf32, #tpu.memory_space<vmem>>
        %dma_start3A_73 = tpu.memref_squeeze %dma_start3A_72 : memref<1x128x128xf32, #tpu.memory_space<vmem>> -> memref<128x128xf32, #tpu.memory_space<vmem>>
        %dma_start3A_74 = arith.constant 0 : i32
        %dma_start3A_75 = tpu.memref_slice %arg8[%while3A_49, %dma_start3A_74] : memref<48x128xi32, #tpu.memory_space<vmem>> -> memref<1x128xi32, #tpu.memory_space<vmem>>
        %dma_start3A_76 = tpu.memref_squeeze %dma_start3A_75 : memref<1x128xi32, #tpu.memory_space<vmem>> -> memref<128xi32, #tpu.memory_space<vmem>>
        %dma_start3A_77 = arith.constant 0 : i32
        %dma_start3A_78 = arith.constant 0 : i32
        %dma_start3A_79 = tpu.memref_slice %arg10[%dma_start3A_77, %dma_start3A_78] : memref<10000x128xf32, #tpu.memory_space<vmem_shared>> -> memref<10000x128xf32, #tpu.memory_space<vmem_shared>>
        tpu.enqueue_indirect_dma source(%dma_start3A_73 : memref<128x128xf32, #tpu.memory_space<vmem>>) target(%dma_start3A_79 : memref<10000x128xf32, #tpu.memory_space<vmem_shared>>) offsets(%dma_start3A_76 : memref<128xi32, #tpu.memory_space<vmem>>) semaphore(%run_scoped3A : memref<!tpu.dma_semaphore, #tpu.memory_space<semaphore_mem>>) {add = true}
        %dma_wait3A_80 = arith.constant 0 : i32
        %dma_wait3A_81 = arith.constant 0 : i32
        %dma_wait3A_82 = tpu.memref_slice %arg9[%rem3A_50, %dma_wait3A_80, %dma_wait3A_81] : memref<2x128x128xf32, #tpu.memory_space<vmem>> -> memref<1x128x128xf32, #tpu.memory_space<vmem>>
        %dma_wait3A_83 = tpu.memref_squeeze %dma_wait3A_82 : memref<1x128x128xf32, #tpu.memory_space<vmem>> -> memref<128x128xf32, #tpu.memory_space<vmem>>
        %dma_wait3A_84 = arith.constant 0 : i32
        %dma_wait3A_85 = tpu.memref_slice %arg8[%while3A_49, %dma_wait3A_84] : memref<48x128xi32, #tpu.memory_space<vmem>> -> memref<1x128xi32, #tpu.memory_space<vmem>>
        %dma_wait3A_86 = tpu.memref_squeeze %dma_wait3A_85 : memref<1x128xi32, #tpu.memory_space<vmem>> -> memref<128xi32, #tpu.memory_space<vmem>>
        %dma_wait3A_87 = arith.constant 0 : i32
        %dma_wait3A_88 = arith.constant 0 : i32
        %dma_wait3A_89 = tpu.memref_slice %arg10[%dma_wait3A_87, %dma_wait3A_88] : memref<10000x128xf32, #tpu.memory_space<vmem_shared>> -> memref<10000x128xf32, #tpu.memory_space<vmem_shared>>
        tpu.wait_indirect_dma semaphore(%run_scoped3A : memref<!tpu.dma_semaphore, #tpu.memory_space<semaphore_mem>>) src(%dma_wait3A_83 : memref<128x128xf32, #tpu.memory_space<vmem>>) dst(%dma_wait3A_89 : memref<10000x128xf32, #tpu.memory_space<vmem_shared>>)
        tpu.yield
      }) : () -> ()
    }
    %while3A_37 = arith.constant 1 : i32
    scf.for %while3A_49 = %while3A_35 to %while3A_31 step %while3A_37  : i32 {
      %rem3A = arith.constant 2 : i32
      %rem3A_50 = arith.remsi %while3A_49, %rem3A : i32
      %add3A_51 = arith.constant 1 : i32
      %add3A_52 = arith.addi %while3A_49, %add3A_51 : i32
      %lt3A = arith.cmpi slt, %add3A_52, %select_n3A : i32
      %convert_element_type3A_53 = arith.extui %lt3A : i1 to i32
      %cond3A_54 = arith.constant 0 : i32
      %cond3A_55 = arith.cmpi ne, %convert_element_type3A_53, %cond3A_54 : i32
      scf.if %cond3A_55 {
        %add3A_70 = arith.constant 1 : i32
        %add3A_71 = arith.addi %while3A_49, %add3A_70 : i32
        %mul3A_72 = arith.constant 128 : i32
        %mul3A_73 = arith.muli %add3A_71, %mul3A_72 : i32
        %add3A_74 = arith.addi %mul3A_16, %mul3A_73 : i32
        %add3A_75 = arith.constant 1 : i32
        %add3A_76 = arith.addi %while3A_49, %add3A_75 : i32
        %rem3A_77 = arith.constant 2 : i32
        %rem3A_78 = arith.remsi %add3A_76, %rem3A_77 : i32
        %dma_start3A_79 = arith.constant 0 : i32
        %dma_start3A_80 = arith.constant 0 : i32
        %dma_start3A_81 = tpu.memref_slice %arg9[%rem3A_78, %dma_start3A_79, %dma_start3A_80] : memref<2x128x128xf32, #tpu.memory_space<vmem>> -> memref<1x128x128xf32, #tpu.memory_space<vmem>>
        %dma_start3A_82 = tpu.memref_squeeze %dma_start3A_81 : memref<1x128x128xf32, #tpu.memory_space<vmem>> -> memref<128x128xf32, #tpu.memory_space<vmem>>
        %dma_start3A_83 = arith.constant 0 : i32
        %dma_start3A_84 = tpu.memref_slice %arg5[%add3A_74, %dma_start3A_83] : memref<160000x128xf32, #tpu.memory_space<hbm>> -> memref<128x128xf32, #tpu.memory_space<hbm>>
        %dma_start3A_85 = arith.constant 0 : i32
        %dma_start3A_86 = arith.constant 0 : i32
        %dma_start3A_87 = tpu.memref_slice %arg9[%rem3A_78, %dma_start3A_85, %dma_start3A_86] : memref<2x128x128xf32, #tpu.memory_space<vmem>> -> memref<1x128x128xf32, #tpu.memory_space<vmem>>
        %dma_start3A_88 = tpu.memref_squeeze %dma_start3A_87 : memref<1x128x128xf32, #tpu.memory_space<vmem>> -> memref<128x128xf32, #tpu.memory_space<vmem>>
        %dma_start3A_89 = arith.constant 0 : i32
        %dma_start3A_90 = tpu.memref_slice %arg5[%add3A_74, %dma_start3A_89] : memref<160000x128xf32, #tpu.memory_space<hbm>> -> memref<128x128xf32, #tpu.memory_space<hbm>>
        tpu.enqueue_dma source(%dma_start3A_90 : memref<128x128xf32, #tpu.memory_space<hbm>>) target(%dma_start3A_88 : memref<128x128xf32, #tpu.memory_space<vmem>>) target_semaphore(%arg11 : memref<!tpu.dma_semaphore, #tpu.memory_space<semaphore_mem>>)
      } else {
      }
      %mul3A_56 = arith.constant 128 : i32
      %mul3A_57 = arith.muli %while3A_49, %mul3A_56 : i32
      %add3A_58 = arith.addi %mul3A_16, %mul3A_57 : i32
      %dma_wait3A = arith.constant 0 : i32
      %dma_wait3A_59 = arith.constant 0 : i32
      %dma_wait3A_60 = tpu.memref_slice %arg9[%rem3A_50, %dma_wait3A, %dma_wait3A_59] : memref<2x128x128xf32, #tpu.memory_space<vmem>> -> memref<1x128x128xf32, #tpu.memory_space<vmem>>
      %dma_wait3A_61 = tpu.memref_squeeze %dma_wait3A_60 : memref<1x128x128xf32, #tpu.memory_space<vmem>> -> memref<128x128xf32, #tpu.memory_space<vmem>>
      %dma_wait3A_62 = arith.constant 0 : i32
      %dma_wait3A_63 = tpu.memref_slice %arg5[%add3A_58, %dma_wait3A_62] : memref<160000x128xf32, #tpu.memory_space<hbm>> -> memref<128x128xf32, #tpu.memory_space<hbm>>
      %dma_wait3A_64 = arith.constant 0 : i32
      %dma_wait3A_65 = arith.constant 0 : i32
      %dma_wait3A_66 = tpu.memref_slice %arg9[%rem3A_50, %dma_wait3A_64, %dma_wait3A_65] : memref<2x128x128xf32, #tpu.memory_space<vmem>> -> memref<1x128x128xf32, #tpu.memory_space<vmem>>
      %dma_wait3A_67 = tpu.memref_squeeze %dma_wait3A_66 : memref<1x128x128xf32, #tpu.memory_space<vmem>> -> memref<128x128xf32, #tpu.memory_space<vmem>>
      %dma_wait3A_68 = arith.constant 0 : i32
      %dma_wait3A_69 = tpu.memref_slice %arg5[%add3A_58, %dma_wait3A_68] : memref<160000x128xf32, #tpu.memory_space<hbm>> -> memref<128x128xf32, #tpu.memory_space<hbm>>
      tpu.wait_dma2 semaphore(%arg11 : memref<!tpu.dma_semaphore, #tpu.memory_space<semaphore_mem>>) src(%dma_wait3A_69 : memref<128x128xf32, #tpu.memory_space<hbm>>) dst(%dma_wait3A_67 : memref<128x128xf32, #tpu.memory_space<vmem>>)
      "tpu.region"() ({
        %run_scoped3A = tpu.sem_alloc : memref<!tpu.dma_semaphore, #tpu.memory_space<semaphore_mem>>
        %dma_start3A_70 = arith.constant 0 : i32
        %dma_start3A_71 = arith.constant 0 : i32
        %dma_start3A_72 = tpu.memref_slice %arg9[%rem3A_50, %dma_start3A_70, %dma_start3A_71] : memref<2x128x128xf32, #tpu.memory_space<vmem>> -> memref<1x128x128xf32, #tpu.memory_space<vmem>>
        %dma_start3A_73 = tpu.memref_squeeze %dma_start3A_72 : memref<1x128x128xf32, #tpu.memory_space<vmem>> -> memref<128x128xf32, #tpu.memory_space<vmem>>
        %dma_start3A_74 = arith.constant 0 : i32
        %dma_start3A_75 = tpu.memref_slice %arg8[%while3A_49, %dma_start3A_74] : memref<48x128xi32, #tpu.memory_space<vmem>> -> memref<1x128xi32, #tpu.memory_space<vmem>>
        %dma_start3A_76 = tpu.memref_squeeze %dma_start3A_75 : memref<1x128xi32, #tpu.memory_space<vmem>> -> memref<128xi32, #tpu.memory_space<vmem>>
        %dma_start3A_77 = arith.constant 0 : i32
        %dma_start3A_78 = arith.constant 0 : i32
        %dma_start3A_79 = tpu.memref_slice %arg10[%dma_start3A_77, %dma_start3A_78] : memref<10000x128xf32, #tpu.memory_space<vmem_shared>> -> memref<10000x128xf32, #tpu.memory_space<vmem_shared>>
        tpu.enqueue_indirect_dma source(%dma_start3A_73 : memref<128x128xf32, #tpu.memory_space<vmem>>) target(%dma_start3A_79 : memref<10000x128xf32, #tpu.memory_space<vmem_shared>>) offsets(%dma_start3A_76 : memref<128xi32, #tpu.memory_space<vmem>>) semaphore(%run_scoped3A : memref<!tpu.dma_semaphore, #tpu.memory_space<semaphore_mem>>) {add = true}
        %dma_wait3A_80 = arith.constant 0 : i32
        %dma_wait3A_81 = arith.constant 0 : i32
        %dma_wait3A_82 = tpu.memref_slice %arg9[%rem3A_50, %dma_wait3A_80, %dma_wait3A_81] : memref<2x128x128xf32, #tpu.memory_space<vmem>> -> memref<1x128x128xf32, #tpu.memory_space<vmem>>
        %dma_wait3A_83 = tpu.memref_squeeze %dma_wait3A_82 : memref<1x128x128xf32, #tpu.memory_space<vmem>> -> memref<128x128xf32, #tpu.memory_space<vmem>>
        %dma_wait3A_84 = arith.constant 0 : i32
        %dma_wait3A_85 = tpu.memref_slice %arg8[%while3A_49, %dma_wait3A_84] : memref<48x128xi32, #tpu.memory_space<vmem>> -> memref<1x128xi32, #tpu.memory_space<vmem>>
        %dma_wait3A_86 = tpu.memref_squeeze %dma_wait3A_85 : memref<1x128xi32, #tpu.memory_space<vmem>> -> memref<128xi32, #tpu.memory_space<vmem>>
        %dma_wait3A_87 = arith.constant 0 : i32
        %dma_wait3A_88 = arith.constant 0 : i32
        %dma_wait3A_89 = tpu.memref_slice %arg10[%dma_wait3A_87, %dma_wait3A_88] : memref<10000x128xf32, #tpu.memory_space<vmem_shared>> -> memref<10000x128xf32, #tpu.memory_space<vmem_shared>>
        tpu.wait_indirect_dma semaphore(%run_scoped3A : memref<!tpu.dma_semaphore, #tpu.memory_space<semaphore_mem>>) src(%dma_wait3A_83 : memref<128x128xf32, #tpu.memory_space<vmem>>) dst(%dma_wait3A_89 : memref<10000x128xf32, #tpu.memory_space<vmem_shared>>)
        tpu.yield
      }) : () -> ()
    }
    %barrier3A_38 = arith.constant 0 : index
    tpu.barrier barrier_id(%barrier3A_38)
    %eq3A_39 = arith.constant 0 : i32
    %eq3A_40 = arith.cmpi eq, %arg0, %eq3A_39 : i32
    %convert_element_type3A_41 = arith.extui %eq3A_40 : i1 to i32
    %cond3A_42 = arith.constant 0 : i32
    %cond3A_43 = arith.cmpi ne, %convert_element_type3A_41, %cond3A_42 : i32
    scf.if %cond3A_43 {
      "tpu.region"() ({
        %run_scoped3A = tpu.sem_alloc : memref<!tpu.dma_semaphore, #tpu.memory_space<semaphore_mem>>
        %dma_start3A_54 = arith.constant 0 : i32
        %dma_start3A_55 = tpu.memref_slice %arg6[%mul3A_2, %dma_start3A_54] : memref<10000x128xf32, #tpu.memory_space<hbm>> -> memref<624x128xf32, #tpu.memory_space<hbm>>
        %dma_start3A_56 = arith.constant 0 : i32
        %dma_start3A_57 = tpu.memref_slice %arg10[%mul3A_2, %dma_start3A_56] : memref<10000x128xf32, #tpu.memory_space<vmem_shared>> -> memref<624x128xf32, #tpu.memory_space<vmem_shared>>
        tpu.enqueue_dma source(%dma_start3A_57 : memref<624x128xf32, #tpu.memory_space<vmem_shared>>) target(%dma_start3A_55 : memref<624x128xf32, #tpu.memory_space<hbm>>) target_semaphore(%run_scoped3A : memref<!tpu.dma_semaphore, #tpu.memory_space<semaphore_mem>>)
        %dma_wait3A = arith.constant 0 : i32
        %dma_wait3A_58 = tpu.memref_slice %arg6[%mul3A_2, %dma_wait3A] : memref<10000x128xf32, #tpu.memory_space<hbm>> -> memref<624x128xf32, #tpu.memory_space<hbm>>
        %dma_wait3A_59 = arith.constant 0 : i32
        %dma_wait3A_60 = tpu.memref_slice %arg10[%mul3A_2, %dma_wait3A_59] : memref<10000x128xf32, #tpu.memory_space<vmem_shared>> -> memref<624x128xf32, #tpu.memory_space<vmem_shared>>
        tpu.wait_dma2 semaphore(%run_scoped3A : memref<!tpu.dma_semaphore, #tpu.memory_space<semaphore_mem>>) src(%dma_wait3A_60 : memref<624x128xf32, #tpu.memory_space<vmem_shared>>) dst(%dma_wait3A_58 : memref<624x128xf32, #tpu.memory_space<hbm>>)
        tpu.yield
      }) : () -> ()
      %eq3A_49 = arith.constant 15 : i32
      %eq3A_50 = arith.cmpi eq, %arg1, %eq3A_49 : i32
      %convert_element_type3A_51 = arith.extui %eq3A_50 : i1 to i32
      %cond3A_52 = arith.constant 0 : i32
      %cond3A_53 = arith.cmpi ne, %convert_element_type3A_51, %cond3A_52 : i32
      scf.if %cond3A_53 {
        "tpu.region"() ({
          %run_scoped3A = tpu.sem_alloc : memref<!tpu.dma_semaphore, #tpu.memory_space<semaphore_mem>>
          %dma_start3A_54 = arith.constant 9984 : i32
          %dma_start3A_55 = arith.constant 0 : i32
          %dma_start3A_56 = tpu.memref_slice %arg6[%dma_start3A_54, %dma_start3A_55] : memref<10000x128xf32, #tpu.memory_space<hbm>> -> memref<16x128xf32, #tpu.memory_space<hbm>>
          %dma_start3A_57 = arith.constant 9984 : i32
          %dma_start3A_58 = arith.constant 0 : i32
          %dma_start3A_59 = tpu.memref_slice %arg10[%dma_start3A_57, %dma_start3A_58] : memref<10000x128xf32, #tpu.memory_space<vmem_shared>> -> memref<16x128xf32, #tpu.memory_space<vmem_shared>>
          tpu.enqueue_dma source(%dma_start3A_59 : memref<16x128xf32, #tpu.memory_space<vmem_shared>>) target(%dma_start3A_56 : memref<16x128xf32, #tpu.memory_space<hbm>>) target_semaphore(%run_scoped3A : memref<!tpu.dma_semaphore, #tpu.memory_space<semaphore_mem>>)
          %dma_wait3A = arith.constant 9984 : i32
          %dma_wait3A_60 = arith.constant 0 : i32
          %dma_wait3A_61 = tpu.memref_slice %arg6[%dma_wait3A, %dma_wait3A_60] : memref<10000x128xf32, #tpu.memory_space<hbm>> -> memref<16x128xf32, #tpu.memory_space<hbm>>
          %dma_wait3A_62 = arith.constant 9984 : i32
          %dma_wait3A_63 = arith.constant 0 : i32
          %dma_wait3A_64 = tpu.memref_slice %arg10[%dma_wait3A_62, %dma_wait3A_63] : memref<10000x128xf32, #tpu.memory_space<vmem_shared>> -> memref<16x128xf32, #tpu.memory_space<vmem_shared>>
          tpu.wait_dma2 semaphore(%run_scoped3A : memref<!tpu.dma_semaphore, #tpu.memory_space<semaphore_mem>>) src(%dma_wait3A_64 : memref<16x128xf32, #tpu.memory_space<vmem_shared>>) dst(%dma_wait3A_61 : memref<16x128xf32, #tpu.memory_space<hbm>>)
          tpu.yield
        }) : () -> ()
      } else {
      }
    } else {
    }
    %eq3A_44 = arith.constant 1 : i32
    %eq3A_45 = arith.cmpi eq, %arg0, %eq3A_44 : i32
    %convert_element_type3A_46 = arith.extui %eq3A_45 : i1 to i32
    %cond3A_47 = arith.constant 0 : i32
    %cond3A_48 = arith.cmpi ne, %convert_element_type3A_46, %cond3A_47 : i32
    scf.if %cond3A_48 {
      "tpu.region"() ({
        %run_scoped3A = tpu.sem_alloc : memref<!tpu.dma_semaphore, #tpu.memory_space<semaphore_mem>>
        %dma_start3A_54 = arith.constant 0 : i32
        %dma_start3A_55 = tpu.memref_slice %arg7[%mul3A_2, %dma_start3A_54] : memref<10000x128xf32, #tpu.memory_space<hbm>> -> memref<624x128xf32, #tpu.memory_space<hbm>>
        %dma_start3A_56 = arith.constant 0 : i32
        %dma_start3A_57 = tpu.memref_slice %arg10[%mul3A_2, %dma_start3A_56] : memref<10000x128xf32, #tpu.memory_space<vmem_shared>> -> memref<624x128xf32, #tpu.memory_space<vmem_shared>>
        tpu.enqueue_dma source(%dma_start3A_57 : memref<624x128xf32, #tpu.memory_space<vmem_shared>>) target(%dma_start3A_55 : memref<624x128xf32, #tpu.memory_space<hbm>>) target_semaphore(%run_scoped3A : memref<!tpu.dma_semaphore, #tpu.memory_space<semaphore_mem>>)
        %dma_wait3A = arith.constant 0 : i32
        %dma_wait3A_58 = tpu.memref_slice %arg7[%mul3A_2, %dma_wait3A] : memref<10000x128xf32, #tpu.memory_space<hbm>> -> memref<624x128xf32, #tpu.memory_space<hbm>>
        %dma_wait3A_59 = arith.constant 0 : i32
        %dma_wait3A_60 = tpu.memref_slice %arg10[%mul3A_2, %dma_wait3A_59] : memref<10000x128xf32, #tpu.memory_space<vmem_shared>> -> memref<624x128xf32, #tpu.memory_space<vmem_shared>>
        tpu.wait_dma2 semaphore(%run_scoped3A : memref<!tpu.dma_semaphore, #tpu.memory_space<semaphore_mem>>) src(%dma_wait3A_60 : memref<624x128xf32, #tpu.memory_space<vmem_shared>>) dst(%dma_wait3A_58 : memref<624x128xf32, #tpu.memory_space<hbm>>)
        tpu.yield
      }) : () -> ()
      %eq3A_49 = arith.constant 15 : i32
      %eq3A_50 = arith.cmpi eq, %arg1, %eq3A_49 : i32
      %convert_element_type3A_51 = arith.extui %eq3A_50 : i1 to i32
      %cond3A_52 = arith.constant 0 : i32
      %cond3A_53 = arith.cmpi ne, %convert_element_type3A_51, %cond3A_52 : i32
      scf.if %cond3A_53 {
        "tpu.region"() ({
          %run_scoped3A = tpu.sem_alloc : memref<!tpu.dma_semaphore, #tpu.memory_space<semaphore_mem>>
          %dma_start3A_54 = arith.constant 9984 : i32
          %dma_start3A_55 = arith.constant 0 : i32
          %dma_start3A_56 = tpu.memref_slice %arg7[%dma_start3A_54, %dma_start3A_55] : memref<10000x128xf32, #tpu.memory_space<hbm>> -> memref<16x128xf32, #tpu.memory_space<hbm>>
          %dma_start3A_57 = arith.constant 9984 : i32
          %dma_start3A_58 = arith.constant 0 : i32
          %dma_start3A_59 = tpu.memref_slice %arg10[%dma_start3A_57, %dma_start3A_58] : memref<10000x128xf32, #tpu.memory_space<vmem_shared>> -> memref<16x128xf32, #tpu.memory_space<vmem_shared>>
          tpu.enqueue_dma source(%dma_start3A_59 : memref<16x128xf32, #tpu.memory_space<vmem_shared>>) target(%dma_start3A_56 : memref<16x128xf32, #tpu.memory_space<hbm>>) target_semaphore(%run_scoped3A : memref<!tpu.dma_semaphore, #tpu.memory_space<semaphore_mem>>)
          %dma_wait3A = arith.constant 9984 : i32
          %dma_wait3A_60 = arith.constant 0 : i32
          %dma_wait3A_61 = tpu.memref_slice %arg7[%dma_wait3A, %dma_wait3A_60] : memref<10000x128xf32, #tpu.memory_space<hbm>> -> memref<16x128xf32, #tpu.memory_space<hbm>>
          %dma_wait3A_62 = arith.constant 9984 : i32
          %dma_wait3A_63 = arith.constant 0 : i32
          %dma_wait3A_64 = tpu.memref_slice %arg10[%dma_wait3A_62, %dma_wait3A_63] : memref<10000x128xf32, #tpu.memory_space<vmem_shared>> -> memref<16x128xf32, #tpu.memory_space<vmem_shared>>
          tpu.wait_dma2 semaphore(%run_scoped3A : memref<!tpu.dma_semaphore, #tpu.memory_space<semaphore_mem>>) src(%dma_wait3A_64 : memref<16x128xf32, #tpu.memory_space<vmem_shared>>) dst(%dma_wait3A_61 : memref<16x128xf32, #tpu.memory_space<hbm>>)
          tpu.yield
        }) : () -> ()
      } else {
      }
    } else {
    }
    return
  }
}

module attributes {stable_mosaic.version = 14 : i64} {
  func.func @_embed_body(%arg0: i32, %arg1: memref<2000x128xf32, #tpu.memory_space<vmem>>, %arg2: memref<128x128xf32, #tpu.memory_space<vmem>>, %arg3: memref<2000x128xf32, #tpu.memory_space<vmem>>) attributes {dimension_semantics = [#tpu.dimension_semantics<arbitrary>], iteration_bounds = array<i64: 5>, scalar_prefetch = 0 : i64, scratch_operands = 0 : i64, tpu.core_type = #tpu.core_type<tc>, window_params = [{transform_indices = @transform_0, window_bounds = array<i64: 2000, 128>}, {pipeline_mode = #tpu.pipeline_mode<synchronous>, transform_indices = @transform_1, window_bounds = array<i64: 128, 128>}, {transform_indices = @transform_2, window_bounds = array<i64: 2000, 128>}]} {
    %get3A = arith.constant 0 : index
    %get3A_0 = arith.constant 0 : index
    %get3A_1 = vector.load %arg1[%get3A, %get3A_0] : memref<2000x128xf32, #tpu.memory_space<vmem>>, vector<2000x128xf32>
    %get3A_2 = arith.constant 0 : index
    %get3A_3 = arith.constant 0 : index
    %get3A_4 = vector.load %arg2[%get3A_2, %get3A_3] : memref<128x128xf32, #tpu.memory_space<vmem>>, vector<128x128xf32>
    %dot_general3A = arith.constant dense<0.000000e+00> : vector<2000x128xf32>
    %dot_general3A_5 = tpu.matmul %get3A_1, %get3A_4, %dot_general3A {dimension_numbers = #tpu.dot_dimension_numbers<[1], [0], [0], [1], [0, 0, 1, 1], [], []>, transpose_lhs_hint = false} : vector<2000x128xf32>, vector<128x128xf32>, vector<2000x128xf32> -> vector<2000x128xf32>
    %neg3A = arith.constant 0.000000e+00 : f32
    %neg3A_6 = vector.broadcast %neg3A : f32 to vector<2000x128xf32>
    %neg3A_7 = arith.subf %neg3A_6, %dot_general3A_5 : vector<2000x128xf32>
    %exp3A = math.exp %neg3A_7 : vector<2000x128xf32>
    %add3A = arith.constant 1.000000e+00 : f32
    %add3A_8 = vector.broadcast %add3A : f32 to vector<2000x128xf32>
    %add3A_9 = arith.addf %add3A_8, %exp3A : vector<2000x128xf32>
    %div3A = arith.constant 1.000000e+00 : f32
    %div3A_10 = vector.broadcast %div3A : f32 to vector<2000x128xf32>
    %div3A_11 = arith.divf %div3A_10, %add3A_9 : vector<2000x128xf32>
    %swap3A = arith.constant 0 : index
    %swap3A_12 = arith.constant 0 : index
    %swap3A_13 = vector.load %arg3[%swap3A, %swap3A_12] : memref<2000x128xf32, #tpu.memory_space<vmem>>, vector<2000x128xf32>
    tpu.vector_store %arg3[%swap3A, %swap3A_12], %div3A_11 {strides = array<i32>} : memref<2000x128xf32, #tpu.memory_space<vmem>>, vector<2000x128xf32>,
    return
  }
  func.func @transform_0(%arg0: i32) -> (i32, i32) {
    %c0_i32 = arith.constant 0 : i32
    %c0_i32_0 = arith.constant 0 : i32
    return %arg0, %c0_i32 : i32, i32
  }
  func.func @transform_1(%arg0: i32) -> (i32, i32) {
    %c0_i32 = arith.constant 0 : i32
    %c0_i32_0 = arith.constant 0 : i32
    %c0_i32_1 = arith.constant 0 : i32
    return %c0_i32, %c0_i32_0 : i32, i32
  }
  func.func @transform_2(%arg0: i32) -> (i32, i32) {
    %c0_i32 = arith.constant 0 : i32
    %c0_i32_0 = arith.constant 0 : i32
    return %arg0, %c0_i32 : i32, i32
  }
}

module attributes {stable_mosaic.version = 14 : i64} {
  func.func @_edge_body(%arg0: i32, %arg1: memref<2000x128xf32, #tpu.memory_space<vmem>>, %arg2: memref<2000x128xf32, #tpu.memory_space<vmem>>, %arg3: memref<2000x1xf32, #tpu.memory_space<vmem>>, %arg4: memref<2000x64xf32, #tpu.memory_space<vmem>>, %arg5: memref<2000x64xf32, #tpu.memory_space<vmem>>, %arg6: memref<128x256xf32, #tpu.memory_space<vmem>>, %arg7: memref<128x256xf32, #tpu.memory_space<vmem>>, %arg8: memref<128x256xf32, #tpu.memory_space<vmem>>, %arg9: memref<64x128xf32, #tpu.memory_space<vmem>>, %arg10: memref<64x64xf32, #tpu.memory_space<vmem>>, %arg11: memref<64x128xf32, #tpu.memory_space<vmem>>, %arg12: memref<2000x128xf32, #tpu.memory_space<vmem>>) attributes {dimension_semantics = [#tpu.dimension_semantics<parallel>], iteration_bounds = array<i64: 80>, scalar_prefetch = 0 : i64, scratch_operands = 0 : i64, tpu.core_type = #tpu.core_type<tc>, window_params = [{transform_indices = @transform_0, window_bounds = array<i64: 2000, 128>}, {transform_indices = @transform_1, window_bounds = array<i64: 2000, 128>}, {transform_indices = @transform_2, window_bounds = array<i64: 2000, 1>}, {transform_indices = @transform_3, window_bounds = array<i64: 2000, 64>}, {transform_indices = @transform_4, window_bounds = array<i64: 2000, 64>}, {pipeline_mode = #tpu.pipeline_mode<synchronous>, transform_indices = @transform_5, window_bounds = array<i64: 128, 256>}, {pipeline_mode = #tpu.pipeline_mode<synchronous>, transform_indices = @transform_6, window_bounds = array<i64: 128, 256>}, {pipeline_mode = #tpu.pipeline_mode<synchronous>, transform_indices = @transform_7, window_bounds = array<i64: 128, 256>}, {pipeline_mode = #tpu.pipeline_mode<synchronous>, transform_indices = @transform_8, window_bounds = array<i64: 64, 128>}, {pipeline_mode = #tpu.pipeline_mode<synchronous>, transform_indices = @transform_9, window_bounds = array<i64: 64, 64>}, {pipeline_mode = #tpu.pipeline_mode<synchronous>, transform_indices = @transform_10, window_bounds = array<i64: 64, 128>}, {transform_indices = @transform_11, window_bounds = array<i64: 2000, 128>}]} {
    %get3A = arith.constant 0 : index
    %get3A_0 = arith.constant 0 : index
    %get3A_1 = vector.load %arg1[%get3A, %get3A_0] : memref<2000x128xf32, #tpu.memory_space<vmem>>, vector<2000x128xf32>
    %get3A_2 = arith.constant 0 : index
    %get3A_3 = arith.constant 0 : index
    %get3A_4 = vector.load %arg2[%get3A_2, %get3A_3] : memref<2000x128xf32, #tpu.memory_space<vmem>>, vector<2000x128xf32>
    %get3A_5 = arith.constant 0 : index
    %get3A_6 = arith.constant 0 : index
    %get3A_7 = vector.load %arg3[%get3A_5, %get3A_6] : memref<2000x1xf32, #tpu.memory_space<vmem>>, vector<2000x1xf32>
    %div3A = arith.constant 1.000000e+00 : f32
    %div3A_8 = vector.broadcast %div3A : f32 to vector<2000x1xf32>
    %div3A_9 = arith.divf %div3A_8, %get3A_7 : vector<2000x1xf32>
    %lt3A = arith.constant 8.000000e+00 : f32
    %lt3A_10 = vector.broadcast %lt3A : f32 to vector<2000x1xf32>
    %lt3A_11 = arith.cmpf olt, %get3A_7, %lt3A_10 : vector<2000x1xf32>
    %convert_element_type3A = arith.extui %lt3A_11 : vector<2000x1xi1> to vector<2000x1xi32>
    %convert_element_type3A_12 = arith.sitofp %convert_element_type3A : vector<2000x1xi32> to vector<2000x1xf32>
    %get3A_13 = arith.constant 0 : index
    %get3A_14 = arith.constant 0 : index
    %get3A_15 = vector.load %arg6[%get3A_13, %get3A_14] : memref<128x256xf32, #tpu.memory_space<vmem>>, vector<128x256xf32>
    %dot_general3A = arith.constant dense<0.000000e+00> : vector<2000x256xf32>
    %dot_general3A_16 = tpu.matmul %get3A_1, %get3A_15, %dot_general3A {dimension_numbers = #tpu.dot_dimension_numbers<[1], [0], [0], [1], [0, 0, 1, 1], [], []>, transpose_lhs_hint = false} : vector<2000x128xf32>, vector<128x256xf32>, vector<2000x256xf32> -> vector<2000x256xf32>
    %get3A_17 = arith.constant 0 : index
    %get3A_18 = arith.constant 0 : index
    %get3A_19 = vector.load %arg7[%get3A_17, %get3A_18] : memref<128x256xf32, #tpu.memory_space<vmem>>, vector<128x256xf32>
    %dot_general3A_20 = arith.constant dense<0.000000e+00> : vector<2000x256xf32>
    %dot_general3A_21 = tpu.matmul %get3A_4, %get3A_19, %dot_general3A_20 {dimension_numbers = #tpu.dot_dimension_numbers<[1], [0], [0], [1], [0, 0, 1, 1], [], []>, transpose_lhs_hint = false} : vector<2000x128xf32>, vector<128x256xf32>, vector<2000x256xf32> -> vector<2000x256xf32>
    %sub3A = arith.subf %get3A_1, %get3A_4 : vector<2000x128xf32>
    %get3A_22 = arith.constant 0 : index
    %get3A_23 = arith.constant 0 : index
    %get3A_24 = vector.load %arg8[%get3A_22, %get3A_23] : memref<128x256xf32, #tpu.memory_space<vmem>>, vector<128x256xf32>
    %dot_general3A_25 = arith.constant dense<0.000000e+00> : vector<2000x256xf32>
    %dot_general3A_26 = tpu.matmul %sub3A, %get3A_24, %dot_general3A_25 {dimension_numbers = #tpu.dot_dimension_numbers<[1], [0], [0], [1], [0, 0, 1, 1], [], []>, transpose_lhs_hint = false} : vector<2000x128xf32>, vector<128x256xf32>, vector<2000x256xf32> -> vector<2000x256xf32>
    %add3A = arith.addf %dot_general3A_16, %dot_general3A_21 : vector<2000x256xf32>
    %mul3A = vector.broadcast %div3A_9 : vector<2000x1xf32> to vector<2000x256xf32>
    %mul3A_27 = arith.mulf %mul3A, %dot_general3A_26 : vector<2000x256xf32>
    %add3A_28 = arith.addf %add3A, %mul3A_27 : vector<2000x256xf32>
    %slice3A = vector.extract_strided_slice %add3A_28 {offsets = [0, 0], sizes = [2000, 128], strides = [1, 1]} : vector<2000x256xf32> to vector<2000x128xf32>
    %neg3A = arith.constant 0.000000e+00 : f32
    %neg3A_29 = vector.broadcast %neg3A : f32 to vector<2000x128xf32>
    %neg3A_30 = arith.subf %neg3A_29, %slice3A : vector<2000x128xf32>
    %exp3A = math.exp %neg3A_30 : vector<2000x128xf32>
    %add3A_31 = arith.constant 1.000000e+00 : f32
    %add3A_32 = vector.broadcast %add3A_31 : f32 to vector<2000x128xf32>
    %add3A_33 = arith.addf %add3A_32, %exp3A : vector<2000x128xf32>
    %div3A_34 = arith.constant 1.000000e+00 : f32
    %div3A_35 = vector.broadcast %div3A_34 : f32 to vector<2000x128xf32>
    %div3A_36 = arith.divf %div3A_35, %add3A_33 : vector<2000x128xf32>
    %slice3A_37 = vector.extract_strided_slice %add3A_28 {offsets = [0, 128], sizes = [2000, 128], strides = [1, 1]} : vector<2000x256xf32> to vector<2000x128xf32>
    %gt3A = arith.constant 0.000000e+00 : f32
    %gt3A_38 = vector.broadcast %gt3A : f32 to vector<2000x128xf32>
    %gt3A_39 = arith.cmpf ogt, %slice3A_37, %gt3A_38 : vector<2000x128xf32>
    %min3A = arith.constant 0.000000e+00 : f32
    %min3A_40 = vector.broadcast %min3A : f32 to vector<2000x128xf32>
    %min3A_41 = arith.minimumf %slice3A_37, %min3A_40 : vector<2000x128xf32>
    %exp3A_42 = math.exp %min3A_41 : vector<2000x128xf32>
    %sub3A_43 = arith.constant 1.000000e+00 : f32
    %sub3A_44 = vector.broadcast %sub3A_43 : f32 to vector<2000x128xf32>
    %sub3A_45 = arith.subf %exp3A_42, %sub3A_44 : vector<2000x128xf32>
    %select_n3A = arith.select %gt3A_39, %slice3A_37, %sub3A_45 : vector<2000x128xi1>, vector<2000x128xf32>
    %get3A_46 = arith.constant 0 : index
    %get3A_47 = arith.constant 0 : index
    %get3A_48 = vector.load %arg5[%get3A_46, %get3A_47] : memref<2000x64xf32, #tpu.memory_space<vmem>>, vector<2000x64xf32>
    %get3A_49 = arith.constant 0 : index
    %get3A_50 = arith.constant 0 : index
    %get3A_51 = vector.load %arg10[%get3A_49, %get3A_50] : memref<64x64xf32, #tpu.memory_space<vmem>>, vector<64x64xf32>
    %dot_general3A_52 = arith.constant dense<0.000000e+00> : vector<2000x64xf32>
    %dot_general3A_53 = tpu.matmul %get3A_48, %get3A_51, %dot_general3A_52 {dimension_numbers = #tpu.dot_dimension_numbers<[1], [0], [0], [1], [0, 0, 1, 1], [], []>, transpose_lhs_hint = false} : vector<2000x64xf32>, vector<64x64xf32>, vector<2000x64xf32> -> vector<2000x64xf32>
    %neg3A_54 = arith.constant 0.000000e+00 : f32
    %neg3A_55 = vector.broadcast %neg3A_54 : f32 to vector<2000x64xf32>
    %neg3A_56 = arith.subf %neg3A_55, %dot_general3A_53 : vector<2000x64xf32>
    %exp3A_57 = math.exp %neg3A_56 : vector<2000x64xf32>
    %add3A_58 = arith.constant 1.000000e+00 : f32
    %add3A_59 = vector.broadcast %add3A_58 : f32 to vector<2000x64xf32>
    %add3A_60 = arith.addf %add3A_59, %exp3A_57 : vector<2000x64xf32>
    %div3A_61 = arith.constant 1.000000e+00 : f32
    %div3A_62 = vector.broadcast %div3A_61 : f32 to vector<2000x64xf32>
    %div3A_63 = arith.divf %div3A_62, %add3A_60 : vector<2000x64xf32>
    %get3A_64 = arith.constant 0 : index
    %get3A_65 = arith.constant 0 : index
    %get3A_66 = vector.load %arg4[%get3A_64, %get3A_65] : memref<2000x64xf32, #tpu.memory_space<vmem>>, vector<2000x64xf32>
    %get3A_67 = arith.constant 0 : index
    %get3A_68 = arith.constant 0 : index
    %get3A_69 = vector.load %arg9[%get3A_67, %get3A_68] : memref<64x128xf32, #tpu.memory_space<vmem>>, vector<64x128xf32>
    %dot_general3A_70 = arith.constant dense<0.000000e+00> : vector<2000x128xf32>
    %dot_general3A_71 = tpu.matmul %get3A_66, %get3A_69, %dot_general3A_70 {dimension_numbers = #tpu.dot_dimension_numbers<[1], [0], [0], [1], [0, 0, 1, 1], [], []>, transpose_lhs_hint = false} : vector<2000x64xf32>, vector<64x128xf32>, vector<2000x128xf32> -> vector<2000x128xf32>
    %mul3A_72 = arith.mulf %get3A_48, %div3A_63 : vector<2000x64xf32>
    %get3A_73 = arith.constant 0 : index
    %get3A_74 = arith.constant 0 : index
    %get3A_75 = vector.load %arg11[%get3A_73, %get3A_74] : memref<64x128xf32, #tpu.memory_space<vmem>>, vector<64x128xf32>
    %dot_general3A_76 = arith.constant dense<0.000000e+00> : vector<2000x128xf32>
    %dot_general3A_77 = tpu.matmul %mul3A_72, %get3A_75, %dot_general3A_76 {dimension_numbers = #tpu.dot_dimension_numbers<[1], [0], [0], [1], [0, 0, 1, 1], [], []>, transpose_lhs_hint = false} : vector<2000x64xf32>, vector<64x128xf32>, vector<2000x128xf32> -> vector<2000x128xf32>
    %add3A_78 = arith.addf %dot_general3A_71, %dot_general3A_77 : vector<2000x128xf32>
    %mul3A_79 = arith.mulf %div3A_36, %select_n3A : vector<2000x128xf32>
    %mul3A_80 = arith.mulf %mul3A_79, %add3A_78 : vector<2000x128xf32>
    %mul3A_81 = vector.broadcast %convert_element_type3A_12 : vector<2000x1xf32> to vector<2000x128xf32>
    %mul3A_82 = arith.mulf %mul3A_80, %mul3A_81 : vector<2000x128xf32>
    %swap3A = arith.constant 0 : index
    %swap3A_83 = arith.constant 0 : index
    %swap3A_84 = vector.load %arg12[%swap3A, %swap3A_83] : memref<2000x128xf32, #tpu.memory_space<vmem>>, vector<2000x128xf32>
    tpu.vector_store %arg12[%swap3A, %swap3A_83], %mul3A_82 {strides = array<i32>} : memref<2000x128xf32, #tpu.memory_space<vmem>>, vector<2000x128xf32>,
    return
  }
  func.func @transform_0(%arg0: i32) -> (i32, i32) {
    %c0_i32 = arith.constant 0 : i32
    %c0_i32_0 = arith.constant 0 : i32
    return %arg0, %c0_i32 : i32, i32
  }
  func.func @transform_1(%arg0: i32) -> (i32, i32) {
    %c0_i32 = arith.constant 0 : i32
    %c0_i32_0 = arith.constant 0 : i32
    return %arg0, %c0_i32 : i32, i32
  }
  func.func @transform_2(%arg0: i32) -> (i32, i32) {
    %c0_i32 = arith.constant 0 : i32
    %c0_i32_0 = arith.constant 0 : i32
    return %arg0, %c0_i32 : i32, i32
  }
  func.func @transform_3(%arg0: i32) -> (i32, i32) {
    %c0_i32 = arith.constant 0 : i32
    %c0_i32_0 = arith.constant 0 : i32
    return %arg0, %c0_i32 : i32, i32
  }
  func.func @transform_4(%arg0: i32) -> (i32, i32) {
    %c0_i32 = arith.constant 0 : i32
    %c0_i32_0 = arith.constant 0 : i32
    return %arg0, %c0_i32 : i32, i32
  }
  func.func @transform_5(%arg0: i32) -> (i32, i32) {
    %c0_i32 = arith.constant 0 : i32
    %c0_i32_0 = arith.constant 0 : i32
    %c0_i32_1 = arith.constant 0 : i32
    return %c0_i32, %c0_i32_0 : i32, i32
  }
  func.func @transform_6(%arg0: i32) -> (i32, i32) {
    %c0_i32 = arith.constant 0 : i32
    %c0_i32_0 = arith.constant 0 : i32
    %c0_i32_1 = arith.constant 0 : i32
    return %c0_i32, %c0_i32_0 : i32, i32
  }
  func.func @transform_7(%arg0: i32) -> (i32, i32) {
    %c0_i32 = arith.constant 0 : i32
    %c0_i32_0 = arith.constant 0 : i32
    %c0_i32_1 = arith.constant 0 : i32
    return %c0_i32, %c0_i32_0 : i32, i32
  }
  func.func @transform_8(%arg0: i32) -> (i32, i32) {
    %c0_i32 = arith.constant 0 : i32
    %c0_i32_0 = arith.constant 0 : i32
    %c0_i32_1 = arith.constant 0 : i32
    return %c0_i32, %c0_i32_0 : i32, i32
  }
  func.func @transform_9(%arg0: i32) -> (i32, i32) {
    %c0_i32 = arith.constant 0 : i32
    %c0_i32_0 = arith.constant 0 : i32
    %c0_i32_1 = arith.constant 0 : i32
    return %c0_i32, %c0_i32_0 : i32, i32
  }
  func.func @transform_10(%arg0: i32) -> (i32, i32) {
    %c0_i32 = arith.constant 0 : i32
    %c0_i32_0 = arith.constant 0 : i32
    %c0_i32_1 = arith.constant 0 : i32
    return %c0_i32, %c0_i32_0 : i32, i32
  }
  func.func @transform_11(%arg0: i32) -> (i32, i32) {
    %c0_i32 = arith.constant 0 : i32
    %c0_i32_0 = arith.constant 0 : i32
    return %arg0, %c0_i32 : i32, i32
  }
}

module attributes {stable_mosaic.version = 14 : i64} {
  func.func @_node_body(%arg0: i32, %arg1: memref<2000x128xf32, #tpu.memory_space<vmem>>, %arg2: memref<2000x128xf32, #tpu.memory_space<vmem>>, %arg3: memref<2000x1xi32, #tpu.memory_space<vmem>>, %arg4: memref<128x128xf32, #tpu.memory_space<vmem>>, %arg5: memref<128x128xf32, #tpu.memory_space<vmem>>, %arg6: memref<128x128xf32, #tpu.memory_space<vmem>>, %arg7: memref<2000x128xf32, #tpu.memory_space<vmem>>, %arg8: memref<64x128xf32, #tpu.memory_space<vmem>>) attributes {dimension_semantics = [#tpu.dimension_semantics<arbitrary>], iteration_bounds = array<i64: 5>, scalar_prefetch = 0 : i64, scratch_operands = 0 : i64, tpu.core_type = #tpu.core_type<tc>, window_params = [{transform_indices = @transform_0, window_bounds = array<i64: 2000, 128>}, {transform_indices = @transform_1, window_bounds = array<i64: 2000, 128>}, {transform_indices = @transform_2, window_bounds = array<i64: 2000, 1>}, {pipeline_mode = #tpu.pipeline_mode<synchronous>, transform_indices = @transform_3, window_bounds = array<i64: 128, 128>}, {pipeline_mode = #tpu.pipeline_mode<synchronous>, transform_indices = @transform_4, window_bounds = array<i64: 128, 128>}, {pipeline_mode = #tpu.pipeline_mode<synchronous>, transform_indices = @transform_5, window_bounds = array<i64: 128, 128>}, {transform_indices = @transform_6, window_bounds = array<i64: 2000, 128>}, {pipeline_mode = #tpu.pipeline_mode<synchronous>, transform_indices = @transform_7, window_bounds = array<i64: 64, 128>}]} {
    %get3A = arith.constant 0 : index
    %get3A_0 = arith.constant 0 : index
    %get3A_1 = vector.load %arg1[%get3A, %get3A_0] : memref<2000x128xf32, #tpu.memory_space<vmem>>, vector<2000x128xf32>
    %get3A_2 = arith.constant 0 : index
    %get3A_3 = arith.constant 0 : index
    %get3A_4 = vector.load %arg2[%get3A_2, %get3A_3] : memref<2000x128xf32, #tpu.memory_space<vmem>>, vector<2000x128xf32>
    %add3A = arith.addf %get3A_1, %get3A_4 : vector<2000x128xf32>
    %get3A_5 = arith.constant 0 : index
    %get3A_6 = arith.constant 0 : index
    %get3A_7 = vector.load %arg4[%get3A_5, %get3A_6] : memref<128x128xf32, #tpu.memory_space<vmem>>, vector<128x128xf32>
    %dot_general3A = arith.constant dense<0.000000e+00> : vector<2000x128xf32>
    %dot_general3A_8 = tpu.matmul %add3A, %get3A_7, %dot_general3A {dimension_numbers = #tpu.dot_dimension_numbers<[1], [0], [0], [1], [0, 0, 1, 1], [], []>, transpose_lhs_hint = false} : vector<2000x128xf32>, vector<128x128xf32>, vector<2000x128xf32> -> vector<2000x128xf32>
    %gt3A = arith.constant 0.000000e+00 : f32
    %gt3A_9 = vector.broadcast %gt3A : f32 to vector<2000x128xf32>
    %gt3A_10 = arith.cmpf ogt, %dot_general3A_8, %gt3A_9 : vector<2000x128xf32>
    %min3A = arith.constant 0.000000e+00 : f32
    %min3A_11 = vector.broadcast %min3A : f32 to vector<2000x128xf32>
    %min3A_12 = arith.minimumf %dot_general3A_8, %min3A_11 : vector<2000x128xf32>
    %exp3A = math.exp %min3A_12 : vector<2000x128xf32>
    %sub3A = arith.constant 1.000000e+00 : f32
    %sub3A_13 = vector.broadcast %sub3A : f32 to vector<2000x128xf32>
    %sub3A_14 = arith.subf %exp3A, %sub3A_13 : vector<2000x128xf32>
    %select_n3A = arith.select %gt3A_10, %dot_general3A_8, %sub3A_14 : vector<2000x128xi1>, vector<2000x128xf32>
    %swap3A = arith.constant 0 : index
    %swap3A_15 = arith.constant 0 : index
    %swap3A_16 = vector.load %arg7[%swap3A, %swap3A_15] : memref<2000x128xf32, #tpu.memory_space<vmem>>, vector<2000x128xf32>
    tpu.vector_store %arg7[%swap3A, %swap3A_15], %select_n3A {strides = array<i32>} : memref<2000x128xf32, #tpu.memory_space<vmem>>, vector<2000x128xf32>,
    %get3A_17 = arith.constant 0 : index
    %get3A_18 = arith.constant 0 : index
    %get3A_19 = vector.load %arg5[%get3A_17, %get3A_18] : memref<128x128xf32, #tpu.memory_space<vmem>>, vector<128x128xf32>
    %dot_general3A_20 = arith.constant dense<0.000000e+00> : vector<2000x128xf32>
    %dot_general3A_21 = tpu.matmul %select_n3A, %get3A_19, %dot_general3A_20 {dimension_numbers = #tpu.dot_dimension_numbers<[1], [0], [0], [1], [0, 0, 1, 1], [], []>, transpose_lhs_hint = false} : vector<2000x128xf32>, vector<128x128xf32>, vector<2000x128xf32> -> vector<2000x128xf32>
    %gt3A_22 = arith.constant 0.000000e+00 : f32
    %gt3A_23 = vector.broadcast %gt3A_22 : f32 to vector<2000x128xf32>
    %gt3A_24 = arith.cmpf ogt, %dot_general3A_21, %gt3A_23 : vector<2000x128xf32>
    %min3A_25 = arith.constant 0.000000e+00 : f32
    %min3A_26 = vector.broadcast %min3A_25 : f32 to vector<2000x128xf32>
    %min3A_27 = arith.minimumf %dot_general3A_21, %min3A_26 : vector<2000x128xf32>
    %exp3A_28 = math.exp %min3A_27 : vector<2000x128xf32>
    %sub3A_29 = arith.constant 1.000000e+00 : f32
    %sub3A_30 = vector.broadcast %sub3A_29 : f32 to vector<2000x128xf32>
    %sub3A_31 = arith.subf %exp3A_28, %sub3A_30 : vector<2000x128xf32>
    %select_n3A_32 = arith.select %gt3A_24, %dot_general3A_21, %sub3A_31 : vector<2000x128xi1>, vector<2000x128xf32>
    %get3A_33 = arith.constant 0 : index
    %get3A_34 = arith.constant 0 : index
    %get3A_35 = vector.load %arg6[%get3A_33, %get3A_34] : memref<128x128xf32, #tpu.memory_space<vmem>>, vector<128x128xf32>
    %dot_general3A_36 = arith.constant dense<0.000000e+00> : vector<2000x128xf32>
    %dot_general3A_37 = tpu.matmul %select_n3A, %get3A_35, %dot_general3A_36 {dimension_numbers = #tpu.dot_dimension_numbers<[1], [0], [0], [1], [0, 0, 1, 1], [], []>, transpose_lhs_hint = false} : vector<2000x128xf32>, vector<128x128xf32>, vector<2000x128xf32> -> vector<2000x128xf32>
    %mul3A = arith.mulf %select_n3A_32, %dot_general3A_37 : vector<2000x128xf32>
    %iota3A = tpu.iota {dimensions = array<i32: 1>} : vector<2000x64xi32>
    %get3A_38 = arith.constant 0 : index
    %get3A_39 = arith.constant 0 : index
    %get3A_40 = vector.load %arg3[%get3A_38, %get3A_39] : memref<2000x1xi32, #tpu.memory_space<vmem>>, vector<2000x1xi32>
    %eq3A = vector.broadcast %get3A_40 : vector<2000x1xi32> to vector<2000x64xi32>
    %eq3A_41 = arith.cmpi eq, %eq3A, %iota3A : vector<2000x64xi32>
    %convert_element_type3A = arith.extui %eq3A_41 : vector<2000x64xi1> to vector<2000x64xi32>
    %convert_element_type3A_42 = arith.sitofp %convert_element_type3A : vector<2000x64xi32> to vector<2000x64xf32>
    %dot_general3A_43 = arith.constant dense<0.000000e+00> : vector<64x128xf32>
    %dot_general3A_44 = tpu.matmul %convert_element_type3A_42, %mul3A, %dot_general3A_43 {dimension_numbers = #tpu.dot_dimension_numbers<[0], [0], [1], [1], [0, 1, 1, 1], [], []>, transpose_lhs_hint = false} : vector<2000x64xf32>, vector<2000x128xf32>, vector<64x128xf32> -> vector<64x128xf32>
    %eq3A_45 = arith.constant 0 : i32
    %eq3A_46 = arith.cmpi eq, %arg0, %eq3A_45 : i32
    %convert_element_type3A_47 = arith.extui %eq3A_46 : i1 to i32
    %cond3A = arith.constant 0 : i32
    %cond3A_48 = arith.cmpi ne, %convert_element_type3A_47, %cond3A : i32
    scf.if %cond3A_48 {
      %swap3A_54 = arith.constant 0 : index
      %swap3A_55 = arith.constant 0 : index
      %swap3A_56 = vector.load %arg8[%swap3A_54, %swap3A_55] : memref<64x128xf32, #tpu.memory_space<vmem>>, vector<64x128xf32>
      tpu.vector_store %arg8[%swap3A_54, %swap3A_55], %dot_general3A_44 {strides = array<i32>} : memref<64x128xf32, #tpu.memory_space<vmem>>, vector<64x128xf32>,
    } else {
    }
    %gt3A_49 = arith.constant 0 : i32
    %gt3A_50 = arith.cmpi sgt, %arg0, %gt3A_49 : i32
    %convert_element_type3A_51 = arith.extui %gt3A_50 : i1 to i32
    %cond3A_52 = arith.constant 0 : i32
    %cond3A_53 = arith.cmpi ne, %convert_element_type3A_51, %cond3A_52 : i32
    scf.if %cond3A_53 {
      %get3A_54 = arith.constant 0 : index
      %get3A_55 = arith.constant 0 : index
      %get3A_56 = vector.load %arg8[%get3A_54, %get3A_55] : memref<64x128xf32, #tpu.memory_space<vmem>>, vector<64x128xf32>
      %add3A_57 = arith.addf %get3A_56, %dot_general3A_44 : vector<64x128xf32>
      %swap3A_58 = arith.constant 0 : index
      %swap3A_59 = arith.constant 0 : index
      %swap3A_60 = vector.load %arg8[%swap3A_58, %swap3A_59] : memref<64x128xf32, #tpu.memory_space<vmem>>, vector<64x128xf32>
      tpu.vector_store %arg8[%swap3A_58, %swap3A_59], %add3A_57 {strides = array<i32>} : memref<64x128xf32, #tpu.memory_space<vmem>>, vector<64x128xf32>,
    } else {
    }
    return
  }
  func.func @transform_0(%arg0: i32) -> (i32, i32) {
    %c0_i32 = arith.constant 0 : i32
    %c0_i32_0 = arith.constant 0 : i32
    return %arg0, %c0_i32 : i32, i32
  }
  func.func @transform_1(%arg0: i32) -> (i32, i32) {
    %c0_i32 = arith.constant 0 : i32
    %c0_i32_0 = arith.constant 0 : i32
    return %arg0, %c0_i32 : i32, i32
  }
  func.func @transform_2(%arg0: i32) -> (i32, i32) {
    %c0_i32 = arith.constant 0 : i32
    %c0_i32_0 = arith.constant 0 : i32
    return %arg0, %c0_i32 : i32, i32
  }
  func.func @transform_3(%arg0: i32) -> (i32, i32) {
    %c0_i32 = arith.constant 0 : i32
    %c0_i32_0 = arith.constant 0 : i32
    %c0_i32_1 = arith.constant 0 : i32
    return %c0_i32, %c0_i32_0 : i32, i32
  }
  func.func @transform_4(%arg0: i32) -> (i32, i32) {
    %c0_i32 = arith.constant 0 : i32
    %c0_i32_0 = arith.constant 0 : i32
    %c0_i32_1 = arith.constant 0 : i32
    return %c0_i32, %c0_i32_0 : i32, i32
  }
  func.func @transform_5(%arg0: i32) -> (i32, i32) {
    %c0_i32 = arith.constant 0 : i32
    %c0_i32_0 = arith.constant 0 : i32
    %c0_i32_1 = arith.constant 0 : i32
    return %c0_i32, %c0_i32_0 : i32, i32
  }
  func.func @transform_6(%arg0: i32) -> (i32, i32) {
    %c0_i32 = arith.constant 0 : i32
    %c0_i32_0 = arith.constant 0 : i32
    return %arg0, %c0_i32 : i32, i32
  }
  func.func @transform_7(%arg0: i32) -> (i32, i32) {
    %c0_i32 = arith.constant 0 : i32
    %c0_i32_0 = arith.constant 0 : i32
    %c0_i32_1 = arith.constant 0 : i32
    return %c0_i32, %c0_i32_0 : i32, i32
  }
}

module attributes {stable_mosaic.version = 14 : i64} {
  func.func @_node_body(%arg0: i32, %arg1: memref<2000x128xf32, #tpu.memory_space<vmem>>, %arg2: memref<2000x128xf32, #tpu.memory_space<vmem>>, %arg3: memref<2000x1xi32, #tpu.memory_space<vmem>>, %arg4: memref<128x128xf32, #tpu.memory_space<vmem>>, %arg5: memref<128x128xf32, #tpu.memory_space<vmem>>, %arg6: memref<128x128xf32, #tpu.memory_space<vmem>>, %arg7: memref<2000x128xf32, #tpu.memory_space<vmem>>, %arg8: memref<64x128xf32, #tpu.memory_space<vmem>>) attributes {dimension_semantics = [#tpu.dimension_semantics<arbitrary>], iteration_bounds = array<i64: 5>, scalar_prefetch = 0 : i64, scratch_operands = 0 : i64, tpu.core_type = #tpu.core_type<tc>, window_params = [{transform_indices = @transform_0, window_bounds = array<i64: 2000, 128>}, {transform_indices = @transform_1, window_bounds = array<i64: 2000, 128>}, {transform_indices = @transform_2, window_bounds = array<i64: 2000, 1>}, {pipeline_mode = #tpu.pipeline_mode<synchronous>, transform_indices = @transform_3, window_bounds = array<i64: 128, 128>}, {pipeline_mode = #tpu.pipeline_mode<synchronous>, transform_indices = @transform_4, window_bounds = array<i64: 128, 128>}, {pipeline_mode = #tpu.pipeline_mode<synchronous>, transform_indices = @transform_5, window_bounds = array<i64: 128, 128>}, {transform_indices = @transform_6, window_bounds = array<i64: 2000, 128>}, {pipeline_mode = #tpu.pipeline_mode<synchronous>, transform_indices = @transform_7, window_bounds = array<i64: 64, 128>}]} {
    %get3A = arith.constant 0 : index
    %get3A_0 = arith.constant 0 : index
    %get3A_1 = vector.load %arg1[%get3A, %get3A_0] : memref<2000x128xf32, #tpu.memory_space<vmem>>, vector<2000x128xf32>
    %get3A_2 = arith.constant 0 : index
    %get3A_3 = arith.constant 0 : index
    %get3A_4 = vector.load %arg2[%get3A_2, %get3A_3] : memref<2000x128xf32, #tpu.memory_space<vmem>>, vector<2000x128xf32>
    %add3A = arith.addf %get3A_1, %get3A_4 : vector<2000x128xf32>
    %get3A_5 = arith.constant 0 : index
    %get3A_6 = arith.constant 0 : index
    %get3A_7 = vector.load %arg4[%get3A_5, %get3A_6] : memref<128x128xf32, #tpu.memory_space<vmem>>, vector<128x128xf32>
    %dot_general3A = arith.constant dense<0.000000e+00> : vector<2000x128xf32>
    %dot_general3A_8 = tpu.matmul %add3A, %get3A_7, %dot_general3A {dimension_numbers = #tpu.dot_dimension_numbers<[1], [0], [0], [1], [0, 0, 1, 1], [], []>, transpose_lhs_hint = false} : vector<2000x128xf32>, vector<128x128xf32>, vector<2000x128xf32> -> vector<2000x128xf32>
    %gt3A = arith.constant 0.000000e+00 : f32
    %gt3A_9 = vector.broadcast %gt3A : f32 to vector<2000x128xf32>
    %gt3A_10 = arith.cmpf ogt, %dot_general3A_8, %gt3A_9 : vector<2000x128xf32>
    %min3A = arith.constant 0.000000e+00 : f32
    %min3A_11 = vector.broadcast %min3A : f32 to vector<2000x128xf32>
    %min3A_12 = arith.minimumf %dot_general3A_8, %min3A_11 : vector<2000x128xf32>
    %exp3A = math.exp %min3A_12 : vector<2000x128xf32>
    %sub3A = arith.constant 1.000000e+00 : f32
    %sub3A_13 = vector.broadcast %sub3A : f32 to vector<2000x128xf32>
    %sub3A_14 = arith.subf %exp3A, %sub3A_13 : vector<2000x128xf32>
    %select_n3A = arith.select %gt3A_10, %dot_general3A_8, %sub3A_14 : vector<2000x128xi1>, vector<2000x128xf32>
    %swap3A = arith.constant 0 : index
    %swap3A_15 = arith.constant 0 : index
    %swap3A_16 = vector.load %arg7[%swap3A, %swap3A_15] : memref<2000x128xf32, #tpu.memory_space<vmem>>, vector<2000x128xf32>
    tpu.vector_store %arg7[%swap3A, %swap3A_15], %select_n3A {strides = array<i32>} : memref<2000x128xf32, #tpu.memory_space<vmem>>, vector<2000x128xf32>,
    %get3A_17 = arith.constant 0 : index
    %get3A_18 = arith.constant 0 : index
    %get3A_19 = vector.load %arg5[%get3A_17, %get3A_18] : memref<128x128xf32, #tpu.memory_space<vmem>>, vector<128x128xf32>
    %dot_general3A_20 = arith.constant dense<0.000000e+00> : vector<2000x128xf32>
    %dot_general3A_21 = tpu.matmul %select_n3A, %get3A_19, %dot_general3A_20 {dimension_numbers = #tpu.dot_dimension_numbers<[1], [0], [0], [1], [0, 0, 1, 1], [], []>, transpose_lhs_hint = false} : vector<2000x128xf32>, vector<128x128xf32>, vector<2000x128xf32> -> vector<2000x128xf32>
    %gt3A_22 = arith.constant 0.000000e+00 : f32
    %gt3A_23 = vector.broadcast %gt3A_22 : f32 to vector<2000x128xf32>
    %gt3A_24 = arith.cmpf ogt, %dot_general3A_21, %gt3A_23 : vector<2000x128xf32>
    %min3A_25 = arith.constant 0.000000e+00 : f32
    %min3A_26 = vector.broadcast %min3A_25 : f32 to vector<2000x128xf32>
    %min3A_27 = arith.minimumf %dot_general3A_21, %min3A_26 : vector<2000x128xf32>
    %exp3A_28 = math.exp %min3A_27 : vector<2000x128xf32>
    %sub3A_29 = arith.constant 1.000000e+00 : f32
    %sub3A_30 = vector.broadcast %sub3A_29 : f32 to vector<2000x128xf32>
    %sub3A_31 = arith.subf %exp3A_28, %sub3A_30 : vector<2000x128xf32>
    %select_n3A_32 = arith.select %gt3A_24, %dot_general3A_21, %sub3A_31 : vector<2000x128xi1>, vector<2000x128xf32>
    %get3A_33 = arith.constant 0 : index
    %get3A_34 = arith.constant 0 : index
    %get3A_35 = vector.load %arg6[%get3A_33, %get3A_34] : memref<128x128xf32, #tpu.memory_space<vmem>>, vector<128x128xf32>
    %dot_general3A_36 = arith.constant dense<0.000000e+00> : vector<2000x128xf32>
    %dot_general3A_37 = tpu.matmul %select_n3A, %get3A_35, %dot_general3A_36 {dimension_numbers = #tpu.dot_dimension_numbers<[1], [0], [0], [1], [0, 0, 1, 1], [], []>, transpose_lhs_hint = false} : vector<2000x128xf32>, vector<128x128xf32>, vector<2000x128xf32> -> vector<2000x128xf32>
    %mul3A = arith.mulf %select_n3A_32, %dot_general3A_37 : vector<2000x128xf32>
    %iota3A = tpu.iota {dimensions = array<i32: 1>} : vector<2000x64xi32>
    %get3A_38 = arith.constant 0 : index
    %get3A_39 = arith.constant 0 : index
    %get3A_40 = vector.load %arg3[%get3A_38, %get3A_39] : memref<2000x1xi32, #tpu.memory_space<vmem>>, vector<2000x1xi32>
    %eq3A = vector.broadcast %get3A_40 : vector<2000x1xi32> to vector<2000x64xi32>
    %eq3A_41 = arith.cmpi eq, %eq3A, %iota3A : vector<2000x64xi32>
    %convert_element_type3A = arith.extui %eq3A_41 : vector<2000x64xi1> to vector<2000x64xi32>
    %convert_element_type3A_42 = arith.sitofp %convert_element_type3A : vector<2000x64xi32> to vector<2000x64xf32>
    %dot_general3A_43 = arith.constant dense<0.000000e+00> : vector<64x128xf32>
    %dot_general3A_44 = tpu.matmul %convert_element_type3A_42, %mul3A, %dot_general3A_43 {dimension_numbers = #tpu.dot_dimension_numbers<[0], [0], [1], [1], [0, 1, 1, 1], [], []>, transpose_lhs_hint = false} : vector<2000x64xf32>, vector<2000x128xf32>, vector<64x128xf32> -> vector<64x128xf32>
    %eq3A_45 = arith.constant 0 : i32
    %eq3A_46 = arith.cmpi eq, %arg0, %eq3A_45 : i32
    %convert_element_type3A_47 = arith.extui %eq3A_46 : i1 to i32
    %cond3A = arith.constant 0 : i32
    %cond3A_48 = arith.cmpi ne, %convert_element_type3A_47, %cond3A : i32
    scf.if %cond3A_48 {
      %swap3A_54 = arith.constant 0 : index
      %swap3A_55 = arith.constant 0 : index
      %swap3A_56 = vector.load %arg8[%swap3A_54, %swap3A_55] : memref<64x128xf32, #tpu.memory_space<vmem>>, vector<64x128xf32>
      tpu.vector_store %arg8[%swap3A_54, %swap3A_55], %dot_general3A_44 {strides = array<i32>} : memref<64x128xf32, #tpu.memory_space<vmem>>, vector<64x128xf32>,
    } else {
    }
    %gt3A_49 = arith.constant 0 : i32
    %gt3A_50 = arith.cmpi sgt, %arg0, %gt3A_49 : i32
    %convert_element_type3A_51 = arith.extui %gt3A_50 : i1 to i32
    %cond3A_52 = arith.constant 0 : i32
    %cond3A_53 = arith.cmpi ne, %convert_element_type3A_51, %cond3A_52 : i32
    scf.if %cond3A_53 {
      %get3A_54 = arith.constant 0 : index
      %get3A_55 = arith.constant 0 : index
      %get3A_56 = vector.load %arg8[%get3A_54, %get3A_55] : memref<64x128xf32, #tpu.memory_space<vmem>>, vector<64x128xf32>
      %add3A_57 = arith.addf %get3A_56, %dot_general3A_44 : vector<64x128xf32>
      %swap3A_58 = arith.constant 0 : index
      %swap3A_59 = arith.constant 0 : index
      %swap3A_60 = vector.load %arg8[%swap3A_58, %swap3A_59] : memref<64x128xf32, #tpu.memory_space<vmem>>, vector<64x128xf32>
      tpu.vector_store %arg8[%swap3A_58, %swap3A_59], %add3A_57 {strides = array<i32>} : memref<64x128xf32, #tpu.memory_space<vmem>>, vector<64x128xf32>,
    } else {
    }
    return
  }
  func.func @transform_0(%arg0: i32) -> (i32, i32) {
    %c0_i32 = arith.constant 0 : i32
    %c0_i32_0 = arith.constant 0 : i32
    return %arg0, %c0_i32 : i32, i32
  }
  func.func @transform_1(%arg0: i32) -> (i32, i32) {
    %c0_i32 = arith.constant 0 : i32
    %c0_i32_0 = arith.constant 0 : i32
    return %arg0, %c0_i32 : i32, i32
  }
  func.func @transform_2(%arg0: i32) -> (i32, i32) {
    %c0_i32 = arith.constant 0 : i32
    %c0_i32_0 = arith.constant 0 : i32
    return %arg0, %c0_i32 : i32, i32
  }
  func.func @transform_3(%arg0: i32) -> (i32, i32) {
    %c0_i32 = arith.constant 0 : i32
    %c0_i32_0 = arith.constant 0 : i32
    %c0_i32_1 = arith.constant 0 : i32
    return %c0_i32, %c0_i32_0 : i32, i32
  }
  func.func @transform_4(%arg0: i32) -> (i32, i32) {
    %c0_i32 = arith.constant 0 : i32
    %c0_i32_0 = arith.constant 0 : i32
    %c0_i32_1 = arith.constant 0 : i32
    return %c0_i32, %c0_i32_0 : i32, i32
  }
  func.func @transform_5(%arg0: i32) -> (i32, i32) {
    %c0_i32 = arith.constant 0 : i32
    %c0_i32_0 = arith.constant 0 : i32
    %c0_i32_1 = arith.constant 0 : i32
    return %c0_i32, %c0_i32_0 : i32, i32
  }
  func.func @transform_6(%arg0: i32) -> (i32, i32) {
    %c0_i32 = arith.constant 0 : i32
    %c0_i32_0 = arith.constant 0 : i32
    return %arg0, %c0_i32 : i32, i32
  }
  func.func @transform_7(%arg0: i32) -> (i32, i32) {
    %c0_i32 = arith.constant 0 : i32
    %c0_i32_0 = arith.constant 0 : i32
    %c0_i32_1 = arith.constant 0 : i32
    return %c0_i32, %c0_i32_0 : i32, i32
  }
}

module attributes {stable_mosaic.version = 14 : i64} {
  func.func @_head_body(%arg0: memref<64x128xf32, #tpu.memory_space<vmem>>, %arg1: memref<128x64xf32, #tpu.memory_space<vmem>>, %arg2: memref<64x32xf32, #tpu.memory_space<vmem>>, %arg3: memref<32x1xf32, #tpu.memory_space<vmem>>, %arg4: memref<64x1xf32, #tpu.memory_space<vmem>>) attributes {dimension_semantics = [], scalar_prefetch = 0 : i64, scratch_operands = 0 : i64, tpu.core_type = #tpu.core_type<tc>} {
    %get3A = arith.constant 0 : index
    %get3A_0 = arith.constant 0 : index
    %get3A_1 = vector.load %arg0[%get3A, %get3A_0] : memref<64x128xf32, #tpu.memory_space<vmem>>, vector<64x128xf32>
    %get3A_2 = arith.constant 0 : index
    %get3A_3 = arith.constant 0 : index
    %get3A_4 = vector.load %arg1[%get3A_2, %get3A_3] : memref<128x64xf32, #tpu.memory_space<vmem>>, vector<128x64xf32>
    %dot_general3A = arith.constant dense<0.000000e+00> : vector<64x64xf32>
    %dot_general3A_5 = tpu.matmul %get3A_1, %get3A_4, %dot_general3A {dimension_numbers = #tpu.dot_dimension_numbers<[1], [0], [0], [1], [0, 0, 1, 1], [], []>, transpose_lhs_hint = false} : vector<64x128xf32>, vector<128x64xf32>, vector<64x64xf32> -> vector<64x64xf32>
    %gt3A = arith.constant 0.000000e+00 : f32
    %gt3A_6 = vector.broadcast %gt3A : f32 to vector<64x64xf32>
    %gt3A_7 = arith.cmpf ogt, %dot_general3A_5, %gt3A_6 : vector<64x64xf32>
    %min3A = arith.constant 0.000000e+00 : f32
    %min3A_8 = vector.broadcast %min3A : f32 to vector<64x64xf32>
    %min3A_9 = arith.minimumf %dot_general3A_5, %min3A_8 : vector<64x64xf32>
    %exp3A = math.exp %min3A_9 : vector<64x64xf32>
    %sub3A = arith.constant 1.000000e+00 : f32
    %sub3A_10 = vector.broadcast %sub3A : f32 to vector<64x64xf32>
    %sub3A_11 = arith.subf %exp3A, %sub3A_10 : vector<64x64xf32>
    %select_n3A = arith.select %gt3A_7, %dot_general3A_5, %sub3A_11 : vector<64x64xi1>, vector<64x64xf32>
    %get3A_12 = arith.constant 0 : index
    %get3A_13 = arith.constant 0 : index
    %get3A_14 = vector.load %arg2[%get3A_12, %get3A_13] : memref<64x32xf32, #tpu.memory_space<vmem>>, vector<64x32xf32>
    %dot_general3A_15 = arith.constant dense<0.000000e+00> : vector<64x32xf32>
    %dot_general3A_16 = tpu.matmul %select_n3A, %get3A_14, %dot_general3A_15 {dimension_numbers = #tpu.dot_dimension_numbers<[1], [0], [0], [1], [0, 0, 1, 1], [], []>, transpose_lhs_hint = false} : vector<64x64xf32>, vector<64x32xf32>, vector<64x32xf32> -> vector<64x32xf32>
    %gt3A_17 = arith.constant 0.000000e+00 : f32
    %gt3A_18 = vector.broadcast %gt3A_17 : f32 to vector<64x32xf32>
    %gt3A_19 = arith.cmpf ogt, %dot_general3A_16, %gt3A_18 : vector<64x32xf32>
    %min3A_20 = arith.constant 0.000000e+00 : f32
    %min3A_21 = vector.broadcast %min3A_20 : f32 to vector<64x32xf32>
    %min3A_22 = arith.minimumf %dot_general3A_16, %min3A_21 : vector<64x32xf32>
    %exp3A_23 = math.exp %min3A_22 : vector<64x32xf32>
    %sub3A_24 = arith.constant 1.000000e+00 : f32
    %sub3A_25 = vector.broadcast %sub3A_24 : f32 to vector<64x32xf32>
    %sub3A_26 = arith.subf %exp3A_23, %sub3A_25 : vector<64x32xf32>
    %select_n3A_27 = arith.select %gt3A_19, %dot_general3A_16, %sub3A_26 : vector<64x32xi1>, vector<64x32xf32>
    %get3A_28 = arith.constant 0 : index
    %get3A_29 = arith.constant 0 : index
    %get3A_30 = vector.load %arg3[%get3A_28, %get3A_29] : memref<32x1xf32, #tpu.memory_space<vmem>>, vector<32x1xf32>
    %dot_general3A_31 = arith.constant dense<0.000000e+00> : vector<64x1xf32>
    %dot_general3A_32 = tpu.matmul %select_n3A_27, %get3A_30, %dot_general3A_31 {dimension_numbers = #tpu.dot_dimension_numbers<[1], [0], [0], [1], [0, 0, 1, 1], [], []>, transpose_lhs_hint = false} : vector<64x32xf32>, vector<32x1xf32>, vector<64x1xf32> -> vector<64x1xf32>
    %swap3A = arith.constant 0 : index
    %swap3A_33 = arith.constant 0 : index
    %swap3A_34 = vector.load %arg4[%swap3A, %swap3A_33] : memref<64x1xf32, #tpu.memory_space<vmem>>, vector<64x1xf32>
    tpu.vector_store %arg4[%swap3A, %swap3A_33], %dot_general3A_32 {strides = array<i32>} : memref<64x1xf32, #tpu.memory_space<vmem>>, vector<64x1xf32>,
    return
  }
}

</mosaic_0001>

<sc_bundles>
// kernel: kernel.16.cloned.1.call-start
scs
__scs_entry_jumppad:
0x0: {  	(pc) =	sbr.rel $0x88, $3  }
0x1: {  	(tag) =	ssettag $0x0;
	lr =	simm.s32 $0x1  }
0x2: {  	[smem:$0x3F7E] =	sst lr;
	_ =	strace $0xD0000000  }
0x3: {  	_ = 	snop  }
0x4: {  	_ = 	snop  }
0x5: {  	_ = 	snop  }
0x6: {  	_ = 	snop  }
0x7: {  	_ = 	snop  }
__scs_overlays_trampoline_lowered:
0x8: {  	[smem:$0x3F8D] =	sst s0  }
0x9: {  	[smem:$0x3F8E] =	sst s1  }
0xa: {  	[smem:$0x3F8F] =	sst s2  }
0xb: {  	[smem:$0x3F90] =	sst s3  }
0xc: {  	[smem:$0x3F91] =	sst s4  }
0xd: {  	[smem:$0x3F92] =	sst s5  }
0xe: {  	[smem:$0x3F93] =	sst s6  }
0xf: {  	[smem:$0x3F94] =	sst s7  }
0x10: {  	[smem:$0x3F95] =	sst s8  }
0x11: {  	[smem:$0x3F96] =	sst s9;
	s0 =	simm.s32 @!p0 $0x0  }
0x12: {  	s1 =	sld [smem:$0x3F7C];
	s0 =	simm.s32 @p0 $0x1  }
0x13: {  	[smem:$0x3F97] =	sst s0;
	s0 =	simm.s32 @!p1 $0x0  }
0x14: {  	s2 =	sld [smem:$0x3F7B];
	s0 =	simm.s32 @p1 $0x1  }
0x15: {  	[smem:$0x3F98] =	sst s0;
	s0 =	simm.s32 @!p2 $0x0  }
0x16: {  	s3 =	sld [smem:$0x3FDB];
	s0 =	simm.s32 @p2 $0x1  }
0x17: {  	s4 =	simm.s32 $0x1BF5;
	[smem:$0x3F9A] =	sst s0  }
0x18: {  	s0 =	sld [smem:$0x3F7D];
	_ =	swait.ge [sflag:s4], $0x0  }
0x19: {  	s7 =	sld [smem:$0x3F7E]  }
0x1a: {  	s8 =	sadd.s32 $0xFFFFE003, lr  }
0x1b: {  	s9 =	sadd.s32 $0xFFFFFEF7, lr;
	s5 =	simm.s32 $0xFFFFFFFF;
	p2 =	slt.u32 s8, $0xFFFFF086  }
0x1c: {  	p1 =	slt.u32 s9, $0xF7A;
	s5 =	simm.s32 @!p2 $0x0  }
0x1d: {  	s5 =	simm.s32 @p1 $0x1;
	p0 =	seq.s32 s7, s2  }
0x1e: {  	s7 =	smul.u32 @!p0 $0xF7A, s2;
	p2 =	seq.s32 @!p0 s5, $0x0  }
0x1f: {  	s9 =	smul.u32 $0xF7A, s1;
	s8 =	simm.s32 @!p0 $0x1BF5;
	p2 =	por !p2, p0  }
0x20: {  	[sflag:s8] =	ssyncset.s32 @!p0 $0xFFFFF086;
	s6 =	sadd.s32 @!p0 s3, s7;
	s7 =	simm.s32 @!p0 $0x108  }
0x21: {  	s3 =	sadd.s32 s3, s9;
	s6 =	sadd.s32 @!p0 $0x88, s6;
	s7 =	simm.s32 @p2 $0x1082  }
0x22: {  	[simem:s7], [sflag:s8] =	dma.local @!p0 [hbm:s6], $0xF7A  }
0x23: {  	s9 =	sor.u32 $0xD0000000, s2;
	s6 =	simm.s32 $0x108;
	_ =	swait.ge @!p0 [sflag:s8], $0x0  }
0x24: {  	s3 =	sadd.s32 $0x88, s3;
	s6 =	simm.s32 @!p1 $0x1082;
	[sflag:s4] =	ssyncset.s32 $0xFFFFF086  }
0x25: {  	[simem:s6], [sflag:s4] =	dma.local [hbm:s3], $0xF7A  }
0x26: {  	[smem:$0x3F7E] =	sst s1;
	(tag) =	ssettag s2;
	_ =	strace s9  }
0x27: {  	s1 =	sld [smem:$0x3F8E]  }
0x28: {  	s2 =	sld [smem:$0x3F8F]  }
0x29: {  	s4 =	sld [smem:$0x3F91]  }
0x2a: {  	p0 =	seq.s32 s5, $0x0;
	s5 =	sld [smem:$0x3F92]  }
0x2b: {  	s6 =	sld [smem:$0x3F93]  }
0x2c: {  	s7 =	sld [smem:$0x3F94]  }
0x2d: {  	s3 =	simm.s32 $0x108;
	s8 =	sld [smem:$0x3F95]  }
0x2e: {  	s3 =	simm.s32 @!p0 $0x1082;
	s9 =	sld [smem:$0x3F96]  }
0x2f: {  	lr =	sadd.s32 s0, s3;
	s0 =	sld [smem:$0x3F8D]  }
0x30: {  	s3 =	sld [smem:$0x3F90]  }
0x31: {  	[smem:$0x3F99] =	sst s10  }
0x32: {  	s10 =	sld [smem:$0x3F97];
	_ =	sdelay $0x3  }
0x33: {  	p0 =	seq.s32 s10, $0x1;
	s10 =	sld [smem:$0x3F99];
	_ =	sdelay $0x3  }
0x34: {  	[smem:$0x3F99] =	sst s10  }
0x35: {  	s10 =	sld [smem:$0x3F98];
	_ =	sdelay $0x3  }
0x36: {  	p1 =	seq.s32 s10, $0x1;
	s10 =	sld [smem:$0x3F99];
	_ =	sdelay $0x3  }
0x37: {  	[smem:$0x3F99] =	sst s10  }
0x38: {  	s10 =	sld [smem:$0x3F9A]  }
0x39: {  	_ = 	snop;
	(pc) =	sbr.ind lr, $3  }
0x3a: {  	_ = 	snop  }
0x3b: {  	_ = 	snop  }
0x3c: {  	p2 =	seq.s32 s10, $0x1;
	s10 =	sld [smem:$0x3F99]  }
0x3d: {  	_ =	shalt  }
0x3e: {  	_ =	shalt  }
0x3f: {  	_ =	shalt  }
0x40: {  	_ =	shalt  }
0x41: {  	_ =	shalt  }
0x42: {  	_ =	shalt  }
0x43: {  	_ =	shalt  }
0x44: {  	_ =	shalt  }
0x45: {  	_ =	shalt  }
0x46: {  	_ =	shalt  }
0x47: {  	_ =	shalt  }
0x48: {  	_ =	shalt  }
0x49: {  	_ =	shalt  }
0x4a: {  	_ =	shalt  }
0x4b: {  	_ =	shalt  }
0x4c: {  	_ =	shalt  }
0x4d: {  	_ =	shalt  }
0x4e: {  	_ =	shalt  }
0x4f: {  	_ =	shalt  }
0x50: {  	_ =	shalt  }
0x51: {  	_ =	shalt  }
0x52: {  	_ =	shalt  }
0x53: {  	_ =	shalt  }
0x54: {  	_ =	shalt  }
0x55: {  	_ =	shalt  }
0x56: {  	_ =	shalt  }
0x57: {  	_ =	shalt  }
0x58: {  	_ =	shalt  }
0x59: {  	_ =	shalt  }
0x5a: {  	_ =	shalt  }
0x5b: {  	_ =	shalt  }
0x5c: {  	_ =	shalt  }
0x5d: {  	_ =	shalt  }
0x5e: {  	_ =	shalt  }
0x5f: {  	_ =	shalt  }
0x60: {  	_ =	shalt  }
0x61: {  	_ =	shalt  }
0x62: {  	_ =	shalt  }
0x63: {  	_ =	shalt  }
0x64: {  	_ =	shalt  }
0x65: {  	_ =	shalt  }
0x66: {  	_ =	shalt  }
0x67: {  	_ =	shalt  }
0x68: {  	_ =	shalt  }
0x69: {  	_ =	shalt  }
0x6a: {  	_ =	shalt  }
0x6b: {  	_ =	shalt  }
0x6c: {  	_ =	shalt  }
0x6d: {  	_ =	shalt  }
0x6e: {  	_ =	shalt  }
0x6f: {  	_ =	shalt  }
0x70: {  	_ =	shalt  }
0x71: {  	_ =	shalt  }
0x72: {  	_ =	shalt  }
0x73: {  	_ =	shalt  }
0x74: {  	_ =	shalt  }
0x75: {  	_ =	shalt  }
0x76: {  	_ =	shalt  }
0x77: {  	_ =	shalt  }
0x78: {  	_ =	shalt  }
0x79: {  	_ =	shalt  }
0x7a: {  	_ =	shalt  }
0x7b: {  	_ =	shalt  }
0x7c: {  	_ =	shalt  }
0x7d: {  	_ =	shalt  }
0x7e: {  	_ =	shalt  }
0x7f: {  	_ =	shalt  }
0x80: {  	_ =	shalt  }
0x81: {  	_ =	shalt  }
0x82: {  	_ =	shalt  }
0x83: {  	_ =	shalt  }
0x84: {  	_ =	shalt  }
0x85: {  	_ =	shalt  }
0x86: {  	_ =	shalt  }
0x87: {  	_ =	shalt  }
.Lfunc_end0:
.L_simem_size_0:
called_computation_lowered:
.L_overlay_start_0:
0x88: {  	s2 =	sld [smem:$0x3FD9]  }
0x89: {  	s3 =	sld [smem:$0x3FFE];
	_ =	sdelay $0x1  }
0x8a: {  	s1 =	srdreg.scid  }
0x8b: {  	s0 =	sand.u32 $0x1, s1  }
0x8c: {  	s16 =	sshll.u32 s0, $0xA;
	s2 =	sadd.s32 s3, s2  }
0x8d: {  	s2 =	sadd.s32 s2, s16  }
0x8e: {  	[smem:$0x3FA5] =	sst s2  }
0x8f: {  	_ = 	snop  }
0x90: {  	(tm) =	ssettm $0x1  }
0x91: {  	s17 =	sld [smem:$0x3FFB];
	_ =	sdelay $0x3  }
0x92: {  	_ =	strace s17  }
0x93: {  	s2 =	sld [smem:$0x3FFC];
	_ =	sdelay $0x3  }
0x94: {  	_ =	strace s2  }
0x95: {  	s2 =	sld [smem:$0x3FFD];
	_ =	sdelay $0x3  }
0x96: {  	_ =	strace s2  }
0x97: {  	_ =	strace $0x8FFFFFFF  }
0x98: {  	s18 =	sld [smem:$0x3FDB];
	_ =	sdelay $0x1  }
0x99: {  	s19 =	simm.s32 $_scs_section_size  }
0x9a: {  	s4 =	simm.s32 $_size__tile_overlayer_lowered;
	s5 =	simm.s32 $_tile_overlayer_lowered  }
0x9b: {  	s22 =	simm.s32 $0x1BFF;
	s21 =	sshll.u32 s5, $0x1;
	s2 =	sadd.s32 s19, s18  }
0x9c: {  	s6 =	simm.s32 $0x0;
	s20 =	sshll.u32 s4, $0x1;
	s4 =	sadd.s32 s21, s2  }
0x9d: {  	[timem:s6], [sflag:s22] =	dma.local [hbm:s4], s20  }
0x9e: {  	_ =	swait.ge [sflag:s22], s20  }
0x9f: {  	s3 =	ssub.s32 $0x0, s20;
	[sflag:s22] =	ssyncset.done $0x0  }
0xa0: {  	[sflag:s22] =	ssyncadd.s32 s3;
	_ =	sdelay $0x1  }
0xa1: {  	s23 =	simm.s32 $0x1B8B  }
0xa2: {  	_ =	swait.ge [sflag:s23], $0x1  }
0xa3: {  	[sflag:s23] =	ssyncset.done $0x0  }
0xa4: {  	s25 =	simm.s32 $0x1B8E;
	s24 =	sld [smem:$0x3FFE];
	[sflag:s23] =	ssyncadd.s32 $0xFFFFFFFF  }
0xa5: {  	s26 =	simm.s32 $execute0_lowered;
	[smem:$0x3FD2] =	sst s25  }
0xa6: {  	s4 =	sshll.u32 s26, $0x1;
	_ =	strace $0x80000046;
	[dreg:$0x1] =	wrdreg $0xFFFFFFFF  }
0xa7: {  	s28 =	simm.s32 $_size_execute0_lowered;
	s2 =	sadd.s32 s2, s4;
	[dreg:$0x0] =	wrdreg $0x0  }
0xa8: {  	s4 =	sshll.u32 s28, $0x1;
	[dreg:$0x2] =	wrdreg s2  }
0xa9: {  	[dreg:$0x3] =	wrdreg s4  }
0xaa: {  	[dreg:$0x4] =	wrdreg $0xC0  }
0xab: {  	_ =	task [dreg:s6], $0x5FFFF  }
0xac: {  	[dreg:$0x1] =	wrdreg $0xFFFFFFFF  }
0xad: {  	[dreg:$0x0] =	wrdreg $0x60  }
0xae: {  	[dreg:$0x2] =	wrdreg s24  }
0xaf: {  	[dreg:$0x3] =	wrdreg $0x9  }
0xb0: {  	_ =	task.clear_ibuf [dreg:s6], $0x4FFFF;
	_ =	strace $0x90000046  }
0xb1: {  	s29 =	simm.s32 $0x9;
	_ =	strace $0x80000048  }
0xb2: {  	_ =	swait.ge [sflag:s29], $0x1  }
0xb3: {  	[sflag:s29] =	ssyncadd.s32 $0xFFFFFFFF  }
0xb4: {  	_ =	strace $0x90000048  }
0xb5: {  	_ =	sfence  }
0xb6: {  	s30 =	sld [smem:$0x0];
	_ =	sdelay $0x2  }
0xb7: {  	s31 =	sshll.u32 s1, $0xD;
	s1 =	sshrl.u32 s1, $0x2  }
0xb8: {  	s3 =	sand.u32 $0x4000, s31;
	s1 =	sadd.s32 s1, s30  }
0xb9: {  	s0 =	sor.u32 s3, s0;
	s1 =	sshll.u32 s1, $0x11  }
0xba: {  	s0 =	sor.u32 s1, s0  }
0xbb: {  	s0 =	sadd.s32 $0x8F2B, s0  }
0xbc: {  	[sflag:s0] =	ssyncadd.remote.s32 $0x1  }
0xbd: {  	_ =	sfence.sel $0xFFFF  }
0xbe: {  	[dreg:$0x0] =	wrdreg $0xFFFFFFFF;
	(pc) =	sbr.abs _section_cstart, $3  }
0xbf: {  	[dreg:$0x1] =	wrdreg $0xFFFFFFFF  }
0xc0: {  	_ =	task.clear_ibuf [dreg:s6], $0x2FFFF;
	_ =	strace $0x9FFFFFFF  }
0xc1: {  	(tm) =	ssettm $0x7FFFFFFF  }
tec
execute0_lowered:
.L_overlay_start_1:
0x0: {  	(tag) =	ssettag $0x1  }
0x1: {  	s1 =	srdreg.scid;
	s0 =	stileid.u32  }
0x2: {  	s5 =	rddreg [dreg:$0x0];
	s2 =	simm.s32 $0x0;
	s14 =	simm.s32 $0x3  }
0x3: {  	s15 =	simm.s32 $0x1800;
	s16 =	simm.s32 $0x3000;
	s17 =	simm.s32 $0xB000  }
0x4: {  	s18 =	simm.s32 $0x80;
	s19 =	simm.s32 $0x1;
	s20 =	simm.s32 $0x2  }
0x5: {  	s21 =	simm.s32 $0x0;
	s6 =	sand.u32 $0x1, s1;
	s3 =	sshll.u32 s0, $0x1  }
0x6: {  	[smem:$0x7FF] =	sst s2;
	s8 =	smul.u32 $0x138000, s0;
	s7 =	sor.u32 s6, s3  }
0x7: {  	_ =	strace $0x80000047;
	s10 =	ssub.s32 $0x2, s6;
	s11 =	smul.u32 $0x9C000, s6  }
0x8: {  	s3 =	sadd.s32 $0xB400, s5;
	s4 =	smul.u32 $0x300, s7;
	s12 =	sshrl.u32 s10, $0x1  }
0x9: {  	s6 =	simm.s32 $0x29;
	p0 =	seq.s32 s7, $0x1F;
	s10 =	ssub.s32 s10, s12  }
0xa: {  	s6 =	simm.s32 @!p0 $0x27;
	s7 =	sadd.s32 s11, s8;
	s9 =	sadd.s32 s4, s5  }
0xb: {  	s4 =	sadd.s32 $0x3E600, s5;
	s5 =	sadd.s32 $0x2AF600, s5;
	s13 =	sshrl.u32 s7, $0x3  }
0xc: {  	s10 =	smax.u32 s10, $0x1;
	s11 =	sshll.u32 s6, $0xE;
	s8 =	sadd.s32 $0x32600, s9  }
0xd: {  	s9 =	sadd.s32 $0x38600, s9;
	s12 =	sadd.s32 s13, s5;
	s13 =	sadd.s32 s13, s4  }
.LBB2_1:
0xe: {  	[tilespmem:s2], [sflag:$0x3] =	stream.linear.gather [hbm4b:s8+s2], $0x1800, $0x38;
	[tilespmem:$0x13000] =	vst v63  }
0xf: {  	_ =	swait.ge [sflag:s14], $0x1800  }
0x10: {  	[sflag:s14] =	ssyncset.done $0x0  }
0x11: {  	[sflag:s14] =	ssyncadd.s32 $0xFFFFE800  }
0x12: {  	[tilespmem:s15], [sflag:$0x3] =	stream.linear.gather [hbm4b:s9+s2], $0x1800, $0x38;
	[tilespmem:$0x13000] =	vst v63  }
0x13: {  	p1 =	sne.s32 s11, $0x8000;
	_ =	swait.ge [sflag:s14], $0x1800  }
.Ltmp0:
0x14: {  	[sflag:s14] =	ssyncset.done $0x0;
	(pc) =	sbr.rel @!p1 .LBB2_2-.Ltmp0, $4  }
0x15: {  	s31 =	simm.s32 $0x4000;
	s23 =	simm.s32 $0x1880;
	[sflag:s14] =	ssyncadd.s32 $0xFFFFE800  }
0x16: {  	[tilespmem:s16], [sflag:$0x1] =	stream.indirect.gather [hbm4b:s3+s18], $0x80, s2, s18, $0xb8;
	[tilespmem:$0x13000] =	vst v63  }
0x17: {  	s26 =	simm.s32 $0x8000;
	p0 =	por $0x0, $0x0;
	s30 =	sand.u32 $0x4000, s31  }
0x18: {  	[tilespmem:s17], [sflag:$0x2] =	stream.indirect.gather [hbm4b:s3+s18], $0x80, s15, s18, $0xb8;
	[tilespmem:$0x13000] =	vst v63  }
0x19: {  	s22 =	sor.u32 $0x3000, s30  }
0x1a: {  	[tilespmem:s22], [sflag:$0x1] =	stream.indirect.gather [hbm4b:s3+s18], $0x80, s18, s18, $0xb8;
	[tilespmem:$0x13000] =	vst v63  }
0x1b: {  	s24 =	sor.u32 $0xB000, s30  }
0x1c: {  	[tilespmem:s24], [sflag:$0x2] =	stream.indirect.gather [hbm4b:s3+s18], $0x80, s23, s18, $0xb8;
	[tilespmem:$0x13000] =	vst v63  }
0x1d: {  	s25 =	simm.s32 $0x0;
	_ =	swait.ge [sflag:s19], $0x4000  }
0x1e: {  	s31 =	sand.u32 $0x4000, s25;
	[sflag:s19] =	ssyncset.done $0x0  }
0x1f: {  	s22 =	sor.u32 $0x3000, s31;
	[sflag:s19] =	ssyncadd.s32 $0xFFFFC000  }
0x20: {  	[hbm4b:s13+s2] =	stream.linear.scatter [tilespmem:s22], [sflag:$0x3], $0x4000, $0x38;
	[tilespmem:$0x13000] =	vst v63  }
0x21: {  	_ =	swait.ge [sflag:s14], $0x4000  }
0x22: {  	[sflag:s14] =	ssyncset.done $0x0  }
0x23: {  	p1 =	sne.s32 s11, $0xC000;
	[sflag:s14] =	ssyncadd.s32 $0xFFFFC000  }
0x24: {  	s29 =	sadd.s32 $0x800, s13;
	s28 =	simm.s32 $0x2;
	_ =	swait.ge [sflag:s20], $0x4000  }
.Ltmp1:
0x25: {  	s30 =	sand.u32 $0x4000, s26;
	[sflag:s20] =	ssyncset.done $0x0;
	(pc) =	sbr.rel @!p1 .LBB2_4-.Ltmp1, $4  }
0x26: {  	p0 =	por $0x1, $0x1;
	s23 =	sor.u32 $0xB000, s31;
	[sflag:s20] =	ssyncadd.s32 $0xFFFFC000  }
0x27: {  	[hbm4b:s12+s2] =	stream.linear.scatter [tilespmem:s23], [sflag:$0x3], $0x4000, $0x38;
	[tilespmem:$0x13000] =	vst v63  }
0x28: {  	s25 =	sadd.s32 $0x800, s12;
	s24 =	simm.s32 $0x100;
	_ =	swait.ge [sflag:s14], $0x4000  }
0x29: {  	s22 =	simm.s32 $0xC000;
	s23 =	simm.s32 $0x1900;
	[sflag:s14] =	ssyncset.done $0x0  }
.LBB2_5:
0x2a: {  	s31 =	sor.u32 $0x3000, s30;
	[sflag:s14] =	ssyncadd.s32 $0xFFFFC000  }
0x2b: {  	s1 =	smov.u32 s22;
	s22 =	sadd.s32 $0x4000, s22;
	s0 =	smov.u32 s25  }
0x2c: {  	[tilespmem:s31], [sflag:$0x1] =	stream.indirect.gather [hbm4b:s3+s18], $0x80, s24, s18, $0xb8;
	[tilespmem:$0x13000] =	vst v63  }
0x2d: {  	s30 =	sor.u32 $0xB000, s30;
	p1 =	sne.s32 s11, s22  }
0x2e: {  	[tilespmem:s30], [sflag:$0x2] =	stream.indirect.gather [hbm4b:s3+s18], $0x80, s23, s18, $0xb8;
	[tilespmem:$0x13000] =	vst v63  }
0x2f: {  	s30 =	sadd.s32 $0xFFFFC000, s26;
	s26 =	smov.u32 s1;
	_ =	swait.ge [sflag:s19], $0x4000  }
0x30: {  	s1 =	sand.u32 $0x4000, s30;
	[sflag:s19] =	ssyncset.done $0x0  }
0x31: {  	s30 =	sor.u32 $0x3000, s1;
	[sflag:s19] =	ssyncadd.s32 $0xFFFFC000  }
0x32: {  	[hbm4b:s29+s2] =	stream.linear.scatter [tilespmem:s30], [sflag:$0x3], $0x4000, $0x38;
	[tilespmem:$0x13000] =	vst v63  }
0x33: {  	_ =	swait.ge [sflag:s14], $0x4000  }
0x34: {  	[sflag:s14] =	ssyncset.done $0x0  }
0x35: {  	[sflag:s14] =	ssyncadd.s32 $0xFFFFC000  }
0x36: {  	_ =	swait.ge [sflag:s20], $0x4000  }
.Ltmp2:
0x37: {  	s29 =	sadd.s32 $0x800, s29;
	[sflag:s20] =	ssyncset.done $0x0;
	(pc) =	sbr.rel @p1 .LBB2_5-.Ltmp2, $4  }
0x38: {  	s25 =	sadd.s32 $0x800, s25;
	s1 =	sor.u32 $0xB000, s1;
	[sflag:s20] =	ssyncadd.s32 $0xFFFFC000  }
0x39: {  	[hbm4b:s0+s2] =	stream.linear.scatter [tilespmem:s1], [sflag:$0x3], $0x4000, $0x38;
	[tilespmem:$0x13000] =	vst v63  }
0x3a: {  	s28 =	sadd.s32 $0x1, s28;
	s24 =	sadd.s32 $0x80, s24;
	_ =	swait.ge [sflag:s14], $0x4000  }
0x3b: {  	s23 =	sadd.s32 $0x80, s23;
	s30 =	sand.u32 $0x4000, s26;
	[sflag:s14] =	ssyncset.done $0x0  }
0x3c: {  	s31 =	smov.u32 s26  }
.LBB2_7:
0x3d: {  	s0 =	sor.u32 $0x3000, s30;
	[sflag:s14] =	ssyncadd.s32 @p0 $0xFFFFC000  }
0x3e: {  	[tilespmem:s0], [sflag:$0x1] =	stream.indirect.gather [hbm4b:s3+s18], $0x80, s24, s18, $0xb8;
	[tilespmem:$0x13000] =	vst v63  }
0x3f: {  	s1 =	sor.u32 $0xB000, s30  }
0x40: {  	[tilespmem:s1], [sflag:$0x2] =	stream.indirect.gather [hbm4b:s3+s18], $0x80, s23, s18, $0xb8;
	[tilespmem:$0x13000] =	vst v63  }
0x41: {  	s26 =	sadd.s32 $0xFFFFC000, s31;
	_ =	swait.ge [sflag:s19], $0x4000  }
0x42: {  	s26 =	sand.u32 $0x4000, s26;
	[sflag:s19] =	ssyncset.done $0x0  }
0x43: {  	s31 =	sor.u32 $0x3000, s26;
	[sflag:s19] =	ssyncadd.s32 $0xFFFFC000  }
0x44: {  	[hbm4b:s29+s2] =	stream.linear.scatter [tilespmem:s31], [sflag:$0x3], $0x4000, $0x38;
	[tilespmem:$0x13000] =	vst v63  }
0x45: {  	_ =	swait.ge [sflag:s14], $0x4000  }
0x46: {  	[sflag:s14] =	ssyncset.done $0x0  }
0x47: {  	[sflag:s14] =	ssyncadd.s32 $0xFFFFC000  }
0x48: {  	_ =	swait.ge [sflag:s20], $0x4000  }
0x49: {  	[sflag:s20] =	ssyncset.done $0x0  }
0x4a: {  	s28 =	sadd.s32 $0x1, s28;
	s26 =	sor.u32 $0xB000, s26;
	[sflag:s20] =	ssyncadd.s32 $0xFFFFC000  }
0x4b: {  	[hbm4b:s25+s2] =	stream.linear.scatter [tilespmem:s26], [sflag:$0x3], $0x4000, $0x38;
	[tilespmem:$0x13000] =	vst v63  }
0x4c: {  	p0 =	sge.u32 s28, s6;
	_ =	swait.ge [sflag:s14], $0x4000  }
0x4d: {  	s24 =	sadd.s32 $0x80, s24;
	s25 =	sand.u32 @!p0 $0x4000, s22;
	[sflag:s14] =	ssyncset.done $0x0  }
0x4e: {  	s28 =	simm.s32 @!p0 $0x80;
	s26 =	sor.u32 @!p0 $0x3000, s25;
	[sflag:s14] =	ssyncadd.s32 $0xFFFFC000  }
0x4f: {  	[tilespmem:s26], [sflag:$0x1] =	stream.indirect.gather @!p0 [hbm4b:s3+s28], $0x80, s24, s28, $0xb8;
	[tilespmem:$0x13000] =	vst v63  }
0x50: {  	s23 =	sadd.s32 $0x80, s23;
	s29 =	sadd.s32 s22, s7;
	s24 =	sor.u32 @!p0 $0xB000, s25  }
0x51: {  	[tilespmem:s24], [sflag:$0x2] =	stream.indirect.gather @!p0 [hbm4b:s3+s28], $0x80, s23, s28, $0xb8;
	[tilespmem:$0x13000] =	vst v63  }
0x52: {  	s22 =	sadd.s32 $0xFFFFC000, s29;
	_ =	swait.ge [sflag:s19], $0x4000  }
0x53: {  	s22 =	sshrl.u32 s22, $0x3;
	[sflag:s19] =	ssyncset.done $0x0  }
0x54: {  	s30 =	sadd.s32 s4, s22;
	[sflag:s19] =	ssyncadd.s32 $0xFFFFC000  }
0x55: {  	[hbm4b:s30+s2] =	stream.linear.scatter [tilespmem:s0], [sflag:$0x3], $0x4000, $0x38;
	[tilespmem:$0x13000] =	vst v63  }
0x56: {  	_ =	swait.ge [sflag:s14], $0x4000  }
0x57: {  	[sflag:s14] =	ssyncset.done $0x0  }
0x58: {  	[sflag:s14] =	ssyncadd.s32 $0xFFFFC000  }
0x59: {  	_ =	swait.ge [sflag:s20], $0x4000  }
0x5a: {  	s21 =	sadd.s32 $0x1, s21;
	[sflag:s20] =	ssyncset.done $0x0  }
0x5b: {  	s31 =	sadd.s32 s5, s22;
	p0 =	sne.s32 s21, s10;
	[sflag:s20] =	ssyncadd.s32 $0xFFFFC000  }
0x5c: {  	[hbm4b:s31+s2] =	stream.linear.scatter [tilespmem:s1], [sflag:$0x3], $0x4000, $0x38;
	[tilespmem:$0x13000] =	vst v63  }
.Ltmp3:
0x5d: {  	_ = 	snop;
	(pc) =	sbr.rel @p0 .LBB2_1-.Ltmp3, $4  }
.Ltmp4:
0x5e: {  	_ = 	snop;
	(pc) =	sbr.rel @!p0 .LBB2_8-.Ltmp4, $4  }
0x5f: {  	_ =	swait.ge [sflag:s14], $0x4000  }
0x60: {  	[sflag:s14] =	ssyncset.done $0x0  }
0x61: {  	[sflag:s14] =	ssyncadd.s32 $0xFFFFC000  }
0x62: {  	_ = 	snop  }
.LBB2_2:
.Ltmp5:
0x63: {  	(pc) =	sbr.rel .LBB2_7-.Ltmp5, $3  }
0x64: {  	_ =	sdelay $0x1  }
0x65: {  	s22 =	simm.s32 $0x8000;
	s25 =	smov.u32 s12  }
0x66: {  	s24 =	simm.s32 $0x80;
	s29 =	smov.u32 s13;
	s28 =	simm.s32 $0x1  }
.LBB2_4:
.Ltmp6:
0x67: {  	(pc) =	sbr.rel .LBB2_7-.Ltmp6, $2  }
0x68: {  	_ =	sdelay $0x2  }
0x69: {  	s31 =	simm.s32 $0x8000  }
.LBB2_8:
0x6a: {  	_ =	sfence.sel $0x180000  }
0x6b: {  	[bflag:$0x0] =	sbarrier.arrive $0xFFFF  }
0x6c: {  	_ =	strace $0x90000047  }
0x6d: {  	s0 =	stileid.u32;
	[bflag:$0x2] =	sbarrier.arrive $0xFFFF  }
0x6e: {  	p0 =	sne.s32 s0, $0x0;
	s0 =	rddreg [dreg:$0x1]  }
0x6f: {  	s0 =	sadd.s32 @!p0 $0x100000, s0  }
0x70: {  	[sflag:s0] =	ssyncadd.tile.s32 @!p0 $0x1;
	_ =	shalt  }
.Lfunc_end2:
_tile_overlayer_lowered:
.L_overlay_start_2:
0x71: {  	(tag) =	ssettag $0x2  }
0x72: {  	s0 =	rddreg [dreg:$0x0];
	s2 =	stileid.u32  }
0x73: {  	s1 =	rddreg [dreg:$0x1];
	p0 =	sne.s32 s2, $0x0  }
0x74: {  	s3 =	rddreg [dreg:$0x2];
	[bflag:$0x3] =	sbarrier.arrive $0xFFFF;
	s2 =	simm.s32 @!p0 $0x1C03  }
0x75: {  	[timem:s3], [sflag:s2] =	dma.local @!p0 [hbm:s0], s1  }
0x76: {  	s0 =	simm.s32 @!p0 $0x3  }
0x77: {  	_ =	swait.ge @!p0 [sflag:s0], s1  }
0x78: {  	s1 =	ssub.s32 @!p0 $0x0, s1;
	[sflag:s0] =	ssyncset.done @!p0 $0x0  }
0x79: {  	[sflag:s0] =	ssyncadd.s32 @!p0 s1  }
0x7a: {  	[bflag:$0x3] =	sbarrier.arrive $0xFFFF  }
0x7b: {  	_ =	shalt  }

// kernel: kernel.19.cloned.1.call-start
scs
__scs_entry_jumppad:
0x0: {  	(pc) =	sbr.rel $0x88, $3  }
0x1: {  	(tag) =	ssettag $0x0;
	lr =	simm.s32 $0x1  }
0x2: {  	[smem:$0x3F7E] =	sst lr;
	_ =	strace $0xD0000000  }
0x3: {  	_ = 	snop  }
0x4: {  	_ = 	snop  }
0x5: {  	_ = 	snop  }
0x6: {  	_ = 	snop  }
0x7: {  	_ = 	snop  }
__scs_overlays_trampoline_lowered:
0x8: {  	[smem:$0x3F8D] =	sst s0  }
0x9: {  	[smem:$0x3F8E] =	sst s1  }
0xa: {  	[smem:$0x3F8F] =	sst s2  }
0xb: {  	[smem:$0x3F90] =	sst s3  }
0xc: {  	[smem:$0x3F91] =	sst s4  }
0xd: {  	[smem:$0x3F92] =	sst s5  }
0xe: {  	[smem:$0x3F93] =	sst s6  }
0xf: {  	[smem:$0x3F94] =	sst s7  }
0x10: {  	[smem:$0x3F95] =	sst s8  }
0x11: {  	[smem:$0x3F96] =	sst s9;
	s0 =	simm.s32 @!p0 $0x0  }
0x12: {  	s1 =	sld [smem:$0x3F7C];
	s0 =	simm.s32 @p0 $0x1  }
0x13: {  	[smem:$0x3F97] =	sst s0;
	s0 =	simm.s32 @!p1 $0x0  }
0x14: {  	s2 =	sld [smem:$0x3F7B];
	s0 =	simm.s32 @p1 $0x1  }
0x15: {  	[smem:$0x3F98] =	sst s0;
	s0 =	simm.s32 @!p2 $0x0  }
0x16: {  	s3 =	sld [smem:$0x3FDB];
	s0 =	simm.s32 @p2 $0x1  }
0x17: {  	s4 =	simm.s32 $0x1BF5;
	[smem:$0x3F9A] =	sst s0  }
0x18: {  	s0 =	sld [smem:$0x3F7D];
	_ =	swait.ge [sflag:s4], $0x0  }
0x19: {  	s7 =	sld [smem:$0x3F7E]  }
0x1a: {  	s8 =	sadd.s32 $0xFFFFE003, lr  }
0x1b: {  	s9 =	sadd.s32 $0xFFFFFEF7, lr;
	s5 =	simm.s32 $0xFFFFFFFF;
	p2 =	slt.u32 s8, $0xFFFFF086  }
0x1c: {  	p1 =	slt.u32 s9, $0xF7A;
	s5 =	simm.s32 @!p2 $0x0  }
0x1d: {  	s5 =	simm.s32 @p1 $0x1;
	p0 =	seq.s32 s7, s2  }
0x1e: {  	s7 =	smul.u32 @!p0 $0xF7A, s2;
	p2 =	seq.s32 @!p0 s5, $0x0  }
0x1f: {  	s9 =	smul.u32 $0xF7A, s1;
	s8 =	simm.s32 @!p0 $0x1BF5;
	p2 =	por !p2, p0  }
0x20: {  	[sflag:s8] =	ssyncset.s32 @!p0 $0xFFFFF086;
	s6 =	sadd.s32 @!p0 s3, s7;
	s7 =	simm.s32 @!p0 $0x108  }
0x21: {  	s3 =	sadd.s32 s3, s9;
	s6 =	sadd.s32 @!p0 $0x88, s6;
	s7 =	simm.s32 @p2 $0x1082  }
0x22: {  	[simem:s7], [sflag:s8] =	dma.local @!p0 [hbm:s6], $0xF7A  }
0x23: {  	s9 =	sor.u32 $0xD0000000, s2;
	s6 =	simm.s32 $0x108;
	_ =	swait.ge @!p0 [sflag:s8], $0x0  }
0x24: {  	s3 =	sadd.s32 $0x88, s3;
	s6 =	simm.s32 @!p1 $0x1082;
	[sflag:s4] =	ssyncset.s32 $0xFFFFF086  }
0x25: {  	[simem:s6], [sflag:s4] =	dma.local [hbm:s3], $0xF7A  }
0x26: {  	[smem:$0x3F7E] =	sst s1;
	(tag) =	ssettag s2;
	_ =	strace s9  }
0x27: {  	s1 =	sld [smem:$0x3F8E]  }
0x28: {  	s2 =	sld [smem:$0x3F8F]  }
0x29: {  	s4 =	sld [smem:$0x3F91]  }
0x2a: {  	p0 =	seq.s32 s5, $0x0;
	s5 =	sld [smem:$0x3F92]  }
0x2b: {  	s6 =	sld [smem:$0x3F93]  }
0x2c: {  	s7 =	sld [smem:$0x3F94]  }
0x2d: {  	s3 =	simm.s32 $0x108;
	s8 =	sld [smem:$0x3F95]  }
0x2e: {  	s3 =	simm.s32 @!p0 $0x1082;
	s9 =	sld [smem:$0x3F96]  }
0x2f: {  	lr =	sadd.s32 s0, s3;
	s0 =	sld [smem:$0x3F8D]  }
0x30: {  	s3 =	sld [smem:$0x3F90]  }
0x31: {  	[smem:$0x3F99] =	sst s10  }
0x32: {  	s10 =	sld [smem:$0x3F97];
	_ =	sdelay $0x3  }
0x33: {  	p0 =	seq.s32 s10, $0x1;
	s10 =	sld [smem:$0x3F99];
	_ =	sdelay $0x3  }
0x34: {  	[smem:$0x3F99] =	sst s10  }
0x35: {  	s10 =	sld [smem:$0x3F98];
	_ =	sdelay $0x3  }
0x36: {  	p1 =	seq.s32 s10, $0x1;
	s10 =	sld [smem:$0x3F99];
	_ =	sdelay $0x3  }
0x37: {  	[smem:$0x3F99] =	sst s10  }
0x38: {  	s10 =	sld [smem:$0x3F9A]  }
0x39: {  	_ = 	snop;
	(pc) =	sbr.ind lr, $3  }
0x3a: {  	_ = 	snop  }
0x3b: {  	_ = 	snop  }
0x3c: {  	p2 =	seq.s32 s10, $0x1;
	s10 =	sld [smem:$0x3F99]  }
0x3d: {  	_ =	shalt  }
0x3e: {  	_ =	shalt  }
0x3f: {  	_ =	shalt  }
0x40: {  	_ =	shalt  }
0x41: {  	_ =	shalt  }
0x42: {  	_ =	shalt  }
0x43: {  	_ =	shalt  }
0x44: {  	_ =	shalt  }
0x45: {  	_ =	shalt  }
0x46: {  	_ =	shalt  }
0x47: {  	_ =	shalt  }
0x48: {  	_ =	shalt  }
0x49: {  	_ =	shalt  }
0x4a: {  	_ =	shalt  }
0x4b: {  	_ =	shalt  }
0x4c: {  	_ =	shalt  }
0x4d: {  	_ =	shalt  }
0x4e: {  	_ =	shalt  }
0x4f: {  	_ =	shalt  }
0x50: {  	_ =	shalt  }
0x51: {  	_ =	shalt  }
0x52: {  	_ =	shalt  }
0x53: {  	_ =	shalt  }
0x54: {  	_ =	shalt  }
0x55: {  	_ =	shalt  }
0x56: {  	_ =	shalt  }
0x57: {  	_ =	shalt  }
0x58: {  	_ =	shalt  }
0x59: {  	_ =	shalt  }
0x5a: {  	_ =	shalt  }
0x5b: {  	_ =	shalt  }
0x5c: {  	_ =	shalt  }
0x5d: {  	_ =	shalt  }
0x5e: {  	_ =	shalt  }
0x5f: {  	_ =	shalt  }
0x60: {  	_ =	shalt  }
0x61: {  	_ =	shalt  }
0x62: {  	_ =	shalt  }
0x63: {  	_ =	shalt  }
0x64: {  	_ =	shalt  }
0x65: {  	_ =	shalt  }
0x66: {  	_ =	shalt  }
0x67: {  	_ =	shalt  }
0x68: {  	_ =	shalt  }
0x69: {  	_ =	shalt  }
0x6a: {  	_ =	shalt  }
0x6b: {  	_ =	shalt  }
0x6c: {  	_ =	shalt  }
0x6d: {  	_ =	shalt  }
0x6e: {  	_ =	shalt  }
0x6f: {  	_ =	shalt  }
0x70: {  	_ =	shalt  }
0x71: {  	_ =	shalt  }
0x72: {  	_ =	shalt  }
0x73: {  	_ =	shalt  }
0x74: {  	_ =	shalt  }
0x75: {  	_ =	shalt  }
0x76: {  	_ =	shalt  }
0x77: {  	_ =	shalt  }
0x78: {  	_ =	shalt  }
0x79: {  	_ =	shalt  }
0x7a: {  	_ =	shalt  }
0x7b: {  	_ =	shalt  }
0x7c: {  	_ =	shalt  }
0x7d: {  	_ =	shalt  }
0x7e: {  	_ =	shalt  }
0x7f: {  	_ =	shalt  }
0x80: {  	_ =	shalt  }
0x81: {  	_ =	shalt  }
0x82: {  	_ =	shalt  }
0x83: {  	_ =	shalt  }
0x84: {  	_ =	shalt  }
0x85: {  	_ =	shalt  }
0x86: {  	_ =	shalt  }
0x87: {  	_ =	shalt  }
.Lfunc_end0:
.L_simem_size_0:
called_computation.1_lowered:
.L_overlay_start_0:
0x88: {  	s2 =	sld [smem:$0x3FD9]  }
0x89: {  	s3 =	sld [smem:$0x3FFE];
	_ =	sdelay $0x1  }
0x8a: {  	s1 =	srdreg.scid  }
0x8b: {  	s0 =	sand.u32 $0x1, s1  }
0x8c: {  	s16 =	sshll.u32 s0, $0xA;
	s2 =	sadd.s32 s3, s2  }
0x8d: {  	s2 =	sadd.s32 s2, s16  }
0x8e: {  	[smem:$0x3FA5] =	sst s2  }
0x8f: {  	_ = 	snop  }
0x90: {  	(tm) =	ssettm $0x1  }
0x91: {  	s17 =	sld [smem:$0x3FFB];
	_ =	sdelay $0x3  }
0x92: {  	_ =	strace s17  }
0x93: {  	s2 =	sld [smem:$0x3FFC];
	_ =	sdelay $0x3  }
0x94: {  	_ =	strace s2  }
0x95: {  	s2 =	sld [smem:$0x3FFD];
	_ =	sdelay $0x3  }
0x96: {  	_ =	strace s2  }
0x97: {  	_ =	strace $0x8FFFFFFF  }
0x98: {  	s18 =	sld [smem:$0x3FDB];
	_ =	sdelay $0x1  }
0x99: {  	s19 =	simm.s32 $_scs_section_size  }
0x9a: {  	s4 =	simm.s32 $_size__tile_overlayer_lowered;
	s5 =	simm.s32 $_tile_overlayer_lowered  }
0x9b: {  	s22 =	simm.s32 $0x1BFF;
	s21 =	sshll.u32 s5, $0x1;
	s2 =	sadd.s32 s19, s18  }
0x9c: {  	s6 =	simm.s32 $0x0;
	s20 =	sshll.u32 s4, $0x1;
	s4 =	sadd.s32 s21, s2  }
0x9d: {  	[timem:s6], [sflag:s22] =	dma.local [hbm:s4], s20  }
0x9e: {  	_ =	swait.ge [sflag:s22], s20  }
0x9f: {  	s3 =	ssub.s32 $0x0, s20;
	[sflag:s22] =	ssyncset.done $0x0  }
0xa0: {  	[sflag:s22] =	ssyncadd.s32 s3;
	_ =	sdelay $0x1  }
0xa1: {  	s23 =	simm.s32 $0x1B8B  }
0xa2: {  	_ =	swait.ge [sflag:s23], $0x1  }
0xa3: {  	[sflag:s23] =	ssyncset.done $0x0  }
0xa4: {  	s25 =	simm.s32 $0x1B8E;
	s24 =	sld [smem:$0x3FFE];
	[sflag:s23] =	ssyncadd.s32 $0xFFFFFFFF  }
0xa5: {  	s26 =	simm.s32 $execute0_lowered;
	[smem:$0x3FD2] =	sst s25  }
0xa6: {  	s4 =	sshll.u32 s26, $0x1;
	_ =	strace $0x80000049;
	[dreg:$0x1] =	wrdreg $0xFFFFFFFF  }
0xa7: {  	s28 =	simm.s32 $_size_execute0_lowered;
	s2 =	sadd.s32 s2, s4;
	[dreg:$0x0] =	wrdreg $0x0  }
0xa8: {  	s4 =	sshll.u32 s28, $0x1;
	[dreg:$0x2] =	wrdreg s2  }
0xa9: {  	[dreg:$0x3] =	wrdreg s4  }
0xaa: {  	[dreg:$0x4] =	wrdreg $0xC0  }
0xab: {  	_ =	task [dreg:s6], $0x5FFFF  }
0xac: {  	[dreg:$0x1] =	wrdreg $0xFFFFFFFF  }
0xad: {  	[dreg:$0x0] =	wrdreg $0x60  }
0xae: {  	[dreg:$0x2] =	wrdreg s24  }
0xaf: {  	[dreg:$0x3] =	wrdreg $0x98000  }
0xb0: {  	[dreg:$0x4] =	wrdreg $0x9  }
0xb1: {  	_ =	task.clear_ibuf [dreg:s6], $0x5FFFF;
	_ =	strace $0x90000049  }
0xb2: {  	s29 =	simm.s32 $0x9;
	_ =	strace $0x8000004B  }
0xb3: {  	_ =	swait.ge [sflag:s29], $0x1  }
0xb4: {  	[sflag:s29] =	ssyncadd.s32 $0xFFFFFFFF  }
0xb5: {  	_ =	strace $0x9000004B  }
0xb6: {  	_ =	sfence  }
0xb7: {  	s30 =	sld [smem:$0x0];
	_ =	sdelay $0x2  }
0xb8: {  	s31 =	sshll.u32 s1, $0xD;
	s1 =	sshrl.u32 s1, $0x2  }
0xb9: {  	s3 =	sand.u32 $0x4000, s31;
	s1 =	sadd.s32 s1, s30  }
0xba: {  	s0 =	sor.u32 s3, s0;
	s1 =	sshll.u32 s1, $0x11  }
0xbb: {  	s0 =	sor.u32 s1, s0  }
0xbc: {  	s0 =	sadd.s32 $0x8F2B, s0  }
0xbd: {  	[sflag:s0] =	ssyncadd.remote.s32 $0x1  }
0xbe: {  	_ =	sfence.sel $0xFFFF  }
0xbf: {  	[dreg:$0x0] =	wrdreg $0xFFFFFFFF;
	(pc) =	sbr.abs _section_cstart, $3  }
0xc0: {  	[dreg:$0x1] =	wrdreg $0xFFFFFFFF  }
0xc1: {  	_ =	task.clear_ibuf [dreg:s6], $0x2FFFF;
	_ =	strace $0x9FFFFFFF  }
0xc2: {  	(tm) =	ssettm $0x7FFFFFFF  }
0xc3: {  	_ =	shalt  }
tec
execute0_lowered:
.L_overlay_start_1:
0x0: {  	(tag) =	ssettag $0x1  }
0x1: {  	s8 =	rddreg [dreg:$0x0]  }
0x2: {  	s1 =	srdreg.scid;
	s0 =	stileid.u32  }
0x3: {  	s2 =	rddreg [dreg:$0x1];
	s3 =	simm.s32 $0x0;
	s22 =	simm.s32 $0x2  }
0x4: {  	s24 =	simm.s32 $0x1800;
	s25 =	simm.s32 $0x1;
	s26 =	simm.s32 $0x80  }
0x5: {  	s28 =	simm.s32 $0x0;
	s19 =	sand.u32 $0x1, s1;
	s4 =	sshll.u32 s0, $0x1  }
0x6: {  	[smem:$0x7FF] =	sst s3;
	s5 =	sadd.s32 $0x3E600, s8;
	s10 =	smul.u32 $0x4E000, s0  }
0x7: {  	s7 =	sadd.s32 $0x65800, s8;
	s16 =	smul.u32 $0x2700, s0;
	s23 =	sadd.s32 $0x138000, s2  }
0x8: {  	p1 =	seq.s32 s0, $0xF;
	p2 =	sne.s32 s0, $0xF;
	s14 =	sor.u32 s19, s4  }
0x9: {  	_ =	strace $0x8000004A;
	s4 =	sadd.s32 $0xB400, s8;
	s9 =	ssub.s32 $0x2, s19  }
0xa: {  	s23 =	sshrl.u32 s23, $0x3;
	s6 =	smul.u32 $0x300, s14;
	s11 =	sshrl.u32 s9, $0x1  }
0xb: {  	s31 =	sshrl.u32 s10, $0x2;
	p0 =	seq.s32 s14, $0x1F;
	s13 =	smul.u32 $0x13800, s14  }
0xc: {  	s10 =	simm.s32 $0x29;
	s14 =	smul.u32 $0x9C000, s14;
	s17 =	ssub.s32 s9, s11  }
0xd: {  	s21 =	sadd.s32 s31, s2;
	s9 =	sadd.s32 s5, s16;
	s11 =	sadd.s32 s4, s16  }
.Ltmp0:
0xe: {  	s10 =	simm.s32 @!p0 $0x27;
	p0 =	sne.s32 s19, $0x0;
	(pc) =	sbr.rel .LBB2_1-.Ltmp0, $4  }
0xf: {  	s19 =	sshll.u32 s0, $0x6;
	s12 =	sadd.s32 s6, s8;
	s6 =	sadd.s32 $0xC73600, s8  }
0x10: {  	s8 =	sadd.s32 $0x8CA00, s8;
	s17 =	smax.u32 s17, $0x1;
	s18 =	sadd.s32 $0xFFFFFFFE, s10  }
0x11: {  	s20 =	sor.u32 $0x1C02, s19;
	s21 =	sshrl.u32 s21, $0x3;
	s12 =	sadd.s32 $0x32600, s12  }
0x12: {  	s13 =	sadd.s32 s6, s13;
	s15 =	sadd.s32 s8, s16;
	s16 =	sadd.s32 s7, s16  }
.LBB2_10:
0x13: {  	s0 =	sadd.s32 $0x27000, s30  }
0x14: {  	[hbm:s0], [sflag:s29] =	dma.local [spmem:s23], $0x100  }
0x15: {  	_ =	swait.ge [sflag:s22], $0x100  }
0x16: {  	[sflag:s22] =	ssyncset.done $0x0  }
0x17: {  	[sflag:s22] =	ssyncadd.s32 $0xFFFFFF00  }
.LBB2_11:
0x18: {  	s28 =	sadd.s32 $0x1, s28  }
0x19: {  	p3 =	sne.s32 s28, s17  }
.Ltmp1:
0x1a: {  	_ = 	snop;
	(pc) =	sbr.rel @!p3 .LBB2_12-.Ltmp1, $1  }
0x1b: {  	_ =	sdelay $0x3  }
.LBB2_1:
.Ltmp2:
0x1c: {  	(pc) =	sbr.rel @p0 .LBB2_3-.Ltmp2, $1  }
0x1d: {  	_ =	sdelay $0x3  }
0x1e: {  	[spmem:s21], [sflag:s20] =	dma.local [hbm:s11], $0x2700  }
.Ltmp3:
0x1f: {  	_ = 	snop;
	(pc) =	sbr.rel @p1 .LBB2_4-.Ltmp3, $4  }
.Ltmp4:
0x20: {  	_ = 	snop;
	(pc) =	sbr.rel @!p1 .LBB2_5-.Ltmp4, $4  }
0x21: {  	_ =	swait.ge [sflag:s22], $0x2700  }
0x22: {  	[sflag:s22] =	ssyncset.done $0x0  }
0x23: {  	s30 =	smov.u32 s4;
	s29 =	smov.u32 s20;
	[sflag:s22] =	ssyncadd.s32 $0xFFFFD900  }
0x24: {  	_ = 	snop  }
.LBB2_3:
.Ltmp5:
0x25: {  	s29 =	sor.u32 $0x1C02, s19;
	(pc) =	sbr.rel @p2 .LBB2_5-.Ltmp5, $4  }
0x26: {  	[spmem:s21], [sflag:s29] =	dma.local [hbm:s9], $0x2700  }
0x27: {  	_ =	swait.ge [sflag:s22], $0x2700  }
0x28: {  	[sflag:s22] =	ssyncset.done $0x0  }
0x29: {  	s30 =	smov.u32 s5;
	[sflag:s22] =	ssyncadd.s32 $0xFFFFD900  }
.LBB2_4:
0x2a: {  	s30 =	sadd.s32 $0x27000, s30  }
0x2b: {  	[spmem:s23], [sflag:s29] =	dma.local [hbm:s30], $0x100  }
0x2c: {  	_ =	swait.ge [sflag:s22], $0x100  }
0x2d: {  	[sflag:s22] =	ssyncset.done $0x0  }
0x2e: {  	[sflag:s22] =	ssyncadd.s32 $0xFFFFFF00  }
.LBB2_5:
0x2f: {  	s29 =	simm.s32 $0x0  }
0x30: {  	[tilespmem:s29], [sflag:$0x2] =	stream.linear.gather [hbm4b:s12+s29], $0x1800, $0x38;
	[tilespmem:$0x1D080] =	vst v63  }
0x31: {  	s30 =	simm.s32 $0x4000;
	_ =	swait.ge [sflag:s22], $0x1800  }
0x32: {  	s31 =	sadd.s32 $0x4000, s14;
	p3 =	sne.s32 s18, $0x0;
	[sflag:s22] =	ssyncset.done $0x0  }
0x33: {  	s30 =	sand.u32 $0x4000, s30;
	s31 =	sshrl.u32 s31, $0x3;
	[sflag:s22] =	ssyncadd.s32 $0xFFFFE800  }
0x34: {  	[tilespmem:s24], [sflag:$0x1] =	stream.linear.gather [hbm4b:s13+s29], $0x4000, $0x38;
	[tilespmem:$0x1D080] =	vst v63  }
0x35: {  	s30 =	sor.u32 $0x1800, s30;
	s31 =	sadd.s32 s6, s31;
	[bflag:$0x0] =	sbarrier.arrive $0xFFFF  }
0x36: {  	[tilespmem:s30], [sflag:$0x1] =	stream.linear.gather [hbm4b:s31+s3], $0x4000, $0x38;
	[tilespmem:$0x1D080] =	vst v63  }
.Ltmp6:
0x37: {  	s31 =	simm.s32 $0x0;
	_ =	swait.ge [sflag:s25], $0x4000;
	(pc) =	sbr.rel @!p3 .LBB2_7-.Ltmp6, $4  }
0x38: {  	s31 =	sand.u32 $0x4000, s31;
	[sflag:s25] =	ssyncset.done $0x0  }
0x39: {  	s1 =	simm.s32 $0x0;
	s31 =	sor.u32 $0x1800, s31;
	[sflag:s25] =	ssyncadd.s32 $0xFFFFC000  }
0x3a: {  	[spmem:s2] =	stream.indirect.scatter.add.f32 [tilespmem:s31], [sflag:$0x2], $0x80, s1, s26, $0xb8;
	[tilespmem:$0x1D080] =	vst v63  }
0x3b: {  	s31 =	simm.s32 $0x1  }
.LBB2_6:
0x3c: {  	s29 =	smov.u32 s31  }
0x3d: {  	p3 =	sne.s32 s31, s18;
	s1 =	smov.u32 s31;
	s31 =	sadd.s32 $0x1, s31  }
0x3e: {  	s30 =	sshll.u32 s31, $0xE  }
0x3f: {  	s0 =	sadd.s32 s14, s30;
	s30 =	sand.u32 $0x4000, s30;
	_ =	swait.ge [sflag:s22], $0x4000  }
0x40: {  	s30 =	sor.u32 $0x1800, s30;
	s0 =	sshrl.u32 s0, $0x3;
	[sflag:s22] =	ssyncset.done $0x0  }
0x41: {  	s0 =	sadd.s32 s6, s0;
	[sflag:s22] =	ssyncadd.s32 $0xFFFFC000  }
0x42: {  	[tilespmem:s30], [sflag:$0x1] =	stream.linear.gather [hbm4b:s0+s3], $0x4000, $0x38;
	[tilespmem:$0x1D080] =	vst v63  }
.Ltmp7:
0x43: {  	_ = 	snop;
	(pc) =	sbr.rel @p3 .LBB2_6-.Ltmp7, $4  }
0x44: {  	s0 =	sshll.u32 s1, $0xE;
	_ =	swait.ge [sflag:s25], $0x4000  }
0x45: {  	s1 =	sshll.u32 s1, $0x9;
	s0 =	sand.u32 $0x4000, s0;
	[sflag:s25] =	ssyncset.done $0x0  }
0x46: {  	s1 =	sshra.s32 s1, $0x2;
	s0 =	sor.u32 $0x1800, s0;
	[sflag:s25] =	ssyncadd.s32 $0xFFFFC000  }
0x47: {  	[spmem:s2] =	stream.indirect.scatter.add.f32 [tilespmem:s0], [sflag:$0x2], $0x80, s1, s26, $0xb8;
	[tilespmem:$0x1D080] =	vst v63  }
.LBB2_7:
0x48: {  	s0 =	sadd.s32 $0x2, s29  }
0x49: {  	p3 =	sge.u32 s0, s10  }
0x4a: {  	_ =	swait.ge [sflag:s22], $0x4000;
	s0 =	sshll.u32 @!p3 s0, $0xE  }
0x4b: {  	[sflag:s22] =	ssyncset.done $0x0;
	s1 =	sadd.s32 @!p3 s14, s0  }
0x4c: {  	[sflag:s22] =	ssyncadd.s32 $0xFFFFC000;
	s0 =	sand.u32 @!p3 $0x4000, s0;
	s1 =	sshrl.u32 @!p3 s1, $0x3  }
0x4d: {  	s29 =	simm.s32 @!p3 $0x0;
	s0 =	sor.u32 @!p3 $0x1800, s0;
	s1 =	sadd.s32 @!p3 s6, s1  }
0x4e: {  	[tilespmem:s0], [sflag:$0x1] =	stream.linear.gather @!p3 [hbm4b:s1+s29], $0x4000, $0x38;
	[tilespmem:$0x1D080] =	vst v63  }
0x4f: {  	_ =	swait.ge [sflag:s25], $0x4000  }
0x50: {  	s31 =	sshll.u32 s31, $0x7;
	[sflag:s25] =	ssyncset.done $0x0  }
0x51: {  	s0 =	sand.u32 $0x3FFFFF80, s31;
	[sflag:s25] =	ssyncadd.s32 $0xFFFFC000  }
0x52: {  	[spmem:s2] =	stream.indirect.scatter.add.f32 [tilespmem:s30], [sflag:$0x2], $0x80, s0, s26, $0xb8;
	[tilespmem:$0x1D080] =	vst v63  }
.Ltmp8:
0x53: {  	_ =	swait.ge [sflag:s22], $0x4000;
	(pc) =	sbr.rel @p0 .LBB2_9-.Ltmp8, $4  }
0x54: {  	[sflag:s22] =	ssyncset.done $0x0  }
0x55: {  	[sflag:s22] =	ssyncadd.s32 $0xFFFFC000  }
0x56: {  	[bflag:$0x0] =	sbarrier.arrive $0xFFFF  }
0x57: {  	s29 =	sor.u32 $0x1C02, s19  }
0x58: {  	[hbm:s16], [sflag:s29] =	dma.local [spmem:s21], $0x2700  }
.Ltmp9:
0x59: {  	_ = 	snop;
	(pc) =	sbr.rel @p1 .LBB2_10-.Ltmp9, $4  }
.Ltmp10:
0x5a: {  	_ = 	snop;
	(pc) =	sbr.rel @!p1 .LBB2_11-.Ltmp10, $4  }
0x5b: {  	_ =	swait.ge [sflag:s22], $0x2700  }
0x5c: {  	[sflag:s22] =	ssyncset.done $0x0  }
0x5d: {  	s30 =	smov.u32 s7;
	[sflag:s22] =	ssyncadd.s32 $0xFFFFD900  }
0x5e: {  	_ = 	snop  }
.LBB2_9:
0x5f: {  	[hbm:s15], [sflag:s29] =	dma.local [spmem:s21], $0x2700  }
.Ltmp11:
0x60: {  	_ = 	snop;
	(pc) =	sbr.rel @p2 .LBB2_11-.Ltmp11, $4  }
.Ltmp12:
0x61: {  	_ = 	snop;
	(pc) =	sbr.rel @!p2 .LBB2_10-.Ltmp12, $4  }
0x62: {  	_ =	swait.ge [sflag:s22], $0x2700  }
0x63: {  	[sflag:s22] =	ssyncset.done $0x0  }
0x64: {  	s30 =	smov.u32 s8;
	[sflag:s22] =	ssyncadd.s32 $0xFFFFD900  }
0x65: {  	_ = 	snop  }
.LBB2_12:
0x66: {  	_ =	sfence.sel $0x180000  }
0x67: {  	[bflag:$0x0] =	sbarrier.arrive $0xFFFF  }
0x68: {  	_ =	strace $0x9000004A  }
0x69: {  	s0 =	stileid.u32;
	[bflag:$0x2] =	sbarrier.arrive $0xFFFF  }
0x6a: {  	p0 =	sne.s32 s0, $0x0;
	s0 =	rddreg [dreg:$0x2]  }
0x6b: {  	s0 =	sadd.s32 @!p0 $0x100000, s0  }
0x6c: {  	[sflag:s0] =	ssyncadd.tile.s32 @!p0 $0x1;
	_ =	shalt  }
.Lfunc_end2:
_tile_overlayer_lowered:
.L_overlay_start_2:
0x6d: {  	(tag) =	ssettag $0x2  }
0x6e: {  	s0 =	rddreg [dreg:$0x0];
	s2 =	stileid.u32  }
0x6f: {  	s1 =	rddreg [dreg:$0x1];
	p0 =	sne.s32 s2, $0x0  }
0x70: {  	s3 =	rddreg [dreg:$0x2];
	[bflag:$0x3] =	sbarrier.arrive $0xFFFF;
	s2 =	simm.s32 @!p0 $0x1C02  }
0x71: {  	[timem:s3], [sflag:s2] =	dma.local @!p0 [hbm:s0], s1  }
0x72: {  	s0 =	simm.s32 @!p0 $0x2  }
0x73: {  	_ =	swait.ge @!p0 [sflag:s0], s1  }
0x74: {  	s1 =	ssub.s32 @!p0 $0x0, s1;
	[sflag:s0] =	ssyncset.done @!p0 $0x0  }
0x75: {  	[sflag:s0] =	ssyncadd.s32 @!p0 s1  }
0x76: {  	[bflag:$0x3] =	sbarrier.arrive $0xFFFF  }
0x77: {  	_ =	shalt  }

// kernel: kernel.22.cloned.1.call-start
scs
__scs_entry_jumppad:
0x0: {  	(pc) =	sbr.rel $0x88, $3  }
0x1: {  	(tag) =	ssettag $0x0;
	lr =	simm.s32 $0x1  }
0x2: {  	[smem:$0x3F7E] =	sst lr;
	_ =	strace $0xD0000000  }
0x3: {  	_ = 	snop  }
0x4: {  	_ = 	snop  }
0x5: {  	_ = 	snop  }
0x6: {  	_ = 	snop  }
0x7: {  	_ = 	snop  }
__scs_overlays_trampoline_lowered:
0x8: {  	[smem:$0x3F8D] =	sst s0  }
0x9: {  	[smem:$0x3F8E] =	sst s1  }
0xa: {  	[smem:$0x3F8F] =	sst s2  }
0xb: {  	[smem:$0x3F90] =	sst s3  }
0xc: {  	[smem:$0x3F91] =	sst s4  }
0xd: {  	[smem:$0x3F92] =	sst s5  }
0xe: {  	[smem:$0x3F93] =	sst s6  }
0xf: {  	[smem:$0x3F94] =	sst s7  }
0x10: {  	[smem:$0x3F95] =	sst s8  }
0x11: {  	[smem:$0x3F96] =	sst s9;
	s0 =	simm.s32 @!p0 $0x0  }
0x12: {  	s1 =	sld [smem:$0x3F7C];
	s0 =	simm.s32 @p0 $0x1  }
0x13: {  	[smem:$0x3F97] =	sst s0;
	s0 =	simm.s32 @!p1 $0x0  }
0x14: {  	s2 =	sld [smem:$0x3F7B];
	s0 =	simm.s32 @p1 $0x1  }
0x15: {  	[smem:$0x3F98] =	sst s0;
	s0 =	simm.s32 @!p2 $0x0  }
0x16: {  	s3 =	sld [smem:$0x3FDB];
	s0 =	simm.s32 @p2 $0x1  }
0x17: {  	s4 =	simm.s32 $0x1BF5;
	[smem:$0x3F9A] =	sst s0  }
0x18: {  	s0 =	sld [smem:$0x3F7D];
	_ =	swait.ge [sflag:s4], $0x0  }
0x19: {  	s7 =	sld [smem:$0x3F7E]  }
0x1a: {  	s8 =	sadd.s32 $0xFFFFE003, lr  }
0x1b: {  	s9 =	sadd.s32 $0xFFFFFEF7, lr;
	s5 =	simm.s32 $0xFFFFFFFF;
	p2 =	slt.u32 s8, $0xFFFFF086  }
0x1c: {  	p1 =	slt.u32 s9, $0xF7A;
	s5 =	simm.s32 @!p2 $0x0  }
0x1d: {  	s5 =	simm.s32 @p1 $0x1;
	p0 =	seq.s32 s7, s2  }
0x1e: {  	s7 =	smul.u32 @!p0 $0xF7A, s2;
	p2 =	seq.s32 @!p0 s5, $0x0  }
0x1f: {  	s9 =	smul.u32 $0xF7A, s1;
	s8 =	simm.s32 @!p0 $0x1BF5;
	p2 =	por !p2, p0  }
0x20: {  	[sflag:s8] =	ssyncset.s32 @!p0 $0xFFFFF086;
	s6 =	sadd.s32 @!p0 s3, s7;
	s7 =	simm.s32 @!p0 $0x108  }
0x21: {  	s3 =	sadd.s32 s3, s9;
	s6 =	sadd.s32 @!p0 $0x88, s6;
	s7 =	simm.s32 @p2 $0x1082  }
0x22: {  	[simem:s7], [sflag:s8] =	dma.local @!p0 [hbm:s6], $0xF7A  }
0x23: {  	s9 =	sor.u32 $0xD0000000, s2;
	s6 =	simm.s32 $0x108;
	_ =	swait.ge @!p0 [sflag:s8], $0x0  }
0x24: {  	s3 =	sadd.s32 $0x88, s3;
	s6 =	simm.s32 @!p1 $0x1082;
	[sflag:s4] =	ssyncset.s32 $0xFFFFF086  }
0x25: {  	[simem:s6], [sflag:s4] =	dma.local [hbm:s3], $0xF7A  }
0x26: {  	[smem:$0x3F7E] =	sst s1;
	(tag) =	ssettag s2;
	_ =	strace s9  }
0x27: {  	s1 =	sld [smem:$0x3F8E]  }
0x28: {  	s2 =	sld [smem:$0x3F8F]  }
0x29: {  	s4 =	sld [smem:$0x3F91]  }
0x2a: {  	p0 =	seq.s32 s5, $0x0;
	s5 =	sld [smem:$0x3F92]  }
0x2b: {  	s6 =	sld [smem:$0x3F93]  }
0x2c: {  	s7 =	sld [smem:$0x3F94]  }
0x2d: {  	s3 =	simm.s32 $0x108;
	s8 =	sld [smem:$0x3F95]  }
0x2e: {  	s3 =	simm.s32 @!p0 $0x1082;
	s9 =	sld [smem:$0x3F96]  }
0x2f: {  	lr =	sadd.s32 s0, s3;
	s0 =	sld [smem:$0x3F8D]  }
0x30: {  	s3 =	sld [smem:$0x3F90]  }
0x31: {  	[smem:$0x3F99] =	sst s10  }
0x32: {  	s10 =	sld [smem:$0x3F97];
	_ =	sdelay $0x3  }
0x33: {  	p0 =	seq.s32 s10, $0x1;
	s10 =	sld [smem:$0x3F99];
	_ =	sdelay $0x3  }
0x34: {  	[smem:$0x3F99] =	sst s10  }
0x35: {  	s10 =	sld [smem:$0x3F98];
	_ =	sdelay $0x3  }
0x36: {  	p1 =	seq.s32 s10, $0x1;
	s10 =	sld [smem:$0x3F99];
	_ =	sdelay $0x3  }
0x37: {  	[smem:$0x3F99] =	sst s10  }
0x38: {  	s10 =	sld [smem:$0x3F9A]  }
0x39: {  	_ = 	snop;
	(pc) =	sbr.ind lr, $3  }
0x3a: {  	_ = 	snop  }
0x3b: {  	_ = 	snop  }
0x3c: {  	p2 =	seq.s32 s10, $0x1;
	s10 =	sld [smem:$0x3F99]  }
0x3d: {  	_ =	shalt  }
0x3e: {  	_ =	shalt  }
0x3f: {  	_ =	shalt  }
0x40: {  	_ =	shalt  }
0x41: {  	_ =	shalt  }
0x42: {  	_ =	shalt  }
0x43: {  	_ =	shalt  }
0x44: {  	_ =	shalt  }
0x45: {  	_ =	shalt  }
0x46: {  	_ =	shalt  }
0x47: {  	_ =	shalt  }
0x48: {  	_ =	shalt  }
0x49: {  	_ =	shalt  }
0x4a: {  	_ =	shalt  }
0x4b: {  	_ =	shalt  }
0x4c: {  	_ =	shalt  }
0x4d: {  	_ =	shalt  }
0x4e: {  	_ =	shalt  }
0x4f: {  	_ =	shalt  }
0x50: {  	_ =	shalt  }
0x51: {  	_ =	shalt  }
0x52: {  	_ =	shalt  }
0x53: {  	_ =	shalt  }
0x54: {  	_ =	shalt  }
0x55: {  	_ =	shalt  }
0x56: {  	_ =	shalt  }
0x57: {  	_ =	shalt  }
0x58: {  	_ =	shalt  }
0x59: {  	_ =	shalt  }
0x5a: {  	_ =	shalt  }
0x5b: {  	_ =	shalt  }
0x5c: {  	_ =	shalt  }
0x5d: {  	_ =	shalt  }
0x5e: {  	_ =	shalt  }
0x5f: {  	_ =	shalt  }
0x60: {  	_ =	shalt  }
0x61: {  	_ =	shalt  }
0x62: {  	_ =	shalt  }
0x63: {  	_ =	shalt  }
0x64: {  	_ =	shalt  }
0x65: {  	_ =	shalt  }
0x66: {  	_ =	shalt  }
0x67: {  	_ =	shalt  }
0x68: {  	_ =	shalt  }
0x69: {  	_ =	shalt  }
0x6a: {  	_ =	shalt  }
0x6b: {  	_ =	shalt  }
0x6c: {  	_ =	shalt  }
0x6d: {  	_ =	shalt  }
0x6e: {  	_ =	shalt  }
0x6f: {  	_ =	shalt  }
0x70: {  	_ =	shalt  }
0x71: {  	_ =	shalt  }
0x72: {  	_ =	shalt  }
0x73: {  	_ =	shalt  }
0x74: {  	_ =	shalt  }
0x75: {  	_ =	shalt  }
0x76: {  	_ =	shalt  }
0x77: {  	_ =	shalt  }
0x78: {  	_ =	shalt  }
0x79: {  	_ =	shalt  }
0x7a: {  	_ =	shalt  }
0x7b: {  	_ =	shalt  }
0x7c: {  	_ =	shalt  }
0x7d: {  	_ =	shalt  }
0x7e: {  	_ =	shalt  }
0x7f: {  	_ =	shalt  }
0x80: {  	_ =	shalt  }
0x81: {  	_ =	shalt  }
0x82: {  	_ =	shalt  }
0x83: {  	_ =	shalt  }
0x84: {  	_ =	shalt  }
0x85: {  	_ =	shalt  }
0x86: {  	_ =	shalt  }
0x87: {  	_ =	shalt  }
.Lfunc_end0:
.L_simem_size_0:
called_computation.2_lowered:
.L_overlay_start_0:
0x88: {  	s2 =	sld [smem:$0x3FD9]  }
0x89: {  	s3 =	sld [smem:$0x3FFE];
	_ =	sdelay $0x1  }
0x8a: {  	s1 =	srdreg.scid  }
0x8b: {  	s0 =	sand.u32 $0x1, s1  }
0x8c: {  	s16 =	sshll.u32 s0, $0xA;
	s2 =	sadd.s32 s3, s2  }
0x8d: {  	s2 =	sadd.s32 s2, s16  }
0x8e: {  	[smem:$0x3FA5] =	sst s2  }
0x8f: {  	_ = 	snop  }
0x90: {  	(tm) =	ssettm $0x1  }
0x91: {  	s17 =	sld [smem:$0x3FFB];
	_ =	sdelay $0x3  }
0x92: {  	_ =	strace s17  }
0x93: {  	s2 =	sld [smem:$0x3FFC];
	_ =	sdelay $0x3  }
0x94: {  	_ =	strace s2  }
0x95: {  	s2 =	sld [smem:$0x3FFD];
	_ =	sdelay $0x3  }
0x96: {  	_ =	strace s2  }
0x97: {  	_ =	strace $0x8FFFFFFF  }
0x98: {  	s18 =	sld [smem:$0x3FDB];
	_ =	sdelay $0x1  }
0x99: {  	s19 =	simm.s32 $_scs_section_size  }
0x9a: {  	s4 =	simm.s32 $_size__tile_overlayer_lowered;
	s5 =	simm.s32 $_tile_overlayer_lowered  }
0x9b: {  	s22 =	simm.s32 $0x1BFF;
	s21 =	sshll.u32 s5, $0x1;
	s2 =	sadd.s32 s19, s18  }
0x9c: {  	s6 =	simm.s32 $0x0;
	s20 =	sshll.u32 s4, $0x1;
	s4 =	sadd.s32 s21, s2  }
0x9d: {  	[timem:s6], [sflag:s22] =	dma.local [hbm:s4], s20  }
0x9e: {  	_ =	swait.ge [sflag:s22], s20  }
0x9f: {  	s3 =	ssub.s32 $0x0, s20;
	[sflag:s22] =	ssyncset.done $0x0  }
0xa0: {  	[sflag:s22] =	ssyncadd.s32 s3;
	_ =	sdelay $0x1  }
0xa1: {  	s23 =	simm.s32 $0x1B8B  }
0xa2: {  	_ =	swait.ge [sflag:s23], $0x1  }
0xa3: {  	[sflag:s23] =	ssyncset.done $0x0  }
0xa4: {  	s25 =	simm.s32 $0x1B8E;
	s24 =	sld [smem:$0x3FFE];
	[sflag:s23] =	ssyncadd.s32 $0xFFFFFFFF  }
0xa5: {  	s26 =	simm.s32 $execute0_lowered;
	[smem:$0x3FD2] =	sst s25  }
0xa6: {  	s4 =	sshll.u32 s26, $0x1;
	_ =	strace $0x8000004C;
	[dreg:$0x1] =	wrdreg $0xFFFFFFFF  }
0xa7: {  	s28 =	simm.s32 $_size_execute0_lowered;
	s2 =	sadd.s32 s2, s4;
	[dreg:$0x0] =	wrdreg $0x0  }
0xa8: {  	s4 =	sshll.u32 s28, $0x1;
	[dreg:$0x2] =	wrdreg s2  }
0xa9: {  	[dreg:$0x3] =	wrdreg s4  }
0xaa: {  	[dreg:$0x4] =	wrdreg $0xC0  }
0xab: {  	_ =	task [dreg:s6], $0x5FFFF  }
0xac: {  	[dreg:$0x1] =	wrdreg $0xFFFFFFFF  }
0xad: {  	[dreg:$0x0] =	wrdreg $0x60  }
0xae: {  	[dreg:$0x2] =	wrdreg s24  }
0xaf: {  	[dreg:$0x3] =	wrdreg $0x9  }
0xb0: {  	_ =	task.clear_ibuf [dreg:s6], $0x4FFFF;
	_ =	strace $0x9000004C  }
0xb1: {  	s29 =	simm.s32 $0x9;
	_ =	strace $0x8000004E  }
0xb2: {  	_ =	swait.ge [sflag:s29], $0x1  }
0xb3: {  	[sflag:s29] =	ssyncadd.s32 $0xFFFFFFFF  }
0xb4: {  	_ =	strace $0x9000004E  }
0xb5: {  	_ =	sfence  }
0xb6: {  	s30 =	sld [smem:$0x0];
	_ =	sdelay $0x2  }
0xb7: {  	s31 =	sshll.u32 s1, $0xD;
	s1 =	sshrl.u32 s1, $0x2  }
0xb8: {  	s3 =	sand.u32 $0x4000, s31;
	s1 =	sadd.s32 s1, s30  }
0xb9: {  	s0 =	sor.u32 s3, s0;
	s1 =	sshll.u32 s1, $0x11  }
0xba: {  	s0 =	sor.u32 s1, s0  }
0xbb: {  	s0 =	sadd.s32 $0x8F2B, s0  }
0xbc: {  	[sflag:s0] =	ssyncadd.remote.s32 $0x1  }
0xbd: {  	_ =	sfence.sel $0xFFFF  }
0xbe: {  	[dreg:$0x0] =	wrdreg $0xFFFFFFFF;
	(pc) =	sbr.abs _section_cstart, $3  }
0xbf: {  	[dreg:$0x1] =	wrdreg $0xFFFFFFFF  }
0xc0: {  	_ =	task.clear_ibuf [dreg:s6], $0x2FFFF;
	_ =	strace $0x9FFFFFFF  }
0xc1: {  	(tm) =	ssettm $0x7FFFFFFF  }
tec
execute0_lowered:
.L_overlay_start_1:
0x0: {  	(tag) =	ssettag $0x1  }
0x1: {  	s1 =	srdreg.scid;
	s0 =	stileid.u32  }
0x2: {  	s5 =	rddreg [dreg:$0x0];
	s2 =	simm.s32 $0x0;
	s14 =	simm.s32 $0x3  }
0x3: {  	s15 =	simm.s32 $0x1800;
	s16 =	simm.s32 $0x3000;
	s17 =	simm.s32 $0xB000  }
0x4: {  	s18 =	simm.s32 $0x80;
	s19 =	simm.s32 $0x1;
	s20 =	simm.s32 $0x2  }
0x5: {  	s21 =	simm.s32 $0x0;
	s6 =	sand.u32 $0x1, s1;
	s3 =	sshll.u32 s0, $0x1  }
0x6: {  	[smem:$0x7FF] =	sst s2;
	s8 =	smul.u32 $0x138000, s0;
	s7 =	sor.u32 s6, s3  }
0x7: {  	_ =	strace $0x8000004D;
	s10 =	ssub.s32 $0x2, s6;
	s11 =	smul.u32 $0x9C000, s6  }
0x8: {  	s3 =	sadd.s32 $0xB400, s5;
	s4 =	smul.u32 $0x300, s7;
	s12 =	sshrl.u32 s10, $0x1  }
0x9: {  	s6 =	simm.s32 $0x29;
	p0 =	seq.s32 s7, $0x1F;
	s10 =	ssub.s32 s10, s12  }
0xa: {  	s6 =	simm.s32 @!p0 $0x27;
	s7 =	sadd.s32 s11, s8;
	s9 =	sadd.s32 s4, s5  }
0xb: {  	s4 =	sadd.s32 $0xDAE00, s5;
	s5 =	sadd.s32 $0xC73600, s5;
	s13 =	sshrl.u32 s7, $0x3  }
0xc: {  	s10 =	smax.u32 s10, $0x1;
	s11 =	sshll.u32 s6, $0xE;
	s8 =	sadd.s32 $0x32600, s9  }
0xd: {  	s9 =	sadd.s32 $0x38600, s9;
	s12 =	sadd.s32 s13, s5;
	s13 =	sadd.s32 s13, s4  }
.LBB2_1:
0xe: {  	[tilespmem:s2], [sflag:$0x3] =	stream.linear.gather [hbm4b:s8+s2], $0x1800, $0x38;
	[tilespmem:$0x13000] =	vst v63  }
0xf: {  	_ =	swait.ge [sflag:s14], $0x1800  }
0x10: {  	[sflag:s14] =	ssyncset.done $0x0  }
0x11: {  	[sflag:s14] =	ssyncadd.s32 $0xFFFFE800  }
0x12: {  	[tilespmem:s15], [sflag:$0x3] =	stream.linear.gather [hbm4b:s9+s2], $0x1800, $0x38;
	[tilespmem:$0x13000] =	vst v63  }
0x13: {  	p1 =	sne.s32 s11, $0x8000;
	_ =	swait.ge [sflag:s14], $0x1800  }
.Ltmp0:
0x14: {  	[sflag:s14] =	ssyncset.done $0x0;
	(pc) =	sbr.rel @!p1 .LBB2_2-.Ltmp0, $4  }
0x15: {  	s31 =	simm.s32 $0x4000;
	s23 =	simm.s32 $0x1880;
	[sflag:s14] =	ssyncadd.s32 $0xFFFFE800  }
0x16: {  	[tilespmem:s16], [sflag:$0x1] =	stream.indirect.gather [hbm4b:s3+s18], $0x80, s2, s18, $0xb8;
	[tilespmem:$0x13000] =	vst v63  }
0x17: {  	s26 =	simm.s32 $0x8000;
	p0 =	por $0x0, $0x0;
	s30 =	sand.u32 $0x4000, s31  }
0x18: {  	[tilespmem:s17], [sflag:$0x2] =	stream.indirect.gather [hbm4b:s3+s18], $0x80, s15, s18, $0xb8;
	[tilespmem:$0x13000] =	vst v63  }
0x19: {  	s22 =	sor.u32 $0x3000, s30  }
0x1a: {  	[tilespmem:s22], [sflag:$0x1] =	stream.indirect.gather [hbm4b:s3+s18], $0x80, s18, s18, $0xb8;
	[tilespmem:$0x13000] =	vst v63  }
0x1b: {  	s24 =	sor.u32 $0xB000, s30  }
0x1c: {  	[tilespmem:s24], [sflag:$0x2] =	stream.indirect.gather [hbm4b:s3+s18], $0x80, s23, s18, $0xb8;
	[tilespmem:$0x13000] =	vst v63  }
0x1d: {  	s25 =	simm.s32 $0x0;
	_ =	swait.ge [sflag:s19], $0x4000  }
0x1e: {  	s31 =	sand.u32 $0x4000, s25;
	[sflag:s19] =	ssyncset.done $0x0  }
0x1f: {  	s22 =	sor.u32 $0x3000, s31;
	[sflag:s19] =	ssyncadd.s32 $0xFFFFC000  }
0x20: {  	[hbm4b:s13+s2] =	stream.linear.scatter [tilespmem:s22], [sflag:$0x3], $0x4000, $0x38;
	[tilespmem:$0x13000] =	vst v63  }
0x21: {  	_ =	swait.ge [sflag:s14], $0x4000  }
0x22: {  	[sflag:s14] =	ssyncset.done $0x0  }
0x23: {  	p1 =	sne.s32 s11, $0xC000;
	[sflag:s14] =	ssyncadd.s32 $0xFFFFC000  }
0x24: {  	s29 =	sadd.s32 $0x800, s13;
	s28 =	simm.s32 $0x2;
	_ =	swait.ge [sflag:s20], $0x4000  }
.Ltmp1:
0x25: {  	s30 =	sand.u32 $0x4000, s26;
	[sflag:s20] =	ssyncset.done $0x0;
	(pc) =	sbr.rel @!p1 .LBB2_4-.Ltmp1, $4  }
0x26: {  	p0 =	por $0x1, $0x1;
	s23 =	sor.u32 $0xB000, s31;
	[sflag:s20] =	ssyncadd.s32 $0xFFFFC000  }
0x27: {  	[hbm4b:s12+s2] =	stream.linear.scatter [tilespmem:s23], [sflag:$0x3], $0x4000, $0x38;
	[tilespmem:$0x13000] =	vst v63  }
0x28: {  	s25 =	sadd.s32 $0x800, s12;
	s24 =	simm.s32 $0x100;
	_ =	swait.ge [sflag:s14], $0x4000  }
0x29: {  	s22 =	simm.s32 $0xC000;
	s23 =	simm.s32 $0x1900;
	[sflag:s14] =	ssyncset.done $0x0  }
.LBB2_5:
0x2a: {  	s31 =	sor.u32 $0x3000, s30;
	[sflag:s14] =	ssyncadd.s32 $0xFFFFC000  }
0x2b: {  	s1 =	smov.u32 s22;
	s22 =	sadd.s32 $0x4000, s22;
	s0 =	smov.u32 s25  }
0x2c: {  	[tilespmem:s31], [sflag:$0x1] =	stream.indirect.gather [hbm4b:s3+s18], $0x80, s24, s18, $0xb8;
	[tilespmem:$0x13000] =	vst v63  }
0x2d: {  	s30 =	sor.u32 $0xB000, s30;
	p1 =	sne.s32 s11, s22  }
0x2e: {  	[tilespmem:s30], [sflag:$0x2] =	stream.indirect.gather [hbm4b:s3+s18], $0x80, s23, s18, $0xb8;
	[tilespmem:$0x13000] =	vst v63  }
0x2f: {  	s30 =	sadd.s32 $0xFFFFC000, s26;
	s26 =	smov.u32 s1;
	_ =	swait.ge [sflag:s19], $0x4000  }
0x30: {  	s1 =	sand.u32 $0x4000, s30;
	[sflag:s19] =	ssyncset.done $0x0  }
0x31: {  	s30 =	sor.u32 $0x3000, s1;
	[sflag:s19] =	ssyncadd.s32 $0xFFFFC000  }
0x32: {  	[hbm4b:s29+s2] =	stream.linear.scatter [tilespmem:s30], [sflag:$0x3], $0x4000, $0x38;
	[tilespmem:$0x13000] =	vst v63  }
0x33: {  	_ =	swait.ge [sflag:s14], $0x4000  }
0x34: {  	[sflag:s14] =	ssyncset.done $0x0  }
0x35: {  	[sflag:s14] =	ssyncadd.s32 $0xFFFFC000  }
0x36: {  	_ =	swait.ge [sflag:s20], $0x4000  }
.Ltmp2:
0x37: {  	s29 =	sadd.s32 $0x800, s29;
	[sflag:s20] =	ssyncset.done $0x0;
	(pc) =	sbr.rel @p1 .LBB2_5-.Ltmp2, $4  }
0x38: {  	s25 =	sadd.s32 $0x800, s25;
	s1 =	sor.u32 $0xB000, s1;
	[sflag:s20] =	ssyncadd.s32 $0xFFFFC000  }
0x39: {  	[hbm4b:s0+s2] =	stream.linear.scatter [tilespmem:s1], [sflag:$0x3], $0x4000, $0x38;
	[tilespmem:$0x13000] =	vst v63  }
0x3a: {  	s28 =	sadd.s32 $0x1, s28;
	s24 =	sadd.s32 $0x80, s24;
	_ =	swait.ge [sflag:s14], $0x4000  }
0x3b: {  	s23 =	sadd.s32 $0x80, s23;
	s30 =	sand.u32 $0x4000, s26;
	[sflag:s14] =	ssyncset.done $0x0  }
0x3c: {  	s31 =	smov.u32 s26  }
.LBB2_7:
0x3d: {  	s0 =	sor.u32 $0x3000, s30;
	[sflag:s14] =	ssyncadd.s32 @p0 $0xFFFFC000  }
0x3e: {  	[tilespmem:s0], [sflag:$0x1] =	stream.indirect.gather [hbm4b:s3+s18], $0x80, s24, s18, $0xb8;
	[tilespmem:$0x13000] =	vst v63  }
0x3f: {  	s1 =	sor.u32 $0xB000, s30  }
0x40: {  	[tilespmem:s1], [sflag:$0x2] =	stream.indirect.gather [hbm4b:s3+s18], $0x80, s23, s18, $0xb8;
	[tilespmem:$0x13000] =	vst v63  }
0x41: {  	s26 =	sadd.s32 $0xFFFFC000, s31;
	_ =	swait.ge [sflag:s19], $0x4000  }
0x42: {  	s26 =	sand.u32 $0x4000, s26;
	[sflag:s19] =	ssyncset.done $0x0  }
0x43: {  	s31 =	sor.u32 $0x3000, s26;
	[sflag:s19] =	ssyncadd.s32 $0xFFFFC000  }
0x44: {  	[hbm4b:s29+s2] =	stream.linear.scatter [tilespmem:s31], [sflag:$0x3], $0x4000, $0x38;
	[tilespmem:$0x13000] =	vst v63  }
0x45: {  	_ =	swait.ge [sflag:s14], $0x4000  }
0x46: {  	[sflag:s14] =	ssyncset.done $0x0  }
0x47: {  	[sflag:s14] =	ssyncadd.s32 $0xFFFFC000  }
0x48: {  	_ =	swait.ge [sflag:s20], $0x4000  }
0x49: {  	[sflag:s20] =	ssyncset.done $0x0  }
0x4a: {  	s28 =	sadd.s32 $0x1, s28;
	s26 =	sor.u32 $0xB000, s26;
	[sflag:s20] =	ssyncadd.s32 $0xFFFFC000  }
0x4b: {  	[hbm4b:s25+s2] =	stream.linear.scatter [tilespmem:s26], [sflag:$0x3], $0x4000, $0x38;
	[tilespmem:$0x13000] =	vst v63  }
0x4c: {  	p0 =	sge.u32 s28, s6;
	_ =	swait.ge [sflag:s14], $0x4000  }
0x4d: {  	s24 =	sadd.s32 $0x80, s24;
	s25 =	sand.u32 @!p0 $0x4000, s22;
	[sflag:s14] =	ssyncset.done $0x0  }
0x4e: {  	s28 =	simm.s32 @!p0 $0x80;
	s26 =	sor.u32 @!p0 $0x3000, s25;
	[sflag:s14] =	ssyncadd.s32 $0xFFFFC000  }
0x4f: {  	[tilespmem:s26], [sflag:$0x1] =	stream.indirect.gather @!p0 [hbm4b:s3+s28], $0x80, s24, s28, $0xb8;
	[tilespmem:$0x13000] =	vst v63  }
0x50: {  	s23 =	sadd.s32 $0x80, s23;
	s29 =	sadd.s32 s22, s7;
	s24 =	sor.u32 @!p0 $0xB000, s25  }
0x51: {  	[tilespmem:s24], [sflag:$0x2] =	stream.indirect.gather @!p0 [hbm4b:s3+s28], $0x80, s23, s28, $0xb8;
	[tilespmem:$0x13000] =	vst v63  }
0x52: {  	s22 =	sadd.s32 $0xFFFFC000, s29;
	_ =	swait.ge [sflag:s19], $0x4000  }
0x53: {  	s22 =	sshrl.u32 s22, $0x3;
	[sflag:s19] =	ssyncset.done $0x0  }
0x54: {  	s30 =	sadd.s32 s4, s22;
	[sflag:s19] =	ssyncadd.s32 $0xFFFFC000  }
0x55: {  	[hbm4b:s30+s2] =	stream.linear.scatter [tilespmem:s0], [sflag:$0x3], $0x4000, $0x38;
	[tilespmem:$0x13000] =	vst v63  }
0x56: {  	_ =	swait.ge [sflag:s14], $0x4000  }
0x57: {  	[sflag:s14] =	ssyncset.done $0x0  }
0x58: {  	[sflag:s14] =	ssyncadd.s32 $0xFFFFC000  }
0x59: {  	_ =	swait.ge [sflag:s20], $0x4000  }
0x5a: {  	s21 =	sadd.s32 $0x1, s21;
	[sflag:s20] =	ssyncset.done $0x0  }
0x5b: {  	s31 =	sadd.s32 s5, s22;
	p0 =	sne.s32 s21, s10;
	[sflag:s20] =	ssyncadd.s32 $0xFFFFC000  }
0x5c: {  	[hbm4b:s31+s2] =	stream.linear.scatter [tilespmem:s1], [sflag:$0x3], $0x4000, $0x38;
	[tilespmem:$0x13000] =	vst v63  }
.Ltmp3:
0x5d: {  	_ = 	snop;
	(pc) =	sbr.rel @p0 .LBB2_1-.Ltmp3, $4  }
.Ltmp4:
0x5e: {  	_ = 	snop;
	(pc) =	sbr.rel @!p0 .LBB2_8-.Ltmp4, $4  }
0x5f: {  	_ =	swait.ge [sflag:s14], $0x4000  }
0x60: {  	[sflag:s14] =	ssyncset.done $0x0  }
0x61: {  	[sflag:s14] =	ssyncadd.s32 $0xFFFFC000  }
0x62: {  	_ = 	snop  }
.LBB2_2:
.Ltmp5:
0x63: {  	(pc) =	sbr.rel .LBB2_7-.Ltmp5, $3  }
0x64: {  	_ =	sdelay $0x1  }
0x65: {  	s22 =	simm.s32 $0x8000;
	s25 =	smov.u32 s12  }
0x66: {  	s24 =	simm.s32 $0x80;
	s29 =	smov.u32 s13;
	s28 =	simm.s32 $0x1  }
.LBB2_4:
.Ltmp6:
0x67: {  	(pc) =	sbr.rel .LBB2_7-.Ltmp6, $2  }
0x68: {  	_ =	sdelay $0x2  }
0x69: {  	s31 =	simm.s32 $0x8000  }
.LBB2_8:
0x6a: {  	_ =	sfence.sel $0x180000  }
0x6b: {  	[bflag:$0x0] =	sbarrier.arrive $0xFFFF  }
0x6c: {  	_ =	strace $0x9000004D  }
0x6d: {  	s0 =	stileid.u32;
	[bflag:$0x2] =	sbarrier.arrive $0xFFFF  }
0x6e: {  	p0 =	sne.s32 s0, $0x0;
	s0 =	rddreg [dreg:$0x1]  }
0x6f: {  	s0 =	sadd.s32 @!p0 $0x100000, s0  }
0x70: {  	[sflag:s0] =	ssyncadd.tile.s32 @!p0 $0x1;
	_ =	shalt  }
.Lfunc_end2:
_tile_overlayer_lowered:
.L_overlay_start_2:
0x71: {  	(tag) =	ssettag $0x2  }
0x72: {  	s0 =	rddreg [dreg:$0x0];
	s2 =	stileid.u32  }
0x73: {  	s1 =	rddreg [dreg:$0x1];
	p0 =	sne.s32 s2, $0x0  }
0x74: {  	s3 =	rddreg [dreg:$0x2];
	[bflag:$0x3] =	sbarrier.arrive $0xFFFF;
	s2 =	simm.s32 @!p0 $0x1C03  }
0x75: {  	[timem:s3], [sflag:s2] =	dma.local @!p0 [hbm:s0], s1  }
0x76: {  	s0 =	simm.s32 @!p0 $0x3  }
0x77: {  	_ =	swait.ge @!p0 [sflag:s0], s1  }
0x78: {  	s1 =	ssub.s32 @!p0 $0x0, s1;
	[sflag:s0] =	ssyncset.done @!p0 $0x0  }
0x79: {  	[sflag:s0] =	ssyncadd.s32 @!p0 s1  }
0x7a: {  	[bflag:$0x3] =	sbarrier.arrive $0xFFFF  }
0x7b: {  	_ =	shalt  }

// kernel: kernel.25.cloned.1.call-start
scs
__scs_entry_jumppad:
0x0: {  	(pc) =	sbr.rel $0x88, $3  }
0x1: {  	(tag) =	ssettag $0x0;
	lr =	simm.s32 $0x1  }
0x2: {  	[smem:$0x3F7E] =	sst lr;
	_ =	strace $0xD0000000  }
0x3: {  	_ = 	snop  }
0x4: {  	_ = 	snop  }
0x5: {  	_ = 	snop  }
0x6: {  	_ = 	snop  }
0x7: {  	_ = 	snop  }
__scs_overlays_trampoline_lowered:
0x8: {  	[smem:$0x3F8D] =	sst s0  }
0x9: {  	[smem:$0x3F8E] =	sst s1  }
0xa: {  	[smem:$0x3F8F] =	sst s2  }
0xb: {  	[smem:$0x3F90] =	sst s3  }
0xc: {  	[smem:$0x3F91] =	sst s4  }
0xd: {  	[smem:$0x3F92] =	sst s5  }
0xe: {  	[smem:$0x3F93] =	sst s6  }
0xf: {  	[smem:$0x3F94] =	sst s7  }
0x10: {  	[smem:$0x3F95] =	sst s8  }
0x11: {  	[smem:$0x3F96] =	sst s9;
	s0 =	simm.s32 @!p0 $0x0  }
0x12: {  	s1 =	sld [smem:$0x3F7C];
	s0 =	simm.s32 @p0 $0x1  }
0x13: {  	[smem:$0x3F97] =	sst s0;
	s0 =	simm.s32 @!p1 $0x0  }
0x14: {  	s2 =	sld [smem:$0x3F7B];
	s0 =	simm.s32 @p1 $0x1  }
0x15: {  	[smem:$0x3F98] =	sst s0;
	s0 =	simm.s32 @!p2 $0x0  }
0x16: {  	s3 =	sld [smem:$0x3FDB];
	s0 =	simm.s32 @p2 $0x1  }
0x17: {  	s4 =	simm.s32 $0x1BF5;
	[smem:$0x3F9A] =	sst s0  }
0x18: {  	s0 =	sld [smem:$0x3F7D];
	_ =	swait.ge [sflag:s4], $0x0  }
0x19: {  	s7 =	sld [smem:$0x3F7E]  }
0x1a: {  	s8 =	sadd.s32 $0xFFFFE003, lr  }
0x1b: {  	s9 =	sadd.s32 $0xFFFFFEF7, lr;
	s5 =	simm.s32 $0xFFFFFFFF;
	p2 =	slt.u32 s8, $0xFFFFF086  }
0x1c: {  	p1 =	slt.u32 s9, $0xF7A;
	s5 =	simm.s32 @!p2 $0x0  }
0x1d: {  	s5 =	simm.s32 @p1 $0x1;
	p0 =	seq.s32 s7, s2  }
0x1e: {  	s7 =	smul.u32 @!p0 $0xF7A, s2;
	p2 =	seq.s32 @!p0 s5, $0x0  }
0x1f: {  	s9 =	smul.u32 $0xF7A, s1;
	s8 =	simm.s32 @!p0 $0x1BF5;
	p2 =	por !p2, p0  }
0x20: {  	[sflag:s8] =	ssyncset.s32 @!p0 $0xFFFFF086;
	s6 =	sadd.s32 @!p0 s3, s7;
	s7 =	simm.s32 @!p0 $0x108  }
0x21: {  	s3 =	sadd.s32 s3, s9;
	s6 =	sadd.s32 @!p0 $0x88, s6;
	s7 =	simm.s32 @p2 $0x1082  }
0x22: {  	[simem:s7], [sflag:s8] =	dma.local @!p0 [hbm:s6], $0xF7A  }
0x23: {  	s9 =	sor.u32 $0xD0000000, s2;
	s6 =	simm.s32 $0x108;
	_ =	swait.ge @!p0 [sflag:s8], $0x0  }
0x24: {  	s3 =	sadd.s32 $0x88, s3;
	s6 =	simm.s32 @!p1 $0x1082;
	[sflag:s4] =	ssyncset.s32 $0xFFFFF086  }
0x25: {  	[simem:s6], [sflag:s4] =	dma.local [hbm:s3], $0xF7A  }
0x26: {  	[smem:$0x3F7E] =	sst s1;
	(tag) =	ssettag s2;
	_ =	strace s9  }
0x27: {  	s1 =	sld [smem:$0x3F8E]  }
0x28: {  	s2 =	sld [smem:$0x3F8F]  }
0x29: {  	s4 =	sld [smem:$0x3F91]  }
0x2a: {  	p0 =	seq.s32 s5, $0x0;
	s5 =	sld [smem:$0x3F92]  }
0x2b: {  	s6 =	sld [smem:$0x3F93]  }
0x2c: {  	s7 =	sld [smem:$0x3F94]  }
0x2d: {  	s3 =	simm.s32 $0x108;
	s8 =	sld [smem:$0x3F95]  }
0x2e: {  	s3 =	simm.s32 @!p0 $0x1082;
	s9 =	sld [smem:$0x3F96]  }
0x2f: {  	lr =	sadd.s32 s0, s3;
	s0 =	sld [smem:$0x3F8D]  }
0x30: {  	s3 =	sld [smem:$0x3F90]  }
0x31: {  	[smem:$0x3F99] =	sst s10  }
0x32: {  	s10 =	sld [smem:$0x3F97];
	_ =	sdelay $0x3  }
0x33: {  	p0 =	seq.s32 s10, $0x1;
	s10 =	sld [smem:$0x3F99];
	_ =	sdelay $0x3  }
0x34: {  	[smem:$0x3F99] =	sst s10  }
0x35: {  	s10 =	sld [smem:$0x3F98];
	_ =	sdelay $0x3  }
0x36: {  	p1 =	seq.s32 s10, $0x1;
	s10 =	sld [smem:$0x3F99];
	_ =	sdelay $0x3  }
0x37: {  	[smem:$0x3F99] =	sst s10  }
0x38: {  	s10 =	sld [smem:$0x3F9A]  }
0x39: {  	_ = 	snop;
	(pc) =	sbr.ind lr, $3  }
0x3a: {  	_ = 	snop  }
0x3b: {  	_ = 	snop  }
0x3c: {  	p2 =	seq.s32 s10, $0x1;
	s10 =	sld [smem:$0x3F99]  }
0x3d: {  	_ =	shalt  }
0x3e: {  	_ =	shalt  }
0x3f: {  	_ =	shalt  }
0x40: {  	_ =	shalt  }
0x41: {  	_ =	shalt  }
0x42: {  	_ =	shalt  }
0x43: {  	_ =	shalt  }
0x44: {  	_ =	shalt  }
0x45: {  	_ =	shalt  }
0x46: {  	_ =	shalt  }
0x47: {  	_ =	shalt  }
0x48: {  	_ =	shalt  }
0x49: {  	_ =	shalt  }
0x4a: {  	_ =	shalt  }
0x4b: {  	_ =	shalt  }
0x4c: {  	_ =	shalt  }
0x4d: {  	_ =	shalt  }
0x4e: {  	_ =	shalt  }
0x4f: {  	_ =	shalt  }
0x50: {  	_ =	shalt  }
0x51: {  	_ =	shalt  }
0x52: {  	_ =	shalt  }
0x53: {  	_ =	shalt  }
0x54: {  	_ =	shalt  }
0x55: {  	_ =	shalt  }
0x56: {  	_ =	shalt  }
0x57: {  	_ =	shalt  }
0x58: {  	_ =	shalt  }
0x59: {  	_ =	shalt  }
0x5a: {  	_ =	shalt  }
0x5b: {  	_ =	shalt  }
0x5c: {  	_ =	shalt  }
0x5d: {  	_ =	shalt  }
0x5e: {  	_ =	shalt  }
0x5f: {  	_ =	shalt  }
0x60: {  	_ =	shalt  }
0x61: {  	_ =	shalt  }
0x62: {  	_ =	shalt  }
0x63: {  	_ =	shalt  }
0x64: {  	_ =	shalt  }
0x65: {  	_ =	shalt  }
0x66: {  	_ =	shalt  }
0x67: {  	_ =	shalt  }
0x68: {  	_ =	shalt  }
0x69: {  	_ =	shalt  }
0x6a: {  	_ =	shalt  }
0x6b: {  	_ =	shalt  }
0x6c: {  	_ =	shalt  }
0x6d: {  	_ =	shalt  }
0x6e: {  	_ =	shalt  }
0x6f: {  	_ =	shalt  }
0x70: {  	_ =	shalt  }
0x71: {  	_ =	shalt  }
0x72: {  	_ =	shalt  }
0x73: {  	_ =	shalt  }
0x74: {  	_ =	shalt  }
0x75: {  	_ =	shalt  }
0x76: {  	_ =	shalt  }
0x77: {  	_ =	shalt  }
0x78: {  	_ =	shalt  }
0x79: {  	_ =	shalt  }
0x7a: {  	_ =	shalt  }
0x7b: {  	_ =	shalt  }
0x7c: {  	_ =	shalt  }
0x7d: {  	_ =	shalt  }
0x7e: {  	_ =	shalt  }
0x7f: {  	_ =	shalt  }
0x80: {  	_ =	shalt  }
0x81: {  	_ =	shalt  }
0x82: {  	_ =	shalt  }
0x83: {  	_ =	shalt  }
0x84: {  	_ =	shalt  }
0x85: {  	_ =	shalt  }
0x86: {  	_ =	shalt  }
0x87: {  	_ =	shalt  }
.Lfunc_end0:
.L_simem_size_0:
called_computation.3_lowered:
.L_overlay_start_0:
0x88: {  	s2 =	sld [smem:$0x3FD9]  }
0x89: {  	s3 =	sld [smem:$0x3FFE];
	_ =	sdelay $0x1  }
0x8a: {  	s1 =	srdreg.scid  }
0x8b: {  	s0 =	sand.u32 $0x1, s1  }
0x8c: {  	s16 =	sshll.u32 s0, $0xA;
	s2 =	sadd.s32 s3, s2  }
0x8d: {  	s2 =	sadd.s32 s2, s16  }
0x8e: {  	[smem:$0x3FA5] =	sst s2  }
0x8f: {  	_ = 	snop  }
0x90: {  	(tm) =	ssettm $0x1  }
0x91: {  	s17 =	sld [smem:$0x3FFB];
	_ =	sdelay $0x3  }
0x92: {  	_ =	strace s17  }
0x93: {  	s2 =	sld [smem:$0x3FFC];
	_ =	sdelay $0x3  }
0x94: {  	_ =	strace s2  }
0x95: {  	s2 =	sld [smem:$0x3FFD];
	_ =	sdelay $0x3  }
0x96: {  	_ =	strace s2  }
0x97: {  	_ =	strace $0x8FFFFFFF  }
0x98: {  	s18 =	sld [smem:$0x3FDB];
	_ =	sdelay $0x1  }
0x99: {  	s19 =	simm.s32 $_scs_section_size  }
0x9a: {  	s4 =	simm.s32 $_size__tile_overlayer_lowered;
	s5 =	simm.s32 $_tile_overlayer_lowered  }
0x9b: {  	s22 =	simm.s32 $0x1BFF;
	s21 =	sshll.u32 s5, $0x1;
	s2 =	sadd.s32 s19, s18  }
0x9c: {  	s6 =	simm.s32 $0x0;
	s20 =	sshll.u32 s4, $0x1;
	s4 =	sadd.s32 s21, s2  }
0x9d: {  	[timem:s6], [sflag:s22] =	dma.local [hbm:s4], s20  }
0x9e: {  	_ =	swait.ge [sflag:s22], s20  }
0x9f: {  	s3 =	ssub.s32 $0x0, s20;
	[sflag:s22] =	ssyncset.done $0x0  }
0xa0: {  	[sflag:s22] =	ssyncadd.s32 s3;
	_ =	sdelay $0x1  }
0xa1: {  	s23 =	simm.s32 $0x1B8B  }
0xa2: {  	_ =	swait.ge [sflag:s23], $0x1  }
0xa3: {  	[sflag:s23] =	ssyncset.done $0x0  }
0xa4: {  	s25 =	simm.s32 $0x1B8E;
	s24 =	sld [smem:$0x3FFE];
	[sflag:s23] =	ssyncadd.s32 $0xFFFFFFFF  }
0xa5: {  	s26 =	simm.s32 $execute0_lowered;
	[smem:$0x3FD2] =	sst s25  }
0xa6: {  	s4 =	sshll.u32 s26, $0x1;
	_ =	strace $0x8000004F;
	[dreg:$0x1] =	wrdreg $0xFFFFFFFF  }
0xa7: {  	s28 =	simm.s32 $_size_execute0_lowered;
	s2 =	sadd.s32 s2, s4;
	[dreg:$0x0] =	wrdreg $0x0  }
0xa8: {  	s4 =	sshll.u32 s28, $0x1;
	[dreg:$0x2] =	wrdreg s2  }
0xa9: {  	[dreg:$0x3] =	wrdreg s4  }
0xaa: {  	[dreg:$0x4] =	wrdreg $0xC0  }
0xab: {  	_ =	task [dreg:s6], $0x5FFFF  }
0xac: {  	[dreg:$0x1] =	wrdreg $0xFFFFFFFF  }
0xad: {  	[dreg:$0x0] =	wrdreg $0x60  }
0xae: {  	[dreg:$0x2] =	wrdreg s24  }
0xaf: {  	[dreg:$0x3] =	wrdreg $0x98000  }
0xb0: {  	[dreg:$0x4] =	wrdreg $0x9  }
0xb1: {  	_ =	task.clear_ibuf [dreg:s6], $0x5FFFF;
	_ =	strace $0x9000004F  }
0xb2: {  	s29 =	simm.s32 $0x9;
	_ =	strace $0x80000051  }
0xb3: {  	_ =	swait.ge [sflag:s29], $0x1  }
0xb4: {  	[sflag:s29] =	ssyncadd.s32 $0xFFFFFFFF  }
0xb5: {  	_ =	strace $0x90000051  }
0xb6: {  	_ =	sfence  }
0xb7: {  	s30 =	sld [smem:$0x0];
	_ =	sdelay $0x2  }
0xb8: {  	s31 =	sshll.u32 s1, $0xD;
	s1 =	sshrl.u32 s1, $0x2  }
0xb9: {  	s3 =	sand.u32 $0x4000, s31;
	s1 =	sadd.s32 s1, s30  }
0xba: {  	s0 =	sor.u32 s3, s0;
	s1 =	sshll.u32 s1, $0x11  }
0xbb: {  	s0 =	sor.u32 s1, s0  }
0xbc: {  	s0 =	sadd.s32 $0x8F2B, s0  }
0xbd: {  	[sflag:s0] =	ssyncadd.remote.s32 $0x1  }
0xbe: {  	_ =	sfence.sel $0xFFFF  }
0xbf: {  	[dreg:$0x0] =	wrdreg $0xFFFFFFFF;
	(pc) =	sbr.abs _section_cstart, $3  }
0xc0: {  	[dreg:$0x1] =	wrdreg $0xFFFFFFFF  }
0xc1: {  	_ =	task.clear_ibuf [dreg:s6], $0x2FFFF;
	_ =	strace $0x9FFFFFFF  }
0xc2: {  	(tm) =	ssettm $0x7FFFFFFF  }
0xc3: {  	_ =	shalt  }
tec
execute0_lowered:
.L_overlay_start_1:
0x0: {  	(tag) =	ssettag $0x1  }
0x1: {  	s8 =	rddreg [dreg:$0x0]  }
0x2: {  	s1 =	srdreg.scid;
	s0 =	stileid.u32  }
0x3: {  	s2 =	rddreg [dreg:$0x1];
	s3 =	simm.s32 $0x0;
	s22 =	simm.s32 $0x2  }
0x4: {  	s24 =	simm.s32 $0x1800;
	s25 =	simm.s32 $0x1;
	s26 =	simm.s32 $0x80  }
0x5: {  	s28 =	simm.s32 $0x0;
	s19 =	sand.u32 $0x1, s1;
	s4 =	sshll.u32 s0, $0x1  }
0x6: {  	[smem:$0x7FF] =	sst s3;
	s5 =	sadd.s32 $0x3E600, s8;
	s10 =	smul.u32 $0x4E000, s0  }
0x7: {  	s7 =	sadd.s32 $0x65C00, s8;
	s16 =	smul.u32 $0x2700, s0;
	s23 =	sadd.s32 $0x138000, s2  }
0x8: {  	p1 =	seq.s32 s0, $0xF;
	p2 =	sne.s32 s0, $0xF;
	s14 =	sor.u32 s19, s4  }
0x9: {  	_ =	strace $0x80000050;
	s4 =	sadd.s32 $0xB400, s8;
	s9 =	ssub.s32 $0x2, s19  }
0xa: {  	s23 =	sshrl.u32 s23, $0x3;
	s6 =	smul.u32 $0x300, s14;
	s11 =	sshrl.u32 s9, $0x1  }
0xb: {  	s31 =	sshrl.u32 s10, $0x2;
	p0 =	seq.s32 s14, $0x1F;
	s13 =	smul.u32 $0x13800, s14  }
0xc: {  	s10 =	simm.s32 $0x29;
	s14 =	smul.u32 $0x9C000, s14;
	s17 =	ssub.s32 s9, s11  }
0xd: {  	s21 =	sadd.s32 s31, s2;
	s9 =	sadd.s32 s5, s16;
	s11 =	sadd.s32 s4, s16  }
.Ltmp0:
0xe: {  	s10 =	simm.s32 @!p0 $0x27;
	p0 =	sne.s32 s19, $0x0;
	(pc) =	sbr.rel .LBB2_1-.Ltmp0, $4  }
0xf: {  	s19 =	sshll.u32 s0, $0x6;
	s12 =	sadd.s32 s6, s8;
	s6 =	sadd.s32 $0xEE4600, s8  }
0x10: {  	s8 =	sadd.s32 $0xC73600, s8;
	s17 =	smax.u32 s17, $0x1;
	s18 =	sadd.s32 $0xFFFFFFFE, s10  }
0x11: {  	s20 =	sor.u32 $0x1C02, s19;
	s21 =	sshrl.u32 s21, $0x3;
	s12 =	sadd.s32 $0x32600, s12  }
0x12: {  	s13 =	sadd.s32 s6, s13;
	s15 =	sadd.s32 s8, s16;
	s16 =	sadd.s32 s7, s16  }
.LBB2_10:
0x13: {  	s0 =	sadd.s32 $0x27000, s30  }
0x14: {  	[hbm:s0], [sflag:s29] =	dma.local [spmem:s23], $0x100  }
0x15: {  	_ =	swait.ge [sflag:s22], $0x100  }
0x16: {  	[sflag:s22] =	ssyncset.done $0x0  }
0x17: {  	[sflag:s22] =	ssyncadd.s32 $0xFFFFFF00  }
.LBB2_11:
0x18: {  	s28 =	sadd.s32 $0x1, s28  }
0x19: {  	p3 =	sne.s32 s28, s17  }
.Ltmp1:
0x1a: {  	_ = 	snop;
	(pc) =	sbr.rel @!p3 .LBB2_12-.Ltmp1, $1  }
0x1b: {  	_ =	sdelay $0x3  }
.LBB2_1:
.Ltmp2:
0x1c: {  	(pc) =	sbr.rel @p0 .LBB2_3-.Ltmp2, $1  }
0x1d: {  	_ =	sdelay $0x3  }
0x1e: {  	[spmem:s21], [sflag:s20] =	dma.local [hbm:s11], $0x2700  }
.Ltmp3:
0x1f: {  	_ = 	snop;
	(pc) =	sbr.rel @p1 .LBB2_4-.Ltmp3, $4  }
.Ltmp4:
0x20: {  	_ = 	snop;
	(pc) =	sbr.rel @!p1 .LBB2_5-.Ltmp4, $4  }
0x21: {  	_ =	swait.ge [sflag:s22], $0x2700  }
0x22: {  	[sflag:s22] =	ssyncset.done $0x0  }
0x23: {  	s30 =	smov.u32 s4;
	s29 =	smov.u32 s20;
	[sflag:s22] =	ssyncadd.s32 $0xFFFFD900  }
0x24: {  	_ = 	snop  }
.LBB2_3:
.Ltmp5:
0x25: {  	s29 =	sor.u32 $0x1C02, s19;
	(pc) =	sbr.rel @p2 .LBB2_5-.Ltmp5, $4  }
0x26: {  	[spmem:s21], [sflag:s29] =	dma.local [hbm:s9], $0x2700  }
0x27: {  	_ =	swait.ge [sflag:s22], $0x2700  }
0x28: {  	[sflag:s22] =	ssyncset.done $0x0  }
0x29: {  	s30 =	smov.u32 s5;
	[sflag:s22] =	ssyncadd.s32 $0xFFFFD900  }
.LBB2_4:
0x2a: {  	s30 =	sadd.s32 $0x27000, s30  }
0x2b: {  	[spmem:s23], [sflag:s29] =	dma.local [hbm:s30], $0x100  }
0x2c: {  	_ =	swait.ge [sflag:s22], $0x100  }
0x2d: {  	[sflag:s22] =	ssyncset.done $0x0  }
0x2e: {  	[sflag:s22] =	ssyncadd.s32 $0xFFFFFF00  }
.LBB2_5:
0x2f: {  	s29 =	simm.s32 $0x0  }
0x30: {  	[tilespmem:s29], [sflag:$0x2] =	stream.linear.gather [hbm4b:s12+s29], $0x1800, $0x38;
	[tilespmem:$0x1D080] =	vst v63  }
0x31: {  	s30 =	simm.s32 $0x4000;
	_ =	swait.ge [sflag:s22], $0x1800  }
0x32: {  	s31 =	sadd.s32 $0x4000, s14;
	p3 =	sne.s32 s18, $0x0;
	[sflag:s22] =	ssyncset.done $0x0  }
0x33: {  	s30 =	sand.u32 $0x4000, s30;
	s31 =	sshrl.u32 s31, $0x3;
	[sflag:s22] =	ssyncadd.s32 $0xFFFFE800  }
0x34: {  	[tilespmem:s24], [sflag:$0x1] =	stream.linear.gather [hbm4b:s13+s29], $0x4000, $0x38;
	[tilespmem:$0x1D080] =	vst v63  }
0x35: {  	s30 =	sor.u32 $0x1800, s30;
	s31 =	sadd.s32 s6, s31;
	[bflag:$0x0] =	sbarrier.arrive $0xFFFF  }
0x36: {  	[tilespmem:s30], [sflag:$0x1] =	stream.linear.gather [hbm4b:s31+s3], $0x4000, $0x38;
	[tilespmem:$0x1D080] =	vst v63  }
.Ltmp6:
0x37: {  	s31 =	simm.s32 $0x0;
	_ =	swait.ge [sflag:s25], $0x4000;
	(pc) =	sbr.rel @!p3 .LBB2_7-.Ltmp6, $4  }
0x38: {  	s31 =	sand.u32 $0x4000, s31;
	[sflag:s25] =	ssyncset.done $0x0  }
0x39: {  	s1 =	simm.s32 $0x0;
	s31 =	sor.u32 $0x1800, s31;
	[sflag:s25] =	ssyncadd.s32 $0xFFFFC000  }
0x3a: {  	[spmem:s2] =	stream.indirect.scatter.add.f32 [tilespmem:s31], [sflag:$0x2], $0x80, s1, s26, $0xb8;
	[tilespmem:$0x1D080] =	vst v63  }
0x3b: {  	s31 =	simm.s32 $0x1  }
.LBB2_6:
0x3c: {  	s29 =	smov.u32 s31  }
0x3d: {  	p3 =	sne.s32 s31, s18;
	s1 =	smov.u32 s31;
	s31 =	sadd.s32 $0x1, s31  }
0x3e: {  	s30 =	sshll.u32 s31, $0xE  }
0x3f: {  	s0 =	sadd.s32 s14, s30;
	s30 =	sand.u32 $0x4000, s30;
	_ =	swait.ge [sflag:s22], $0x4000  }
0x40: {  	s30 =	sor.u32 $0x1800, s30;
	s0 =	sshrl.u32 s0, $0x3;
	[sflag:s22] =	ssyncset.done $0x0  }
0x41: {  	s0 =	sadd.s32 s6, s0;
	[sflag:s22] =	ssyncadd.s32 $0xFFFFC000  }
0x42: {  	[tilespmem:s30], [sflag:$0x1] =	stream.linear.gather [hbm4b:s0+s3], $0x4000, $0x38;
	[tilespmem:$0x1D080] =	vst v63  }
.Ltmp7:
0x43: {  	_ = 	snop;
	(pc) =	sbr.rel @p3 .LBB2_6-.Ltmp7, $4  }
0x44: {  	s0 =	sshll.u32 s1, $0xE;
	_ =	swait.ge [sflag:s25], $0x4000  }
0x45: {  	s1 =	sshll.u32 s1, $0x9;
	s0 =	sand.u32 $0x4000, s0;
	[sflag:s25] =	ssyncset.done $0x0  }
0x46: {  	s1 =	sshra.s32 s1, $0x2;
	s0 =	sor.u32 $0x1800, s0;
	[sflag:s25] =	ssyncadd.s32 $0xFFFFC000  }
0x47: {  	[spmem:s2] =	stream.indirect.scatter.add.f32 [tilespmem:s0], [sflag:$0x2], $0x80, s1, s26, $0xb8;
	[tilespmem:$0x1D080] =	vst v63  }
.LBB2_7:
0x48: {  	s0 =	sadd.s32 $0x2, s29  }
0x49: {  	p3 =	sge.u32 s0, s10  }
0x4a: {  	_ =	swait.ge [sflag:s22], $0x4000;
	s0 =	sshll.u32 @!p3 s0, $0xE  }
0x4b: {  	[sflag:s22] =	ssyncset.done $0x0;
	s1 =	sadd.s32 @!p3 s14, s0  }
0x4c: {  	[sflag:s22] =	ssyncadd.s32 $0xFFFFC000;
	s0 =	sand.u32 @!p3 $0x4000, s0;
	s1 =	sshrl.u32 @!p3 s1, $0x3  }
0x4d: {  	s29 =	simm.s32 @!p3 $0x0;
	s0 =	sor.u32 @!p3 $0x1800, s0;
	s1 =	sadd.s32 @!p3 s6, s1  }
0x4e: {  	[tilespmem:s0], [sflag:$0x1] =	stream.linear.gather @!p3 [hbm4b:s1+s29], $0x4000, $0x38;
	[tilespmem:$0x1D080] =	vst v63  }
0x4f: {  	_ =	swait.ge [sflag:s25], $0x4000  }
0x50: {  	s31 =	sshll.u32 s31, $0x7;
	[sflag:s25] =	ssyncset.done $0x0  }
0x51: {  	s0 =	sand.u32 $0x3FFFFF80, s31;
	[sflag:s25] =	ssyncadd.s32 $0xFFFFC000  }
0x52: {  	[spmem:s2] =	stream.indirect.scatter.add.f32 [tilespmem:s30], [sflag:$0x2], $0x80, s0, s26, $0xb8;
	[tilespmem:$0x1D080] =	vst v63  }
.Ltmp8:
0x53: {  	_ =	swait.ge [sflag:s22], $0x4000;
	(pc) =	sbr.rel @p0 .LBB2_9-.Ltmp8, $4  }
0x54: {  	[sflag:s22] =	ssyncset.done $0x0  }
0x55: {  	[sflag:s22] =	ssyncadd.s32 $0xFFFFC000  }
0x56: {  	[bflag:$0x0] =	sbarrier.arrive $0xFFFF  }
0x57: {  	s29 =	sor.u32 $0x1C02, s19  }
0x58: {  	[hbm:s16], [sflag:s29] =	dma.local [spmem:s21], $0x2700  }
.Ltmp9:
0x59: {  	_ = 	snop;
	(pc) =	sbr.rel @p1 .LBB2_10-.Ltmp9, $4  }
.Ltmp10:
0x5a: {  	_ = 	snop;
	(pc) =	sbr.rel @!p1 .LBB2_11-.Ltmp10, $4  }
0x5b: {  	_ =	swait.ge [sflag:s22], $0x2700  }
0x5c: {  	[sflag:s22] =	ssyncset.done $0x0  }
0x5d: {  	s30 =	smov.u32 s7;
	[sflag:s22] =	ssyncadd.s32 $0xFFFFD900  }
0x5e: {  	_ = 	snop  }
.LBB2_9:
0x5f: {  	[hbm:s15], [sflag:s29] =	dma.local [spmem:s21], $0x2700  }
.Ltmp11:
0x60: {  	_ = 	snop;
	(pc) =	sbr.rel @p2 .LBB2_11-.Ltmp11, $4  }
.Ltmp12:
0x61: {  	_ = 	snop;
	(pc) =	sbr.rel @!p2 .LBB2_10-.Ltmp12, $4  }
0x62: {  	_ =	swait.ge [sflag:s22], $0x2700  }
0x63: {  	[sflag:s22] =	ssyncset.done $0x0  }
0x64: {  	s30 =	smov.u32 s8;
	[sflag:s22] =	ssyncadd.s32 $0xFFFFD900  }
0x65: {  	_ = 	snop  }
.LBB2_12:
0x66: {  	_ =	sfence.sel $0x180000  }
0x67: {  	[bflag:$0x0] =	sbarrier.arrive $0xFFFF  }
0x68: {  	_ =	strace $0x90000050  }
0x69: {  	s0 =	stileid.u32;
	[bflag:$0x2] =	sbarrier.arrive $0xFFFF  }
0x6a: {  	p0 =	sne.s32 s0, $0x0;
	s0 =	rddreg [dreg:$0x2]  }
0x6b: {  	s0 =	sadd.s32 @!p0 $0x100000, s0  }
0x6c: {  	[sflag:s0] =	ssyncadd.tile.s32 @!p0 $0x1;
	_ =	shalt  }
.Lfunc_end2:
_tile_overlayer_lowered:
.L_overlay_start_2:
0x6d: {  	(tag) =	ssettag $0x2  }
0x6e: {  	s0 =	rddreg [dreg:$0x0];
	s2 =	stileid.u32  }
0x6f: {  	s1 =	rddreg [dreg:$0x1];
	p0 =	sne.s32 s2, $0x0  }
0x70: {  	s3 =	rddreg [dreg:$0x2];
	[bflag:$0x3] =	sbarrier.arrive $0xFFFF;
	s2 =	simm.s32 @!p0 $0x1C02  }
0x71: {  	[timem:s3], [sflag:s2] =	dma.local @!p0 [hbm:s0], s1  }
0x72: {  	s0 =	simm.s32 @!p0 $0x2  }
0x73: {  	_ =	swait.ge @!p0 [sflag:s0], s1  }
0x74: {  	s1 =	ssub.s32 @!p0 $0x0, s1;
	[sflag:s0] =	ssyncset.done @!p0 $0x0  }
0x75: {  	[sflag:s0] =	ssyncadd.s32 @!p0 s1  }
0x76: {  	[bflag:$0x3] =	sbarrier.arrive $0xFFFF  }
0x77: {  	_ =	shalt  }

// kernel: kernel.28.cloned.1.call-start
scs
__scs_entry_jumppad:
0x0: {  	(pc) =	sbr.rel $0x88, $3  }
0x1: {  	(tag) =	ssettag $0x0;
	lr =	simm.s32 $0x1  }
0x2: {  	[smem:$0x3F7E] =	sst lr;
	_ =	strace $0xD0000000  }
0x3: {  	_ = 	snop  }
0x4: {  	_ = 	snop  }
0x5: {  	_ = 	snop  }
0x6: {  	_ = 	snop  }
0x7: {  	_ = 	snop  }
__scs_overlays_trampoline_lowered:
0x8: {  	[smem:$0x3F8D] =	sst s0  }
0x9: {  	[smem:$0x3F8E] =	sst s1  }
0xa: {  	[smem:$0x3F8F] =	sst s2  }
0xb: {  	[smem:$0x3F90] =	sst s3  }
0xc: {  	[smem:$0x3F91] =	sst s4  }
0xd: {  	[smem:$0x3F92] =	sst s5  }
0xe: {  	[smem:$0x3F93] =	sst s6  }
0xf: {  	[smem:$0x3F94] =	sst s7  }
0x10: {  	[smem:$0x3F95] =	sst s8  }
0x11: {  	[smem:$0x3F96] =	sst s9;
	s0 =	simm.s32 @!p0 $0x0  }
0x12: {  	s1 =	sld [smem:$0x3F7C];
	s0 =	simm.s32 @p0 $0x1  }
0x13: {  	[smem:$0x3F97] =	sst s0;
	s0 =	simm.s32 @!p1 $0x0  }
0x14: {  	s2 =	sld [smem:$0x3F7B];
	s0 =	simm.s32 @p1 $0x1  }
0x15: {  	[smem:$0x3F98] =	sst s0;
	s0 =	simm.s32 @!p2 $0x0  }
0x16: {  	s3 =	sld [smem:$0x3FDB];
	s0 =	simm.s32 @p2 $0x1  }
0x17: {  	s4 =	simm.s32 $0x1BF5;
	[smem:$0x3F9A] =	sst s0  }
0x18: {  	s0 =	sld [smem:$0x3F7D];
	_ =	swait.ge [sflag:s4], $0x0  }
0x19: {  	s7 =	sld [smem:$0x3F7E]  }
0x1a: {  	s8 =	sadd.s32 $0xFFFFE003, lr  }
0x1b: {  	s9 =	sadd.s32 $0xFFFFFEF7, lr;
	s5 =	simm.s32 $0xFFFFFFFF;
	p2 =	slt.u32 s8, $0xFFFFF086  }
0x1c: {  	p1 =	slt.u32 s9, $0xF7A;
	s5 =	simm.s32 @!p2 $0x0  }
0x1d: {  	s5 =	simm.s32 @p1 $0x1;
	p0 =	seq.s32 s7, s2  }
0x1e: {  	s7 =	smul.u32 @!p0 $0xF7A, s2;
	p2 =	seq.s32 @!p0 s5, $0x0  }
0x1f: {  	s9 =	smul.u32 $0xF7A, s1;
	s8 =	simm.s32 @!p0 $0x1BF5;
	p2 =	por !p2, p0  }
0x20: {  	[sflag:s8] =	ssyncset.s32 @!p0 $0xFFFFF086;
	s6 =	sadd.s32 @!p0 s3, s7;
	s7 =	simm.s32 @!p0 $0x108  }
0x21: {  	s3 =	sadd.s32 s3, s9;
	s6 =	sadd.s32 @!p0 $0x88, s6;
	s7 =	simm.s32 @p2 $0x1082  }
0x22: {  	[simem:s7], [sflag:s8] =	dma.local @!p0 [hbm:s6], $0xF7A  }
0x23: {  	s9 =	sor.u32 $0xD0000000, s2;
	s6 =	simm.s32 $0x108;
	_ =	swait.ge @!p0 [sflag:s8], $0x0  }
0x24: {  	s3 =	sadd.s32 $0x88, s3;
	s6 =	simm.s32 @!p1 $0x1082;
	[sflag:s4] =	ssyncset.s32 $0xFFFFF086  }
0x25: {  	[simem:s6], [sflag:s4] =	dma.local [hbm:s3], $0xF7A  }
0x26: {  	[smem:$0x3F7E] =	sst s1;
	(tag) =	ssettag s2;
	_ =	strace s9  }
0x27: {  	s1 =	sld [smem:$0x3F8E]  }
0x28: {  	s2 =	sld [smem:$0x3F8F]  }
0x29: {  	s4 =	sld [smem:$0x3F91]  }
0x2a: {  	p0 =	seq.s32 s5, $0x0;
	s5 =	sld [smem:$0x3F92]  }
0x2b: {  	s6 =	sld [smem:$0x3F93]  }
0x2c: {  	s7 =	sld [smem:$0x3F94]  }
0x2d: {  	s3 =	simm.s32 $0x108;
	s8 =	sld [smem:$0x3F95]  }
0x2e: {  	s3 =	simm.s32 @!p0 $0x1082;
	s9 =	sld [smem:$0x3F96]  }
0x2f: {  	lr =	sadd.s32 s0, s3;
	s0 =	sld [smem:$0x3F8D]  }
0x30: {  	s3 =	sld [smem:$0x3F90]  }
0x31: {  	[smem:$0x3F99] =	sst s10  }
0x32: {  	s10 =	sld [smem:$0x3F97];
	_ =	sdelay $0x3  }
0x33: {  	p0 =	seq.s32 s10, $0x1;
	s10 =	sld [smem:$0x3F99];
	_ =	sdelay $0x3  }
0x34: {  	[smem:$0x3F99] =	sst s10  }
0x35: {  	s10 =	sld [smem:$0x3F98];
	_ =	sdelay $0x3  }
0x36: {  	p1 =	seq.s32 s10, $0x1;
	s10 =	sld [smem:$0x3F99];
	_ =	sdelay $0x3  }
0x37: {  	[smem:$0x3F99] =	sst s10  }
0x38: {  	s10 =	sld [smem:$0x3F9A]  }
0x39: {  	_ = 	snop;
	(pc) =	sbr.ind lr, $3  }
0x3a: {  	_ = 	snop  }
0x3b: {  	_ = 	snop  }
0x3c: {  	p2 =	seq.s32 s10, $0x1;
	s10 =	sld [smem:$0x3F99]  }
0x3d: {  	_ =	shalt  }
0x3e: {  	_ =	shalt  }
0x3f: {  	_ =	shalt  }
0x40: {  	_ =	shalt  }
0x41: {  	_ =	shalt  }
0x42: {  	_ =	shalt  }
0x43: {  	_ =	shalt  }
0x44: {  	_ =	shalt  }
0x45: {  	_ =	shalt  }
0x46: {  	_ =	shalt  }
0x47: {  	_ =	shalt  }
0x48: {  	_ =	shalt  }
0x49: {  	_ =	shalt  }
0x4a: {  	_ =	shalt  }
0x4b: {  	_ =	shalt  }
0x4c: {  	_ =	shalt  }
0x4d: {  	_ =	shalt  }
0x4e: {  	_ =	shalt  }
0x4f: {  	_ =	shalt  }
0x50: {  	_ =	shalt  }
0x51: {  	_ =	shalt  }
0x52: {  	_ =	shalt  }
0x53: {  	_ =	shalt  }
0x54: {  	_ =	shalt  }
0x55: {  	_ =	shalt  }
0x56: {  	_ =	shalt  }
0x57: {  	_ =	shalt  }
0x58: {  	_ =	shalt  }
0x59: {  	_ =	shalt  }
0x5a: {  	_ =	shalt  }
0x5b: {  	_ =	shalt  }
0x5c: {  	_ =	shalt  }
0x5d: {  	_ =	shalt  }
0x5e: {  	_ =	shalt  }
0x5f: {  	_ =	shalt  }
0x60: {  	_ =	shalt  }
0x61: {  	_ =	shalt  }
0x62: {  	_ =	shalt  }
0x63: {  	_ =	shalt  }
0x64: {  	_ =	shalt  }
0x65: {  	_ =	shalt  }
0x66: {  	_ =	shalt  }
0x67: {  	_ =	shalt  }
0x68: {  	_ =	shalt  }
0x69: {  	_ =	shalt  }
0x6a: {  	_ =	shalt  }
0x6b: {  	_ =	shalt  }
0x6c: {  	_ =	shalt  }
0x6d: {  	_ =	shalt  }
0x6e: {  	_ =	shalt  }
0x6f: {  	_ =	shalt  }
0x70: {  	_ =	shalt  }
0x71: {  	_ =	shalt  }
0x72: {  	_ =	shalt  }
0x73: {  	_ =	shalt  }
0x74: {  	_ =	shalt  }
0x75: {  	_ =	shalt  }
0x76: {  	_ =	shalt  }
0x77: {  	_ =	shalt  }
0x78: {  	_ =	shalt  }
0x79: {  	_ =	shalt  }
0x7a: {  	_ =	shalt  }
0x7b: {  	_ =	shalt  }
0x7c: {  	_ =	shalt  }
0x7d: {  	_ =	shalt  }
0x7e: {  	_ =	shalt  }
0x7f: {  	_ =	shalt  }
0x80: {  	_ =	shalt  }
0x81: {  	_ =	shalt  }
0x82: {  	_ =	shalt  }
0x83: {  	_ =	shalt  }
0x84: {  	_ =	shalt  }
0x85: {  	_ =	shalt  }
0x86: {  	_ =	shalt  }
0x87: {  	_ =	shalt  }
.Lfunc_end0:
.L_simem_size_0:
called_computation.4_lowered:
.L_overlay_start_0:
0x88: {  	s2 =	sld [smem:$0x3FD9]  }
0x89: {  	s3 =	sld [smem:$0x3FFE];
	_ =	sdelay $0x1  }
0x8a: {  	s1 =	srdreg.scid  }
0x8b: {  	s0 =	sand.u32 $0x1, s1  }
0x8c: {  	s16 =	sshll.u32 s0, $0xA;
	s2 =	sadd.s32 s3, s2  }
0x8d: {  	s2 =	sadd.s32 s2, s16  }
0x8e: {  	[smem:$0x3FA5] =	sst s2  }
0x8f: {  	_ = 	snop  }
0x90: {  	(tm) =	ssettm $0x1  }
0x91: {  	s17 =	sld [smem:$0x3FFB];
	_ =	sdelay $0x3  }
0x92: {  	_ =	strace s17  }
0x93: {  	s2 =	sld [smem:$0x3FFC];
	_ =	sdelay $0x3  }
0x94: {  	_ =	strace s2  }
0x95: {  	s2 =	sld [smem:$0x3FFD];
	_ =	sdelay $0x3  }
0x96: {  	_ =	strace s2  }
0x97: {  	_ =	strace $0x8FFFFFFF  }
0x98: {  	s18 =	sld [smem:$0x3FDB];
	_ =	sdelay $0x1  }
0x99: {  	s19 =	simm.s32 $_scs_section_size  }
0x9a: {  	s4 =	simm.s32 $_size__tile_overlayer_lowered;
	s5 =	simm.s32 $_tile_overlayer_lowered  }
0x9b: {  	s22 =	simm.s32 $0x1BFF;
	s21 =	sshll.u32 s5, $0x1;
	s2 =	sadd.s32 s19, s18  }
0x9c: {  	s6 =	simm.s32 $0x0;
	s20 =	sshll.u32 s4, $0x1;
	s4 =	sadd.s32 s21, s2  }
0x9d: {  	[timem:s6], [sflag:s22] =	dma.local [hbm:s4], s20  }
0x9e: {  	_ =	swait.ge [sflag:s22], s20  }
0x9f: {  	s3 =	ssub.s32 $0x0, s20;
	[sflag:s22] =	ssyncset.done $0x0  }
0xa0: {  	[sflag:s22] =	ssyncadd.s32 s3;
	_ =	sdelay $0x1  }
0xa1: {  	s23 =	simm.s32 $0x1B8B  }
0xa2: {  	_ =	swait.ge [sflag:s23], $0x1  }
0xa3: {  	[sflag:s23] =	ssyncset.done $0x0  }
0xa4: {  	s25 =	simm.s32 $0x1B8E;
	s24 =	sld [smem:$0x3FFE];
	[sflag:s23] =	ssyncadd.s32 $0xFFFFFFFF  }
0xa5: {  	s26 =	simm.s32 $execute0_lowered;
	[smem:$0x3FD2] =	sst s25  }
0xa6: {  	s4 =	sshll.u32 s26, $0x1;
	_ =	strace $0x80000052;
	[dreg:$0x1] =	wrdreg $0xFFFFFFFF  }
0xa7: {  	s28 =	simm.s32 $_size_execute0_lowered;
	s2 =	sadd.s32 s2, s4;
	[dreg:$0x0] =	wrdreg $0x0  }
0xa8: {  	s4 =	sshll.u32 s28, $0x1;
	[dreg:$0x2] =	wrdreg s2  }
0xa9: {  	[dreg:$0x3] =	wrdreg s4  }
0xaa: {  	[dreg:$0x4] =	wrdreg $0xC0  }
0xab: {  	_ =	task [dreg:s6], $0x5FFFF  }
0xac: {  	[dreg:$0x1] =	wrdreg $0xFFFFFFFF  }
0xad: {  	[dreg:$0x0] =	wrdreg $0x60  }
0xae: {  	[dreg:$0x2] =	wrdreg s24  }
0xaf: {  	[dreg:$0x3] =	wrdreg $0x9  }
0xb0: {  	_ =	task.clear_ibuf [dreg:s6], $0x4FFFF;
	_ =	strace $0x90000052  }
0xb1: {  	s29 =	simm.s32 $0x9;
	_ =	strace $0x80000054  }
0xb2: {  	_ =	swait.ge [sflag:s29], $0x1  }
0xb3: {  	[sflag:s29] =	ssyncadd.s32 $0xFFFFFFFF  }
0xb4: {  	_ =	strace $0x90000054  }
0xb5: {  	_ =	sfence  }
0xb6: {  	s30 =	sld [smem:$0x0];
	_ =	sdelay $0x2  }
0xb7: {  	s31 =	sshll.u32 s1, $0xD;
	s1 =	sshrl.u32 s1, $0x2  }
0xb8: {  	s3 =	sand.u32 $0x4000, s31;
	s1 =	sadd.s32 s1, s30  }
0xb9: {  	s0 =	sor.u32 s3, s0;
	s1 =	sshll.u32 s1, $0x11  }
0xba: {  	s0 =	sor.u32 s1, s0  }
0xbb: {  	s0 =	sadd.s32 $0x8F2B, s0  }
0xbc: {  	[sflag:s0] =	ssyncadd.remote.s32 $0x1  }
0xbd: {  	_ =	sfence.sel $0xFFFF  }
0xbe: {  	[dreg:$0x0] =	wrdreg $0xFFFFFFFF;
	(pc) =	sbr.abs _section_cstart, $3  }
0xbf: {  	[dreg:$0x1] =	wrdreg $0xFFFFFFFF  }
0xc0: {  	_ =	task.clear_ibuf [dreg:s6], $0x2FFFF;
	_ =	strace $0x9FFFFFFF  }
0xc1: {  	(tm) =	ssettm $0x7FFFFFFF  }
tec
execute0_lowered:
.L_overlay_start_1:
0x0: {  	(tag) =	ssettag $0x1  }
0x1: {  	s1 =	srdreg.scid;
	s0 =	stileid.u32  }
0x2: {  	s5 =	rddreg [dreg:$0x0];
	s2 =	simm.s32 $0x0;
	s14 =	simm.s32 $0x3  }
0x3: {  	s15 =	simm.s32 $0x1800;
	s16 =	simm.s32 $0x3000;
	s17 =	simm.s32 $0xB000  }
0x4: {  	s18 =	simm.s32 $0x80;
	s19 =	simm.s32 $0x1;
	s20 =	simm.s32 $0x2  }
0x5: {  	s21 =	simm.s32 $0x0;
	s6 =	sand.u32 $0x1, s1;
	s3 =	sshll.u32 s0, $0x1  }
0x6: {  	[smem:$0x7FF] =	sst s2;
	s8 =	smul.u32 $0x138000, s0;
	s7 =	sor.u32 s6, s3  }
0x7: {  	_ =	strace $0x80000053;
	s10 =	ssub.s32 $0x2, s6;
	s11 =	smul.u32 $0x9C000, s6  }
0x8: {  	s3 =	sadd.s32 $0xB400, s5;
	s4 =	smul.u32 $0x300, s7;
	s12 =	sshrl.u32 s10, $0x1  }
0x9: {  	s6 =	simm.s32 $0x29;
	p0 =	seq.s32 s7, $0x1F;
	s10 =	ssub.s32 s10, s12  }
0xa: {  	s6 =	simm.s32 @!p0 $0x27;
	s7 =	sadd.s32 s11, s8;
	s9 =	sadd.s32 s4, s5  }
0xb: {  	s4 =	sadd.s32 $0xDAE00, s5;
	s5 =	sadd.s32 $0xC73600, s5;
	s13 =	sshrl.u32 s7, $0x3  }
0xc: {  	s10 =	smax.u32 s10, $0x1;
	s11 =	sshll.u32 s6, $0xE;
	s8 =	sadd.s32 $0x32600, s9  }
0xd: {  	s9 =	sadd.s32 $0x38600, s9;
	s12 =	sadd.s32 s13, s5;
	s13 =	sadd.s32 s13, s4  }
.LBB2_1:
0xe: {  	[tilespmem:s2], [sflag:$0x3] =	stream.linear.gather [hbm4b:s8+s2], $0x1800, $0x38;
	[tilespmem:$0x13000] =	vst v63  }
0xf: {  	_ =	swait.ge [sflag:s14], $0x1800  }
0x10: {  	[sflag:s14] =	ssyncset.done $0x0  }
0x11: {  	[sflag:s14] =	ssyncadd.s32 $0xFFFFE800  }
0x12: {  	[tilespmem:s15], [sflag:$0x3] =	stream.linear.gather [hbm4b:s9+s2], $0x1800, $0x38;
	[tilespmem:$0x13000] =	vst v63  }
0x13: {  	p1 =	sne.s32 s11, $0x8000;
	_ =	swait.ge [sflag:s14], $0x1800  }
.Ltmp0:
0x14: {  	[sflag:s14] =	ssyncset.done $0x0;
	(pc) =	sbr.rel @!p1 .LBB2_2-.Ltmp0, $4  }
0x15: {  	s31 =	simm.s32 $0x4000;
	s23 =	simm.s32 $0x1880;
	[sflag:s14] =	ssyncadd.s32 $0xFFFFE800  }
0x16: {  	[tilespmem:s16], [sflag:$0x1] =	stream.indirect.gather [hbm4b:s3+s18], $0x80, s2, s18, $0xb8;
	[tilespmem:$0x13000] =	vst v63  }
0x17: {  	s26 =	simm.s32 $0x8000;
	p0 =	por $0x0, $0x0;
	s30 =	sand.u32 $0x4000, s31  }
0x18: {  	[tilespmem:s17], [sflag:$0x2] =	stream.indirect.gather [hbm4b:s3+s18], $0x80, s15, s18, $0xb8;
	[tilespmem:$0x13000] =	vst v63  }
0x19: {  	s22 =	sor.u32 $0x3000, s30  }
0x1a: {  	[tilespmem:s22], [sflag:$0x1] =	stream.indirect.gather [hbm4b:s3+s18], $0x80, s18, s18, $0xb8;
	[tilespmem:$0x13000] =	vst v63  }
0x1b: {  	s24 =	sor.u32 $0xB000, s30  }
0x1c: {  	[tilespmem:s24], [sflag:$0x2] =	stream.indirect.gather [hbm4b:s3+s18], $0x80, s23, s18, $0xb8;
	[tilespmem:$0x13000] =	vst v63  }
0x1d: {  	s25 =	simm.s32 $0x0;
	_ =	swait.ge [sflag:s19], $0x4000  }
0x1e: {  	s31 =	sand.u32 $0x4000, s25;
	[sflag:s19] =	ssyncset.done $0x0  }
0x1f: {  	s22 =	sor.u32 $0x3000, s31;
	[sflag:s19] =	ssyncadd.s32 $0xFFFFC000  }
0x20: {  	[hbm4b:s13+s2] =	stream.linear.scatter [tilespmem:s22], [sflag:$0x3], $0x4000, $0x38;
	[tilespmem:$0x13000] =	vst v63  }
0x21: {  	_ =	swait.ge [sflag:s14], $0x4000  }
0x22: {  	[sflag:s14] =	ssyncset.done $0x0  }
0x23: {  	p1 =	sne.s32 s11, $0xC000;
	[sflag:s14] =	ssyncadd.s32 $0xFFFFC000  }
0x24: {  	s29 =	sadd.s32 $0x800, s13;
	s28 =	simm.s32 $0x2;
	_ =	swait.ge [sflag:s20], $0x4000  }
.Ltmp1:
0x25: {  	s30 =	sand.u32 $0x4000, s26;
	[sflag:s20] =	ssyncset.done $0x0;
	(pc) =	sbr.rel @!p1 .LBB2_4-.Ltmp1, $4  }
0x26: {  	p0 =	por $0x1, $0x1;
	s23 =	sor.u32 $0xB000, s31;
	[sflag:s20] =	ssyncadd.s32 $0xFFFFC000  }
0x27: {  	[hbm4b:s12+s2] =	stream.linear.scatter [tilespmem:s23], [sflag:$0x3], $0x4000, $0x38;
	[tilespmem:$0x13000] =	vst v63  }
0x28: {  	s25 =	sadd.s32 $0x800, s12;
	s24 =	simm.s32 $0x100;
	_ =	swait.ge [sflag:s14], $0x4000  }
0x29: {  	s22 =	simm.s32 $0xC000;
	s23 =	simm.s32 $0x1900;
	[sflag:s14] =	ssyncset.done $0x0  }
.LBB2_5:
0x2a: {  	s31 =	sor.u32 $0x3000, s30;
	[sflag:s14] =	ssyncadd.s32 $0xFFFFC000  }
0x2b: {  	s1 =	smov.u32 s22;
	s22 =	sadd.s32 $0x4000, s22;
	s0 =	smov.u32 s25  }
0x2c: {  	[tilespmem:s31], [sflag:$0x1] =	stream.indirect.gather [hbm4b:s3+s18], $0x80, s24, s18, $0xb8;
	[tilespmem:$0x13000] =	vst v63  }
0x2d: {  	s30 =	sor.u32 $0xB000, s30;
	p1 =	sne.s32 s11, s22  }
0x2e: {  	[tilespmem:s30], [sflag:$0x2] =	stream.indirect.gather [hbm4b:s3+s18], $0x80, s23, s18, $0xb8;
	[tilespmem:$0x13000] =	vst v63  }
0x2f: {  	s30 =	sadd.s32 $0xFFFFC000, s26;
	s26 =	smov.u32 s1;
	_ =	swait.ge [sflag:s19], $0x4000  }
0x30: {  	s1 =	sand.u32 $0x4000, s30;
	[sflag:s19] =	ssyncset.done $0x0  }
0x31: {  	s30 =	sor.u32 $0x3000, s1;
	[sflag:s19] =	ssyncadd.s32 $0xFFFFC000  }
0x32: {  	[hbm4b:s29+s2] =	stream.linear.scatter [tilespmem:s30], [sflag:$0x3], $0x4000, $0x38;
	[tilespmem:$0x13000] =	vst v63  }
0x33: {  	_ =	swait.ge [sflag:s14], $0x4000  }
0x34: {  	[sflag:s14] =	ssyncset.done $0x0  }
0x35: {  	[sflag:s14] =	ssyncadd.s32 $0xFFFFC000  }
0x36: {  	_ =	swait.ge [sflag:s20], $0x4000  }
.Ltmp2:
0x37: {  	s29 =	sadd.s32 $0x800, s29;
	[sflag:s20] =	ssyncset.done $0x0;
	(pc) =	sbr.rel @p1 .LBB2_5-.Ltmp2, $4  }
0x38: {  	s25 =	sadd.s32 $0x800, s25;
	s1 =	sor.u32 $0xB000, s1;
	[sflag:s20] =	ssyncadd.s32 $0xFFFFC000  }
0x39: {  	[hbm4b:s0+s2] =	stream.linear.scatter [tilespmem:s1], [sflag:$0x3], $0x4000, $0x38;
	[tilespmem:$0x13000] =	vst v63  }
0x3a: {  	s28 =	sadd.s32 $0x1, s28;
	s24 =	sadd.s32 $0x80, s24;
	_ =	swait.ge [sflag:s14], $0x4000  }
0x3b: {  	s23 =	sadd.s32 $0x80, s23;
	s30 =	sand.u32 $0x4000, s26;
	[sflag:s14] =	ssyncset.done $0x0  }
0x3c: {  	s31 =	smov.u32 s26  }
.LBB2_7:
0x3d: {  	s0 =	sor.u32 $0x3000, s30;
	[sflag:s14] =	ssyncadd.s32 @p0 $0xFFFFC000  }
0x3e: {  	[tilespmem:s0], [sflag:$0x1] =	stream.indirect.gather [hbm4b:s3+s18], $0x80, s24, s18, $0xb8;
	[tilespmem:$0x13000] =	vst v63  }
0x3f: {  	s1 =	sor.u32 $0xB000, s30  }
0x40: {  	[tilespmem:s1], [sflag:$0x2] =	stream.indirect.gather [hbm4b:s3+s18], $0x80, s23, s18, $0xb8;
	[tilespmem:$0x13000] =	vst v63  }
0x41: {  	s26 =	sadd.s32 $0xFFFFC000, s31;
	_ =	swait.ge [sflag:s19], $0x4000  }
0x42: {  	s26 =	sand.u32 $0x4000, s26;
	[sflag:s19] =	ssyncset.done $0x0  }
0x43: {  	s31 =	sor.u32 $0x3000, s26;
	[sflag:s19] =	ssyncadd.s32 $0xFFFFC000  }
0x44: {  	[hbm4b:s29+s2] =	stream.linear.scatter [tilespmem:s31], [sflag:$0x3], $0x4000, $0x38;
	[tilespmem:$0x13000] =	vst v63  }
0x45: {  	_ =	swait.ge [sflag:s14], $0x4000  }
0x46: {  	[sflag:s14] =	ssyncset.done $0x0  }
0x47: {  	[sflag:s14] =	ssyncadd.s32 $0xFFFFC000  }
0x48: {  	_ =	swait.ge [sflag:s20], $0x4000  }
0x49: {  	[sflag:s20] =	ssyncset.done $0x0  }
0x4a: {  	s28 =	sadd.s32 $0x1, s28;
	s26 =	sor.u32 $0xB000, s26;
	[sflag:s20] =	ssyncadd.s32 $0xFFFFC000  }
0x4b: {  	[hbm4b:s25+s2] =	stream.linear.scatter [tilespmem:s26], [sflag:$0x3], $0x4000, $0x38;
	[tilespmem:$0x13000] =	vst v63  }
0x4c: {  	p0 =	sge.u32 s28, s6;
	_ =	swait.ge [sflag:s14], $0x4000  }
0x4d: {  	s24 =	sadd.s32 $0x80, s24;
	s25 =	sand.u32 @!p0 $0x4000, s22;
	[sflag:s14] =	ssyncset.done $0x0  }
0x4e: {  	s28 =	simm.s32 @!p0 $0x80;
	s26 =	sor.u32 @!p0 $0x3000, s25;
	[sflag:s14] =	ssyncadd.s32 $0xFFFFC000  }
0x4f: {  	[tilespmem:s26], [sflag:$0x1] =	stream.indirect.gather @!p0 [hbm4b:s3+s28], $0x80, s24, s28, $0xb8;
	[tilespmem:$0x13000] =	vst v63  }
0x50: {  	s23 =	sadd.s32 $0x80, s23;
	s29 =	sadd.s32 s22, s7;
	s24 =	sor.u32 @!p0 $0xB000, s25  }
0x51: {  	[tilespmem:s24], [sflag:$0x2] =	stream.indirect.gather @!p0 [hbm4b:s3+s28], $0x80, s23, s28, $0xb8;
	[tilespmem:$0x13000] =	vst v63  }
0x52: {  	s22 =	sadd.s32 $0xFFFFC000, s29;
	_ =	swait.ge [sflag:s19], $0x4000  }
0x53: {  	s22 =	sshrl.u32 s22, $0x3;
	[sflag:s19] =	ssyncset.done $0x0  }
0x54: {  	s30 =	sadd.s32 s4, s22;
	[sflag:s19] =	ssyncadd.s32 $0xFFFFC000  }
0x55: {  	[hbm4b:s30+s2] =	stream.linear.scatter [tilespmem:s0], [sflag:$0x3], $0x4000, $0x38;
	[tilespmem:$0x13000] =	vst v63  }
0x56: {  	_ =	swait.ge [sflag:s14], $0x4000  }
0x57: {  	[sflag:s14] =	ssyncset.done $0x0  }
0x58: {  	[sflag:s14] =	ssyncadd.s32 $0xFFFFC000  }
0x59: {  	_ =	swait.ge [sflag:s20], $0x4000  }
0x5a: {  	s21 =	sadd.s32 $0x1, s21;
	[sflag:s20] =	ssyncset.done $0x0  }
0x5b: {  	s31 =	sadd.s32 s5, s22;
	p0 =	sne.s32 s21, s10;
	[sflag:s20] =	ssyncadd.s32 $0xFFFFC000  }
0x5c: {  	[hbm4b:s31+s2] =	stream.linear.scatter [tilespmem:s1], [sflag:$0x3], $0x4000, $0x38;
	[tilespmem:$0x13000] =	vst v63  }
.Ltmp3:
0x5d: {  	_ = 	snop;
	(pc) =	sbr.rel @p0 .LBB2_1-.Ltmp3, $4  }
.Ltmp4:
0x5e: {  	_ = 	snop;
	(pc) =	sbr.rel @!p0 .LBB2_8-.Ltmp4, $4  }
0x5f: {  	_ =	swait.ge [sflag:s14], $0x4000  }
0x60: {  	[sflag:s14] =	ssyncset.done $0x0  }
0x61: {  	[sflag:s14] =	ssyncadd.s32 $0xFFFFC000  }
0x62: {  	_ = 	snop  }
.LBB2_2:
.Ltmp5:
0x63: {  	(pc) =	sbr.rel .LBB2_7-.Ltmp5, $3  }
0x64: {  	_ =	sdelay $0x1  }
0x65: {  	s22 =	simm.s32 $0x8000;
	s25 =	smov.u32 s12  }
0x66: {  	s24 =	simm.s32 $0x80;
	s29 =	smov.u32 s13;
	s28 =	simm.s32 $0x1  }
.LBB2_4:
.Ltmp6:
0x67: {  	(pc) =	sbr.rel .LBB2_7-.Ltmp6, $2  }
0x68: {  	_ =	sdelay $0x2  }
0x69: {  	s31 =	simm.s32 $0x8000  }
.LBB2_8:
0x6a: {  	_ =	sfence.sel $0x180000  }
0x6b: {  	[bflag:$0x0] =	sbarrier.arrive $0xFFFF  }
0x6c: {  	_ =	strace $0x90000053  }
0x6d: {  	s0 =	stileid.u32;
	[bflag:$0x2] =	sbarrier.arrive $0xFFFF  }
0x6e: {  	p0 =	sne.s32 s0, $0x0;
	s0 =	rddreg [dreg:$0x1]  }
0x6f: {  	s0 =	sadd.s32 @!p0 $0x100000, s0  }
0x70: {  	[sflag:s0] =	ssyncadd.tile.s32 @!p0 $0x1;
	_ =	shalt  }
.Lfunc_end2:
_tile_overlayer_lowered:
.L_overlay_start_2:
0x71: {  	(tag) =	ssettag $0x2  }
0x72: {  	s0 =	rddreg [dreg:$0x0];
	s2 =	stileid.u32  }
0x73: {  	s1 =	rddreg [dreg:$0x1];
	p0 =	sne.s32 s2, $0x0  }
0x74: {  	s3 =	rddreg [dreg:$0x2];
	[bflag:$0x3] =	sbarrier.arrive $0xFFFF;
	s2 =	simm.s32 @!p0 $0x1C03  }
0x75: {  	[timem:s3], [sflag:s2] =	dma.local @!p0 [hbm:s0], s1  }
0x76: {  	s0 =	simm.s32 @!p0 $0x3  }
0x77: {  	_ =	swait.ge @!p0 [sflag:s0], s1  }
0x78: {  	s1 =	ssub.s32 @!p0 $0x0, s1;
	[sflag:s0] =	ssyncset.done @!p0 $0x0  }
0x79: {  	[sflag:s0] =	ssyncadd.s32 @!p0 s1  }
0x7a: {  	[bflag:$0x3] =	sbarrier.arrive $0xFFFF  }
0x7b: {  	_ =	shalt  }

// kernel: kernel.31.cloned.1.call-start
scs
__scs_entry_jumppad:
0x0: {  	(pc) =	sbr.rel $0x88, $3  }
0x1: {  	(tag) =	ssettag $0x0;
	lr =	simm.s32 $0x1  }
0x2: {  	[smem:$0x3F7E] =	sst lr;
	_ =	strace $0xD0000000  }
0x3: {  	_ = 	snop  }
0x4: {  	_ = 	snop  }
0x5: {  	_ = 	snop  }
0x6: {  	_ = 	snop  }
0x7: {  	_ = 	snop  }
__scs_overlays_trampoline_lowered:
0x8: {  	[smem:$0x3F8D] =	sst s0  }
0x9: {  	[smem:$0x3F8E] =	sst s1  }
0xa: {  	[smem:$0x3F8F] =	sst s2  }
0xb: {  	[smem:$0x3F90] =	sst s3  }
0xc: {  	[smem:$0x3F91] =	sst s4  }
0xd: {  	[smem:$0x3F92] =	sst s5  }
0xe: {  	[smem:$0x3F93] =	sst s6  }
0xf: {  	[smem:$0x3F94] =	sst s7  }
0x10: {  	[smem:$0x3F95] =	sst s8  }
0x11: {  	[smem:$0x3F96] =	sst s9;
	s0 =	simm.s32 @!p0 $0x0  }
0x12: {  	s1 =	sld [smem:$0x3F7C];
	s0 =	simm.s32 @p0 $0x1  }
0x13: {  	[smem:$0x3F97] =	sst s0;
	s0 =	simm.s32 @!p1 $0x0  }
0x14: {  	s2 =	sld [smem:$0x3F7B];
	s0 =	simm.s32 @p1 $0x1  }
0x15: {  	[smem:$0x3F98] =	sst s0;
	s0 =	simm.s32 @!p2 $0x0  }
0x16: {  	s3 =	sld [smem:$0x3FDB];
	s0 =	simm.s32 @p2 $0x1  }
0x17: {  	s4 =	simm.s32 $0x1BF5;
	[smem:$0x3F9A] =	sst s0  }
0x18: {  	s0 =	sld [smem:$0x3F7D];
	_ =	swait.ge [sflag:s4], $0x0  }
0x19: {  	s7 =	sld [smem:$0x3F7E]  }
0x1a: {  	s8 =	sadd.s32 $0xFFFFE003, lr  }
0x1b: {  	s9 =	sadd.s32 $0xFFFFFEF7, lr;
	s5 =	simm.s32 $0xFFFFFFFF;
	p2 =	slt.u32 s8, $0xFFFFF086  }
0x1c: {  	p1 =	slt.u32 s9, $0xF7A;
	s5 =	simm.s32 @!p2 $0x0  }
0x1d: {  	s5 =	simm.s32 @p1 $0x1;
	p0 =	seq.s32 s7, s2  }
0x1e: {  	s7 =	smul.u32 @!p0 $0xF7A, s2;
	p2 =	seq.s32 @!p0 s5, $0x0  }
0x1f: {  	s9 =	smul.u32 $0xF7A, s1;
	s8 =	simm.s32 @!p0 $0x1BF5;
	p2 =	por !p2, p0  }
0x20: {  	[sflag:s8] =	ssyncset.s32 @!p0 $0xFFFFF086;
	s6 =	sadd.s32 @!p0 s3, s7;
	s7 =	simm.s32 @!p0 $0x108  }
0x21: {  	s3 =	sadd.s32 s3, s9;
	s6 =	sadd.s32 @!p0 $0x88, s6;
	s7 =	simm.s32 @p2 $0x1082  }
0x22: {  	[simem:s7], [sflag:s8] =	dma.local @!p0 [hbm:s6], $0xF7A  }
0x23: {  	s9 =	sor.u32 $0xD0000000, s2;
	s6 =	simm.s32 $0x108;
	_ =	swait.ge @!p0 [sflag:s8], $0x0  }
0x24: {  	s3 =	sadd.s32 $0x88, s3;
	s6 =	simm.s32 @!p1 $0x1082;
	[sflag:s4] =	ssyncset.s32 $0xFFFFF086  }
0x25: {  	[simem:s6], [sflag:s4] =	dma.local [hbm:s3], $0xF7A  }
0x26: {  	[smem:$0x3F7E] =	sst s1;
	(tag) =	ssettag s2;
	_ =	strace s9  }
0x27: {  	s1 =	sld [smem:$0x3F8E]  }
0x28: {  	s2 =	sld [smem:$0x3F8F]  }
0x29: {  	s4 =	sld [smem:$0x3F91]  }
0x2a: {  	p0 =	seq.s32 s5, $0x0;
	s5 =	sld [smem:$0x3F92]  }
0x2b: {  	s6 =	sld [smem:$0x3F93]  }
0x2c: {  	s7 =	sld [smem:$0x3F94]  }
0x2d: {  	s3 =	simm.s32 $0x108;
	s8 =	sld [smem:$0x3F95]  }
0x2e: {  	s3 =	simm.s32 @!p0 $0x1082;
	s9 =	sld [smem:$0x3F96]  }
0x2f: {  	lr =	sadd.s32 s0, s3;
	s0 =	sld [smem:$0x3F8D]  }
0x30: {  	s3 =	sld [smem:$0x3F90]  }
0x31: {  	[smem:$0x3F99] =	sst s10  }
0x32: {  	s10 =	sld [smem:$0x3F97];
	_ =	sdelay $0x3  }
0x33: {  	p0 =	seq.s32 s10, $0x1;
	s10 =	sld [smem:$0x3F99];
	_ =	sdelay $0x3  }
0x34: {  	[smem:$0x3F99] =	sst s10  }
0x35: {  	s10 =	sld [smem:$0x3F98];
	_ =	sdelay $0x3  }
0x36: {  	p1 =	seq.s32 s10, $0x1;
	s10 =	sld [smem:$0x3F99];
	_ =	sdelay $0x3  }
0x37: {  	[smem:$0x3F99] =	sst s10  }
0x38: {  	s10 =	sld [smem:$0x3F9A]  }
0x39: {  	_ = 	snop;
	(pc) =	sbr.ind lr, $3  }
0x3a: {  	_ = 	snop  }
0x3b: {  	_ = 	snop  }
0x3c: {  	p2 =	seq.s32 s10, $0x1;
	s10 =	sld [smem:$0x3F99]  }
0x3d: {  	_ =	shalt  }
0x3e: {  	_ =	shalt  }
0x3f: {  	_ =	shalt  }
0x40: {  	_ =	shalt  }
0x41: {  	_ =	shalt  }
0x42: {  	_ =	shalt  }
0x43: {  	_ =	shalt  }
0x44: {  	_ =	shalt  }
0x45: {  	_ =	shalt  }
0x46: {  	_ =	shalt  }
0x47: {  	_ =	shalt  }
0x48: {  	_ =	shalt  }
0x49: {  	_ =	shalt  }
0x4a: {  	_ =	shalt  }
0x4b: {  	_ =	shalt  }
0x4c: {  	_ =	shalt  }
0x4d: {  	_ =	shalt  }
0x4e: {  	_ =	shalt  }
0x4f: {  	_ =	shalt  }
0x50: {  	_ =	shalt  }
0x51: {  	_ =	shalt  }
0x52: {  	_ =	shalt  }
0x53: {  	_ =	shalt  }
0x54: {  	_ =	shalt  }
0x55: {  	_ =	shalt  }
0x56: {  	_ =	shalt  }
0x57: {  	_ =	shalt  }
0x58: {  	_ =	shalt  }
0x59: {  	_ =	shalt  }
0x5a: {  	_ =	shalt  }
0x5b: {  	_ =	shalt  }
0x5c: {  	_ =	shalt  }
0x5d: {  	_ =	shalt  }
0x5e: {  	_ =	shalt  }
0x5f: {  	_ =	shalt  }
0x60: {  	_ =	shalt  }
0x61: {  	_ =	shalt  }
0x62: {  	_ =	shalt  }
0x63: {  	_ =	shalt  }
0x64: {  	_ =	shalt  }
0x65: {  	_ =	shalt  }
0x66: {  	_ =	shalt  }
0x67: {  	_ =	shalt  }
0x68: {  	_ =	shalt  }
0x69: {  	_ =	shalt  }
0x6a: {  	_ =	shalt  }
0x6b: {  	_ =	shalt  }
0x6c: {  	_ =	shalt  }
0x6d: {  	_ =	shalt  }
0x6e: {  	_ =	shalt  }
0x6f: {  	_ =	shalt  }
0x70: {  	_ =	shalt  }
0x71: {  	_ =	shalt  }
0x72: {  	_ =	shalt  }
0x73: {  	_ =	shalt  }
0x74: {  	_ =	shalt  }
0x75: {  	_ =	shalt  }
0x76: {  	_ =	shalt  }
0x77: {  	_ =	shalt  }
0x78: {  	_ =	shalt  }
0x79: {  	_ =	shalt  }
0x7a: {  	_ =	shalt  }
0x7b: {  	_ =	shalt  }
0x7c: {  	_ =	shalt  }
0x7d: {  	_ =	shalt  }
0x7e: {  	_ =	shalt  }
0x7f: {  	_ =	shalt  }
0x80: {  	_ =	shalt  }
0x81: {  	_ =	shalt  }
0x82: {  	_ =	shalt  }
0x83: {  	_ =	shalt  }
0x84: {  	_ =	shalt  }
0x85: {  	_ =	shalt  }
0x86: {  	_ =	shalt  }
0x87: {  	_ =	shalt  }
.Lfunc_end0:
.L_simem_size_0:
called_computation.5_lowered:
.L_overlay_start_0:
0x88: {  	s2 =	sld [smem:$0x3FD9]  }
0x89: {  	s3 =	sld [smem:$0x3FFE];
	_ =	sdelay $0x1  }
0x8a: {  	s1 =	srdreg.scid  }
0x8b: {  	s0 =	sand.u32 $0x1, s1  }
0x8c: {  	s16 =	sshll.u32 s0, $0xA;
	s2 =	sadd.s32 s3, s2  }
0x8d: {  	s2 =	sadd.s32 s2, s16  }
0x8e: {  	[smem:$0x3FA5] =	sst s2  }
0x8f: {  	_ = 	snop  }
0x90: {  	(tm) =	ssettm $0x1  }
0x91: {  	s17 =	sld [smem:$0x3FFB];
	_ =	sdelay $0x3  }
0x92: {  	_ =	strace s17  }
0x93: {  	s2 =	sld [smem:$0x3FFC];
	_ =	sdelay $0x3  }
0x94: {  	_ =	strace s2  }
0x95: {  	s2 =	sld [smem:$0x3FFD];
	_ =	sdelay $0x3  }
0x96: {  	_ =	strace s2  }
0x97: {  	_ =	strace $0x8FFFFFFF  }
0x98: {  	s18 =	sld [smem:$0x3FDB];
	_ =	sdelay $0x1  }
0x99: {  	s19 =	simm.s32 $_scs_section_size  }
0x9a: {  	s4 =	simm.s32 $_size__tile_overlayer_lowered;
	s5 =	simm.s32 $_tile_overlayer_lowered  }
0x9b: {  	s22 =	simm.s32 $0x1BFF;
	s21 =	sshll.u32 s5, $0x1;
	s2 =	sadd.s32 s19, s18  }
0x9c: {  	s6 =	simm.s32 $0x0;
	s20 =	sshll.u32 s4, $0x1;
	s4 =	sadd.s32 s21, s2  }
0x9d: {  	[timem:s6], [sflag:s22] =	dma.local [hbm:s4], s20  }
0x9e: {  	_ =	swait.ge [sflag:s22], s20  }
0x9f: {  	s3 =	ssub.s32 $0x0, s20;
	[sflag:s22] =	ssyncset.done $0x0  }
0xa0: {  	[sflag:s22] =	ssyncadd.s32 s3;
	_ =	sdelay $0x1  }
0xa1: {  	s23 =	simm.s32 $0x1B8B  }
0xa2: {  	_ =	swait.ge [sflag:s23], $0x1  }
0xa3: {  	[sflag:s23] =	ssyncset.done $0x0  }
0xa4: {  	s25 =	simm.s32 $0x1B8E;
	s24 =	sld [smem:$0x3FFE];
	[sflag:s23] =	ssyncadd.s32 $0xFFFFFFFF  }
0xa5: {  	s26 =	simm.s32 $execute0_lowered;
	[smem:$0x3FD2] =	sst s25  }
0xa6: {  	s4 =	sshll.u32 s26, $0x1;
	_ =	strace $0x80000055;
	[dreg:$0x1] =	wrdreg $0xFFFFFFFF  }
0xa7: {  	s28 =	simm.s32 $_size_execute0_lowered;
	s2 =	sadd.s32 s2, s4;
	[dreg:$0x0] =	wrdreg $0x0  }
0xa8: {  	s4 =	sshll.u32 s28, $0x1;
	[dreg:$0x2] =	wrdreg s2  }
0xa9: {  	[dreg:$0x3] =	wrdreg s4  }
0xaa: {  	[dreg:$0x4] =	wrdreg $0xC0  }
0xab: {  	_ =	task [dreg:s6], $0x5FFFF  }
0xac: {  	[dreg:$0x1] =	wrdreg $0xFFFFFFFF  }
0xad: {  	[dreg:$0x0] =	wrdreg $0x60  }
0xae: {  	[dreg:$0x2] =	wrdreg s24  }
0xaf: {  	[dreg:$0x3] =	wrdreg $0x98000  }
0xb0: {  	[dreg:$0x4] =	wrdreg $0x9  }
0xb1: {  	_ =	task.clear_ibuf [dreg:s6], $0x5FFFF;
	_ =	strace $0x90000055  }
0xb2: {  	s29 =	simm.s32 $0x9;
	_ =	strace $0x80000057  }
0xb3: {  	_ =	swait.ge [sflag:s29], $0x1  }
0xb4: {  	[sflag:s29] =	ssyncadd.s32 $0xFFFFFFFF  }
0xb5: {  	_ =	strace $0x90000057  }
0xb6: {  	_ =	sfence  }
0xb7: {  	s30 =	sld [smem:$0x0];
	_ =	sdelay $0x2  }
0xb8: {  	s31 =	sshll.u32 s1, $0xD;
	s1 =	sshrl.u32 s1, $0x2  }
0xb9: {  	s3 =	sand.u32 $0x4000, s31;
	s1 =	sadd.s32 s1, s30  }
0xba: {  	s0 =	sor.u32 s3, s0;
	s1 =	sshll.u32 s1, $0x11  }
0xbb: {  	s0 =	sor.u32 s1, s0  }
0xbc: {  	s0 =	sadd.s32 $0x8F2B, s0  }
0xbd: {  	[sflag:s0] =	ssyncadd.remote.s32 $0x1  }
0xbe: {  	_ =	sfence.sel $0xFFFF  }
0xbf: {  	[dreg:$0x0] =	wrdreg $0xFFFFFFFF;
	(pc) =	sbr.abs _section_cstart, $3  }
0xc0: {  	[dreg:$0x1] =	wrdreg $0xFFFFFFFF  }
0xc1: {  	_ =	task.clear_ibuf [dreg:s6], $0x2FFFF;
	_ =	strace $0x9FFFFFFF  }
0xc2: {  	(tm) =	ssettm $0x7FFFFFFF  }
0xc3: {  	_ =	shalt  }
tec
execute0_lowered:
.L_overlay_start_1:
0x0: {  	(tag) =	ssettag $0x1  }
0x1: {  	s8 =	rddreg [dreg:$0x0]  }
0x2: {  	s1 =	srdreg.scid;
	s0 =	stileid.u32  }
0x3: {  	s2 =	rddreg [dreg:$0x1];
	s3 =	simm.s32 $0x0;
	s22 =	simm.s32 $0x2  }
0x4: {  	s24 =	simm.s32 $0x1800;
	s25 =	simm.s32 $0x1;
	s26 =	simm.s32 $0x80  }
0x5: {  	s28 =	simm.s32 $0x0;
	s19 =	sand.u32 $0x1, s1;
	s4 =	sshll.u32 s0, $0x1  }
0x6: {  	[smem:$0x7FF] =	sst s3;
	s5 =	sadd.s32 $0x3E600, s8;
	s10 =	smul.u32 $0x4E000, s0  }
0x7: {  	s7 =	sadd.s32 $0x66000, s8;
	s16 =	smul.u32 $0x2700, s0;
	s23 =	sadd.s32 $0x138000, s2  }
0x8: {  	p1 =	seq.s32 s0, $0xF;
	p2 =	sne.s32 s0, $0xF;
	s14 =	sor.u32 s19, s4  }
0x9: {  	_ =	strace $0x80000056;
	s4 =	sadd.s32 $0xB400, s8;
	s9 =	ssub.s32 $0x2, s19  }
0xa: {  	s23 =	sshrl.u32 s23, $0x3;
	s6 =	smul.u32 $0x300, s14;
	s11 =	sshrl.u32 s9, $0x1  }
0xb: {  	s31 =	sshrl.u32 s10, $0x2;
	p0 =	seq.s32 s14, $0x1F;
	s13 =	smul.u32 $0x13800, s14  }
0xc: {  	s10 =	simm.s32 $0x29;
	s14 =	smul.u32 $0x9C000, s14;
	s17 =	ssub.s32 s9, s11  }
0xd: {  	s21 =	sadd.s32 s31, s2;
	s9 =	sadd.s32 s5, s16;
	s11 =	sadd.s32 s4, s16  }
.Ltmp0:
0xe: {  	s10 =	simm.s32 @!p0 $0x27;
	p0 =	sne.s32 s19, $0x0;
	(pc) =	sbr.rel .LBB2_1-.Ltmp0, $4  }
0xf: {  	s19 =	sshll.u32 s0, $0x6;
	s12 =	sadd.s32 s6, s8;
	s6 =	sadd.s32 $0xEE4600, s8  }
0x10: {  	s8 =	sadd.s32 $0xDAE00, s8;
	s17 =	smax.u32 s17, $0x1;
	s18 =	sadd.s32 $0xFFFFFFFE, s10  }
0x11: {  	s20 =	sor.u32 $0x1C02, s19;
	s21 =	sshrl.u32 s21, $0x3;
	s12 =	sadd.s32 $0x32600, s12  }
0x12: {  	s13 =	sadd.s32 s6, s13;
	s15 =	sadd.s32 s8, s16;
	s16 =	sadd.s32 s7, s16  }
.LBB2_10:
0x13: {  	s0 =	sadd.s32 $0x27000, s30  }
0x14: {  	[hbm:s0], [sflag:s29] =	dma.local [spmem:s23], $0x100  }
0x15: {  	_ =	swait.ge [sflag:s22], $0x100  }
0x16: {  	[sflag:s22] =	ssyncset.done $0x0  }
0x17: {  	[sflag:s22] =	ssyncadd.s32 $0xFFFFFF00  }
.LBB2_11:
0x18: {  	s28 =	sadd.s32 $0x1, s28  }
0x19: {  	p3 =	sne.s32 s28, s17  }
.Ltmp1:
0x1a: {  	_ = 	snop;
	(pc) =	sbr.rel @!p3 .LBB2_12-.Ltmp1, $1  }
0x1b: {  	_ =	sdelay $0x3  }
.LBB2_1:
.Ltmp2:
0x1c: {  	(pc) =	sbr.rel @p0 .LBB2_3-.Ltmp2, $1  }
0x1d: {  	_ =	sdelay $0x3  }
0x1e: {  	[spmem:s21], [sflag:s20] =	dma.local [hbm:s11], $0x2700  }
.Ltmp3:
0x1f: {  	_ = 	snop;
	(pc) =	sbr.rel @p1 .LBB2_4-.Ltmp3, $4  }
.Ltmp4:
0x20: {  	_ = 	snop;
	(pc) =	sbr.rel @!p1 .LBB2_5-.Ltmp4, $4  }
0x21: {  	_ =	swait.ge [sflag:s22], $0x2700  }
0x22: {  	[sflag:s22] =	ssyncset.done $0x0  }
0x23: {  	s30 =	smov.u32 s4;
	s29 =	smov.u32 s20;
	[sflag:s22] =	ssyncadd.s32 $0xFFFFD900  }
0x24: {  	_ = 	snop  }
.LBB2_3:
.Ltmp5:
0x25: {  	s29 =	sor.u32 $0x1C02, s19;
	(pc) =	sbr.rel @p2 .LBB2_5-.Ltmp5, $4  }
0x26: {  	[spmem:s21], [sflag:s29] =	dma.local [hbm:s9], $0x2700  }
0x27: {  	_ =	swait.ge [sflag:s22], $0x2700  }
0x28: {  	[sflag:s22] =	ssyncset.done $0x0  }
0x29: {  	s30 =	smov.u32 s5;
	[sflag:s22] =	ssyncadd.s32 $0xFFFFD900  }
.LBB2_4:
0x2a: {  	s30 =	sadd.s32 $0x27000, s30  }
0x2b: {  	[spmem:s23], [sflag:s29] =	dma.local [hbm:s30], $0x100  }
0x2c: {  	_ =	swait.ge [sflag:s22], $0x100  }
0x2d: {  	[sflag:s22] =	ssyncset.done $0x0  }
0x2e: {  	[sflag:s22] =	ssyncadd.s32 $0xFFFFFF00  }
.LBB2_5:
0x2f: {  	s29 =	simm.s32 $0x0  }
0x30: {  	[tilespmem:s29], [sflag:$0x2] =	stream.linear.gather [hbm4b:s12+s29], $0x1800, $0x38;
	[tilespmem:$0x1D080] =	vst v63  }
0x31: {  	s30 =	simm.s32 $0x4000;
	_ =	swait.ge [sflag:s22], $0x1800  }
0x32: {  	s31 =	sadd.s32 $0x4000, s14;
	p3 =	sne.s32 s18, $0x0;
	[sflag:s22] =	ssyncset.done $0x0  }
0x33: {  	s30 =	sand.u32 $0x4000, s30;
	s31 =	sshrl.u32 s31, $0x3;
	[sflag:s22] =	ssyncadd.s32 $0xFFFFE800  }
0x34: {  	[tilespmem:s24], [sflag:$0x1] =	stream.linear.gather [hbm4b:s13+s29], $0x4000, $0x38;
	[tilespmem:$0x1D080] =	vst v63  }
0x35: {  	s30 =	sor.u32 $0x1800, s30;
	s31 =	sadd.s32 s6, s31;
	[bflag:$0x0] =	sbarrier.arrive $0xFFFF  }
0x36: {  	[tilespmem:s30], [sflag:$0x1] =	stream.linear.gather [hbm4b:s31+s3], $0x4000, $0x38;
	[tilespmem:$0x1D080] =	vst v63  }
.Ltmp6:
0x37: {  	s31 =	simm.s32 $0x0;
	_ =	swait.ge [sflag:s25], $0x4000;
	(pc) =	sbr.rel @!p3 .LBB2_7-.Ltmp6, $4  }
0x38: {  	s31 =	sand.u32 $0x4000, s31;
	[sflag:s25] =	ssyncset.done $0x0  }
0x39: {  	s1 =	simm.s32 $0x0;
	s31 =	sor.u32 $0x1800, s31;
	[sflag:s25] =	ssyncadd.s32 $0xFFFFC000  }
0x3a: {  	[spmem:s2] =	stream.indirect.scatter.add.f32 [tilespmem:s31], [sflag:$0x2], $0x80, s1, s26, $0xb8;
	[tilespmem:$0x1D080] =	vst v63  }
0x3b: {  	s31 =	simm.s32 $0x1  }
.LBB2_6:
0x3c: {  	s29 =	smov.u32 s31  }
0x3d: {  	p3 =	sne.s32 s31, s18;
	s1 =	smov.u32 s31;
	s31 =	sadd.s32 $0x1, s31  }
0x3e: {  	s30 =	sshll.u32 s31, $0xE  }
0x3f: {  	s0 =	sadd.s32 s14, s30;
	s30 =	sand.u32 $0x4000, s30;
	_ =	swait.ge [sflag:s22], $0x4000  }
0x40: {  	s30 =	sor.u32 $0x1800, s30;
	s0 =	sshrl.u32 s0, $0x3;
	[sflag:s22] =	ssyncset.done $0x0  }
0x41: {  	s0 =	sadd.s32 s6, s0;
	[sflag:s22] =	ssyncadd.s32 $0xFFFFC000  }
0x42: {  	[tilespmem:s30], [sflag:$0x1] =	stream.linear.gather [hbm4b:s0+s3], $0x4000, $0x38;
	[tilespmem:$0x1D080] =	vst v63  }
.Ltmp7:
0x43: {  	_ = 	snop;
	(pc) =	sbr.rel @p3 .LBB2_6-.Ltmp7, $4  }
0x44: {  	s0 =	sshll.u32 s1, $0xE;
	_ =	swait.ge [sflag:s25], $0x4000  }
0x45: {  	s1 =	sshll.u32 s1, $0x9;
	s0 =	sand.u32 $0x4000, s0;
	[sflag:s25] =	ssyncset.done $0x0  }
0x46: {  	s1 =	sshra.s32 s1, $0x2;
	s0 =	sor.u32 $0x1800, s0;
	[sflag:s25] =	ssyncadd.s32 $0xFFFFC000  }
0x47: {  	[spmem:s2] =	stream.indirect.scatter.add.f32 [tilespmem:s0], [sflag:$0x2], $0x80, s1, s26, $0xb8;
	[tilespmem:$0x1D080] =	vst v63  }
.LBB2_7:
0x48: {  	s0 =	sadd.s32 $0x2, s29  }
0x49: {  	p3 =	sge.u32 s0, s10  }
0x4a: {  	_ =	swait.ge [sflag:s22], $0x4000;
	s0 =	sshll.u32 @!p3 s0, $0xE  }
0x4b: {  	[sflag:s22] =	ssyncset.done $0x0;
	s1 =	sadd.s32 @!p3 s14, s0  }
0x4c: {  	[sflag:s22] =	ssyncadd.s32 $0xFFFFC000;
	s0 =	sand.u32 @!p3 $0x4000, s0;
	s1 =	sshrl.u32 @!p3 s1, $0x3  }
0x4d: {  	s29 =	simm.s32 @!p3 $0x0;
	s0 =	sor.u32 @!p3 $0x1800, s0;
	s1 =	sadd.s32 @!p3 s6, s1  }
0x4e: {  	[tilespmem:s0], [sflag:$0x1] =	stream.linear.gather @!p3 [hbm4b:s1+s29], $0x4000, $0x38;
	[tilespmem:$0x1D080] =	vst v63  }
0x4f: {  	_ =	swait.ge [sflag:s25], $0x4000  }
0x50: {  	s31 =	sshll.u32 s31, $0x7;
	[sflag:s25] =	ssyncset.done $0x0  }
0x51: {  	s0 =	sand.u32 $0x3FFFFF80, s31;
	[sflag:s25] =	ssyncadd.s32 $0xFFFFC000  }
0x52: {  	[spmem:s2] =	stream.indirect.scatter.add.f32 [tilespmem:s30], [sflag:$0x2], $0x80, s0, s26, $0xb8;
	[tilespmem:$0x1D080] =	vst v63  }
.Ltmp8:
0x53: {  	_ =	swait.ge [sflag:s22], $0x4000;
	(pc) =	sbr.rel @p0 .LBB2_9-.Ltmp8, $4  }
0x54: {  	[sflag:s22] =	ssyncset.done $0x0  }
0x55: {  	[sflag:s22] =	ssyncadd.s32 $0xFFFFC000  }
0x56: {  	[bflag:$0x0] =	sbarrier.arrive $0xFFFF  }
0x57: {  	s29 =	sor.u32 $0x1C02, s19  }
0x58: {  	[hbm:s16], [sflag:s29] =	dma.local [spmem:s21], $0x2700  }
.Ltmp9:
0x59: {  	_ = 	snop;
	(pc) =	sbr.rel @p1 .LBB2_10-.Ltmp9, $4  }
.Ltmp10:
0x5a: {  	_ = 	snop;
	(pc) =	sbr.rel @!p1 .LBB2_11-.Ltmp10, $4  }
0x5b: {  	_ =	swait.ge [sflag:s22], $0x2700  }
0x5c: {  	[sflag:s22] =	ssyncset.done $0x0  }
0x5d: {  	s30 =	smov.u32 s7;
	[sflag:s22] =	ssyncadd.s32 $0xFFFFD900  }
0x5e: {  	_ = 	snop  }
.LBB2_9:
0x5f: {  	[hbm:s15], [sflag:s29] =	dma.local [spmem:s21], $0x2700  }
.Ltmp11:
0x60: {  	_ = 	snop;
	(pc) =	sbr.rel @p2 .LBB2_11-.Ltmp11, $4  }
.Ltmp12:
0x61: {  	_ = 	snop;
	(pc) =	sbr.rel @!p2 .LBB2_10-.Ltmp12, $4  }
0x62: {  	_ =	swait.ge [sflag:s22], $0x2700  }
0x63: {  	[sflag:s22] =	ssyncset.done $0x0  }
0x64: {  	s30 =	smov.u32 s8;
	[sflag:s22] =	ssyncadd.s32 $0xFFFFD900  }
0x65: {  	_ = 	snop  }
.LBB2_12:
0x66: {  	_ =	sfence.sel $0x180000  }
0x67: {  	[bflag:$0x0] =	sbarrier.arrive $0xFFFF  }
0x68: {  	_ =	strace $0x90000056  }
0x69: {  	s0 =	stileid.u32;
	[bflag:$0x2] =	sbarrier.arrive $0xFFFF  }
0x6a: {  	p0 =	sne.s32 s0, $0x0;
	s0 =	rddreg [dreg:$0x2]  }
0x6b: {  	s0 =	sadd.s32 @!p0 $0x100000, s0  }
0x6c: {  	[sflag:s0] =	ssyncadd.tile.s32 @!p0 $0x1;
	_ =	shalt  }
.Lfunc_end2:
_tile_overlayer_lowered:
.L_overlay_start_2:
0x6d: {  	(tag) =	ssettag $0x2  }
0x6e: {  	s0 =	rddreg [dreg:$0x0];
	s2 =	stileid.u32  }
0x6f: {  	s1 =	rddreg [dreg:$0x1];
	p0 =	sne.s32 s2, $0x0  }
0x70: {  	s3 =	rddreg [dreg:$0x2];
	[bflag:$0x3] =	sbarrier.arrive $0xFFFF;
	s2 =	simm.s32 @!p0 $0x1C02  }
0x71: {  	[timem:s3], [sflag:s2] =	dma.local @!p0 [hbm:s0], s1  }
0x72: {  	s0 =	simm.s32 @!p0 $0x2  }
0x73: {  	_ =	swait.ge @!p0 [sflag:s0], s1  }
0x74: {  	s1 =	ssub.s32 @!p0 $0x0, s1;
	[sflag:s0] =	ssyncset.done @!p0 $0x0  }
0x75: {  	[sflag:s0] =	ssyncadd.s32 @!p0 s1  }
0x76: {  	[bflag:$0x3] =	sbarrier.arrive $0xFFFF  }
0x77: {  	_ =	shalt  }

</sc_bundles>
